<compile_context>
chip_gen: v7x
topology: tpu7x:2x2x1
jax: 0.10.2.dev20260603
libtpu: 0.0.44.dev20260713+nightly
codegen_flags: <defaults>
</compile_context>

<pallas_src>
import functools

import jax
import jax.numpy as jnp
from jax import lax
from jax.experimental import pallas as pl
from jax.experimental.pallas import tpu as pltpu
from jax.experimental.pallas import tpu_sc as plsc

D_MODEL = 64
SCALE = 8.0

_NC = 2
_NS = 16
_NW = _NC * _NS
_LANES = 16

_B = 16384
_L = 50
_BT = _B // 128
_NUNITS = _L * _BT
_U_PER_W = _NUNITS // _NW
_DT = D_MODEL // 8

_mesh = plsc.VectorSubcoreMesh(core_axis_name="c", subcore_axis_name="s")

_TCW = 16384
_TCGRID = 62


def _tc_body(x_ref, o_ref):
    y3 = (x_ref[...].T * SCALE).reshape(_TCW // 2, 2, D_MODEL)
    o_ref[...] = jnp.concatenate([y3[:, 0, :], y3[:, 1, :]], axis=1)


_tc_relayout = pl.pallas_call(
    _tc_body,
    grid=(_TCGRID,),
    in_specs=[pl.BlockSpec((D_MODEL, _TCW), lambda i: (0, i))],
    out_specs=pl.BlockSpec((_TCW // 2, 128), lambda i: (i, 0)),
    out_shape=jax.ShapeDtypeStruct((500000, 128), jnp.float32),
    compiler_params=pltpu.CompilerParams(vmem_limit_bytes=110 * 2**20),
)


@functools.partial(
    pl.kernel,
    out_type=jax.ShapeDtypeStruct((_L, _DT, _BT, 1024), jnp.float32),
    mesh=_mesh,
    scratch_types=[
        pltpu.VMEM((_U_PER_W * 128,), jnp.int32),
        pltpu.VMEM((128, D_MODEL), jnp.float32),
        pltpu.VMEM((128, D_MODEL), jnp.float32),
        pltpu.VMEM((D_MODEL * 128,), jnp.float32),
        pltpu.VMEM((D_MODEL * 128,), jnp.float32),
        pltpu.SemaphoreType.DMA,
        pltpu.SemaphoreType.DMA,
        pltpu.SemaphoreType.DMA,
        pltpu.SemaphoreType.DMA,
    ],
    compiler_params=pltpu.CompilerParams(use_tc_tiling_on_sc=False,
                                         needs_layout_passes=False),
)
def _embed(xt_hbm, table_hbm, out_hbm, idx_all, r0, r1, s0, s1,
           g0, g1, o0, o1):
    wid = lax.axis_index("s") * _NC + lax.axis_index("c")
    ubase = wid * _U_PER_W
    rows_v = (r0, r1)
    stage_v = (s0, s1)
    gsem = (g0, g1)
    osem = (o0, o1)

    def fetch_start(j, b):
        idx = idx_all.at[pl.ds(j * 128, 128)]
        pltpu.async_copy(table_hbm.at[idx], rows_v[b], gsem[b])

    def fetch_wait(b):
        idx = idx_all.at[pl.ds(0, 128)]
        pltpu.make_async_copy(table_hbm.at[idx], rows_v[b],
                              gsem[b]).wait()

    def out_start(u, b):
        l = u // _BT
        bt = u % _BT
        for dt in range(_DT):
            pltpu.async_copy(stage_v[b].at[pl.ds(dt * 1024, 1024)],
                             out_hbm.at[l, dt, bt], osem[b])

    def out_wait(b):
        for dt in range(_DT):
            pltpu.make_async_copy(stage_v[b].at[pl.ds(dt * 1024, 1024)],
                                  out_hbm.at[0, dt, 0],
                                  osem[b]).wait()

    iot = lax.iota(jnp.int32, _LANES)
    zvec = iot & 0
    gpats = [iot * D_MODEL + ((iot + k) & 15) for k in range(16)]
    spats = [((iot + k) & 15) * 128 + iot for k in range(16)]

    def transpose_scale(b):
        rows = rows_v[b]
        stage = stage_v[b]

        @plsc.parallel_loop(0, 32, unroll=2)
        def _blk(blk):
            bl0 = (blk & 7) * 16
            c0 = lax.shift_right_logical(blk, 3) * 16
            gbase = bl0 * D_MODEL + c0
            sbase = c0 * 128 + bl0
            for k in range(16):
                v = plsc.load_gather(rows, [zvec, gbase + gpats[k]])
                plsc.store_scatter(stage, [sbase + spats[k]], v)

    pltpu.sync_copy(xt_hbm.at[pl.ds(ubase * 128, _U_PER_W * 128)], idx_all)

    fetch_start(0, 0)
    fetch_start(1, 1)
    fetch_wait(0)
    transpose_scale(0)
    out_start(ubase, 0)

    def pair_body(k, carry):
        for (g_off, b) in ((1, 1), (2, 0)):
            j = 2 * k + g_off
            u = ubase + j
            nb = 1 - b
            out_wait(nb)
            fetch_start(j + 1, nb)
            fetch_wait(b)
            transpose_scale(b)
            out_start(u, b)
        return carry

    lax.fori_loop(0, (_U_PER_W - 2) // 2, pair_body, 0)

    fetch_wait(1)
    transpose_scale(1)
    out_start(ubase + _U_PER_W - 1, 1)
    out_wait(0)
    out_wait(1)


def kernel(x, table):
    xt = x.T.reshape(-1)
    t_lin = _tc_relayout(table.T).reshape(1000000, 64)
    raw = _embed(xt, t_lin)
    raw5 = raw.reshape(_L, _DT, _BT, 8, 128)
    return raw5.transpose(2, 4, 0, 1, 3).reshape(_B, _L, D_MODEL)

# --- scband reference (transcript-rebuilt; emitter-appended) ---
"""Pipeline reference for scband-embedding-13941463842903 (READ-ONLY COPY).

The authoritative reference and input builder live on the scoring server;
editing this copy changes nothing except your own understanding.
"""

import jax, jax.numpy as jnp
import numpy as np
import math

VOCAB = 1000000
D_MODEL = 64
B = 16384
L = 50

def setup_inputs(seed: int = 0) -> dict:
    key = jax.random.key(seed)
    k1, k2 = jax.random.split(key)
    x = jax.random.randint(k1, (B, L), 0, VOCAB, dtype=jnp.int64 if jax.config.jax_enable_x64 else jnp.int32)
    table = jax.random.normal(k2, (VOCAB, D_MODEL), dtype=jnp.float32)
    return {"x": x, "table": table}

def reference(x, table):
    scale = math.sqrt(D_MODEL)
    out = jnp.take(table, x, axis=0) * scale
    return out

if __name__ == "__main__":
    import jax
    _d = setup_inputs()
    print(jax.jit(kernel)(*tuple(_d.values())))

</pallas_src>

<mosaic_0001>
#map = affine_map<(d0, d1) -> (0)>
#map1 = affine_map<(d0, d1) -> (0, 0)>
#map2 = affine_map<(d0, d1) -> (0, 0, 0, 0)>
module attributes {stable_mosaic.version = 14 : i64} {
  func.func @_embed(%arg0: i32, %arg1: i32, %arg2: memref<819200xi32, #tpu.memory_space<hbm>>, %arg3: memref<1000000x64xf32, #tpu.memory_space<hbm>>, %arg4: memref<50x8x128x1024xf32, #tpu.memory_space<hbm>>, %arg5: memref<25600xi32, #tpu.memory_space<vmem>>, %arg6: memref<128x64xf32, #tpu.memory_space<vmem>>, %arg7: memref<128x64xf32, #tpu.memory_space<vmem>>, %arg8: memref<8192xf32, #tpu.memory_space<vmem>>, %arg9: memref<8192xf32, #tpu.memory_space<vmem>>, %arg10: memref<!tpu.dma_semaphore, #tpu.memory_space<semaphore_mem>>, %arg11: memref<!tpu.dma_semaphore, #tpu.memory_space<semaphore_mem>>, %arg12: memref<!tpu.dma_semaphore, #tpu.memory_space<semaphore_mem>>, %arg13: memref<!tpu.dma_semaphore, #tpu.memory_space<semaphore_mem>>) attributes {dimension_semantics = [#tpu.dimension_semantics<core_parallel>, #tpu.dimension_semantics<subcore_parallel>], iteration_bounds = array<i64: 2, 16>, scalar_prefetch = 0 : i64, scratch_operands = 9 : i64, tpu.core_type = #tpu.core_type<sc_vector_subcore>, window_params = [{transform_indices = #map}, {transform_indices = #map1}, {transform_indices = #map2}]} {
    %mul3A = arith.constant 2 : i32
    %mul3A_0 = arith.muli %arg1, %mul3A : i32
    %add3A = arith.addi %mul3A_0, %arg0 : i32
    %mul3A_1 = arith.constant 200 : i32
    %mul3A_2 = arith.muli %add3A, %mul3A_1 : i32
    %iota3A = tpu.iota {dimensions = array<i32: 0>} : vector<16xi32>
    %and3A = arith.constant 0 : i32
    %and3A_3 = vector.broadcast %and3A : i32 to vector<16xi32>
    %and3A_4 = arith.andi %iota3A, %and3A_3 : vector<16xi32>
    %mul3A_5 = arith.constant 64 : i32
    %mul3A_6 = vector.broadcast %mul3A_5 : i32 to vector<16xi32>
    %mul3A_7 = arith.muli %iota3A, %mul3A_6 : vector<16xi32>
    %add3A_8 = arith.constant 0 : i32
    %add3A_9 = vector.broadcast %add3A_8 : i32 to vector<16xi32>
    %add3A_10 = arith.addi %iota3A, %add3A_9 : vector<16xi32>
    %and3A_11 = arith.constant 15 : i32
    %and3A_12 = vector.broadcast %and3A_11 : i32 to vector<16xi32>
    %and3A_13 = arith.andi %add3A_10, %and3A_12 : vector<16xi32>
    %add3A_14 = arith.addi %mul3A_7, %and3A_13 : vector<16xi32>
    %mul3A_15 = arith.constant 64 : i32
    %mul3A_16 = vector.broadcast %mul3A_15 : i32 to vector<16xi32>
    %mul3A_17 = arith.muli %iota3A, %mul3A_16 : vector<16xi32>
    %add3A_18 = arith.constant 1 : i32
    %add3A_19 = vector.broadcast %add3A_18 : i32 to vector<16xi32>
    %add3A_20 = arith.addi %iota3A, %add3A_19 : vector<16xi32>
    %and3A_21 = arith.constant 15 : i32
    %and3A_22 = vector.broadcast %and3A_21 : i32 to vector<16xi32>
    %and3A_23 = arith.andi %add3A_20, %and3A_22 : vector<16xi32>
    %add3A_24 = arith.addi %mul3A_17, %and3A_23 : vector<16xi32>
    %mul3A_25 = arith.constant 64 : i32
    %mul3A_26 = vector.broadcast %mul3A_25 : i32 to vector<16xi32>
    %mul3A_27 = arith.muli %iota3A, %mul3A_26 : vector<16xi32>
    %add3A_28 = arith.constant 2 : i32
    %add3A_29 = vector.broadcast %add3A_28 : i32 to vector<16xi32>
    %add3A_30 = arith.addi %iota3A, %add3A_29 : vector<16xi32>
    %and3A_31 = arith.constant 15 : i32
    %and3A_32 = vector.broadcast %and3A_31 : i32 to vector<16xi32>
    %and3A_33 = arith.andi %add3A_30, %and3A_32 : vector<16xi32>
    %add3A_34 = arith.addi %mul3A_27, %and3A_33 : vector<16xi32>
    %mul3A_35 = arith.constant 64 : i32
    %mul3A_36 = vector.broadcast %mul3A_35 : i32 to vector<16xi32>
    %mul3A_37 = arith.muli %iota3A, %mul3A_36 : vector<16xi32>
    %add3A_38 = arith.constant 3 : i32
    %add3A_39 = vector.broadcast %add3A_38 : i32 to vector<16xi32>
    %add3A_40 = arith.addi %iota3A, %add3A_39 : vector<16xi32>
    %and3A_41 = arith.constant 15 : i32
    %and3A_42 = vector.broadcast %and3A_41 : i32 to vector<16xi32>
    %and3A_43 = arith.andi %add3A_40, %and3A_42 : vector<16xi32>
    %add3A_44 = arith.addi %mul3A_37, %and3A_43 : vector<16xi32>
    %mul3A_45 = arith.constant 64 : i32
    %mul3A_46 = vector.broadcast %mul3A_45 : i32 to vector<16xi32>
    %mul3A_47 = arith.muli %iota3A, %mul3A_46 : vector<16xi32>
    %add3A_48 = arith.constant 4 : i32
    %add3A_49 = vector.broadcast %add3A_48 : i32 to vector<16xi32>
    %add3A_50 = arith.addi %iota3A, %add3A_49 : vector<16xi32>
    %and3A_51 = arith.constant 15 : i32
    %and3A_52 = vector.broadcast %and3A_51 : i32 to vector<16xi32>
    %and3A_53 = arith.andi %add3A_50, %and3A_52 : vector<16xi32>
    %add3A_54 = arith.addi %mul3A_47, %and3A_53 : vector<16xi32>
    %mul3A_55 = arith.constant 64 : i32
    %mul3A_56 = vector.broadcast %mul3A_55 : i32 to vector<16xi32>
    %mul3A_57 = arith.muli %iota3A, %mul3A_56 : vector<16xi32>
    %add3A_58 = arith.constant 5 : i32
    %add3A_59 = vector.broadcast %add3A_58 : i32 to vector<16xi32>
    %add3A_60 = arith.addi %iota3A, %add3A_59 : vector<16xi32>
    %and3A_61 = arith.constant 15 : i32
    %and3A_62 = vector.broadcast %and3A_61 : i32 to vector<16xi32>
    %and3A_63 = arith.andi %add3A_60, %and3A_62 : vector<16xi32>
    %add3A_64 = arith.addi %mul3A_57, %and3A_63 : vector<16xi32>
    %mul3A_65 = arith.constant 64 : i32
    %mul3A_66 = vector.broadcast %mul3A_65 : i32 to vector<16xi32>
    %mul3A_67 = arith.muli %iota3A, %mul3A_66 : vector<16xi32>
    %add3A_68 = arith.constant 6 : i32
    %add3A_69 = vector.broadcast %add3A_68 : i32 to vector<16xi32>
    %add3A_70 = arith.addi %iota3A, %add3A_69 : vector<16xi32>
    %and3A_71 = arith.constant 15 : i32
    %and3A_72 = vector.broadcast %and3A_71 : i32 to vector<16xi32>
    %and3A_73 = arith.andi %add3A_70, %and3A_72 : vector<16xi32>
    %add3A_74 = arith.addi %mul3A_67, %and3A_73 : vector<16xi32>
    %mul3A_75 = arith.constant 64 : i32
    %mul3A_76 = vector.broadcast %mul3A_75 : i32 to vector<16xi32>
    %mul3A_77 = arith.muli %iota3A, %mul3A_76 : vector<16xi32>
    %add3A_78 = arith.constant 7 : i32
    %add3A_79 = vector.broadcast %add3A_78 : i32 to vector<16xi32>
    %add3A_80 = arith.addi %iota3A, %add3A_79 : vector<16xi32>
    %and3A_81 = arith.constant 15 : i32
    %and3A_82 = vector.broadcast %and3A_81 : i32 to vector<16xi32>
    %and3A_83 = arith.andi %add3A_80, %and3A_82 : vector<16xi32>
    %add3A_84 = arith.addi %mul3A_77, %and3A_83 : vector<16xi32>
    %mul3A_85 = arith.constant 64 : i32
    %mul3A_86 = vector.broadcast %mul3A_85 : i32 to vector<16xi32>
    %mul3A_87 = arith.muli %iota3A, %mul3A_86 : vector<16xi32>
    %add3A_88 = arith.constant 8 : i32
    %add3A_89 = vector.broadcast %add3A_88 : i32 to vector<16xi32>
    %add3A_90 = arith.addi %iota3A, %add3A_89 : vector<16xi32>
    %and3A_91 = arith.constant 15 : i32
    %and3A_92 = vector.broadcast %and3A_91 : i32 to vector<16xi32>
    %and3A_93 = arith.andi %add3A_90, %and3A_92 : vector<16xi32>
    %add3A_94 = arith.addi %mul3A_87, %and3A_93 : vector<16xi32>
    %mul3A_95 = arith.constant 64 : i32
    %mul3A_96 = vector.broadcast %mul3A_95 : i32 to vector<16xi32>
    %mul3A_97 = arith.muli %iota3A, %mul3A_96 : vector<16xi32>
    %add3A_98 = arith.constant 9 : i32
    %add3A_99 = vector.broadcast %add3A_98 : i32 to vector<16xi32>
    %add3A_100 = arith.addi %iota3A, %add3A_99 : vector<16xi32>
    %and3A_101 = arith.constant 15 : i32
    %and3A_102 = vector.broadcast %and3A_101 : i32 to vector<16xi32>
    %and3A_103 = arith.andi %add3A_100, %and3A_102 : vector<16xi32>
    %add3A_104 = arith.addi %mul3A_97, %and3A_103 : vector<16xi32>
    %mul3A_105 = arith.constant 64 : i32
    %mul3A_106 = vector.broadcast %mul3A_105 : i32 to vector<16xi32>
    %mul3A_107 = arith.muli %iota3A, %mul3A_106 : vector<16xi32>
    %add3A_108 = arith.constant 10 : i32
    %add3A_109 = vector.broadcast %add3A_108 : i32 to vector<16xi32>
    %add3A_110 = arith.addi %iota3A, %add3A_109 : vector<16xi32>
    %and3A_111 = arith.constant 15 : i32
    %and3A_112 = vector.broadcast %and3A_111 : i32 to vector<16xi32>
    %and3A_113 = arith.andi %add3A_110, %and3A_112 : vector<16xi32>
    %add3A_114 = arith.addi %mul3A_107, %and3A_113 : vector<16xi32>
    %mul3A_115 = arith.constant 64 : i32
    %mul3A_116 = vector.broadcast %mul3A_115 : i32 to vector<16xi32>
    %mul3A_117 = arith.muli %iota3A, %mul3A_116 : vector<16xi32>
    %add3A_118 = arith.constant 11 : i32
    %add3A_119 = vector.broadcast %add3A_118 : i32 to vector<16xi32>
    %add3A_120 = arith.addi %iota3A, %add3A_119 : vector<16xi32>
    %and3A_121 = arith.constant 15 : i32
    %and3A_122 = vector.broadcast %and3A_121 : i32 to vector<16xi32>
    %and3A_123 = arith.andi %add3A_120, %and3A_122 : vector<16xi32>
    %add3A_124 = arith.addi %mul3A_117, %and3A_123 : vector<16xi32>
    %mul3A_125 = arith.constant 64 : i32
    %mul3A_126 = vector.broadcast %mul3A_125 : i32 to vector<16xi32>
    %mul3A_127 = arith.muli %iota3A, %mul3A_126 : vector<16xi32>
    %add3A_128 = arith.constant 12 : i32
    %add3A_129 = vector.broadcast %add3A_128 : i32 to vector<16xi32>
    %add3A_130 = arith.addi %iota3A, %add3A_129 : vector<16xi32>
    %and3A_131 = arith.constant 15 : i32
    %and3A_132 = vector.broadcast %and3A_131 : i32 to vector<16xi32>
    %and3A_133 = arith.andi %add3A_130, %and3A_132 : vector<16xi32>
    %add3A_134 = arith.addi %mul3A_127, %and3A_133 : vector<16xi32>
    %mul3A_135 = arith.constant 64 : i32
    %mul3A_136 = vector.broadcast %mul3A_135 : i32 to vector<16xi32>
    %mul3A_137 = arith.muli %iota3A, %mul3A_136 : vector<16xi32>
    %add3A_138 = arith.constant 13 : i32
    %add3A_139 = vector.broadcast %add3A_138 : i32 to vector<16xi32>
    %add3A_140 = arith.addi %iota3A, %add3A_139 : vector<16xi32>
    %and3A_141 = arith.constant 15 : i32
    %and3A_142 = vector.broadcast %and3A_141 : i32 to vector<16xi32>
    %and3A_143 = arith.andi %add3A_140, %and3A_142 : vector<16xi32>
    %add3A_144 = arith.addi %mul3A_137, %and3A_143 : vector<16xi32>
    %mul3A_145 = arith.constant 64 : i32
    %mul3A_146 = vector.broadcast %mul3A_145 : i32 to vector<16xi32>
    %mul3A_147 = arith.muli %iota3A, %mul3A_146 : vector<16xi32>
    %add3A_148 = arith.constant 14 : i32
    %add3A_149 = vector.broadcast %add3A_148 : i32 to vector<16xi32>
    %add3A_150 = arith.addi %iota3A, %add3A_149 : vector<16xi32>
    %and3A_151 = arith.constant 15 : i32
    %and3A_152 = vector.broadcast %and3A_151 : i32 to vector<16xi32>
    %and3A_153 = arith.andi %add3A_150, %and3A_152 : vector<16xi32>
    %add3A_154 = arith.addi %mul3A_147, %and3A_153 : vector<16xi32>
    %mul3A_155 = arith.constant 64 : i32
    %mul3A_156 = vector.broadcast %mul3A_155 : i32 to vector<16xi32>
    %mul3A_157 = arith.muli %iota3A, %mul3A_156 : vector<16xi32>
    %add3A_158 = arith.constant 15 : i32
    %add3A_159 = vector.broadcast %add3A_158 : i32 to vector<16xi32>
    %add3A_160 = arith.addi %iota3A, %add3A_159 : vector<16xi32>
    %and3A_161 = arith.constant 15 : i32
    %and3A_162 = vector.broadcast %and3A_161 : i32 to vector<16xi32>
    %and3A_163 = arith.andi %add3A_160, %and3A_162 : vector<16xi32>
    %add3A_164 = arith.addi %mul3A_157, %and3A_163 : vector<16xi32>
    %add3A_165 = arith.constant 0 : i32
    %add3A_166 = vector.broadcast %add3A_165 : i32 to vector<16xi32>
    %add3A_167 = arith.addi %iota3A, %add3A_166 : vector<16xi32>
    %and3A_168 = arith.constant 15 : i32
    %and3A_169 = vector.broadcast %and3A_168 : i32 to vector<16xi32>
    %and3A_170 = arith.andi %add3A_167, %and3A_169 : vector<16xi32>
    %mul3A_171 = arith.constant 128 : i32
    %mul3A_172 = vector.broadcast %mul3A_171 : i32 to vector<16xi32>
    %mul3A_173 = arith.muli %and3A_170, %mul3A_172 : vector<16xi32>
    %add3A_174 = arith.addi %mul3A_173, %iota3A : vector<16xi32>
    %add3A_175 = arith.constant 1 : i32
    %add3A_176 = vector.broadcast %add3A_175 : i32 to vector<16xi32>
    %add3A_177 = arith.addi %iota3A, %add3A_176 : vector<16xi32>
    %and3A_178 = arith.constant 15 : i32
    %and3A_179 = vector.broadcast %and3A_178 : i32 to vector<16xi32>
    %and3A_180 = arith.andi %add3A_177, %and3A_179 : vector<16xi32>
    %mul3A_181 = arith.constant 128 : i32
    %mul3A_182 = vector.broadcast %mul3A_181 : i32 to vector<16xi32>
    %mul3A_183 = arith.muli %and3A_180, %mul3A_182 : vector<16xi32>
    %add3A_184 = arith.addi %mul3A_183, %iota3A : vector<16xi32>
    %add3A_185 = arith.constant 2 : i32
    %add3A_186 = vector.broadcast %add3A_185 : i32 to vector<16xi32>
    %add3A_187 = arith.addi %iota3A, %add3A_186 : vector<16xi32>
    %and3A_188 = arith.constant 15 : i32
    %and3A_189 = vector.broadcast %and3A_188 : i32 to vector<16xi32>
    %and3A_190 = arith.andi %add3A_187, %and3A_189 : vector<16xi32>
    %mul3A_191 = arith.constant 128 : i32
    %mul3A_192 = vector.broadcast %mul3A_191 : i32 to vector<16xi32>
    %mul3A_193 = arith.muli %and3A_190, %mul3A_192 : vector<16xi32>
    %add3A_194 = arith.addi %mul3A_193, %iota3A : vector<16xi32>
    %add3A_195 = arith.constant 3 : i32
    %add3A_196 = vector.broadcast %add3A_195 : i32 to vector<16xi32>
    %add3A_197 = arith.addi %iota3A, %add3A_196 : vector<16xi32>
    %and3A_198 = arith.constant 15 : i32
    %and3A_199 = vector.broadcast %and3A_198 : i32 to vector<16xi32>
    %and3A_200 = arith.andi %add3A_197, %and3A_199 : vector<16xi32>
    %mul3A_201 = arith.constant 128 : i32
    %mul3A_202 = vector.broadcast %mul3A_201 : i32 to vector<16xi32>
    %mul3A_203 = arith.muli %and3A_200, %mul3A_202 : vector<16xi32>
    %add3A_204 = arith.addi %mul3A_203, %iota3A : vector<16xi32>
    %add3A_205 = arith.constant 4 : i32
    %add3A_206 = vector.broadcast %add3A_205 : i32 to vector<16xi32>
    %add3A_207 = arith.addi %iota3A, %add3A_206 : vector<16xi32>
    %and3A_208 = arith.constant 15 : i32
    %and3A_209 = vector.broadcast %and3A_208 : i32 to vector<16xi32>
    %and3A_210 = arith.andi %add3A_207, %and3A_209 : vector<16xi32>
    %mul3A_211 = arith.constant 128 : i32
    %mul3A_212 = vector.broadcast %mul3A_211 : i32 to vector<16xi32>
    %mul3A_213 = arith.muli %and3A_210, %mul3A_212 : vector<16xi32>
    %add3A_214 = arith.addi %mul3A_213, %iota3A : vector<16xi32>
    %add3A_215 = arith.constant 5 : i32
    %add3A_216 = vector.broadcast %add3A_215 : i32 to vector<16xi32>
    %add3A_217 = arith.addi %iota3A, %add3A_216 : vector<16xi32>
    %and3A_218 = arith.constant 15 : i32
    %and3A_219 = vector.broadcast %and3A_218 : i32 to vector<16xi32>
    %and3A_220 = arith.andi %add3A_217, %and3A_219 : vector<16xi32>
    %mul3A_221 = arith.constant 128 : i32
    %mul3A_222 = vector.broadcast %mul3A_221 : i32 to vector<16xi32>
    %mul3A_223 = arith.muli %and3A_220, %mul3A_222 : vector<16xi32>
    %add3A_224 = arith.addi %mul3A_223, %iota3A : vector<16xi32>
    %add3A_225 = arith.constant 6 : i32
    %add3A_226 = vector.broadcast %add3A_225 : i32 to vector<16xi32>
    %add3A_227 = arith.addi %iota3A, %add3A_226 : vector<16xi32>
    %and3A_228 = arith.constant 15 : i32
    %and3A_229 = vector.broadcast %and3A_228 : i32 to vector<16xi32>
    %and3A_230 = arith.andi %add3A_227, %and3A_229 : vector<16xi32>
    %mul3A_231 = arith.constant 128 : i32
    %mul3A_232 = vector.broadcast %mul3A_231 : i32 to vector<16xi32>
    %mul3A_233 = arith.muli %and3A_230, %mul3A_232 : vector<16xi32>
    %add3A_234 = arith.addi %mul3A_233, %iota3A : vector<16xi32>
    %add3A_235 = arith.constant 7 : i32
    %add3A_236 = vector.broadcast %add3A_235 : i32 to vector<16xi32>
    %add3A_237 = arith.addi %iota3A, %add3A_236 : vector<16xi32>
    %and3A_238 = arith.constant 15 : i32
    %and3A_239 = vector.broadcast %and3A_238 : i32 to vector<16xi32>
    %and3A_240 = arith.andi %add3A_237, %and3A_239 : vector<16xi32>
    %mul3A_241 = arith.constant 128 : i32
    %mul3A_242 = vector.broadcast %mul3A_241 : i32 to vector<16xi32>
    %mul3A_243 = arith.muli %and3A_240, %mul3A_242 : vector<16xi32>
    %add3A_244 = arith.addi %mul3A_243, %iota3A : vector<16xi32>
    %add3A_245 = arith.constant 8 : i32
    %add3A_246 = vector.broadcast %add3A_245 : i32 to vector<16xi32>
    %add3A_247 = arith.addi %iota3A, %add3A_246 : vector<16xi32>
    %and3A_248 = arith.constant 15 : i32
    %and3A_249 = vector.broadcast %and3A_248 : i32 to vector<16xi32>
    %and3A_250 = arith.andi %add3A_247, %and3A_249 : vector<16xi32>
    %mul3A_251 = arith.constant 128 : i32
    %mul3A_252 = vector.broadcast %mul3A_251 : i32 to vector<16xi32>
    %mul3A_253 = arith.muli %and3A_250, %mul3A_252 : vector<16xi32>
    %add3A_254 = arith.addi %mul3A_253, %iota3A : vector<16xi32>
    %add3A_255 = arith.constant 9 : i32
    %add3A_256 = vector.broadcast %add3A_255 : i32 to vector<16xi32>
    %add3A_257 = arith.addi %iota3A, %add3A_256 : vector<16xi32>
    %and3A_258 = arith.constant 15 : i32
    %and3A_259 = vector.broadcast %and3A_258 : i32 to vector<16xi32>
    %and3A_260 = arith.andi %add3A_257, %and3A_259 : vector<16xi32>
    %mul3A_261 = arith.constant 128 : i32
    %mul3A_262 = vector.broadcast %mul3A_261 : i32 to vector<16xi32>
    %mul3A_263 = arith.muli %and3A_260, %mul3A_262 : vector<16xi32>
    %add3A_264 = arith.addi %mul3A_263, %iota3A : vector<16xi32>
    %add3A_265 = arith.constant 10 : i32
    %add3A_266 = vector.broadcast %add3A_265 : i32 to vector<16xi32>
    %add3A_267 = arith.addi %iota3A, %add3A_266 : vector<16xi32>
    %and3A_268 = arith.constant 15 : i32
    %and3A_269 = vector.broadcast %and3A_268 : i32 to vector<16xi32>
    %and3A_270 = arith.andi %add3A_267, %and3A_269 : vector<16xi32>
    %mul3A_271 = arith.constant 128 : i32
    %mul3A_272 = vector.broadcast %mul3A_271 : i32 to vector<16xi32>
    %mul3A_273 = arith.muli %and3A_270, %mul3A_272 : vector<16xi32>
    %add3A_274 = arith.addi %mul3A_273, %iota3A : vector<16xi32>
    %add3A_275 = arith.constant 11 : i32
    %add3A_276 = vector.broadcast %add3A_275 : i32 to vector<16xi32>
    %add3A_277 = arith.addi %iota3A, %add3A_276 : vector<16xi32>
    %and3A_278 = arith.constant 15 : i32
    %and3A_279 = vector.broadcast %and3A_278 : i32 to vector<16xi32>
    %and3A_280 = arith.andi %add3A_277, %and3A_279 : vector<16xi32>
    %mul3A_281 = arith.constant 128 : i32
    %mul3A_282 = vector.broadcast %mul3A_281 : i32 to vector<16xi32>
    %mul3A_283 = arith.muli %and3A_280, %mul3A_282 : vector<16xi32>
    %add3A_284 = arith.addi %mul3A_283, %iota3A : vector<16xi32>
    %add3A_285 = arith.constant 12 : i32
    %add3A_286 = vector.broadcast %add3A_285 : i32 to vector<16xi32>
    %add3A_287 = arith.addi %iota3A, %add3A_286 : vector<16xi32>
    %and3A_288 = arith.constant 15 : i32
    %and3A_289 = vector.broadcast %and3A_288 : i32 to vector<16xi32>
    %and3A_290 = arith.andi %add3A_287, %and3A_289 : vector<16xi32>
    %mul3A_291 = arith.constant 128 : i32
    %mul3A_292 = vector.broadcast %mul3A_291 : i32 to vector<16xi32>
    %mul3A_293 = arith.muli %and3A_290, %mul3A_292 : vector<16xi32>
    %add3A_294 = arith.addi %mul3A_293, %iota3A : vector<16xi32>
    %add3A_295 = arith.constant 13 : i32
    %add3A_296 = vector.broadcast %add3A_295 : i32 to vector<16xi32>
    %add3A_297 = arith.addi %iota3A, %add3A_296 : vector<16xi32>
    %and3A_298 = arith.constant 15 : i32
    %and3A_299 = vector.broadcast %and3A_298 : i32 to vector<16xi32>
    %and3A_300 = arith.andi %add3A_297, %and3A_299 : vector<16xi32>
    %mul3A_301 = arith.constant 128 : i32
    %mul3A_302 = vector.broadcast %mul3A_301 : i32 to vector<16xi32>
    %mul3A_303 = arith.muli %and3A_300, %mul3A_302 : vector<16xi32>
    %add3A_304 = arith.addi %mul3A_303, %iota3A : vector<16xi32>
    %add3A_305 = arith.constant 14 : i32
    %add3A_306 = vector.broadcast %add3A_305 : i32 to vector<16xi32>
    %add3A_307 = arith.addi %iota3A, %add3A_306 : vector<16xi32>
    %and3A_308 = arith.constant 15 : i32
    %and3A_309 = vector.broadcast %and3A_308 : i32 to vector<16xi32>
    %and3A_310 = arith.andi %add3A_307, %and3A_309 : vector<16xi32>
    %mul3A_311 = arith.constant 128 : i32
    %mul3A_312 = vector.broadcast %mul3A_311 : i32 to vector<16xi32>
    %mul3A_313 = arith.muli %and3A_310, %mul3A_312 : vector<16xi32>
    %add3A_314 = arith.addi %mul3A_313, %iota3A : vector<16xi32>
    %add3A_315 = arith.constant 15 : i32
    %add3A_316 = vector.broadcast %add3A_315 : i32 to vector<16xi32>
    %add3A_317 = arith.addi %iota3A, %add3A_316 : vector<16xi32>
    %and3A_318 = arith.constant 15 : i32
    %and3A_319 = vector.broadcast %and3A_318 : i32 to vector<16xi32>
    %and3A_320 = arith.andi %add3A_317, %and3A_319 : vector<16xi32>
    %mul3A_321 = arith.constant 128 : i32
    %mul3A_322 = vector.broadcast %mul3A_321 : i32 to vector<16xi32>
    %mul3A_323 = arith.muli %and3A_320, %mul3A_322 : vector<16xi32>
    %add3A_324 = arith.addi %mul3A_323, %iota3A : vector<16xi32>
    %mul3A_325 = arith.constant 128 : i32
    %mul3A_326 = arith.muli %mul3A_2, %mul3A_325 : i32
    "tpu.region"() ({
      %run_scoped3A = tpu.sem_alloc : memref<!tpu.dma_semaphore, #tpu.memory_space<semaphore_mem>>
      %dma_start3A_814 = tpu.memref_slice %arg2[%mul3A_326] : memref<819200xi32, #tpu.memory_space<hbm>> -> memref<25600xi32, #tpu.memory_space<hbm>>
      %dma_start3A_815 = tpu.memref_slice %arg2[%mul3A_326] : memref<819200xi32, #tpu.memory_space<hbm>> -> memref<25600xi32, #tpu.memory_space<hbm>>
      tpu.enqueue_dma source(%dma_start3A_815 : memref<25600xi32, #tpu.memory_space<hbm>>) target(%arg5 : memref<25600xi32, #tpu.memory_space<vmem>>) target_semaphore(%run_scoped3A : memref<!tpu.dma_semaphore, #tpu.memory_space<semaphore_mem>>)
      %dma_wait3A_816 = tpu.memref_slice %arg2[%mul3A_326] : memref<819200xi32, #tpu.memory_space<hbm>> -> memref<25600xi32, #tpu.memory_space<hbm>>
      %dma_wait3A_817 = tpu.memref_slice %arg2[%mul3A_326] : memref<819200xi32, #tpu.memory_space<hbm>> -> memref<25600xi32, #tpu.memory_space<hbm>>
      tpu.wait_dma2 semaphore(%run_scoped3A : memref<!tpu.dma_semaphore, #tpu.memory_space<semaphore_mem>>) src(%dma_wait3A_817 : memref<25600xi32, #tpu.memory_space<hbm>>) dst(%arg5 : memref<25600xi32, #tpu.memory_space<vmem>>)
      tpu.yield
    }) : () -> ()
    %dma_start3A = arith.constant 0 : i32
    %dma_start3A_327 = tpu.memref_slice %arg5[%dma_start3A] : memref<25600xi32, #tpu.memory_space<vmem>> -> memref<128xi32, #tpu.memory_space<vmem>>
    %dma_start3A_328 = arith.constant 0 : i32
    %dma_start3A_329 = arith.constant 0 : i32
    %dma_start3A_330 = tpu.memref_slice %arg3[%dma_start3A_328, %dma_start3A_329] : memref<1000000x64xf32, #tpu.memory_space<hbm>> -> memref<1000000x64xf32, #tpu.memory_space<hbm>>
    tpu.enqueue_indirect_dma source(%dma_start3A_330 : memref<1000000x64xf32, #tpu.memory_space<hbm>>) target(%arg6 : memref<128x64xf32, #tpu.memory_space<vmem>>) offsets(%dma_start3A_327 : memref<128xi32, #tpu.memory_space<vmem>>) semaphore(%arg10 : memref<!tpu.dma_semaphore, #tpu.memory_space<semaphore_mem>>)
    %dma_start3A_331 = arith.constant 128 : i32
    %dma_start3A_332 = tpu.memref_slice %arg5[%dma_start3A_331] : memref<25600xi32, #tpu.memory_space<vmem>> -> memref<128xi32, #tpu.memory_space<vmem>>
    %dma_start3A_333 = arith.constant 0 : i32
    %dma_start3A_334 = arith.constant 0 : i32
    %dma_start3A_335 = tpu.memref_slice %arg3[%dma_start3A_333, %dma_start3A_334] : memref<1000000x64xf32, #tpu.memory_space<hbm>> -> memref<1000000x64xf32, #tpu.memory_space<hbm>>
    tpu.enqueue_indirect_dma source(%dma_start3A_335 : memref<1000000x64xf32, #tpu.memory_space<hbm>>) target(%arg7 : memref<128x64xf32, #tpu.memory_space<vmem>>) offsets(%dma_start3A_332 : memref<128xi32, #tpu.memory_space<vmem>>) semaphore(%arg11 : memref<!tpu.dma_semaphore, #tpu.memory_space<semaphore_mem>>)
    %dma_wait3A = arith.constant 0 : i32
    %dma_wait3A_336 = tpu.memref_slice %arg5[%dma_wait3A] : memref<25600xi32, #tpu.memory_space<vmem>> -> memref<128xi32, #tpu.memory_space<vmem>>
    %dma_wait3A_337 = arith.constant 0 : i32
    %dma_wait3A_338 = arith.constant 0 : i32
    %dma_wait3A_339 = tpu.memref_slice %arg3[%dma_wait3A_337, %dma_wait3A_338] : memref<1000000x64xf32, #tpu.memory_space<hbm>> -> memref<1000000x64xf32, #tpu.memory_space<hbm>>
    tpu.wait_indirect_dma semaphore(%arg10 : memref<!tpu.dma_semaphore, #tpu.memory_space<semaphore_mem>>) src(%dma_wait3A_339 : memref<1000000x64xf32, #tpu.memory_space<hbm>>) dst(%arg6 : memref<128x64xf32, #tpu.memory_space<vmem>>)
    %parallel_loop3A = arith.constant 0 : i32
    %parallel_loop3A_340 = arith.constant 32 : i32
    %parallel_loop3A_341 = arith.constant 1 : i32
    scf.for %parallel_loop3A_814 = %parallel_loop3A to %parallel_loop3A_340 step %parallel_loop3A_341  : i32 {
      %parallel_loop3A_815 = arith.constant 7 : i32
      %parallel_loop3A_816 = arith.andi %parallel_loop3A_814, %parallel_loop3A_815 : i32
      %parallel_loop3A_817 = arith.constant 16 : i32
      %parallel_loop3A_818 = arith.muli %parallel_loop3A_816, %parallel_loop3A_817 : i32
      %parallel_loop3A_819 = arith.constant 3 : i32
      %parallel_loop3A_820 = arith.shrui %parallel_loop3A_814, %parallel_loop3A_819 : i32
      %parallel_loop3A_821 = arith.constant 16 : i32
      %parallel_loop3A_822 = arith.muli %parallel_loop3A_820, %parallel_loop3A_821 : i32
      %parallel_loop3A_823 = arith.constant 64 : i32
      %parallel_loop3A_824 = arith.muli %parallel_loop3A_818, %parallel_loop3A_823 : i32
      %parallel_loop3A_825 = arith.addi %parallel_loop3A_824, %parallel_loop3A_822 : i32
      %parallel_loop3A_826 = arith.constant 128 : i32
      %parallel_loop3A_827 = arith.muli %parallel_loop3A_822, %parallel_loop3A_826 : i32
      %parallel_loop3A_828 = arith.addi %parallel_loop3A_827, %parallel_loop3A_818 : i32
      %parallel_loop3A_829 = vector.broadcast %parallel_loop3A_825 : i32 to vector<16xi32>
      %parallel_loop3A_830 = arith.addi %parallel_loop3A_829, %add3A_14 : vector<16xi32>
      %parallel_loop3A_831 = tpu.vector_load_idx %arg6[%and3A_4, %parallel_loop3A_830] : memref<128x64xf32, #tpu.memory_space<vmem>>[vector<16xi32>, vector<16xi32>], vector<16xf32>,
      %parallel_loop3A_832 = vector.broadcast %parallel_loop3A_828 : i32 to vector<16xi32>
      %parallel_loop3A_833 = arith.addi %parallel_loop3A_832, %add3A_174 : vector<16xi32>
      tpu.vector_store_idx %arg8[%parallel_loop3A_833], %parallel_loop3A_831 : memref<8192xf32, #tpu.memory_space<vmem>>[vector<16xi32>], vector<16xf32>,
      %parallel_loop3A_834 = vector.broadcast %parallel_loop3A_825 : i32 to vector<16xi32>
      %parallel_loop3A_835 = arith.addi %parallel_loop3A_834, %add3A_24 : vector<16xi32>
      %parallel_loop3A_836 = tpu.vector_load_idx %arg6[%and3A_4, %parallel_loop3A_835] : memref<128x64xf32, #tpu.memory_space<vmem>>[vector<16xi32>, vector<16xi32>], vector<16xf32>,
      %parallel_loop3A_837 = vector.broadcast %parallel_loop3A_828 : i32 to vector<16xi32>
      %parallel_loop3A_838 = arith.addi %parallel_loop3A_837, %add3A_184 : vector<16xi32>
      tpu.vector_store_idx %arg8[%parallel_loop3A_838], %parallel_loop3A_836 : memref<8192xf32, #tpu.memory_space<vmem>>[vector<16xi32>], vector<16xf32>,
      %parallel_loop3A_839 = vector.broadcast %parallel_loop3A_825 : i32 to vector<16xi32>
      %parallel_loop3A_840 = arith.addi %parallel_loop3A_839, %add3A_34 : vector<16xi32>
      %parallel_loop3A_841 = tpu.vector_load_idx %arg6[%and3A_4, %parallel_loop3A_840] : memref<128x64xf32, #tpu.memory_space<vmem>>[vector<16xi32>, vector<16xi32>], vector<16xf32>,
      %parallel_loop3A_842 = vector.broadcast %parallel_loop3A_828 : i32 to vector<16xi32>
      %parallel_loop3A_843 = arith.addi %parallel_loop3A_842, %add3A_194 : vector<16xi32>
      tpu.vector_store_idx %arg8[%parallel_loop3A_843], %parallel_loop3A_841 : memref<8192xf32, #tpu.memory_space<vmem>>[vector<16xi32>], vector<16xf32>,
      %parallel_loop3A_844 = vector.broadcast %parallel_loop3A_825 : i32 to vector<16xi32>
      %parallel_loop3A_845 = arith.addi %parallel_loop3A_844, %add3A_44 : vector<16xi32>
      %parallel_loop3A_846 = tpu.vector_load_idx %arg6[%and3A_4, %parallel_loop3A_845] : memref<128x64xf32, #tpu.memory_space<vmem>>[vector<16xi32>, vector<16xi32>], vector<16xf32>,
      %parallel_loop3A_847 = vector.broadcast %parallel_loop3A_828 : i32 to vector<16xi32>
      %parallel_loop3A_848 = arith.addi %parallel_loop3A_847, %add3A_204 : vector<16xi32>
      tpu.vector_store_idx %arg8[%parallel_loop3A_848], %parallel_loop3A_846 : memref<8192xf32, #tpu.memory_space<vmem>>[vector<16xi32>], vector<16xf32>,
      %parallel_loop3A_849 = vector.broadcast %parallel_loop3A_825 : i32 to vector<16xi32>
      %parallel_loop3A_850 = arith.addi %parallel_loop3A_849, %add3A_54 : vector<16xi32>
      %parallel_loop3A_851 = tpu.vector_load_idx %arg6[%and3A_4, %parallel_loop3A_850] : memref<128x64xf32, #tpu.memory_space<vmem>>[vector<16xi32>, vector<16xi32>], vector<16xf32>,
      %parallel_loop3A_852 = vector.broadcast %parallel_loop3A_828 : i32 to vector<16xi32>
      %parallel_loop3A_853 = arith.addi %parallel_loop3A_852, %add3A_214 : vector<16xi32>
      tpu.vector_store_idx %arg8[%parallel_loop3A_853], %parallel_loop3A_851 : memref<8192xf32, #tpu.memory_space<vmem>>[vector<16xi32>], vector<16xf32>,
      %parallel_loop3A_854 = vector.broadcast %parallel_loop3A_825 : i32 to vector<16xi32>
      %parallel_loop3A_855 = arith.addi %parallel_loop3A_854, %add3A_64 : vector<16xi32>
      %parallel_loop3A_856 = tpu.vector_load_idx %arg6[%and3A_4, %parallel_loop3A_855] : memref<128x64xf32, #tpu.memory_space<vmem>>[vector<16xi32>, vector<16xi32>], vector<16xf32>,
      %parallel_loop3A_857 = vector.broadcast %parallel_loop3A_828 : i32 to vector<16xi32>
      %parallel_loop3A_858 = arith.addi %parallel_loop3A_857, %add3A_224 : vector<16xi32>
      tpu.vector_store_idx %arg8[%parallel_loop3A_858], %parallel_loop3A_856 : memref<8192xf32, #tpu.memory_space<vmem>>[vector<16xi32>], vector<16xf32>,
      %parallel_loop3A_859 = vector.broadcast %parallel_loop3A_825 : i32 to vector<16xi32>
      %parallel_loop3A_860 = arith.addi %parallel_loop3A_859, %add3A_74 : vector<16xi32>
      %parallel_loop3A_861 = tpu.vector_load_idx %arg6[%and3A_4, %parallel_loop3A_860] : memref<128x64xf32, #tpu.memory_space<vmem>>[vector<16xi32>, vector<16xi32>], vector<16xf32>,
      %parallel_loop3A_862 = vector.broadcast %parallel_loop3A_828 : i32 to vector<16xi32>
      %parallel_loop3A_863 = arith.addi %parallel_loop3A_862, %add3A_234 : vector<16xi32>
      tpu.vector_store_idx %arg8[%parallel_loop3A_863], %parallel_loop3A_861 : memref<8192xf32, #tpu.memory_space<vmem>>[vector<16xi32>], vector<16xf32>,
      %parallel_loop3A_864 = vector.broadcast %parallel_loop3A_825 : i32 to vector<16xi32>
      %parallel_loop3A_865 = arith.addi %parallel_loop3A_864, %add3A_84 : vector<16xi32>
      %parallel_loop3A_866 = tpu.vector_load_idx %arg6[%and3A_4, %parallel_loop3A_865] : memref<128x64xf32, #tpu.memory_space<vmem>>[vector<16xi32>, vector<16xi32>], vector<16xf32>,
      %parallel_loop3A_867 = vector.broadcast %parallel_loop3A_828 : i32 to vector<16xi32>
      %parallel_loop3A_868 = arith.addi %parallel_loop3A_867, %add3A_244 : vector<16xi32>
      tpu.vector_store_idx %arg8[%parallel_loop3A_868], %parallel_loop3A_866 : memref<8192xf32, #tpu.memory_space<vmem>>[vector<16xi32>], vector<16xf32>,
      %parallel_loop3A_869 = vector.broadcast %parallel_loop3A_825 : i32 to vector<16xi32>
      %parallel_loop3A_870 = arith.addi %parallel_loop3A_869, %add3A_94 : vector<16xi32>
      %parallel_loop3A_871 = tpu.vector_load_idx %arg6[%and3A_4, %parallel_loop3A_870] : memref<128x64xf32, #tpu.memory_space<vmem>>[vector<16xi32>, vector<16xi32>], vector<16xf32>,
      %parallel_loop3A_872 = vector.broadcast %parallel_loop3A_828 : i32 to vector<16xi32>
      %parallel_loop3A_873 = arith.addi %parallel_loop3A_872, %add3A_254 : vector<16xi32>
      tpu.vector_store_idx %arg8[%parallel_loop3A_873], %parallel_loop3A_871 : memref<8192xf32, #tpu.memory_space<vmem>>[vector<16xi32>], vector<16xf32>,
      %parallel_loop3A_874 = vector.broadcast %parallel_loop3A_825 : i32 to vector<16xi32>
      %parallel_loop3A_875 = arith.addi %parallel_loop3A_874, %add3A_104 : vector<16xi32>
      %parallel_loop3A_876 = tpu.vector_load_idx %arg6[%and3A_4, %parallel_loop3A_875] : memref<128x64xf32, #tpu.memory_space<vmem>>[vector<16xi32>, vector<16xi32>], vector<16xf32>,
      %parallel_loop3A_877 = vector.broadcast %parallel_loop3A_828 : i32 to vector<16xi32>
      %parallel_loop3A_878 = arith.addi %parallel_loop3A_877, %add3A_264 : vector<16xi32>
      tpu.vector_store_idx %arg8[%parallel_loop3A_878], %parallel_loop3A_876 : memref<8192xf32, #tpu.memory_space<vmem>>[vector<16xi32>], vector<16xf32>,
      %parallel_loop3A_879 = vector.broadcast %parallel_loop3A_825 : i32 to vector<16xi32>
      %parallel_loop3A_880 = arith.addi %parallel_loop3A_879, %add3A_114 : vector<16xi32>
      %parallel_loop3A_881 = tpu.vector_load_idx %arg6[%and3A_4, %parallel_loop3A_880] : memref<128x64xf32, #tpu.memory_space<vmem>>[vector<16xi32>, vector<16xi32>], vector<16xf32>,
      %parallel_loop3A_882 = vector.broadcast %parallel_loop3A_828 : i32 to vector<16xi32>
      %parallel_loop3A_883 = arith.addi %parallel_loop3A_882, %add3A_274 : vector<16xi32>
      tpu.vector_store_idx %arg8[%parallel_loop3A_883], %parallel_loop3A_881 : memref<8192xf32, #tpu.memory_space<vmem>>[vector<16xi32>], vector<16xf32>,
      %parallel_loop3A_884 = vector.broadcast %parallel_loop3A_825 : i32 to vector<16xi32>
      %parallel_loop3A_885 = arith.addi %parallel_loop3A_884, %add3A_124 : vector<16xi32>
      %parallel_loop3A_886 = tpu.vector_load_idx %arg6[%and3A_4, %parallel_loop3A_885] : memref<128x64xf32, #tpu.memory_space<vmem>>[vector<16xi32>, vector<16xi32>], vector<16xf32>,
      %parallel_loop3A_887 = vector.broadcast %parallel_loop3A_828 : i32 to vector<16xi32>
      %parallel_loop3A_888 = arith.addi %parallel_loop3A_887, %add3A_284 : vector<16xi32>
      tpu.vector_store_idx %arg8[%parallel_loop3A_888], %parallel_loop3A_886 : memref<8192xf32, #tpu.memory_space<vmem>>[vector<16xi32>], vector<16xf32>,
      %parallel_loop3A_889 = vector.broadcast %parallel_loop3A_825 : i32 to vector<16xi32>
      %parallel_loop3A_890 = arith.addi %parallel_loop3A_889, %add3A_134 : vector<16xi32>
      %parallel_loop3A_891 = tpu.vector_load_idx %arg6[%and3A_4, %parallel_loop3A_890] : memref<128x64xf32, #tpu.memory_space<vmem>>[vector<16xi32>, vector<16xi32>], vector<16xf32>,
      %parallel_loop3A_892 = vector.broadcast %parallel_loop3A_828 : i32 to vector<16xi32>
      %parallel_loop3A_893 = arith.addi %parallel_loop3A_892, %add3A_294 : vector<16xi32>
      tpu.vector_store_idx %arg8[%parallel_loop3A_893], %parallel_loop3A_891 : memref<8192xf32, #tpu.memory_space<vmem>>[vector<16xi32>], vector<16xf32>,
      %parallel_loop3A_894 = vector.broadcast %parallel_loop3A_825 : i32 to vector<16xi32>
      %parallel_loop3A_895 = arith.addi %parallel_loop3A_894, %add3A_144 : vector<16xi32>
      %parallel_loop3A_896 = tpu.vector_load_idx %arg6[%and3A_4, %parallel_loop3A_895] : memref<128x64xf32, #tpu.memory_space<vmem>>[vector<16xi32>, vector<16xi32>], vector<16xf32>,
      %parallel_loop3A_897 = vector.broadcast %parallel_loop3A_828 : i32 to vector<16xi32>
      %parallel_loop3A_898 = arith.addi %parallel_loop3A_897, %add3A_304 : vector<16xi32>
      tpu.vector_store_idx %arg8[%parallel_loop3A_898], %parallel_loop3A_896 : memref<8192xf32, #tpu.memory_space<vmem>>[vector<16xi32>], vector<16xf32>,
      %parallel_loop3A_899 = vector.broadcast %parallel_loop3A_825 : i32 to vector<16xi32>
      %parallel_loop3A_900 = arith.addi %parallel_loop3A_899, %add3A_154 : vector<16xi32>
      %parallel_loop3A_901 = tpu.vector_load_idx %arg6[%and3A_4, %parallel_loop3A_900] : memref<128x64xf32, #tpu.memory_space<vmem>>[vector<16xi32>, vector<16xi32>], vector<16xf32>,
      %parallel_loop3A_902 = vector.broadcast %parallel_loop3A_828 : i32 to vector<16xi32>
      %parallel_loop3A_903 = arith.addi %parallel_loop3A_902, %add3A_314 : vector<16xi32>
      tpu.vector_store_idx %arg8[%parallel_loop3A_903], %parallel_loop3A_901 : memref<8192xf32, #tpu.memory_space<vmem>>[vector<16xi32>], vector<16xf32>,
      %parallel_loop3A_904 = vector.broadcast %parallel_loop3A_825 : i32 to vector<16xi32>
      %parallel_loop3A_905 = arith.addi %parallel_loop3A_904, %add3A_164 : vector<16xi32>
      %parallel_loop3A_906 = tpu.vector_load_idx %arg6[%and3A_4, %parallel_loop3A_905] : memref<128x64xf32, #tpu.memory_space<vmem>>[vector<16xi32>, vector<16xi32>], vector<16xf32>,
      %parallel_loop3A_907 = vector.broadcast %parallel_loop3A_828 : i32 to vector<16xi32>
      %parallel_loop3A_908 = arith.addi %parallel_loop3A_907, %add3A_324 : vector<16xi32>
      tpu.vector_store_idx %arg8[%parallel_loop3A_908], %parallel_loop3A_906 : memref<8192xf32, #tpu.memory_space<vmem>>[vector<16xi32>], vector<16xf32>,
    } {sc.loop_unroll_factor = 2 : i64, sc.parallel_access}
    %jit3A = arith.constant 128 : i32
    %div3A = arith.divsi %mul3A_2, %jit3A : i32
    %sign3A = arith.constant 0 : i32
    %sign3A_342 = arith.cmpi sgt, %mul3A_2, %sign3A : i32
    %sign3A_343 = arith.extui %sign3A_342 : i1 to i32
    %sign3A_344 = arith.constant 0 : i32
    %sign3A_345 = arith.cmpi slt, %mul3A_2, %sign3A_344 : i32
    %sign3A_346 = arith.extui %sign3A_345 : i1 to i32
    %sign3A_347 = arith.subi %sign3A_343, %sign3A_346 : i32
    %sign3A_348 = arith.constant 0 : i32
    %sign3A_349 = arith.cmpi sgt, %jit3A, %sign3A_348 : i32
    %sign3A_350 = arith.extui %sign3A_349 : i1 to i32
    %sign3A_351 = arith.constant 0 : i32
    %sign3A_352 = arith.cmpi slt, %jit3A, %sign3A_351 : i32
    %sign3A_353 = arith.extui %sign3A_352 : i1 to i32
    %sign3A_354 = arith.subi %sign3A_350, %sign3A_353 : i32
    %ne3A = arith.cmpi ne, %sign3A_347, %sign3A_354 : i32
    %rem3A = arith.remsi %mul3A_2, %jit3A : i32
    %ne3A_355 = arith.constant 0 : i32
    %ne3A_356 = arith.cmpi ne, %rem3A, %ne3A_355 : i32
    %and3A_357 = arith.andi %ne3A, %ne3A_356 : i1
    %sub3A = arith.constant 1 : i32
    %sub3A_358 = arith.subi %div3A, %sub3A : i32
    %select_n3A = arith.select %and3A_357, %sub3A_358, %div3A : i32
    %jit3A_359 = arith.constant 128 : i32
    %eq3A = arith.constant 0 : i32
    %eq3A_360 = arith.cmpi eq, %jit3A_359, %eq3A : i32
    %jit3A_361 = arith.constant 1 : i32
    %select_n3A_362 = arith.select %eq3A_360, %jit3A_361, %jit3A_359 : i32
    %rem3A_363 = arith.remsi %mul3A_2, %select_n3A_362 : i32
    %ne3A_364 = arith.constant 0 : i32
    %ne3A_365 = arith.cmpi ne, %rem3A_363, %ne3A_364 : i32
    %lt3A = arith.constant 0 : i32
    %lt3A_366 = arith.cmpi slt, %rem3A_363, %lt3A : i32
    %lt3A_367 = arith.constant 0 : i32
    %lt3A_368 = arith.cmpi slt, %select_n3A_362, %lt3A_367 : i32
    %ne3A_369 = arith.xori %lt3A_366, %lt3A_368 : i1
    %and3A_370 = arith.andi %ne3A_369, %ne3A_365 : i1
    %add3A_371 = arith.addi %rem3A_363, %select_n3A_362 : i32
    %select_n3A_372 = arith.select %and3A_370, %add3A_371, %rem3A_363 : i32
    %dma_start3A_373 = arith.constant 0 : i32
    %dma_start3A_374 = arith.constant 0 : i32
    %dma_start3A_375 = tpu.memref_slice %arg8[%dma_start3A_374] : memref<8192xf32, #tpu.memory_space<vmem>> -> memref<1024xf32, #tpu.memory_space<vmem>>
    %dma_start3A_376 = arith.constant 0 : i32
    %dma_start3A_377 = tpu.memref_slice %arg4[%select_n3A, %dma_start3A_373, %select_n3A_372, %dma_start3A_376] : memref<50x8x128x1024xf32, #tpu.memory_space<hbm>> -> memref<1x1x1x1024xf32, #tpu.memory_space<hbm>>
    %dma_start3A_378 = tpu.memref_squeeze %dma_start3A_377 : memref<1x1x1x1024xf32, #tpu.memory_space<hbm>> -> memref<1024xf32, #tpu.memory_space<hbm>>
    %dma_start3A_379 = arith.constant 0 : i32
    %dma_start3A_380 = tpu.memref_slice %arg4[%select_n3A, %dma_start3A_373, %select_n3A_372, %dma_start3A_379] : memref<50x8x128x1024xf32, #tpu.memory_space<hbm>> -> memref<1x1x1x1024xf32, #tpu.memory_space<hbm>>
    %dma_start3A_381 = tpu.memref_squeeze %dma_start3A_380 : memref<1x1x1x1024xf32, #tpu.memory_space<hbm>> -> memref<1024xf32, #tpu.memory_space<hbm>>
    %dma_start3A_382 = arith.constant 0 : i32
    %dma_start3A_383 = tpu.memref_slice %arg8[%dma_start3A_382] : memref<8192xf32, #tpu.memory_space<vmem>> -> memref<1024xf32, #tpu.memory_space<vmem>>
    tpu.enqueue_dma source(%dma_start3A_383 : memref<1024xf32, #tpu.memory_space<vmem>>) target(%dma_start3A_381 : memref<1024xf32, #tpu.memory_space<hbm>>) target_semaphore(%arg12 : memref<!tpu.dma_semaphore, #tpu.memory_space<semaphore_mem>>)
    %dma_start3A_384 = arith.constant 1 : i32
    %dma_start3A_385 = arith.constant 1024 : i32
    %dma_start3A_386 = tpu.memref_slice %arg8[%dma_start3A_385] : memref<8192xf32, #tpu.memory_space<vmem>> -> memref<1024xf32, #tpu.memory_space<vmem>>
    %dma_start3A_387 = arith.constant 0 : i32
    %dma_start3A_388 = tpu.memref_slice %arg4[%select_n3A, %dma_start3A_384, %select_n3A_372, %dma_start3A_387] : memref<50x8x128x1024xf32, #tpu.memory_space<hbm>> -> memref<1x1x1x1024xf32, #tpu.memory_space<hbm>>
    %dma_start3A_389 = tpu.memref_squeeze %dma_start3A_388 : memref<1x1x1x1024xf32, #tpu.memory_space<hbm>> -> memref<1024xf32, #tpu.memory_space<hbm>>
    %dma_start3A_390 = arith.constant 0 : i32
    %dma_start3A_391 = tpu.memref_slice %arg4[%select_n3A, %dma_start3A_384, %select_n3A_372, %dma_start3A_390] : memref<50x8x128x1024xf32, #tpu.memory_space<hbm>> -> memref<1x1x1x1024xf32, #tpu.memory_space<hbm>>
    %dma_start3A_392 = tpu.memref_squeeze %dma_start3A_391 : memref<1x1x1x1024xf32, #tpu.memory_space<hbm>> -> memref<1024xf32, #tpu.memory_space<hbm>>
    %dma_start3A_393 = arith.constant 1024 : i32
    %dma_start3A_394 = tpu.memref_slice %arg8[%dma_start3A_393] : memref<8192xf32, #tpu.memory_space<vmem>> -> memref<1024xf32, #tpu.memory_space<vmem>>
    tpu.enqueue_dma source(%dma_start3A_394 : memref<1024xf32, #tpu.memory_space<vmem>>) target(%dma_start3A_392 : memref<1024xf32, #tpu.memory_space<hbm>>) target_semaphore(%arg12 : memref<!tpu.dma_semaphore, #tpu.memory_space<semaphore_mem>>)
    %dma_start3A_395 = arith.constant 2 : i32
    %dma_start3A_396 = arith.constant 2048 : i32
    %dma_start3A_397 = tpu.memref_slice %arg8[%dma_start3A_396] : memref<8192xf32, #tpu.memory_space<vmem>> -> memref<1024xf32, #tpu.memory_space<vmem>>
    %dma_start3A_398 = arith.constant 0 : i32
    %dma_start3A_399 = tpu.memref_slice %arg4[%select_n3A, %dma_start3A_395, %select_n3A_372, %dma_start3A_398] : memref<50x8x128x1024xf32, #tpu.memory_space<hbm>> -> memref<1x1x1x1024xf32, #tpu.memory_space<hbm>>
    %dma_start3A_400 = tpu.memref_squeeze %dma_start3A_399 : memref<1x1x1x1024xf32, #tpu.memory_space<hbm>> -> memref<1024xf32, #tpu.memory_space<hbm>>
    %dma_start3A_401 = arith.constant 0 : i32
    %dma_start3A_402 = tpu.memref_slice %arg4[%select_n3A, %dma_start3A_395, %select_n3A_372, %dma_start3A_401] : memref<50x8x128x1024xf32, #tpu.memory_space<hbm>> -> memref<1x1x1x1024xf32, #tpu.memory_space<hbm>>
    %dma_start3A_403 = tpu.memref_squeeze %dma_start3A_402 : memref<1x1x1x1024xf32, #tpu.memory_space<hbm>> -> memref<1024xf32, #tpu.memory_space<hbm>>
    %dma_start3A_404 = arith.constant 2048 : i32
    %dma_start3A_405 = tpu.memref_slice %arg8[%dma_start3A_404] : memref<8192xf32, #tpu.memory_space<vmem>> -> memref<1024xf32, #tpu.memory_space<vmem>>
    tpu.enqueue_dma source(%dma_start3A_405 : memref<1024xf32, #tpu.memory_space<vmem>>) target(%dma_start3A_403 : memref<1024xf32, #tpu.memory_space<hbm>>) target_semaphore(%arg12 : memref<!tpu.dma_semaphore, #tpu.memory_space<semaphore_mem>>)
    %dma_start3A_406 = arith.constant 3 : i32
    %dma_start3A_407 = arith.constant 3072 : i32
    %dma_start3A_408 = tpu.memref_slice %arg8[%dma_start3A_407] : memref<8192xf32, #tpu.memory_space<vmem>> -> memref<1024xf32, #tpu.memory_space<vmem>>
    %dma_start3A_409 = arith.constant 0 : i32
    %dma_start3A_410 = tpu.memref_slice %arg4[%select_n3A, %dma_start3A_406, %select_n3A_372, %dma_start3A_409] : memref<50x8x128x1024xf32, #tpu.memory_space<hbm>> -> memref<1x1x1x1024xf32, #tpu.memory_space<hbm>>
    %dma_start3A_411 = tpu.memref_squeeze %dma_start3A_410 : memref<1x1x1x1024xf32, #tpu.memory_space<hbm>> -> memref<1024xf32, #tpu.memory_space<hbm>>
    %dma_start3A_412 = arith.constant 0 : i32
    %dma_start3A_413 = tpu.memref_slice %arg4[%select_n3A, %dma_start3A_406, %select_n3A_372, %dma_start3A_412] : memref<50x8x128x1024xf32, #tpu.memory_space<hbm>> -> memref<1x1x1x1024xf32, #tpu.memory_space<hbm>>
    %dma_start3A_414 = tpu.memref_squeeze %dma_start3A_413 : memref<1x1x1x1024xf32, #tpu.memory_space<hbm>> -> memref<1024xf32, #tpu.memory_space<hbm>>
    %dma_start3A_415 = arith.constant 3072 : i32
    %dma_start3A_416 = tpu.memref_slice %arg8[%dma_start3A_415] : memref<8192xf32, #tpu.memory_space<vmem>> -> memref<1024xf32, #tpu.memory_space<vmem>>
    tpu.enqueue_dma source(%dma_start3A_416 : memref<1024xf32, #tpu.memory_space<vmem>>) target(%dma_start3A_414 : memref<1024xf32, #tpu.memory_space<hbm>>) target_semaphore(%arg12 : memref<!tpu.dma_semaphore, #tpu.memory_space<semaphore_mem>>)
    %dma_start3A_417 = arith.constant 4 : i32
    %dma_start3A_418 = arith.constant 4096 : i32
    %dma_start3A_419 = tpu.memref_slice %arg8[%dma_start3A_418] : memref<8192xf32, #tpu.memory_space<vmem>> -> memref<1024xf32, #tpu.memory_space<vmem>>
    %dma_start3A_420 = arith.constant 0 : i32
    %dma_start3A_421 = tpu.memref_slice %arg4[%select_n3A, %dma_start3A_417, %select_n3A_372, %dma_start3A_420] : memref<50x8x128x1024xf32, #tpu.memory_space<hbm>> -> memref<1x1x1x1024xf32, #tpu.memory_space<hbm>>
    %dma_start3A_422 = tpu.memref_squeeze %dma_start3A_421 : memref<1x1x1x1024xf32, #tpu.memory_space<hbm>> -> memref<1024xf32, #tpu.memory_space<hbm>>
    %dma_start3A_423 = arith.constant 0 : i32
    %dma_start3A_424 = tpu.memref_slice %arg4[%select_n3A, %dma_start3A_417, %select_n3A_372, %dma_start3A_423] : memref<50x8x128x1024xf32, #tpu.memory_space<hbm>> -> memref<1x1x1x1024xf32, #tpu.memory_space<hbm>>
    %dma_start3A_425 = tpu.memref_squeeze %dma_start3A_424 : memref<1x1x1x1024xf32, #tpu.memory_space<hbm>> -> memref<1024xf32, #tpu.memory_space<hbm>>
    %dma_start3A_426 = arith.constant 4096 : i32
    %dma_start3A_427 = tpu.memref_slice %arg8[%dma_start3A_426] : memref<8192xf32, #tpu.memory_space<vmem>> -> memref<1024xf32, #tpu.memory_space<vmem>>
    tpu.enqueue_dma source(%dma_start3A_427 : memref<1024xf32, #tpu.memory_space<vmem>>) target(%dma_start3A_425 : memref<1024xf32, #tpu.memory_space<hbm>>) target_semaphore(%arg12 : memref<!tpu.dma_semaphore, #tpu.memory_space<semaphore_mem>>)
    %dma_start3A_428 = arith.constant 5 : i32
    %dma_start3A_429 = arith.constant 5120 : i32
    %dma_start3A_430 = tpu.memref_slice %arg8[%dma_start3A_429] : memref<8192xf32, #tpu.memory_space<vmem>> -> memref<1024xf32, #tpu.memory_space<vmem>>
    %dma_start3A_431 = arith.constant 0 : i32
    %dma_start3A_432 = tpu.memref_slice %arg4[%select_n3A, %dma_start3A_428, %select_n3A_372, %dma_start3A_431] : memref<50x8x128x1024xf32, #tpu.memory_space<hbm>> -> memref<1x1x1x1024xf32, #tpu.memory_space<hbm>>
    %dma_start3A_433 = tpu.memref_squeeze %dma_start3A_432 : memref<1x1x1x1024xf32, #tpu.memory_space<hbm>> -> memref<1024xf32, #tpu.memory_space<hbm>>
    %dma_start3A_434 = arith.constant 0 : i32
    %dma_start3A_435 = tpu.memref_slice %arg4[%select_n3A, %dma_start3A_428, %select_n3A_372, %dma_start3A_434] : memref<50x8x128x1024xf32, #tpu.memory_space<hbm>> -> memref<1x1x1x1024xf32, #tpu.memory_space<hbm>>
    %dma_start3A_436 = tpu.memref_squeeze %dma_start3A_435 : memref<1x1x1x1024xf32, #tpu.memory_space<hbm>> -> memref<1024xf32, #tpu.memory_space<hbm>>
    %dma_start3A_437 = arith.constant 5120 : i32
    %dma_start3A_438 = tpu.memref_slice %arg8[%dma_start3A_437] : memref<8192xf32, #tpu.memory_space<vmem>> -> memref<1024xf32, #tpu.memory_space<vmem>>
    tpu.enqueue_dma source(%dma_start3A_438 : memref<1024xf32, #tpu.memory_space<vmem>>) target(%dma_start3A_436 : memref<1024xf32, #tpu.memory_space<hbm>>) target_semaphore(%arg12 : memref<!tpu.dma_semaphore, #tpu.memory_space<semaphore_mem>>)
    %dma_start3A_439 = arith.constant 6 : i32
    %dma_start3A_440 = arith.constant 6144 : i32
    %dma_start3A_441 = tpu.memref_slice %arg8[%dma_start3A_440] : memref<8192xf32, #tpu.memory_space<vmem>> -> memref<1024xf32, #tpu.memory_space<vmem>>
    %dma_start3A_442 = arith.constant 0 : i32
    %dma_start3A_443 = tpu.memref_slice %arg4[%select_n3A, %dma_start3A_439, %select_n3A_372, %dma_start3A_442] : memref<50x8x128x1024xf32, #tpu.memory_space<hbm>> -> memref<1x1x1x1024xf32, #tpu.memory_space<hbm>>
    %dma_start3A_444 = tpu.memref_squeeze %dma_start3A_443 : memref<1x1x1x1024xf32, #tpu.memory_space<hbm>> -> memref<1024xf32, #tpu.memory_space<hbm>>
    %dma_start3A_445 = arith.constant 0 : i32
    %dma_start3A_446 = tpu.memref_slice %arg4[%select_n3A, %dma_start3A_439, %select_n3A_372, %dma_start3A_445] : memref<50x8x128x1024xf32, #tpu.memory_space<hbm>> -> memref<1x1x1x1024xf32, #tpu.memory_space<hbm>>
    %dma_start3A_447 = tpu.memref_squeeze %dma_start3A_446 : memref<1x1x1x1024xf32, #tpu.memory_space<hbm>> -> memref<1024xf32, #tpu.memory_space<hbm>>
    %dma_start3A_448 = arith.constant 6144 : i32
    %dma_start3A_449 = tpu.memref_slice %arg8[%dma_start3A_448] : memref<8192xf32, #tpu.memory_space<vmem>> -> memref<1024xf32, #tpu.memory_space<vmem>>
    tpu.enqueue_dma source(%dma_start3A_449 : memref<1024xf32, #tpu.memory_space<vmem>>) target(%dma_start3A_447 : memref<1024xf32, #tpu.memory_space<hbm>>) target_semaphore(%arg12 : memref<!tpu.dma_semaphore, #tpu.memory_space<semaphore_mem>>)
    %dma_start3A_450 = arith.constant 7 : i32
    %dma_start3A_451 = arith.constant 7168 : i32
    %dma_start3A_452 = tpu.memref_slice %arg8[%dma_start3A_451] : memref<8192xf32, #tpu.memory_space<vmem>> -> memref<1024xf32, #tpu.memory_space<vmem>>
    %dma_start3A_453 = arith.constant 0 : i32
    %dma_start3A_454 = tpu.memref_slice %arg4[%select_n3A, %dma_start3A_450, %select_n3A_372, %dma_start3A_453] : memref<50x8x128x1024xf32, #tpu.memory_space<hbm>> -> memref<1x1x1x1024xf32, #tpu.memory_space<hbm>>
    %dma_start3A_455 = tpu.memref_squeeze %dma_start3A_454 : memref<1x1x1x1024xf32, #tpu.memory_space<hbm>> -> memref<1024xf32, #tpu.memory_space<hbm>>
    %dma_start3A_456 = arith.constant 0 : i32
    %dma_start3A_457 = tpu.memref_slice %arg4[%select_n3A, %dma_start3A_450, %select_n3A_372, %dma_start3A_456] : memref<50x8x128x1024xf32, #tpu.memory_space<hbm>> -> memref<1x1x1x1024xf32, #tpu.memory_space<hbm>>
    %dma_start3A_458 = tpu.memref_squeeze %dma_start3A_457 : memref<1x1x1x1024xf32, #tpu.memory_space<hbm>> -> memref<1024xf32, #tpu.memory_space<hbm>>
    %dma_start3A_459 = arith.constant 7168 : i32
    %dma_start3A_460 = tpu.memref_slice %arg8[%dma_start3A_459] : memref<8192xf32, #tpu.memory_space<vmem>> -> memref<1024xf32, #tpu.memory_space<vmem>>
    tpu.enqueue_dma source(%dma_start3A_460 : memref<1024xf32, #tpu.memory_space<vmem>>) target(%dma_start3A_458 : memref<1024xf32, #tpu.memory_space<hbm>>) target_semaphore(%arg12 : memref<!tpu.dma_semaphore, #tpu.memory_space<semaphore_mem>>)
    %scan3A = arith.constant 0 : i32
    %scan3A_461 = arith.constant 0 : i32
    %scan3A_462 = arith.constant 99 : i32
    %scan3A_463 = arith.addi %scan3A_461, %scan3A_462 : i32
    %scan3A_464 = arith.constant 1 : i32
    scf.for %scan3A_814 = %scan3A_461 to %scan3A_463 step %scan3A_464  : i32 {
      %mul3A_815 = arith.constant 2 : i32
      %mul3A_816 = arith.muli %mul3A_815, %scan3A_814 : i32
      %add3A_817 = arith.constant 1 : i32
      %add3A_818 = arith.addi %mul3A_816, %add3A_817 : i32
      %add3A_819 = arith.addi %mul3A_2, %add3A_818 : i32
      %dma_wait3A_820 = arith.constant 0 : i32
      %dma_wait3A_821 = arith.constant 0 : i32
      %dma_wait3A_822 = arith.constant 0 : i32
      %dma_wait3A_823 = arith.constant 0 : i32
      %dma_wait3A_824 = tpu.memref_slice %arg8[%dma_wait3A_823] : memref<8192xf32, #tpu.memory_space<vmem>> -> memref<1024xf32, #tpu.memory_space<vmem>>
      %dma_wait3A_825 = arith.constant 0 : i32
      %dma_wait3A_826 = tpu.memref_slice %arg4[%dma_wait3A_820, %dma_wait3A_821, %dma_wait3A_822, %dma_wait3A_825] : memref<50x8x128x1024xf32, #tpu.memory_space<hbm>> -> memref<1x1x1x1024xf32, #tpu.memory_space<hbm>>
      %dma_wait3A_827 = tpu.memref_squeeze %dma_wait3A_826 : memref<1x1x1x1024xf32, #tpu.memory_space<hbm>> -> memref<1024xf32, #tpu.memory_space<hbm>>
      %dma_wait3A_828 = arith.constant 0 : i32
      %dma_wait3A_829 = tpu.memref_slice %arg4[%dma_wait3A_820, %dma_wait3A_821, %dma_wait3A_822, %dma_wait3A_828] : memref<50x8x128x1024xf32, #tpu.memory_space<hbm>> -> memref<1x1x1x1024xf32, #tpu.memory_space<hbm>>
      %dma_wait3A_830 = tpu.memref_squeeze %dma_wait3A_829 : memref<1x1x1x1024xf32, #tpu.memory_space<hbm>> -> memref<1024xf32, #tpu.memory_space<hbm>>
      %dma_wait3A_831 = arith.constant 0 : i32
      %dma_wait3A_832 = tpu.memref_slice %arg8[%dma_wait3A_831] : memref<8192xf32, #tpu.memory_space<vmem>> -> memref<1024xf32, #tpu.memory_space<vmem>>
      tpu.wait_dma2 semaphore(%arg12 : memref<!tpu.dma_semaphore, #tpu.memory_space<semaphore_mem>>) src(%dma_wait3A_832 : memref<1024xf32, #tpu.memory_space<vmem>>) dst(%dma_wait3A_830 : memref<1024xf32, #tpu.memory_space<hbm>>)
      %dma_wait3A_833 = arith.constant 0 : i32
      %dma_wait3A_834 = arith.constant 1 : i32
      %dma_wait3A_835 = arith.constant 0 : i32
      %dma_wait3A_836 = arith.constant 1024 : i32
      %dma_wait3A_837 = tpu.memref_slice %arg8[%dma_wait3A_836] : memref<8192xf32, #tpu.memory_space<vmem>> -> memref<1024xf32, #tpu.memory_space<vmem>>
      %dma_wait3A_838 = arith.constant 0 : i32
      %dma_wait3A_839 = tpu.memref_slice %arg4[%dma_wait3A_833, %dma_wait3A_834, %dma_wait3A_835, %dma_wait3A_838] : memref<50x8x128x1024xf32, #tpu.memory_space<hbm>> -> memref<1x1x1x1024xf32, #tpu.memory_space<hbm>>
      %dma_wait3A_840 = tpu.memref_squeeze %dma_wait3A_839 : memref<1x1x1x1024xf32, #tpu.memory_space<hbm>> -> memref<1024xf32, #tpu.memory_space<hbm>>
      %dma_wait3A_841 = arith.constant 0 : i32
      %dma_wait3A_842 = tpu.memref_slice %arg4[%dma_wait3A_833, %dma_wait3A_834, %dma_wait3A_835, %dma_wait3A_841] : memref<50x8x128x1024xf32, #tpu.memory_space<hbm>> -> memref<1x1x1x1024xf32, #tpu.memory_space<hbm>>
      %dma_wait3A_843 = tpu.memref_squeeze %dma_wait3A_842 : memref<1x1x1x1024xf32, #tpu.memory_space<hbm>> -> memref<1024xf32, #tpu.memory_space<hbm>>
      %dma_wait3A_844 = arith.constant 1024 : i32
      %dma_wait3A_845 = tpu.memref_slice %arg8[%dma_wait3A_844] : memref<8192xf32, #tpu.memory_space<vmem>> -> memref<1024xf32, #tpu.memory_space<vmem>>
      tpu.wait_dma2 semaphore(%arg12 : memref<!tpu.dma_semaphore, #tpu.memory_space<semaphore_mem>>) src(%dma_wait3A_845 : memref<1024xf32, #tpu.memory_space<vmem>>) dst(%dma_wait3A_843 : memref<1024xf32, #tpu.memory_space<hbm>>)
      %dma_wait3A_846 = arith.constant 0 : i32
      %dma_wait3A_847 = arith.constant 2 : i32
      %dma_wait3A_848 = arith.constant 0 : i32
      %dma_wait3A_849 = arith.constant 2048 : i32
      %dma_wait3A_850 = tpu.memref_slice %arg8[%dma_wait3A_849] : memref<8192xf32, #tpu.memory_space<vmem>> -> memref<1024xf32, #tpu.memory_space<vmem>>
      %dma_wait3A_851 = arith.constant 0 : i32
      %dma_wait3A_852 = tpu.memref_slice %arg4[%dma_wait3A_846, %dma_wait3A_847, %dma_wait3A_848, %dma_wait3A_851] : memref<50x8x128x1024xf32, #tpu.memory_space<hbm>> -> memref<1x1x1x1024xf32, #tpu.memory_space<hbm>>
      %dma_wait3A_853 = tpu.memref_squeeze %dma_wait3A_852 : memref<1x1x1x1024xf32, #tpu.memory_space<hbm>> -> memref<1024xf32, #tpu.memory_space<hbm>>
      %dma_wait3A_854 = arith.constant 0 : i32
      %dma_wait3A_855 = tpu.memref_slice %arg4[%dma_wait3A_846, %dma_wait3A_847, %dma_wait3A_848, %dma_wait3A_854] : memref<50x8x128x1024xf32, #tpu.memory_space<hbm>> -> memref<1x1x1x1024xf32, #tpu.memory_space<hbm>>
      %dma_wait3A_856 = tpu.memref_squeeze %dma_wait3A_855 : memref<1x1x1x1024xf32, #tpu.memory_space<hbm>> -> memref<1024xf32, #tpu.memory_space<hbm>>
      %dma_wait3A_857 = arith.constant 2048 : i32
      %dma_wait3A_858 = tpu.memref_slice %arg8[%dma_wait3A_857] : memref<8192xf32, #tpu.memory_space<vmem>> -> memref<1024xf32, #tpu.memory_space<vmem>>
      tpu.wait_dma2 semaphore(%arg12 : memref<!tpu.dma_semaphore, #tpu.memory_space<semaphore_mem>>) src(%dma_wait3A_858 : memref<1024xf32, #tpu.memory_space<vmem>>) dst(%dma_wait3A_856 : memref<1024xf32, #tpu.memory_space<hbm>>)
      %dma_wait3A_859 = arith.constant 0 : i32
      %dma_wait3A_860 = arith.constant 3 : i32
      %dma_wait3A_861 = arith.constant 0 : i32
      %dma_wait3A_862 = arith.constant 3072 : i32
      %dma_wait3A_863 = tpu.memref_slice %arg8[%dma_wait3A_862] : memref<8192xf32, #tpu.memory_space<vmem>> -> memref<1024xf32, #tpu.memory_space<vmem>>
      %dma_wait3A_864 = arith.constant 0 : i32
      %dma_wait3A_865 = tpu.memref_slice %arg4[%dma_wait3A_859, %dma_wait3A_860, %dma_wait3A_861, %dma_wait3A_864] : memref<50x8x128x1024xf32, #tpu.memory_space<hbm>> -> memref<1x1x1x1024xf32, #tpu.memory_space<hbm>>
      %dma_wait3A_866 = tpu.memref_squeeze %dma_wait3A_865 : memref<1x1x1x1024xf32, #tpu.memory_space<hbm>> -> memref<1024xf32, #tpu.memory_space<hbm>>
      %dma_wait3A_867 = arith.constant 0 : i32
      %dma_wait3A_868 = tpu.memref_slice %arg4[%dma_wait3A_859, %dma_wait3A_860, %dma_wait3A_861, %dma_wait3A_867] : memref<50x8x128x1024xf32, #tpu.memory_space<hbm>> -> memref<1x1x1x1024xf32, #tpu.memory_space<hbm>>
      %dma_wait3A_869 = tpu.memref_squeeze %dma_wait3A_868 : memref<1x1x1x1024xf32, #tpu.memory_space<hbm>> -> memref<1024xf32, #tpu.memory_space<hbm>>
      %dma_wait3A_870 = arith.constant 3072 : i32
      %dma_wait3A_871 = tpu.memref_slice %arg8[%dma_wait3A_870] : memref<8192xf32, #tpu.memory_space<vmem>> -> memref<1024xf32, #tpu.memory_space<vmem>>
      tpu.wait_dma2 semaphore(%arg12 : memref<!tpu.dma_semaphore, #tpu.memory_space<semaphore_mem>>) src(%dma_wait3A_871 : memref<1024xf32, #tpu.memory_space<vmem>>) dst(%dma_wait3A_869 : memref<1024xf32, #tpu.memory_space<hbm>>)
      %dma_wait3A_872 = arith.constant 0 : i32
      %dma_wait3A_873 = arith.constant 4 : i32
      %dma_wait3A_874 = arith.constant 0 : i32
      %dma_wait3A_875 = arith.constant 4096 : i32
      %dma_wait3A_876 = tpu.memref_slice %arg8[%dma_wait3A_875] : memref<8192xf32, #tpu.memory_space<vmem>> -> memref<1024xf32, #tpu.memory_space<vmem>>
      %dma_wait3A_877 = arith.constant 0 : i32
      %dma_wait3A_878 = tpu.memref_slice %arg4[%dma_wait3A_872, %dma_wait3A_873, %dma_wait3A_874, %dma_wait3A_877] : memref<50x8x128x1024xf32, #tpu.memory_space<hbm>> -> memref<1x1x1x1024xf32, #tpu.memory_space<hbm>>
      %dma_wait3A_879 = tpu.memref_squeeze %dma_wait3A_878 : memref<1x1x1x1024xf32, #tpu.memory_space<hbm>> -> memref<1024xf32, #tpu.memory_space<hbm>>
      %dma_wait3A_880 = arith.constant 0 : i32
      %dma_wait3A_881 = tpu.memref_slice %arg4[%dma_wait3A_872, %dma_wait3A_873, %dma_wait3A_874, %dma_wait3A_880] : memref<50x8x128x1024xf32, #tpu.memory_space<hbm>> -> memref<1x1x1x1024xf32, #tpu.memory_space<hbm>>
      %dma_wait3A_882 = tpu.memref_squeeze %dma_wait3A_881 : memref<1x1x1x1024xf32, #tpu.memory_space<hbm>> -> memref<1024xf32, #tpu.memory_space<hbm>>
      %dma_wait3A_883 = arith.constant 4096 : i32
      %dma_wait3A_884 = tpu.memref_slice %arg8[%dma_wait3A_883] : memref<8192xf32, #tpu.memory_space<vmem>> -> memref<1024xf32, #tpu.memory_space<vmem>>
      tpu.wait_dma2 semaphore(%arg12 : memref<!tpu.dma_semaphore, #tpu.memory_space<semaphore_mem>>) src(%dma_wait3A_884 : memref<1024xf32, #tpu.memory_space<vmem>>) dst(%dma_wait3A_882 : memref<1024xf32, #tpu.memory_space<hbm>>)
      %dma_wait3A_885 = arith.constant 0 : i32
      %dma_wait3A_886 = arith.constant 5 : i32
      %dma_wait3A_887 = arith.constant 0 : i32
      %dma_wait3A_888 = arith.constant 5120 : i32
      %dma_wait3A_889 = tpu.memref_slice %arg8[%dma_wait3A_888] : memref<8192xf32, #tpu.memory_space<vmem>> -> memref<1024xf32, #tpu.memory_space<vmem>>
      %dma_wait3A_890 = arith.constant 0 : i32
      %dma_wait3A_891 = tpu.memref_slice %arg4[%dma_wait3A_885, %dma_wait3A_886, %dma_wait3A_887, %dma_wait3A_890] : memref<50x8x128x1024xf32, #tpu.memory_space<hbm>> -> memref<1x1x1x1024xf32, #tpu.memory_space<hbm>>
      %dma_wait3A_892 = tpu.memref_squeeze %dma_wait3A_891 : memref<1x1x1x1024xf32, #tpu.memory_space<hbm>> -> memref<1024xf32, #tpu.memory_space<hbm>>
      %dma_wait3A_893 = arith.constant 0 : i32
      %dma_wait3A_894 = tpu.memref_slice %arg4[%dma_wait3A_885, %dma_wait3A_886, %dma_wait3A_887, %dma_wait3A_893] : memref<50x8x128x1024xf32, #tpu.memory_space<hbm>> -> memref<1x1x1x1024xf32, #tpu.memory_space<hbm>>
      %dma_wait3A_895 = tpu.memref_squeeze %dma_wait3A_894 : memref<1x1x1x1024xf32, #tpu.memory_space<hbm>> -> memref<1024xf32, #tpu.memory_space<hbm>>
      %dma_wait3A_896 = arith.constant 5120 : i32
      %dma_wait3A_897 = tpu.memref_slice %arg8[%dma_wait3A_896] : memref<8192xf32, #tpu.memory_space<vmem>> -> memref<1024xf32, #tpu.memory_space<vmem>>
      tpu.wait_dma2 semaphore(%arg12 : memref<!tpu.dma_semaphore, #tpu.memory_space<semaphore_mem>>) src(%dma_wait3A_897 : memref<1024xf32, #tpu.memory_space<vmem>>) dst(%dma_wait3A_895 : memref<1024xf32, #tpu.memory_space<hbm>>)
      %dma_wait3A_898 = arith.constant 0 : i32
      %dma_wait3A_899 = arith.constant 6 : i32
      %dma_wait3A_900 = arith.constant 0 : i32
      %dma_wait3A_901 = arith.constant 6144 : i32
      %dma_wait3A_902 = tpu.memref_slice %arg8[%dma_wait3A_901] : memref<8192xf32, #tpu.memory_space<vmem>> -> memref<1024xf32, #tpu.memory_space<vmem>>
      %dma_wait3A_903 = arith.constant 0 : i32
      %dma_wait3A_904 = tpu.memref_slice %arg4[%dma_wait3A_898, %dma_wait3A_899, %dma_wait3A_900, %dma_wait3A_903] : memref<50x8x128x1024xf32, #tpu.memory_space<hbm>> -> memref<1x1x1x1024xf32, #tpu.memory_space<hbm>>
      %dma_wait3A_905 = tpu.memref_squeeze %dma_wait3A_904 : memref<1x1x1x1024xf32, #tpu.memory_space<hbm>> -> memref<1024xf32, #tpu.memory_space<hbm>>
      %dma_wait3A_906 = arith.constant 0 : i32
      %dma_wait3A_907 = tpu.memref_slice %arg4[%dma_wait3A_898, %dma_wait3A_899, %dma_wait3A_900, %dma_wait3A_906] : memref<50x8x128x1024xf32, #tpu.memory_space<hbm>> -> memref<1x1x1x1024xf32, #tpu.memory_space<hbm>>
      %dma_wait3A_908 = tpu.memref_squeeze %dma_wait3A_907 : memref<1x1x1x1024xf32, #tpu.memory_space<hbm>> -> memref<1024xf32, #tpu.memory_space<hbm>>
      %dma_wait3A_909 = arith.constant 6144 : i32
      %dma_wait3A_910 = tpu.memref_slice %arg8[%dma_wait3A_909] : memref<8192xf32, #tpu.memory_space<vmem>> -> memref<1024xf32, #tpu.memory_space<vmem>>
      tpu.wait_dma2 semaphore(%arg12 : memref<!tpu.dma_semaphore, #tpu.memory_space<semaphore_mem>>) src(%dma_wait3A_910 : memref<1024xf32, #tpu.memory_space<vmem>>) dst(%dma_wait3A_908 : memref<1024xf32, #tpu.memory_space<hbm>>)
      %dma_wait3A_911 = arith.constant 0 : i32
      %dma_wait3A_912 = arith.constant 7 : i32
      %dma_wait3A_913 = arith.constant 0 : i32
      %dma_wait3A_914 = arith.constant 7168 : i32
      %dma_wait3A_915 = tpu.memref_slice %arg8[%dma_wait3A_914] : memref<8192xf32, #tpu.memory_space<vmem>> -> memref<1024xf32, #tpu.memory_space<vmem>>
      %dma_wait3A_916 = arith.constant 0 : i32
      %dma_wait3A_917 = tpu.memref_slice %arg4[%dma_wait3A_911, %dma_wait3A_912, %dma_wait3A_913, %dma_wait3A_916] : memref<50x8x128x1024xf32, #tpu.memory_space<hbm>> -> memref<1x1x1x1024xf32, #tpu.memory_space<hbm>>
      %dma_wait3A_918 = tpu.memref_squeeze %dma_wait3A_917 : memref<1x1x1x1024xf32, #tpu.memory_space<hbm>> -> memref<1024xf32, #tpu.memory_space<hbm>>
      %dma_wait3A_919 = arith.constant 0 : i32
      %dma_wait3A_920 = tpu.memref_slice %arg4[%dma_wait3A_911, %dma_wait3A_912, %dma_wait3A_913, %dma_wait3A_919] : memref<50x8x128x1024xf32, #tpu.memory_space<hbm>> -> memref<1x1x1x1024xf32, #tpu.memory_space<hbm>>
      %dma_wait3A_921 = tpu.memref_squeeze %dma_wait3A_920 : memref<1x1x1x1024xf32, #tpu.memory_space<hbm>> -> memref<1024xf32, #tpu.memory_space<hbm>>
      %dma_wait3A_922 = arith.constant 7168 : i32
      %dma_wait3A_923 = tpu.memref_slice %arg8[%dma_wait3A_922] : memref<8192xf32, #tpu.memory_space<vmem>> -> memref<1024xf32, #tpu.memory_space<vmem>>
      tpu.wait_dma2 semaphore(%arg12 : memref<!tpu.dma_semaphore, #tpu.memory_space<semaphore_mem>>) src(%dma_wait3A_923 : memref<1024xf32, #tpu.memory_space<vmem>>) dst(%dma_wait3A_921 : memref<1024xf32, #tpu.memory_space<hbm>>)
      %add3A_924 = arith.constant 1 : i32
      %add3A_925 = arith.addi %add3A_818, %add3A_924 : i32
      %mul3A_926 = arith.constant 128 : i32
      %mul3A_927 = arith.muli %add3A_925, %mul3A_926 : i32
      %dma_start3A_928 = tpu.memref_slice %arg5[%mul3A_927] : memref<25600xi32, #tpu.memory_space<vmem>> -> memref<128xi32, #tpu.memory_space<vmem>>
      %dma_start3A_929 = arith.constant 0 : i32
      %dma_start3A_930 = arith.constant 0 : i32
      %dma_start3A_931 = tpu.memref_slice %arg3[%dma_start3A_929, %dma_start3A_930] : memref<1000000x64xf32, #tpu.memory_space<hbm>> -> memref<1000000x64xf32, #tpu.memory_space<hbm>>
      tpu.enqueue_indirect_dma source(%dma_start3A_931 : memref<1000000x64xf32, #tpu.memory_space<hbm>>) target(%arg6 : memref<128x64xf32, #tpu.memory_space<vmem>>) offsets(%dma_start3A_928 : memref<128xi32, #tpu.memory_space<vmem>>) semaphore(%arg10 : memref<!tpu.dma_semaphore, #tpu.memory_space<semaphore_mem>>)
      %dma_wait3A_932 = arith.constant 0 : i32
      %dma_wait3A_933 = tpu.memref_slice %arg5[%dma_wait3A_932] : memref<25600xi32, #tpu.memory_space<vmem>> -> memref<128xi32, #tpu.memory_space<vmem>>
      %dma_wait3A_934 = arith.constant 0 : i32
      %dma_wait3A_935 = arith.constant 0 : i32
      %dma_wait3A_936 = tpu.memref_slice %arg3[%dma_wait3A_934, %dma_wait3A_935] : memref<1000000x64xf32, #tpu.memory_space<hbm>> -> memref<1000000x64xf32, #tpu.memory_space<hbm>>
      tpu.wait_indirect_dma semaphore(%arg11 : memref<!tpu.dma_semaphore, #tpu.memory_space<semaphore_mem>>) src(%dma_wait3A_936 : memref<1000000x64xf32, #tpu.memory_space<hbm>>) dst(%arg7 : memref<128x64xf32, #tpu.memory_space<vmem>>)
      %parallel_loop3A_937 = arith.constant 0 : i32
      %parallel_loop3A_938 = arith.constant 32 : i32
      %parallel_loop3A_939 = arith.constant 1 : i32
      scf.for %parallel_loop3A_1321 = %parallel_loop3A_937 to %parallel_loop3A_938 step %parallel_loop3A_939  : i32 {
        %parallel_loop3A_1322 = arith.constant 7 : i32
        %parallel_loop3A_1323 = arith.andi %parallel_loop3A_1321, %parallel_loop3A_1322 : i32
        %parallel_loop3A_1324 = arith.constant 16 : i32
        %parallel_loop3A_1325 = arith.muli %parallel_loop3A_1323, %parallel_loop3A_1324 : i32
        %parallel_loop3A_1326 = arith.constant 3 : i32
        %parallel_loop3A_1327 = arith.shrui %parallel_loop3A_1321, %parallel_loop3A_1326 : i32
        %parallel_loop3A_1328 = arith.constant 16 : i32
        %parallel_loop3A_1329 = arith.muli %parallel_loop3A_1327, %parallel_loop3A_1328 : i32
        %parallel_loop3A_1330 = arith.constant 64 : i32
        %parallel_loop3A_1331 = arith.muli %parallel_loop3A_1325, %parallel_loop3A_1330 : i32
        %parallel_loop3A_1332 = arith.addi %parallel_loop3A_1331, %parallel_loop3A_1329 : i32
        %parallel_loop3A_1333 = arith.constant 128 : i32
        %parallel_loop3A_1334 = arith.muli %parallel_loop3A_1329, %parallel_loop3A_1333 : i32
        %parallel_loop3A_1335 = arith.addi %parallel_loop3A_1334, %parallel_loop3A_1325 : i32
        %parallel_loop3A_1336 = vector.broadcast %parallel_loop3A_1332 : i32 to vector<16xi32>
        %parallel_loop3A_1337 = arith.addi %parallel_loop3A_1336, %add3A_14 : vector<16xi32>
        %parallel_loop3A_1338 = tpu.vector_load_idx %arg7[%and3A_4, %parallel_loop3A_1337] : memref<128x64xf32, #tpu.memory_space<vmem>>[vector<16xi32>, vector<16xi32>], vector<16xf32>,
        %parallel_loop3A_1339 = vector.broadcast %parallel_loop3A_1335 : i32 to vector<16xi32>
        %parallel_loop3A_1340 = arith.addi %parallel_loop3A_1339, %add3A_174 : vector<16xi32>
        tpu.vector_store_idx %arg9[%parallel_loop3A_1340], %parallel_loop3A_1338 : memref<8192xf32, #tpu.memory_space<vmem>>[vector<16xi32>], vector<16xf32>,
        %parallel_loop3A_1341 = vector.broadcast %parallel_loop3A_1332 : i32 to vector<16xi32>
        %parallel_loop3A_1342 = arith.addi %parallel_loop3A_1341, %add3A_24 : vector<16xi32>
        %parallel_loop3A_1343 = tpu.vector_load_idx %arg7[%and3A_4, %parallel_loop3A_1342] : memref<128x64xf32, #tpu.memory_space<vmem>>[vector<16xi32>, vector<16xi32>], vector<16xf32>,
        %parallel_loop3A_1344 = vector.broadcast %parallel_loop3A_1335 : i32 to vector<16xi32>
        %parallel_loop3A_1345 = arith.addi %parallel_loop3A_1344, %add3A_184 : vector<16xi32>
        tpu.vector_store_idx %arg9[%parallel_loop3A_1345], %parallel_loop3A_1343 : memref<8192xf32, #tpu.memory_space<vmem>>[vector<16xi32>], vector<16xf32>,
        %parallel_loop3A_1346 = vector.broadcast %parallel_loop3A_1332 : i32 to vector<16xi32>
        %parallel_loop3A_1347 = arith.addi %parallel_loop3A_1346, %add3A_34 : vector<16xi32>
        %parallel_loop3A_1348 = tpu.vector_load_idx %arg7[%and3A_4, %parallel_loop3A_1347] : memref<128x64xf32, #tpu.memory_space<vmem>>[vector<16xi32>, vector<16xi32>], vector<16xf32>,
        %parallel_loop3A_1349 = vector.broadcast %parallel_loop3A_1335 : i32 to vector<16xi32>
        %parallel_loop3A_1350 = arith.addi %parallel_loop3A_1349, %add3A_194 : vector<16xi32>
        tpu.vector_store_idx %arg9[%parallel_loop3A_1350], %parallel_loop3A_1348 : memref<8192xf32, #tpu.memory_space<vmem>>[vector<16xi32>], vector<16xf32>,
        %parallel_loop3A_1351 = vector.broadcast %parallel_loop3A_1332 : i32 to vector<16xi32>
        %parallel_loop3A_1352 = arith.addi %parallel_loop3A_1351, %add3A_44 : vector<16xi32>
        %parallel_loop3A_1353 = tpu.vector_load_idx %arg7[%and3A_4, %parallel_loop3A_1352] : memref<128x64xf32, #tpu.memory_space<vmem>>[vector<16xi32>, vector<16xi32>], vector<16xf32>,
        %parallel_loop3A_1354 = vector.broadcast %parallel_loop3A_1335 : i32 to vector<16xi32>
        %parallel_loop3A_1355 = arith.addi %parallel_loop3A_1354, %add3A_204 : vector<16xi32>
        tpu.vector_store_idx %arg9[%parallel_loop3A_1355], %parallel_loop3A_1353 : memref<8192xf32, #tpu.memory_space<vmem>>[vector<16xi32>], vector<16xf32>,
        %parallel_loop3A_1356 = vector.broadcast %parallel_loop3A_1332 : i32 to vector<16xi32>
        %parallel_loop3A_1357 = arith.addi %parallel_loop3A_1356, %add3A_54 : vector<16xi32>
        %parallel_loop3A_1358 = tpu.vector_load_idx %arg7[%and3A_4, %parallel_loop3A_1357] : memref<128x64xf32, #tpu.memory_space<vmem>>[vector<16xi32>, vector<16xi32>], vector<16xf32>,
        %parallel_loop3A_1359 = vector.broadcast %parallel_loop3A_1335 : i32 to vector<16xi32>
        %parallel_loop3A_1360 = arith.addi %parallel_loop3A_1359, %add3A_214 : vector<16xi32>
        tpu.vector_store_idx %arg9[%parallel_loop3A_1360], %parallel_loop3A_1358 : memref<8192xf32, #tpu.memory_space<vmem>>[vector<16xi32>], vector<16xf32>,
        %parallel_loop3A_1361 = vector.broadcast %parallel_loop3A_1332 : i32 to vector<16xi32>
        %parallel_loop3A_1362 = arith.addi %parallel_loop3A_1361, %add3A_64 : vector<16xi32>
        %parallel_loop3A_1363 = tpu.vector_load_idx %arg7[%and3A_4, %parallel_loop3A_1362] : memref<128x64xf32, #tpu.memory_space<vmem>>[vector<16xi32>, vector<16xi32>], vector<16xf32>,
        %parallel_loop3A_1364 = vector.broadcast %parallel_loop3A_1335 : i32 to vector<16xi32>
        %parallel_loop3A_1365 = arith.addi %parallel_loop3A_1364, %add3A_224 : vector<16xi32>
        tpu.vector_store_idx %arg9[%parallel_loop3A_1365], %parallel_loop3A_1363 : memref<8192xf32, #tpu.memory_space<vmem>>[vector<16xi32>], vector<16xf32>,
        %parallel_loop3A_1366 = vector.broadcast %parallel_loop3A_1332 : i32 to vector<16xi32>
        %parallel_loop3A_1367 = arith.addi %parallel_loop3A_1366, %add3A_74 : vector<16xi32>
        %parallel_loop3A_1368 = tpu.vector_load_idx %arg7[%and3A_4, %parallel_loop3A_1367] : memref<128x64xf32, #tpu.memory_space<vmem>>[vector<16xi32>, vector<16xi32>], vector<16xf32>,
        %parallel_loop3A_1369 = vector.broadcast %parallel_loop3A_1335 : i32 to vector<16xi32>
        %parallel_loop3A_1370 = arith.addi %parallel_loop3A_1369, %add3A_234 : vector<16xi32>
        tpu.vector_store_idx %arg9[%parallel_loop3A_1370], %parallel_loop3A_1368 : memref<8192xf32, #tpu.memory_space<vmem>>[vector<16xi32>], vector<16xf32>,
        %parallel_loop3A_1371 = vector.broadcast %parallel_loop3A_1332 : i32 to vector<16xi32>
        %parallel_loop3A_1372 = arith.addi %parallel_loop3A_1371, %add3A_84 : vector<16xi32>
        %parallel_loop3A_1373 = tpu.vector_load_idx %arg7[%and3A_4, %parallel_loop3A_1372] : memref<128x64xf32, #tpu.memory_space<vmem>>[vector<16xi32>, vector<16xi32>], vector<16xf32>,
        %parallel_loop3A_1374 = vector.broadcast %parallel_loop3A_1335 : i32 to vector<16xi32>
        %parallel_loop3A_1375 = arith.addi %parallel_loop3A_1374, %add3A_244 : vector<16xi32>
        tpu.vector_store_idx %arg9[%parallel_loop3A_1375], %parallel_loop3A_1373 : memref<8192xf32, #tpu.memory_space<vmem>>[vector<16xi32>], vector<16xf32>,
        %parallel_loop3A_1376 = vector.broadcast %parallel_loop3A_1332 : i32 to vector<16xi32>
        %parallel_loop3A_1377 = arith.addi %parallel_loop3A_1376, %add3A_94 : vector<16xi32>
        %parallel_loop3A_1378 = tpu.vector_load_idx %arg7[%and3A_4, %parallel_loop3A_1377] : memref<128x64xf32, #tpu.memory_space<vmem>>[vector<16xi32>, vector<16xi32>], vector<16xf32>,
        %parallel_loop3A_1379 = vector.broadcast %parallel_loop3A_1335 : i32 to vector<16xi32>
        %parallel_loop3A_1380 = arith.addi %parallel_loop3A_1379, %add3A_254 : vector<16xi32>
        tpu.vector_store_idx %arg9[%parallel_loop3A_1380], %parallel_loop3A_1378 : memref<8192xf32, #tpu.memory_space<vmem>>[vector<16xi32>], vector<16xf32>,
        %parallel_loop3A_1381 = vector.broadcast %parallel_loop3A_1332 : i32 to vector<16xi32>
        %parallel_loop3A_1382 = arith.addi %parallel_loop3A_1381, %add3A_104 : vector<16xi32>
        %parallel_loop3A_1383 = tpu.vector_load_idx %arg7[%and3A_4, %parallel_loop3A_1382] : memref<128x64xf32, #tpu.memory_space<vmem>>[vector<16xi32>, vector<16xi32>], vector<16xf32>,
        %parallel_loop3A_1384 = vector.broadcast %parallel_loop3A_1335 : i32 to vector<16xi32>
        %parallel_loop3A_1385 = arith.addi %parallel_loop3A_1384, %add3A_264 : vector<16xi32>
        tpu.vector_store_idx %arg9[%parallel_loop3A_1385], %parallel_loop3A_1383 : memref<8192xf32, #tpu.memory_space<vmem>>[vector<16xi32>], vector<16xf32>,
        %parallel_loop3A_1386 = vector.broadcast %parallel_loop3A_1332 : i32 to vector<16xi32>
        %parallel_loop3A_1387 = arith.addi %parallel_loop3A_1386, %add3A_114 : vector<16xi32>
        %parallel_loop3A_1388 = tpu.vector_load_idx %arg7[%and3A_4, %parallel_loop3A_1387] : memref<128x64xf32, #tpu.memory_space<vmem>>[vector<16xi32>, vector<16xi32>], vector<16xf32>,
        %parallel_loop3A_1389 = vector.broadcast %parallel_loop3A_1335 : i32 to vector<16xi32>
        %parallel_loop3A_1390 = arith.addi %parallel_loop3A_1389, %add3A_274 : vector<16xi32>
        tpu.vector_store_idx %arg9[%parallel_loop3A_1390], %parallel_loop3A_1388 : memref<8192xf32, #tpu.memory_space<vmem>>[vector<16xi32>], vector<16xf32>,
        %parallel_loop3A_1391 = vector.broadcast %parallel_loop3A_1332 : i32 to vector<16xi32>
        %parallel_loop3A_1392 = arith.addi %parallel_loop3A_1391, %add3A_124 : vector<16xi32>
        %parallel_loop3A_1393 = tpu.vector_load_idx %arg7[%and3A_4, %parallel_loop3A_1392] : memref<128x64xf32, #tpu.memory_space<vmem>>[vector<16xi32>, vector<16xi32>], vector<16xf32>,
        %parallel_loop3A_1394 = vector.broadcast %parallel_loop3A_1335 : i32 to vector<16xi32>
        %parallel_loop3A_1395 = arith.addi %parallel_loop3A_1394, %add3A_284 : vector<16xi32>
        tpu.vector_store_idx %arg9[%parallel_loop3A_1395], %parallel_loop3A_1393 : memref<8192xf32, #tpu.memory_space<vmem>>[vector<16xi32>], vector<16xf32>,
        %parallel_loop3A_1396 = vector.broadcast %parallel_loop3A_1332 : i32 to vector<16xi32>
        %parallel_loop3A_1397 = arith.addi %parallel_loop3A_1396, %add3A_134 : vector<16xi32>
        %parallel_loop3A_1398 = tpu.vector_load_idx %arg7[%and3A_4, %parallel_loop3A_1397] : memref<128x64xf32, #tpu.memory_space<vmem>>[vector<16xi32>, vector<16xi32>], vector<16xf32>,
        %parallel_loop3A_1399 = vector.broadcast %parallel_loop3A_1335 : i32 to vector<16xi32>
        %parallel_loop3A_1400 = arith.addi %parallel_loop3A_1399, %add3A_294 : vector<16xi32>
        tpu.vector_store_idx %arg9[%parallel_loop3A_1400], %parallel_loop3A_1398 : memref<8192xf32, #tpu.memory_space<vmem>>[vector<16xi32>], vector<16xf32>,
        %parallel_loop3A_1401 = vector.broadcast %parallel_loop3A_1332 : i32 to vector<16xi32>
        %parallel_loop3A_1402 = arith.addi %parallel_loop3A_1401, %add3A_144 : vector<16xi32>
        %parallel_loop3A_1403 = tpu.vector_load_idx %arg7[%and3A_4, %parallel_loop3A_1402] : memref<128x64xf32, #tpu.memory_space<vmem>>[vector<16xi32>, vector<16xi32>], vector<16xf32>,
        %parallel_loop3A_1404 = vector.broadcast %parallel_loop3A_1335 : i32 to vector<16xi32>
        %parallel_loop3A_1405 = arith.addi %parallel_loop3A_1404, %add3A_304 : vector<16xi32>
        tpu.vector_store_idx %arg9[%parallel_loop3A_1405], %parallel_loop3A_1403 : memref<8192xf32, #tpu.memory_space<vmem>>[vector<16xi32>], vector<16xf32>,
        %parallel_loop3A_1406 = vector.broadcast %parallel_loop3A_1332 : i32 to vector<16xi32>
        %parallel_loop3A_1407 = arith.addi %parallel_loop3A_1406, %add3A_154 : vector<16xi32>
        %parallel_loop3A_1408 = tpu.vector_load_idx %arg7[%and3A_4, %parallel_loop3A_1407] : memref<128x64xf32, #tpu.memory_space<vmem>>[vector<16xi32>, vector<16xi32>], vector<16xf32>,
        %parallel_loop3A_1409 = vector.broadcast %parallel_loop3A_1335 : i32 to vector<16xi32>
        %parallel_loop3A_1410 = arith.addi %parallel_loop3A_1409, %add3A_314 : vector<16xi32>
        tpu.vector_store_idx %arg9[%parallel_loop3A_1410], %parallel_loop3A_1408 : memref<8192xf32, #tpu.memory_space<vmem>>[vector<16xi32>], vector<16xf32>,
        %parallel_loop3A_1411 = vector.broadcast %parallel_loop3A_1332 : i32 to vector<16xi32>
        %parallel_loop3A_1412 = arith.addi %parallel_loop3A_1411, %add3A_164 : vector<16xi32>
        %parallel_loop3A_1413 = tpu.vector_load_idx %arg7[%and3A_4, %parallel_loop3A_1412] : memref<128x64xf32, #tpu.memory_space<vmem>>[vector<16xi32>, vector<16xi32>], vector<16xf32>,
        %parallel_loop3A_1414 = vector.broadcast %parallel_loop3A_1335 : i32 to vector<16xi32>
        %parallel_loop3A_1415 = arith.addi %parallel_loop3A_1414, %add3A_324 : vector<16xi32>
        tpu.vector_store_idx %arg9[%parallel_loop3A_1415], %parallel_loop3A_1413 : memref<8192xf32, #tpu.memory_space<vmem>>[vector<16xi32>], vector<16xf32>,
      } {sc.loop_unroll_factor = 2 : i64, sc.parallel_access}
      %jit3A_940 = arith.constant 128 : i32
      %div3A_941 = arith.divsi %add3A_819, %jit3A_940 : i32
      %sign3A_942 = arith.constant 0 : i32
      %sign3A_943 = arith.cmpi sgt, %add3A_819, %sign3A_942 : i32
      %sign3A_944 = arith.extui %sign3A_943 : i1 to i32
      %sign3A_945 = arith.constant 0 : i32
      %sign3A_946 = arith.cmpi slt, %add3A_819, %sign3A_945 : i32
      %sign3A_947 = arith.extui %sign3A_946 : i1 to i32
      %sign3A_948 = arith.subi %sign3A_944, %sign3A_947 : i32
      %sign3A_949 = arith.constant 0 : i32
      %sign3A_950 = arith.cmpi sgt, %jit3A_940, %sign3A_949 : i32
      %sign3A_951 = arith.extui %sign3A_950 : i1 to i32
      %sign3A_952 = arith.constant 0 : i32
      %sign3A_953 = arith.cmpi slt, %jit3A_940, %sign3A_952 : i32
      %sign3A_954 = arith.extui %sign3A_953 : i1 to i32
      %sign3A_955 = arith.subi %sign3A_951, %sign3A_954 : i32
      %ne3A_956 = arith.cmpi ne, %sign3A_948, %sign3A_955 : i32
      %rem3A_957 = arith.remsi %add3A_819, %jit3A_940 : i32
      %ne3A_958 = arith.constant 0 : i32
      %ne3A_959 = arith.cmpi ne, %rem3A_957, %ne3A_958 : i32
      %and3A_960 = arith.andi %ne3A_956, %ne3A_959 : i1
      %sub3A_961 = arith.constant 1 : i32
      %sub3A_962 = arith.subi %div3A_941, %sub3A_961 : i32
      %select_n3A_963 = arith.select %and3A_960, %sub3A_962, %div3A_941 : i32
      %jit3A_964 = arith.constant 128 : i32
      %eq3A_965 = arith.constant 0 : i32
      %eq3A_966 = arith.cmpi eq, %jit3A_964, %eq3A_965 : i32
      %jit3A_967 = arith.constant 1 : i32
      %select_n3A_968 = arith.select %eq3A_966, %jit3A_967, %jit3A_964 : i32
      %rem3A_969 = arith.remsi %add3A_819, %select_n3A_968 : i32
      %ne3A_970 = arith.constant 0 : i32
      %ne3A_971 = arith.cmpi ne, %rem3A_969, %ne3A_970 : i32
      %lt3A_972 = arith.constant 0 : i32
      %lt3A_973 = arith.cmpi slt, %rem3A_969, %lt3A_972 : i32
      %lt3A_974 = arith.constant 0 : i32
      %lt3A_975 = arith.cmpi slt, %select_n3A_968, %lt3A_974 : i32
      %ne3A_976 = arith.xori %lt3A_973, %lt3A_975 : i1
      %and3A_977 = arith.andi %ne3A_976, %ne3A_971 : i1
      %add3A_978 = arith.addi %rem3A_969, %select_n3A_968 : i32
      %select_n3A_979 = arith.select %and3A_977, %add3A_978, %rem3A_969 : i32
      %dma_start3A_980 = arith.constant 0 : i32
      %dma_start3A_981 = arith.constant 0 : i32
      %dma_start3A_982 = tpu.memref_slice %arg9[%dma_start3A_981] : memref<8192xf32, #tpu.memory_space<vmem>> -> memref<1024xf32, #tpu.memory_space<vmem>>
      %dma_start3A_983 = arith.constant 0 : i32
      %dma_start3A_984 = tpu.memref_slice %arg4[%select_n3A_963, %dma_start3A_980, %select_n3A_979, %dma_start3A_983] : memref<50x8x128x1024xf32, #tpu.memory_space<hbm>> -> memref<1x1x1x1024xf32, #tpu.memory_space<hbm>>
      %dma_start3A_985 = tpu.memref_squeeze %dma_start3A_984 : memref<1x1x1x1024xf32, #tpu.memory_space<hbm>> -> memref<1024xf32, #tpu.memory_space<hbm>>
      %dma_start3A_986 = arith.constant 0 : i32
      %dma_start3A_987 = tpu.memref_slice %arg4[%select_n3A_963, %dma_start3A_980, %select_n3A_979, %dma_start3A_986] : memref<50x8x128x1024xf32, #tpu.memory_space<hbm>> -> memref<1x1x1x1024xf32, #tpu.memory_space<hbm>>
      %dma_start3A_988 = tpu.memref_squeeze %dma_start3A_987 : memref<1x1x1x1024xf32, #tpu.memory_space<hbm>> -> memref<1024xf32, #tpu.memory_space<hbm>>
      %dma_start3A_989 = arith.constant 0 : i32
      %dma_start3A_990 = tpu.memref_slice %arg9[%dma_start3A_989] : memref<8192xf32, #tpu.memory_space<vmem>> -> memref<1024xf32, #tpu.memory_space<vmem>>
      tpu.enqueue_dma source(%dma_start3A_990 : memref<1024xf32, #tpu.memory_space<vmem>>) target(%dma_start3A_988 : memref<1024xf32, #tpu.memory_space<hbm>>) target_semaphore(%arg13 : memref<!tpu.dma_semaphore, #tpu.memory_space<semaphore_mem>>)
      %dma_start3A_991 = arith.constant 1 : i32
      %dma_start3A_992 = arith.constant 1024 : i32
      %dma_start3A_993 = tpu.memref_slice %arg9[%dma_start3A_992] : memref<8192xf32, #tpu.memory_space<vmem>> -> memref<1024xf32, #tpu.memory_space<vmem>>
      %dma_start3A_994 = arith.constant 0 : i32
      %dma_start3A_995 = tpu.memref_slice %arg4[%select_n3A_963, %dma_start3A_991, %select_n3A_979, %dma_start3A_994] : memref<50x8x128x1024xf32, #tpu.memory_space<hbm>> -> memref<1x1x1x1024xf32, #tpu.memory_space<hbm>>
      %dma_start3A_996 = tpu.memref_squeeze %dma_start3A_995 : memref<1x1x1x1024xf32, #tpu.memory_space<hbm>> -> memref<1024xf32, #tpu.memory_space<hbm>>
      %dma_start3A_997 = arith.constant 0 : i32
      %dma_start3A_998 = tpu.memref_slice %arg4[%select_n3A_963, %dma_start3A_991, %select_n3A_979, %dma_start3A_997] : memref<50x8x128x1024xf32, #tpu.memory_space<hbm>> -> memref<1x1x1x1024xf32, #tpu.memory_space<hbm>>
      %dma_start3A_999 = tpu.memref_squeeze %dma_start3A_998 : memref<1x1x1x1024xf32, #tpu.memory_space<hbm>> -> memref<1024xf32, #tpu.memory_space<hbm>>
      %dma_start3A_1000 = arith.constant 1024 : i32
      %dma_start3A_1001 = tpu.memref_slice %arg9[%dma_start3A_1000] : memref<8192xf32, #tpu.memory_space<vmem>> -> memref<1024xf32, #tpu.memory_space<vmem>>
      tpu.enqueue_dma source(%dma_start3A_1001 : memref<1024xf32, #tpu.memory_space<vmem>>) target(%dma_start3A_999 : memref<1024xf32, #tpu.memory_space<hbm>>) target_semaphore(%arg13 : memref<!tpu.dma_semaphore, #tpu.memory_space<semaphore_mem>>)
      %dma_start3A_1002 = arith.constant 2 : i32
      %dma_start3A_1003 = arith.constant 2048 : i32
      %dma_start3A_1004 = tpu.memref_slice %arg9[%dma_start3A_1003] : memref<8192xf32, #tpu.memory_space<vmem>> -> memref<1024xf32, #tpu.memory_space<vmem>>
      %dma_start3A_1005 = arith.constant 0 : i32
      %dma_start3A_1006 = tpu.memref_slice %arg4[%select_n3A_963, %dma_start3A_1002, %select_n3A_979, %dma_start3A_1005] : memref<50x8x128x1024xf32, #tpu.memory_space<hbm>> -> memref<1x1x1x1024xf32, #tpu.memory_space<hbm>>
      %dma_start3A_1007 = tpu.memref_squeeze %dma_start3A_1006 : memref<1x1x1x1024xf32, #tpu.memory_space<hbm>> -> memref<1024xf32, #tpu.memory_space<hbm>>
      %dma_start3A_1008 = arith.constant 0 : i32
      %dma_start3A_1009 = tpu.memref_slice %arg4[%select_n3A_963, %dma_start3A_1002, %select_n3A_979, %dma_start3A_1008] : memref<50x8x128x1024xf32, #tpu.memory_space<hbm>> -> memref<1x1x1x1024xf32, #tpu.memory_space<hbm>>
      %dma_start3A_1010 = tpu.memref_squeeze %dma_start3A_1009 : memref<1x1x1x1024xf32, #tpu.memory_space<hbm>> -> memref<1024xf32, #tpu.memory_space<hbm>>
      %dma_start3A_1011 = arith.constant 2048 : i32
      %dma_start3A_1012 = tpu.memref_slice %arg9[%dma_start3A_1011] : memref<8192xf32, #tpu.memory_space<vmem>> -> memref<1024xf32, #tpu.memory_space<vmem>>
      tpu.enqueue_dma source(%dma_start3A_1012 : memref<1024xf32, #tpu.memory_space<vmem>>) target(%dma_start3A_1010 : memref<1024xf32, #tpu.memory_space<hbm>>) target_semaphore(%arg13 : memref<!tpu.dma_semaphore, #tpu.memory_space<semaphore_mem>>)
      %dma_start3A_1013 = arith.constant 3 : i32
      %dma_start3A_1014 = arith.constant 3072 : i32
      %dma_start3A_1015 = tpu.memref_slice %arg9[%dma_start3A_1014] : memref<8192xf32, #tpu.memory_space<vmem>> -> memref<1024xf32, #tpu.memory_space<vmem>>
      %dma_start3A_1016 = arith.constant 0 : i32
      %dma_start3A_1017 = tpu.memref_slice %arg4[%select_n3A_963, %dma_start3A_1013, %select_n3A_979, %dma_start3A_1016] : memref<50x8x128x1024xf32, #tpu.memory_space<hbm>> -> memref<1x1x1x1024xf32, #tpu.memory_space<hbm>>
      %dma_start3A_1018 = tpu.memref_squeeze %dma_start3A_1017 : memref<1x1x1x1024xf32, #tpu.memory_space<hbm>> -> memref<1024xf32, #tpu.memory_space<hbm>>
      %dma_start3A_1019 = arith.constant 0 : i32
      %dma_start3A_1020 = tpu.memref_slice %arg4[%select_n3A_963, %dma_start3A_1013, %select_n3A_979, %dma_start3A_1019] : memref<50x8x128x1024xf32, #tpu.memory_space<hbm>> -> memref<1x1x1x1024xf32, #tpu.memory_space<hbm>>
      %dma_start3A_1021 = tpu.memref_squeeze %dma_start3A_1020 : memref<1x1x1x1024xf32, #tpu.memory_space<hbm>> -> memref<1024xf32, #tpu.memory_space<hbm>>
      %dma_start3A_1022 = arith.constant 3072 : i32
      %dma_start3A_1023 = tpu.memref_slice %arg9[%dma_start3A_1022] : memref<8192xf32, #tpu.memory_space<vmem>> -> memref<1024xf32, #tpu.memory_space<vmem>>
      tpu.enqueue_dma source(%dma_start3A_1023 : memref<1024xf32, #tpu.memory_space<vmem>>) target(%dma_start3A_1021 : memref<1024xf32, #tpu.memory_space<hbm>>) target_semaphore(%arg13 : memref<!tpu.dma_semaphore, #tpu.memory_space<semaphore_mem>>)
      %dma_start3A_1024 = arith.constant 4 : i32
      %dma_start3A_1025 = arith.constant 4096 : i32
      %dma_start3A_1026 = tpu.memref_slice %arg9[%dma_start3A_1025] : memref<8192xf32, #tpu.memory_space<vmem>> -> memref<1024xf32, #tpu.memory_space<vmem>>
      %dma_start3A_1027 = arith.constant 0 : i32
      %dma_start3A_1028 = tpu.memref_slice %arg4[%select_n3A_963, %dma_start3A_1024, %select_n3A_979, %dma_start3A_1027] : memref<50x8x128x1024xf32, #tpu.memory_space<hbm>> -> memref<1x1x1x1024xf32, #tpu.memory_space<hbm>>
      %dma_start3A_1029 = tpu.memref_squeeze %dma_start3A_1028 : memref<1x1x1x1024xf32, #tpu.memory_space<hbm>> -> memref<1024xf32, #tpu.memory_space<hbm>>
      %dma_start3A_1030 = arith.constant 0 : i32
      %dma_start3A_1031 = tpu.memref_slice %arg4[%select_n3A_963, %dma_start3A_1024, %select_n3A_979, %dma_start3A_1030] : memref<50x8x128x1024xf32, #tpu.memory_space<hbm>> -> memref<1x1x1x1024xf32, #tpu.memory_space<hbm>>
      %dma_start3A_1032 = tpu.memref_squeeze %dma_start3A_1031 : memref<1x1x1x1024xf32, #tpu.memory_space<hbm>> -> memref<1024xf32, #tpu.memory_space<hbm>>
      %dma_start3A_1033 = arith.constant 4096 : i32
      %dma_start3A_1034 = tpu.memref_slice %arg9[%dma_start3A_1033] : memref<8192xf32, #tpu.memory_space<vmem>> -> memref<1024xf32, #tpu.memory_space<vmem>>
      tpu.enqueue_dma source(%dma_start3A_1034 : memref<1024xf32, #tpu.memory_space<vmem>>) target(%dma_start3A_1032 : memref<1024xf32, #tpu.memory_space<hbm>>) target_semaphore(%arg13 : memref<!tpu.dma_semaphore, #tpu.memory_space<semaphore_mem>>)
      %dma_start3A_1035 = arith.constant 5 : i32
      %dma_start3A_1036 = arith.constant 5120 : i32
      %dma_start3A_1037 = tpu.memref_slice %arg9[%dma_start3A_1036] : memref<8192xf32, #tpu.memory_space<vmem>> -> memref<1024xf32, #tpu.memory_space<vmem>>
      %dma_start3A_1038 = arith.constant 0 : i32
      %dma_start3A_1039 = tpu.memref_slice %arg4[%select_n3A_963, %dma_start3A_1035, %select_n3A_979, %dma_start3A_1038] : memref<50x8x128x1024xf32, #tpu.memory_space<hbm>> -> memref<1x1x1x1024xf32, #tpu.memory_space<hbm>>
      %dma_start3A_1040 = tpu.memref_squeeze %dma_start3A_1039 : memref<1x1x1x1024xf32, #tpu.memory_space<hbm>> -> memref<1024xf32, #tpu.memory_space<hbm>>
      %dma_start3A_1041 = arith.constant 0 : i32
      %dma_start3A_1042 = tpu.memref_slice %arg4[%select_n3A_963, %dma_start3A_1035, %select_n3A_979, %dma_start3A_1041] : memref<50x8x128x1024xf32, #tpu.memory_space<hbm>> -> memref<1x1x1x1024xf32, #tpu.memory_space<hbm>>
      %dma_start3A_1043 = tpu.memref_squeeze %dma_start3A_1042 : memref<1x1x1x1024xf32, #tpu.memory_space<hbm>> -> memref<1024xf32, #tpu.memory_space<hbm>>
      %dma_start3A_1044 = arith.constant 5120 : i32
      %dma_start3A_1045 = tpu.memref_slice %arg9[%dma_start3A_1044] : memref<8192xf32, #tpu.memory_space<vmem>> -> memref<1024xf32, #tpu.memory_space<vmem>>
      tpu.enqueue_dma source(%dma_start3A_1045 : memref<1024xf32, #tpu.memory_space<vmem>>) target(%dma_start3A_1043 : memref<1024xf32, #tpu.memory_space<hbm>>) target_semaphore(%arg13 : memref<!tpu.dma_semaphore, #tpu.memory_space<semaphore_mem>>)
      %dma_start3A_1046 = arith.constant 6 : i32
      %dma_start3A_1047 = arith.constant 6144 : i32
      %dma_start3A_1048 = tpu.memref_slice %arg9[%dma_start3A_1047] : memref<8192xf32, #tpu.memory_space<vmem>> -> memref<1024xf32, #tpu.memory_space<vmem>>
      %dma_start3A_1049 = arith.constant 0 : i32
      %dma_start3A_1050 = tpu.memref_slice %arg4[%select_n3A_963, %dma_start3A_1046, %select_n3A_979, %dma_start3A_1049] : memref<50x8x128x1024xf32, #tpu.memory_space<hbm>> -> memref<1x1x1x1024xf32, #tpu.memory_space<hbm>>
      %dma_start3A_1051 = tpu.memref_squeeze %dma_start3A_1050 : memref<1x1x1x1024xf32, #tpu.memory_space<hbm>> -> memref<1024xf32, #tpu.memory_space<hbm>>
      %dma_start3A_1052 = arith.constant 0 : i32
      %dma_start3A_1053 = tpu.memref_slice %arg4[%select_n3A_963, %dma_start3A_1046, %select_n3A_979, %dma_start3A_1052] : memref<50x8x128x1024xf32, #tpu.memory_space<hbm>> -> memref<1x1x1x1024xf32, #tpu.memory_space<hbm>>
      %dma_start3A_1054 = tpu.memref_squeeze %dma_start3A_1053 : memref<1x1x1x1024xf32, #tpu.memory_space<hbm>> -> memref<1024xf32, #tpu.memory_space<hbm>>
      %dma_start3A_1055 = arith.constant 6144 : i32
      %dma_start3A_1056 = tpu.memref_slice %arg9[%dma_start3A_1055] : memref<8192xf32, #tpu.memory_space<vmem>> -> memref<1024xf32, #tpu.memory_space<vmem>>
      tpu.enqueue_dma source(%dma_start3A_1056 : memref<1024xf32, #tpu.memory_space<vmem>>) target(%dma_start3A_1054 : memref<1024xf32, #tpu.memory_space<hbm>>) target_semaphore(%arg13 : memref<!tpu.dma_semaphore, #tpu.memory_space<semaphore_mem>>)
      %dma_start3A_1057 = arith.constant 7 : i32
      %dma_start3A_1058 = arith.constant 7168 : i32
      %dma_start3A_1059 = tpu.memref_slice %arg9[%dma_start3A_1058] : memref<8192xf32, #tpu.memory_space<vmem>> -> memref<1024xf32, #tpu.memory_space<vmem>>
      %dma_start3A_1060 = arith.constant 0 : i32
      %dma_start3A_1061 = tpu.memref_slice %arg4[%select_n3A_963, %dma_start3A_1057, %select_n3A_979, %dma_start3A_1060] : memref<50x8x128x1024xf32, #tpu.memory_space<hbm>> -> memref<1x1x1x1024xf32, #tpu.memory_space<hbm>>
      %dma_start3A_1062 = tpu.memref_squeeze %dma_start3A_1061 : memref<1x1x1x1024xf32, #tpu.memory_space<hbm>> -> memref<1024xf32, #tpu.memory_space<hbm>>
      %dma_start3A_1063 = arith.constant 0 : i32
      %dma_start3A_1064 = tpu.memref_slice %arg4[%select_n3A_963, %dma_start3A_1057, %select_n3A_979, %dma_start3A_1063] : memref<50x8x128x1024xf32, #tpu.memory_space<hbm>> -> memref<1x1x1x1024xf32, #tpu.memory_space<hbm>>
      %dma_start3A_1065 = tpu.memref_squeeze %dma_start3A_1064 : memref<1x1x1x1024xf32, #tpu.memory_space<hbm>> -> memref<1024xf32, #tpu.memory_space<hbm>>
      %dma_start3A_1066 = arith.constant 7168 : i32
      %dma_start3A_1067 = tpu.memref_slice %arg9[%dma_start3A_1066] : memref<8192xf32, #tpu.memory_space<vmem>> -> memref<1024xf32, #tpu.memory_space<vmem>>
      tpu.enqueue_dma source(%dma_start3A_1067 : memref<1024xf32, #tpu.memory_space<vmem>>) target(%dma_start3A_1065 : memref<1024xf32, #tpu.memory_space<hbm>>) target_semaphore(%arg13 : memref<!tpu.dma_semaphore, #tpu.memory_space<semaphore_mem>>)
      %mul3A_1068 = arith.constant 2 : i32
      %mul3A_1069 = arith.muli %mul3A_1068, %scan3A_814 : i32
      %add3A_1070 = arith.constant 2 : i32
      %add3A_1071 = arith.addi %mul3A_1069, %add3A_1070 : i32
      %add3A_1072 = arith.addi %mul3A_2, %add3A_1071 : i32
      %dma_wait3A_1073 = arith.constant 0 : i32
      %dma_wait3A_1074 = arith.constant 0 : i32
      %dma_wait3A_1075 = arith.constant 0 : i32
      %dma_wait3A_1076 = arith.constant 0 : i32
      %dma_wait3A_1077 = tpu.memref_slice %arg9[%dma_wait3A_1076] : memref<8192xf32, #tpu.memory_space<vmem>> -> memref<1024xf32, #tpu.memory_space<vmem>>
      %dma_wait3A_1078 = arith.constant 0 : i32
      %dma_wait3A_1079 = tpu.memref_slice %arg4[%dma_wait3A_1073, %dma_wait3A_1074, %dma_wait3A_1075, %dma_wait3A_1078] : memref<50x8x128x1024xf32, #tpu.memory_space<hbm>> -> memref<1x1x1x1024xf32, #tpu.memory_space<hbm>>
      %dma_wait3A_1080 = tpu.memref_squeeze %dma_wait3A_1079 : memref<1x1x1x1024xf32, #tpu.memory_space<hbm>> -> memref<1024xf32, #tpu.memory_space<hbm>>
      %dma_wait3A_1081 = arith.constant 0 : i32
      %dma_wait3A_1082 = tpu.memref_slice %arg4[%dma_wait3A_1073, %dma_wait3A_1074, %dma_wait3A_1075, %dma_wait3A_1081] : memref<50x8x128x1024xf32, #tpu.memory_space<hbm>> -> memref<1x1x1x1024xf32, #tpu.memory_space<hbm>>
      %dma_wait3A_1083 = tpu.memref_squeeze %dma_wait3A_1082 : memref<1x1x1x1024xf32, #tpu.memory_space<hbm>> -> memref<1024xf32, #tpu.memory_space<hbm>>
      %dma_wait3A_1084 = arith.constant 0 : i32
      %dma_wait3A_1085 = tpu.memref_slice %arg9[%dma_wait3A_1084] : memref<8192xf32, #tpu.memory_space<vmem>> -> memref<1024xf32, #tpu.memory_space<vmem>>
      tpu.wait_dma2 semaphore(%arg13 : memref<!tpu.dma_semaphore, #tpu.memory_space<semaphore_mem>>) src(%dma_wait3A_1085 : memref<1024xf32, #tpu.memory_space<vmem>>) dst(%dma_wait3A_1083 : memref<1024xf32, #tpu.memory_space<hbm>>)
      %dma_wait3A_1086 = arith.constant 0 : i32
      %dma_wait3A_1087 = arith.constant 1 : i32
      %dma_wait3A_1088 = arith.constant 0 : i32
      %dma_wait3A_1089 = arith.constant 1024 : i32
      %dma_wait3A_1090 = tpu.memref_slice %arg9[%dma_wait3A_1089] : memref<8192xf32, #tpu.memory_space<vmem>> -> memref<1024xf32, #tpu.memory_space<vmem>>
      %dma_wait3A_1091 = arith.constant 0 : i32
      %dma_wait3A_1092 = tpu.memref_slice %arg4[%dma_wait3A_1086, %dma_wait3A_1087, %dma_wait3A_1088, %dma_wait3A_1091] : memref<50x8x128x1024xf32, #tpu.memory_space<hbm>> -> memref<1x1x1x1024xf32, #tpu.memory_space<hbm>>
      %dma_wait3A_1093 = tpu.memref_squeeze %dma_wait3A_1092 : memref<1x1x1x1024xf32, #tpu.memory_space<hbm>> -> memref<1024xf32, #tpu.memory_space<hbm>>
      %dma_wait3A_1094 = arith.constant 0 : i32
      %dma_wait3A_1095 = tpu.memref_slice %arg4[%dma_wait3A_1086, %dma_wait3A_1087, %dma_wait3A_1088, %dma_wait3A_1094] : memref<50x8x128x1024xf32, #tpu.memory_space<hbm>> -> memref<1x1x1x1024xf32, #tpu.memory_space<hbm>>
      %dma_wait3A_1096 = tpu.memref_squeeze %dma_wait3A_1095 : memref<1x1x1x1024xf32, #tpu.memory_space<hbm>> -> memref<1024xf32, #tpu.memory_space<hbm>>
      %dma_wait3A_1097 = arith.constant 1024 : i32
      %dma_wait3A_1098 = tpu.memref_slice %arg9[%dma_wait3A_1097] : memref<8192xf32, #tpu.memory_space<vmem>> -> memref<1024xf32, #tpu.memory_space<vmem>>
      tpu.wait_dma2 semaphore(%arg13 : memref<!tpu.dma_semaphore, #tpu.memory_space<semaphore_mem>>) src(%dma_wait3A_1098 : memref<1024xf32, #tpu.memory_space<vmem>>) dst(%dma_wait3A_1096 : memref<1024xf32, #tpu.memory_space<hbm>>)
      %dma_wait3A_1099 = arith.constant 0 : i32
      %dma_wait3A_1100 = arith.constant 2 : i32
      %dma_wait3A_1101 = arith.constant 0 : i32
      %dma_wait3A_1102 = arith.constant 2048 : i32
      %dma_wait3A_1103 = tpu.memref_slice %arg9[%dma_wait3A_1102] : memref<8192xf32, #tpu.memory_space<vmem>> -> memref<1024xf32, #tpu.memory_space<vmem>>
      %dma_wait3A_1104 = arith.constant 0 : i32
      %dma_wait3A_1105 = tpu.memref_slice %arg4[%dma_wait3A_1099, %dma_wait3A_1100, %dma_wait3A_1101, %dma_wait3A_1104] : memref<50x8x128x1024xf32, #tpu.memory_space<hbm>> -> memref<1x1x1x1024xf32, #tpu.memory_space<hbm>>
      %dma_wait3A_1106 = tpu.memref_squeeze %dma_wait3A_1105 : memref<1x1x1x1024xf32, #tpu.memory_space<hbm>> -> memref<1024xf32, #tpu.memory_space<hbm>>
      %dma_wait3A_1107 = arith.constant 0 : i32
      %dma_wait3A_1108 = tpu.memref_slice %arg4[%dma_wait3A_1099, %dma_wait3A_1100, %dma_wait3A_1101, %dma_wait3A_1107] : memref<50x8x128x1024xf32, #tpu.memory_space<hbm>> -> memref<1x1x1x1024xf32, #tpu.memory_space<hbm>>
      %dma_wait3A_1109 = tpu.memref_squeeze %dma_wait3A_1108 : memref<1x1x1x1024xf32, #tpu.memory_space<hbm>> -> memref<1024xf32, #tpu.memory_space<hbm>>
      %dma_wait3A_1110 = arith.constant 2048 : i32
      %dma_wait3A_1111 = tpu.memref_slice %arg9[%dma_wait3A_1110] : memref<8192xf32, #tpu.memory_space<vmem>> -> memref<1024xf32, #tpu.memory_space<vmem>>
      tpu.wait_dma2 semaphore(%arg13 : memref<!tpu.dma_semaphore, #tpu.memory_space<semaphore_mem>>) src(%dma_wait3A_1111 : memref<1024xf32, #tpu.memory_space<vmem>>) dst(%dma_wait3A_1109 : memref<1024xf32, #tpu.memory_space<hbm>>)
      %dma_wait3A_1112 = arith.constant 0 : i32
      %dma_wait3A_1113 = arith.constant 3 : i32
      %dma_wait3A_1114 = arith.constant 0 : i32
      %dma_wait3A_1115 = arith.constant 3072 : i32
      %dma_wait3A_1116 = tpu.memref_slice %arg9[%dma_wait3A_1115] : memref<8192xf32, #tpu.memory_space<vmem>> -> memref<1024xf32, #tpu.memory_space<vmem>>
      %dma_wait3A_1117 = arith.constant 0 : i32
      %dma_wait3A_1118 = tpu.memref_slice %arg4[%dma_wait3A_1112, %dma_wait3A_1113, %dma_wait3A_1114, %dma_wait3A_1117] : memref<50x8x128x1024xf32, #tpu.memory_space<hbm>> -> memref<1x1x1x1024xf32, #tpu.memory_space<hbm>>
      %dma_wait3A_1119 = tpu.memref_squeeze %dma_wait3A_1118 : memref<1x1x1x1024xf32, #tpu.memory_space<hbm>> -> memref<1024xf32, #tpu.memory_space<hbm>>
      %dma_wait3A_1120 = arith.constant 0 : i32
      %dma_wait3A_1121 = tpu.memref_slice %arg4[%dma_wait3A_1112, %dma_wait3A_1113, %dma_wait3A_1114, %dma_wait3A_1120] : memref<50x8x128x1024xf32, #tpu.memory_space<hbm>> -> memref<1x1x1x1024xf32, #tpu.memory_space<hbm>>
      %dma_wait3A_1122 = tpu.memref_squeeze %dma_wait3A_1121 : memref<1x1x1x1024xf32, #tpu.memory_space<hbm>> -> memref<1024xf32, #tpu.memory_space<hbm>>
      %dma_wait3A_1123 = arith.constant 3072 : i32
      %dma_wait3A_1124 = tpu.memref_slice %arg9[%dma_wait3A_1123] : memref<8192xf32, #tpu.memory_space<vmem>> -> memref<1024xf32, #tpu.memory_space<vmem>>
      tpu.wait_dma2 semaphore(%arg13 : memref<!tpu.dma_semaphore, #tpu.memory_space<semaphore_mem>>) src(%dma_wait3A_1124 : memref<1024xf32, #tpu.memory_space<vmem>>) dst(%dma_wait3A_1122 : memref<1024xf32, #tpu.memory_space<hbm>>)
      %dma_wait3A_1125 = arith.constant 0 : i32
      %dma_wait3A_1126 = arith.constant 4 : i32
      %dma_wait3A_1127 = arith.constant 0 : i32
      %dma_wait3A_1128 = arith.constant 4096 : i32
      %dma_wait3A_1129 = tpu.memref_slice %arg9[%dma_wait3A_1128] : memref<8192xf32, #tpu.memory_space<vmem>> -> memref<1024xf32, #tpu.memory_space<vmem>>
      %dma_wait3A_1130 = arith.constant 0 : i32
      %dma_wait3A_1131 = tpu.memref_slice %arg4[%dma_wait3A_1125, %dma_wait3A_1126, %dma_wait3A_1127, %dma_wait3A_1130] : memref<50x8x128x1024xf32, #tpu.memory_space<hbm>> -> memref<1x1x1x1024xf32, #tpu.memory_space<hbm>>
      %dma_wait3A_1132 = tpu.memref_squeeze %dma_wait3A_1131 : memref<1x1x1x1024xf32, #tpu.memory_space<hbm>> -> memref<1024xf32, #tpu.memory_space<hbm>>
      %dma_wait3A_1133 = arith.constant 0 : i32
      %dma_wait3A_1134 = tpu.memref_slice %arg4[%dma_wait3A_1125, %dma_wait3A_1126, %dma_wait3A_1127, %dma_wait3A_1133] : memref<50x8x128x1024xf32, #tpu.memory_space<hbm>> -> memref<1x1x1x1024xf32, #tpu.memory_space<hbm>>
      %dma_wait3A_1135 = tpu.memref_squeeze %dma_wait3A_1134 : memref<1x1x1x1024xf32, #tpu.memory_space<hbm>> -> memref<1024xf32, #tpu.memory_space<hbm>>
      %dma_wait3A_1136 = arith.constant 4096 : i32
      %dma_wait3A_1137 = tpu.memref_slice %arg9[%dma_wait3A_1136] : memref<8192xf32, #tpu.memory_space<vmem>> -> memref<1024xf32, #tpu.memory_space<vmem>>
      tpu.wait_dma2 semaphore(%arg13 : memref<!tpu.dma_semaphore, #tpu.memory_space<semaphore_mem>>) src(%dma_wait3A_1137 : memref<1024xf32, #tpu.memory_space<vmem>>) dst(%dma_wait3A_1135 : memref<1024xf32, #tpu.memory_space<hbm>>)
      %dma_wait3A_1138 = arith.constant 0 : i32
      %dma_wait3A_1139 = arith.constant 5 : i32
      %dma_wait3A_1140 = arith.constant 0 : i32
      %dma_wait3A_1141 = arith.constant 5120 : i32
      %dma_wait3A_1142 = tpu.memref_slice %arg9[%dma_wait3A_1141] : memref<8192xf32, #tpu.memory_space<vmem>> -> memref<1024xf32, #tpu.memory_space<vmem>>
      %dma_wait3A_1143 = arith.constant 0 : i32
      %dma_wait3A_1144 = tpu.memref_slice %arg4[%dma_wait3A_1138, %dma_wait3A_1139, %dma_wait3A_1140, %dma_wait3A_1143] : memref<50x8x128x1024xf32, #tpu.memory_space<hbm>> -> memref<1x1x1x1024xf32, #tpu.memory_space<hbm>>
      %dma_wait3A_1145 = tpu.memref_squeeze %dma_wait3A_1144 : memref<1x1x1x1024xf32, #tpu.memory_space<hbm>> -> memref<1024xf32, #tpu.memory_space<hbm>>
      %dma_wait3A_1146 = arith.constant 0 : i32
      %dma_wait3A_1147 = tpu.memref_slice %arg4[%dma_wait3A_1138, %dma_wait3A_1139, %dma_wait3A_1140, %dma_wait3A_1146] : memref<50x8x128x1024xf32, #tpu.memory_space<hbm>> -> memref<1x1x1x1024xf32, #tpu.memory_space<hbm>>
      %dma_wait3A_1148 = tpu.memref_squeeze %dma_wait3A_1147 : memref<1x1x1x1024xf32, #tpu.memory_space<hbm>> -> memref<1024xf32, #tpu.memory_space<hbm>>
      %dma_wait3A_1149 = arith.constant 5120 : i32
      %dma_wait3A_1150 = tpu.memref_slice %arg9[%dma_wait3A_1149] : memref<8192xf32, #tpu.memory_space<vmem>> -> memref<1024xf32, #tpu.memory_space<vmem>>
      tpu.wait_dma2 semaphore(%arg13 : memref<!tpu.dma_semaphore, #tpu.memory_space<semaphore_mem>>) src(%dma_wait3A_1150 : memref<1024xf32, #tpu.memory_space<vmem>>) dst(%dma_wait3A_1148 : memref<1024xf32, #tpu.memory_space<hbm>>)
      %dma_wait3A_1151 = arith.constant 0 : i32
      %dma_wait3A_1152 = arith.constant 6 : i32
      %dma_wait3A_1153 = arith.constant 0 : i32
      %dma_wait3A_1154 = arith.constant 6144 : i32
      %dma_wait3A_1155 = tpu.memref_slice %arg9[%dma_wait3A_1154] : memref<8192xf32, #tpu.memory_space<vmem>> -> memref<1024xf32, #tpu.memory_space<vmem>>
      %dma_wait3A_1156 = arith.constant 0 : i32
      %dma_wait3A_1157 = tpu.memref_slice %arg4[%dma_wait3A_1151, %dma_wait3A_1152, %dma_wait3A_1153, %dma_wait3A_1156] : memref<50x8x128x1024xf32, #tpu.memory_space<hbm>> -> memref<1x1x1x1024xf32, #tpu.memory_space<hbm>>
      %dma_wait3A_1158 = tpu.memref_squeeze %dma_wait3A_1157 : memref<1x1x1x1024xf32, #tpu.memory_space<hbm>> -> memref<1024xf32, #tpu.memory_space<hbm>>
      %dma_wait3A_1159 = arith.constant 0 : i32
      %dma_wait3A_1160 = tpu.memref_slice %arg4[%dma_wait3A_1151, %dma_wait3A_1152, %dma_wait3A_1153, %dma_wait3A_1159] : memref<50x8x128x1024xf32, #tpu.memory_space<hbm>> -> memref<1x1x1x1024xf32, #tpu.memory_space<hbm>>
      %dma_wait3A_1161 = tpu.memref_squeeze %dma_wait3A_1160 : memref<1x1x1x1024xf32, #tpu.memory_space<hbm>> -> memref<1024xf32, #tpu.memory_space<hbm>>
      %dma_wait3A_1162 = arith.constant 6144 : i32
      %dma_wait3A_1163 = tpu.memref_slice %arg9[%dma_wait3A_1162] : memref<8192xf32, #tpu.memory_space<vmem>> -> memref<1024xf32, #tpu.memory_space<vmem>>
      tpu.wait_dma2 semaphore(%arg13 : memref<!tpu.dma_semaphore, #tpu.memory_space<semaphore_mem>>) src(%dma_wait3A_1163 : memref<1024xf32, #tpu.memory_space<vmem>>) dst(%dma_wait3A_1161 : memref<1024xf32, #tpu.memory_space<hbm>>)
      %dma_wait3A_1164 = arith.constant 0 : i32
      %dma_wait3A_1165 = arith.constant 7 : i32
      %dma_wait3A_1166 = arith.constant 0 : i32
      %dma_wait3A_1167 = arith.constant 7168 : i32
      %dma_wait3A_1168 = tpu.memref_slice %arg9[%dma_wait3A_1167] : memref<8192xf32, #tpu.memory_space<vmem>> -> memref<1024xf32, #tpu.memory_space<vmem>>
      %dma_wait3A_1169 = arith.constant 0 : i32
      %dma_wait3A_1170 = tpu.memref_slice %arg4[%dma_wait3A_1164, %dma_wait3A_1165, %dma_wait3A_1166, %dma_wait3A_1169] : memref<50x8x128x1024xf32, #tpu.memory_space<hbm>> -> memref<1x1x1x1024xf32, #tpu.memory_space<hbm>>
      %dma_wait3A_1171 = tpu.memref_squeeze %dma_wait3A_1170 : memref<1x1x1x1024xf32, #tpu.memory_space<hbm>> -> memref<1024xf32, #tpu.memory_space<hbm>>
      %dma_wait3A_1172 = arith.constant 0 : i32
      %dma_wait3A_1173 = tpu.memref_slice %arg4[%dma_wait3A_1164, %dma_wait3A_1165, %dma_wait3A_1166, %dma_wait3A_1172] : memref<50x8x128x1024xf32, #tpu.memory_space<hbm>> -> memref<1x1x1x1024xf32, #tpu.memory_space<hbm>>
      %dma_wait3A_1174 = tpu.memref_squeeze %dma_wait3A_1173 : memref<1x1x1x1024xf32, #tpu.memory_space<hbm>> -> memref<1024xf32, #tpu.memory_space<hbm>>
      %dma_wait3A_1175 = arith.constant 7168 : i32
      %dma_wait3A_1176 = tpu.memref_slice %arg9[%dma_wait3A_1175] : memref<8192xf32, #tpu.memory_space<vmem>> -> memref<1024xf32, #tpu.memory_space<vmem>>
      tpu.wait_dma2 semaphore(%arg13 : memref<!tpu.dma_semaphore, #tpu.memory_space<semaphore_mem>>) src(%dma_wait3A_1176 : memref<1024xf32, #tpu.memory_space<vmem>>) dst(%dma_wait3A_1174 : memref<1024xf32, #tpu.memory_space<hbm>>)
      %add3A_1177 = arith.constant 1 : i32
      %add3A_1178 = arith.addi %add3A_1071, %add3A_1177 : i32
      %mul3A_1179 = arith.constant 128 : i32
      %mul3A_1180 = arith.muli %add3A_1178, %mul3A_1179 : i32
      %dma_start3A_1181 = tpu.memref_slice %arg5[%mul3A_1180] : memref<25600xi32, #tpu.memory_space<vmem>> -> memref<128xi32, #tpu.memory_space<vmem>>
      %dma_start3A_1182 = arith.constant 0 : i32
      %dma_start3A_1183 = arith.constant 0 : i32
      %dma_start3A_1184 = tpu.memref_slice %arg3[%dma_start3A_1182, %dma_start3A_1183] : memref<1000000x64xf32, #tpu.memory_space<hbm>> -> memref<1000000x64xf32, #tpu.memory_space<hbm>>
      tpu.enqueue_indirect_dma source(%dma_start3A_1184 : memref<1000000x64xf32, #tpu.memory_space<hbm>>) target(%arg7 : memref<128x64xf32, #tpu.memory_space<vmem>>) offsets(%dma_start3A_1181 : memref<128xi32, #tpu.memory_space<vmem>>) semaphore(%arg11 : memref<!tpu.dma_semaphore, #tpu.memory_space<semaphore_mem>>)
      %dma_wait3A_1185 = arith.constant 0 : i32
      %dma_wait3A_1186 = tpu.memref_slice %arg5[%dma_wait3A_1185] : memref<25600xi32, #tpu.memory_space<vmem>> -> memref<128xi32, #tpu.memory_space<vmem>>
      %dma_wait3A_1187 = arith.constant 0 : i32
      %dma_wait3A_1188 = arith.constant 0 : i32
      %dma_wait3A_1189 = tpu.memref_slice %arg3[%dma_wait3A_1187, %dma_wait3A_1188] : memref<1000000x64xf32, #tpu.memory_space<hbm>> -> memref<1000000x64xf32, #tpu.memory_space<hbm>>
      tpu.wait_indirect_dma semaphore(%arg10 : memref<!tpu.dma_semaphore, #tpu.memory_space<semaphore_mem>>) src(%dma_wait3A_1189 : memref<1000000x64xf32, #tpu.memory_space<hbm>>) dst(%arg6 : memref<128x64xf32, #tpu.memory_space<vmem>>)
      %parallel_loop3A_1190 = arith.constant 0 : i32
      %parallel_loop3A_1191 = arith.constant 32 : i32
      %parallel_loop3A_1192 = arith.constant 1 : i32
      scf.for %parallel_loop3A_1321 = %parallel_loop3A_1190 to %parallel_loop3A_1191 step %parallel_loop3A_1192  : i32 {
        %parallel_loop3A_1322 = arith.constant 7 : i32
        %parallel_loop3A_1323 = arith.andi %parallel_loop3A_1321, %parallel_loop3A_1322 : i32
        %parallel_loop3A_1324 = arith.constant 16 : i32
        %parallel_loop3A_1325 = arith.muli %parallel_loop3A_1323, %parallel_loop3A_1324 : i32
        %parallel_loop3A_1326 = arith.constant 3 : i32
        %parallel_loop3A_1327 = arith.shrui %parallel_loop3A_1321, %parallel_loop3A_1326 : i32
        %parallel_loop3A_1328 = arith.constant 16 : i32
        %parallel_loop3A_1329 = arith.muli %parallel_loop3A_1327, %parallel_loop3A_1328 : i32
        %parallel_loop3A_1330 = arith.constant 64 : i32
        %parallel_loop3A_1331 = arith.muli %parallel_loop3A_1325, %parallel_loop3A_1330 : i32
        %parallel_loop3A_1332 = arith.addi %parallel_loop3A_1331, %parallel_loop3A_1329 : i32
        %parallel_loop3A_1333 = arith.constant 128 : i32
        %parallel_loop3A_1334 = arith.muli %parallel_loop3A_1329, %parallel_loop3A_1333 : i32
        %parallel_loop3A_1335 = arith.addi %parallel_loop3A_1334, %parallel_loop3A_1325 : i32
        %parallel_loop3A_1336 = vector.broadcast %parallel_loop3A_1332 : i32 to vector<16xi32>
        %parallel_loop3A_1337 = arith.addi %parallel_loop3A_1336, %add3A_14 : vector<16xi32>
        %parallel_loop3A_1338 = tpu.vector_load_idx %arg6[%and3A_4, %parallel_loop3A_1337] : memref<128x64xf32, #tpu.memory_space<vmem>>[vector<16xi32>, vector<16xi32>], vector<16xf32>,
        %parallel_loop3A_1339 = vector.broadcast %parallel_loop3A_1335 : i32 to vector<16xi32>
        %parallel_loop3A_1340 = arith.addi %parallel_loop3A_1339, %add3A_174 : vector<16xi32>
        tpu.vector_store_idx %arg8[%parallel_loop3A_1340], %parallel_loop3A_1338 : memref<8192xf32, #tpu.memory_space<vmem>>[vector<16xi32>], vector<16xf32>,
        %parallel_loop3A_1341 = vector.broadcast %parallel_loop3A_1332 : i32 to vector<16xi32>
        %parallel_loop3A_1342 = arith.addi %parallel_loop3A_1341, %add3A_24 : vector<16xi32>
        %parallel_loop3A_1343 = tpu.vector_load_idx %arg6[%and3A_4, %parallel_loop3A_1342] : memref<128x64xf32, #tpu.memory_space<vmem>>[vector<16xi32>, vector<16xi32>], vector<16xf32>,
        %parallel_loop3A_1344 = vector.broadcast %parallel_loop3A_1335 : i32 to vector<16xi32>
        %parallel_loop3A_1345 = arith.addi %parallel_loop3A_1344, %add3A_184 : vector<16xi32>
        tpu.vector_store_idx %arg8[%parallel_loop3A_1345], %parallel_loop3A_1343 : memref<8192xf32, #tpu.memory_space<vmem>>[vector<16xi32>], vector<16xf32>,
        %parallel_loop3A_1346 = vector.broadcast %parallel_loop3A_1332 : i32 to vector<16xi32>
        %parallel_loop3A_1347 = arith.addi %parallel_loop3A_1346, %add3A_34 : vector<16xi32>
        %parallel_loop3A_1348 = tpu.vector_load_idx %arg6[%and3A_4, %parallel_loop3A_1347] : memref<128x64xf32, #tpu.memory_space<vmem>>[vector<16xi32>, vector<16xi32>], vector<16xf32>,
        %parallel_loop3A_1349 = vector.broadcast %parallel_loop3A_1335 : i32 to vector<16xi32>
        %parallel_loop3A_1350 = arith.addi %parallel_loop3A_1349, %add3A_194 : vector<16xi32>
        tpu.vector_store_idx %arg8[%parallel_loop3A_1350], %parallel_loop3A_1348 : memref<8192xf32, #tpu.memory_space<vmem>>[vector<16xi32>], vector<16xf32>,
        %parallel_loop3A_1351 = vector.broadcast %parallel_loop3A_1332 : i32 to vector<16xi32>
        %parallel_loop3A_1352 = arith.addi %parallel_loop3A_1351, %add3A_44 : vector<16xi32>
        %parallel_loop3A_1353 = tpu.vector_load_idx %arg6[%and3A_4, %parallel_loop3A_1352] : memref<128x64xf32, #tpu.memory_space<vmem>>[vector<16xi32>, vector<16xi32>], vector<16xf32>,
        %parallel_loop3A_1354 = vector.broadcast %parallel_loop3A_1335 : i32 to vector<16xi32>
        %parallel_loop3A_1355 = arith.addi %parallel_loop3A_1354, %add3A_204 : vector<16xi32>
        tpu.vector_store_idx %arg8[%parallel_loop3A_1355], %parallel_loop3A_1353 : memref<8192xf32, #tpu.memory_space<vmem>>[vector<16xi32>], vector<16xf32>,
        %parallel_loop3A_1356 = vector.broadcast %parallel_loop3A_1332 : i32 to vector<16xi32>
        %parallel_loop3A_1357 = arith.addi %parallel_loop3A_1356, %add3A_54 : vector<16xi32>
        %parallel_loop3A_1358 = tpu.vector_load_idx %arg6[%and3A_4, %parallel_loop3A_1357] : memref<128x64xf32, #tpu.memory_space<vmem>>[vector<16xi32>, vector<16xi32>], vector<16xf32>,
        %parallel_loop3A_1359 = vector.broadcast %parallel_loop3A_1335 : i32 to vector<16xi32>
        %parallel_loop3A_1360 = arith.addi %parallel_loop3A_1359, %add3A_214 : vector<16xi32>
        tpu.vector_store_idx %arg8[%parallel_loop3A_1360], %parallel_loop3A_1358 : memref<8192xf32, #tpu.memory_space<vmem>>[vector<16xi32>], vector<16xf32>,
        %parallel_loop3A_1361 = vector.broadcast %parallel_loop3A_1332 : i32 to vector<16xi32>
        %parallel_loop3A_1362 = arith.addi %parallel_loop3A_1361, %add3A_64 : vector<16xi32>
        %parallel_loop3A_1363 = tpu.vector_load_idx %arg6[%and3A_4, %parallel_loop3A_1362] : memref<128x64xf32, #tpu.memory_space<vmem>>[vector<16xi32>, vector<16xi32>], vector<16xf32>,
        %parallel_loop3A_1364 = vector.broadcast %parallel_loop3A_1335 : i32 to vector<16xi32>
        %parallel_loop3A_1365 = arith.addi %parallel_loop3A_1364, %add3A_224 : vector<16xi32>
        tpu.vector_store_idx %arg8[%parallel_loop3A_1365], %parallel_loop3A_1363 : memref<8192xf32, #tpu.memory_space<vmem>>[vector<16xi32>], vector<16xf32>,
        %parallel_loop3A_1366 = vector.broadcast %parallel_loop3A_1332 : i32 to vector<16xi32>
        %parallel_loop3A_1367 = arith.addi %parallel_loop3A_1366, %add3A_74 : vector<16xi32>
        %parallel_loop3A_1368 = tpu.vector_load_idx %arg6[%and3A_4, %parallel_loop3A_1367] : memref<128x64xf32, #tpu.memory_space<vmem>>[vector<16xi32>, vector<16xi32>], vector<16xf32>,
        %parallel_loop3A_1369 = vector.broadcast %parallel_loop3A_1335 : i32 to vector<16xi32>
        %parallel_loop3A_1370 = arith.addi %parallel_loop3A_1369, %add3A_234 : vector<16xi32>
        tpu.vector_store_idx %arg8[%parallel_loop3A_1370], %parallel_loop3A_1368 : memref<8192xf32, #tpu.memory_space<vmem>>[vector<16xi32>], vector<16xf32>,
        %parallel_loop3A_1371 = vector.broadcast %parallel_loop3A_1332 : i32 to vector<16xi32>
        %parallel_loop3A_1372 = arith.addi %parallel_loop3A_1371, %add3A_84 : vector<16xi32>
        %parallel_loop3A_1373 = tpu.vector_load_idx %arg6[%and3A_4, %parallel_loop3A_1372] : memref<128x64xf32, #tpu.memory_space<vmem>>[vector<16xi32>, vector<16xi32>], vector<16xf32>,
        %parallel_loop3A_1374 = vector.broadcast %parallel_loop3A_1335 : i32 to vector<16xi32>
        %parallel_loop3A_1375 = arith.addi %parallel_loop3A_1374, %add3A_244 : vector<16xi32>
        tpu.vector_store_idx %arg8[%parallel_loop3A_1375], %parallel_loop3A_1373 : memref<8192xf32, #tpu.memory_space<vmem>>[vector<16xi32>], vector<16xf32>,
        %parallel_loop3A_1376 = vector.broadcast %parallel_loop3A_1332 : i32 to vector<16xi32>
        %parallel_loop3A_1377 = arith.addi %parallel_loop3A_1376, %add3A_94 : vector<16xi32>
        %parallel_loop3A_1378 = tpu.vector_load_idx %arg6[%and3A_4, %parallel_loop3A_1377] : memref<128x64xf32, #tpu.memory_space<vmem>>[vector<16xi32>, vector<16xi32>], vector<16xf32>,
        %parallel_loop3A_1379 = vector.broadcast %parallel_loop3A_1335 : i32 to vector<16xi32>
        %parallel_loop3A_1380 = arith.addi %parallel_loop3A_1379, %add3A_254 : vector<16xi32>
        tpu.vector_store_idx %arg8[%parallel_loop3A_1380], %parallel_loop3A_1378 : memref<8192xf32, #tpu.memory_space<vmem>>[vector<16xi32>], vector<16xf32>,
        %parallel_loop3A_1381 = vector.broadcast %parallel_loop3A_1332 : i32 to vector<16xi32>
        %parallel_loop3A_1382 = arith.addi %parallel_loop3A_1381, %add3A_104 : vector<16xi32>
        %parallel_loop3A_1383 = tpu.vector_load_idx %arg6[%and3A_4, %parallel_loop3A_1382] : memref<128x64xf32, #tpu.memory_space<vmem>>[vector<16xi32>, vector<16xi32>], vector<16xf32>,
        %parallel_loop3A_1384 = vector.broadcast %parallel_loop3A_1335 : i32 to vector<16xi32>
        %parallel_loop3A_1385 = arith.addi %parallel_loop3A_1384, %add3A_264 : vector<16xi32>
        tpu.vector_store_idx %arg8[%parallel_loop3A_1385], %parallel_loop3A_1383 : memref<8192xf32, #tpu.memory_space<vmem>>[vector<16xi32>], vector<16xf32>,
        %parallel_loop3A_1386 = vector.broadcast %parallel_loop3A_1332 : i32 to vector<16xi32>
        %parallel_loop3A_1387 = arith.addi %parallel_loop3A_1386, %add3A_114 : vector<16xi32>
        %parallel_loop3A_1388 = tpu.vector_load_idx %arg6[%and3A_4, %parallel_loop3A_1387] : memref<128x64xf32, #tpu.memory_space<vmem>>[vector<16xi32>, vector<16xi32>], vector<16xf32>,
        %parallel_loop3A_1389 = vector.broadcast %parallel_loop3A_1335 : i32 to vector<16xi32>
        %parallel_loop3A_1390 = arith.addi %parallel_loop3A_1389, %add3A_274 : vector<16xi32>
        tpu.vector_store_idx %arg8[%parallel_loop3A_1390], %parallel_loop3A_1388 : memref<8192xf32, #tpu.memory_space<vmem>>[vector<16xi32>], vector<16xf32>,
        %parallel_loop3A_1391 = vector.broadcast %parallel_loop3A_1332 : i32 to vector<16xi32>
        %parallel_loop3A_1392 = arith.addi %parallel_loop3A_1391, %add3A_124 : vector<16xi32>
        %parallel_loop3A_1393 = tpu.vector_load_idx %arg6[%and3A_4, %parallel_loop3A_1392] : memref<128x64xf32, #tpu.memory_space<vmem>>[vector<16xi32>, vector<16xi32>], vector<16xf32>,
        %parallel_loop3A_1394 = vector.broadcast %parallel_loop3A_1335 : i32 to vector<16xi32>
        %parallel_loop3A_1395 = arith.addi %parallel_loop3A_1394, %add3A_284 : vector<16xi32>
        tpu.vector_store_idx %arg8[%parallel_loop3A_1395], %parallel_loop3A_1393 : memref<8192xf32, #tpu.memory_space<vmem>>[vector<16xi32>], vector<16xf32>,
        %parallel_loop3A_1396 = vector.broadcast %parallel_loop3A_1332 : i32 to vector<16xi32>
        %parallel_loop3A_1397 = arith.addi %parallel_loop3A_1396, %add3A_134 : vector<16xi32>
        %parallel_loop3A_1398 = tpu.vector_load_idx %arg6[%and3A_4, %parallel_loop3A_1397] : memref<128x64xf32, #tpu.memory_space<vmem>>[vector<16xi32>, vector<16xi32>], vector<16xf32>,
        %parallel_loop3A_1399 = vector.broadcast %parallel_loop3A_1335 : i32 to vector<16xi32>
        %parallel_loop3A_1400 = arith.addi %parallel_loop3A_1399, %add3A_294 : vector<16xi32>
        tpu.vector_store_idx %arg8[%parallel_loop3A_1400], %parallel_loop3A_1398 : memref<8192xf32, #tpu.memory_space<vmem>>[vector<16xi32>], vector<16xf32>,
        %parallel_loop3A_1401 = vector.broadcast %parallel_loop3A_1332 : i32 to vector<16xi32>
        %parallel_loop3A_1402 = arith.addi %parallel_loop3A_1401, %add3A_144 : vector<16xi32>
        %parallel_loop3A_1403 = tpu.vector_load_idx %arg6[%and3A_4, %parallel_loop3A_1402] : memref<128x64xf32, #tpu.memory_space<vmem>>[vector<16xi32>, vector<16xi32>], vector<16xf32>,
        %parallel_loop3A_1404 = vector.broadcast %parallel_loop3A_1335 : i32 to vector<16xi32>
        %parallel_loop3A_1405 = arith.addi %parallel_loop3A_1404, %add3A_304 : vector<16xi32>
        tpu.vector_store_idx %arg8[%parallel_loop3A_1405], %parallel_loop3A_1403 : memref<8192xf32, #tpu.memory_space<vmem>>[vector<16xi32>], vector<16xf32>,
        %parallel_loop3A_1406 = vector.broadcast %parallel_loop3A_1332 : i32 to vector<16xi32>
        %parallel_loop3A_1407 = arith.addi %parallel_loop3A_1406, %add3A_154 : vector<16xi32>
        %parallel_loop3A_1408 = tpu.vector_load_idx %arg6[%and3A_4, %parallel_loop3A_1407] : memref<128x64xf32, #tpu.memory_space<vmem>>[vector<16xi32>, vector<16xi32>], vector<16xf32>,
        %parallel_loop3A_1409 = vector.broadcast %parallel_loop3A_1335 : i32 to vector<16xi32>
        %parallel_loop3A_1410 = arith.addi %parallel_loop3A_1409, %add3A_314 : vector<16xi32>
        tpu.vector_store_idx %arg8[%parallel_loop3A_1410], %parallel_loop3A_1408 : memref<8192xf32, #tpu.memory_space<vmem>>[vector<16xi32>], vector<16xf32>,
        %parallel_loop3A_1411 = vector.broadcast %parallel_loop3A_1332 : i32 to vector<16xi32>
        %parallel_loop3A_1412 = arith.addi %parallel_loop3A_1411, %add3A_164 : vector<16xi32>
        %parallel_loop3A_1413 = tpu.vector_load_idx %arg6[%and3A_4, %parallel_loop3A_1412] : memref<128x64xf32, #tpu.memory_space<vmem>>[vector<16xi32>, vector<16xi32>], vector<16xf32>,
        %parallel_loop3A_1414 = vector.broadcast %parallel_loop3A_1335 : i32 to vector<16xi32>
        %parallel_loop3A_1415 = arith.addi %parallel_loop3A_1414, %add3A_324 : vector<16xi32>
        tpu.vector_store_idx %arg8[%parallel_loop3A_1415], %parallel_loop3A_1413 : memref<8192xf32, #tpu.memory_space<vmem>>[vector<16xi32>], vector<16xf32>,
      } {sc.loop_unroll_factor = 2 : i64, sc.parallel_access}
      %jit3A_1193 = arith.constant 128 : i32
      %div3A_1194 = arith.divsi %add3A_1072, %jit3A_1193 : i32
      %sign3A_1195 = arith.constant 0 : i32
      %sign3A_1196 = arith.cmpi sgt, %add3A_1072, %sign3A_1195 : i32
      %sign3A_1197 = arith.extui %sign3A_1196 : i1 to i32
      %sign3A_1198 = arith.constant 0 : i32
      %sign3A_1199 = arith.cmpi slt, %add3A_1072, %sign3A_1198 : i32
      %sign3A_1200 = arith.extui %sign3A_1199 : i1 to i32
      %sign3A_1201 = arith.subi %sign3A_1197, %sign3A_1200 : i32
      %sign3A_1202 = arith.constant 0 : i32
      %sign3A_1203 = arith.cmpi sgt, %jit3A_1193, %sign3A_1202 : i32
      %sign3A_1204 = arith.extui %sign3A_1203 : i1 to i32
      %sign3A_1205 = arith.constant 0 : i32
      %sign3A_1206 = arith.cmpi slt, %jit3A_1193, %sign3A_1205 : i32
      %sign3A_1207 = arith.extui %sign3A_1206 : i1 to i32
      %sign3A_1208 = arith.subi %sign3A_1204, %sign3A_1207 : i32
      %ne3A_1209 = arith.cmpi ne, %sign3A_1201, %sign3A_1208 : i32
      %rem3A_1210 = arith.remsi %add3A_1072, %jit3A_1193 : i32
      %ne3A_1211 = arith.constant 0 : i32
      %ne3A_1212 = arith.cmpi ne, %rem3A_1210, %ne3A_1211 : i32
      %and3A_1213 = arith.andi %ne3A_1209, %ne3A_1212 : i1
      %sub3A_1214 = arith.constant 1 : i32
      %sub3A_1215 = arith.subi %div3A_1194, %sub3A_1214 : i32
      %select_n3A_1216 = arith.select %and3A_1213, %sub3A_1215, %div3A_1194 : i32
      %jit3A_1217 = arith.constant 128 : i32
      %eq3A_1218 = arith.constant 0 : i32
      %eq3A_1219 = arith.cmpi eq, %jit3A_1217, %eq3A_1218 : i32
      %jit3A_1220 = arith.constant 1 : i32
      %select_n3A_1221 = arith.select %eq3A_1219, %jit3A_1220, %jit3A_1217 : i32
      %rem3A_1222 = arith.remsi %add3A_1072, %select_n3A_1221 : i32
      %ne3A_1223 = arith.constant 0 : i32
      %ne3A_1224 = arith.cmpi ne, %rem3A_1222, %ne3A_1223 : i32
      %lt3A_1225 = arith.constant 0 : i32
      %lt3A_1226 = arith.cmpi slt, %rem3A_1222, %lt3A_1225 : i32
      %lt3A_1227 = arith.constant 0 : i32
      %lt3A_1228 = arith.cmpi slt, %select_n3A_1221, %lt3A_1227 : i32
      %ne3A_1229 = arith.xori %lt3A_1226, %lt3A_1228 : i1
      %and3A_1230 = arith.andi %ne3A_1229, %ne3A_1224 : i1
      %add3A_1231 = arith.addi %rem3A_1222, %select_n3A_1221 : i32
      %select_n3A_1232 = arith.select %and3A_1230, %add3A_1231, %rem3A_1222 : i32
      %dma_start3A_1233 = arith.constant 0 : i32
      %dma_start3A_1234 = arith.constant 0 : i32
      %dma_start3A_1235 = tpu.memref_slice %arg8[%dma_start3A_1234] : memref<8192xf32, #tpu.memory_space<vmem>> -> memref<1024xf32, #tpu.memory_space<vmem>>
      %dma_start3A_1236 = arith.constant 0 : i32
      %dma_start3A_1237 = tpu.memref_slice %arg4[%select_n3A_1216, %dma_start3A_1233, %select_n3A_1232, %dma_start3A_1236] : memref<50x8x128x1024xf32, #tpu.memory_space<hbm>> -> memref<1x1x1x1024xf32, #tpu.memory_space<hbm>>
      %dma_start3A_1238 = tpu.memref_squeeze %dma_start3A_1237 : memref<1x1x1x1024xf32, #tpu.memory_space<hbm>> -> memref<1024xf32, #tpu.memory_space<hbm>>
      %dma_start3A_1239 = arith.constant 0 : i32
      %dma_start3A_1240 = tpu.memref_slice %arg4[%select_n3A_1216, %dma_start3A_1233, %select_n3A_1232, %dma_start3A_1239] : memref<50x8x128x1024xf32, #tpu.memory_space<hbm>> -> memref<1x1x1x1024xf32, #tpu.memory_space<hbm>>
      %dma_start3A_1241 = tpu.memref_squeeze %dma_start3A_1240 : memref<1x1x1x1024xf32, #tpu.memory_space<hbm>> -> memref<1024xf32, #tpu.memory_space<hbm>>
      %dma_start3A_1242 = arith.constant 0 : i32
      %dma_start3A_1243 = tpu.memref_slice %arg8[%dma_start3A_1242] : memref<8192xf32, #tpu.memory_space<vmem>> -> memref<1024xf32, #tpu.memory_space<vmem>>
      tpu.enqueue_dma source(%dma_start3A_1243 : memref<1024xf32, #tpu.memory_space<vmem>>) target(%dma_start3A_1241 : memref<1024xf32, #tpu.memory_space<hbm>>) target_semaphore(%arg12 : memref<!tpu.dma_semaphore, #tpu.memory_space<semaphore_mem>>)
      %dma_start3A_1244 = arith.constant 1 : i32
      %dma_start3A_1245 = arith.constant 1024 : i32
      %dma_start3A_1246 = tpu.memref_slice %arg8[%dma_start3A_1245] : memref<8192xf32, #tpu.memory_space<vmem>> -> memref<1024xf32, #tpu.memory_space<vmem>>
      %dma_start3A_1247 = arith.constant 0 : i32
      %dma_start3A_1248 = tpu.memref_slice %arg4[%select_n3A_1216, %dma_start3A_1244, %select_n3A_1232, %dma_start3A_1247] : memref<50x8x128x1024xf32, #tpu.memory_space<hbm>> -> memref<1x1x1x1024xf32, #tpu.memory_space<hbm>>
      %dma_start3A_1249 = tpu.memref_squeeze %dma_start3A_1248 : memref<1x1x1x1024xf32, #tpu.memory_space<hbm>> -> memref<1024xf32, #tpu.memory_space<hbm>>
      %dma_start3A_1250 = arith.constant 0 : i32
      %dma_start3A_1251 = tpu.memref_slice %arg4[%select_n3A_1216, %dma_start3A_1244, %select_n3A_1232, %dma_start3A_1250] : memref<50x8x128x1024xf32, #tpu.memory_space<hbm>> -> memref<1x1x1x1024xf32, #tpu.memory_space<hbm>>
      %dma_start3A_1252 = tpu.memref_squeeze %dma_start3A_1251 : memref<1x1x1x1024xf32, #tpu.memory_space<hbm>> -> memref<1024xf32, #tpu.memory_space<hbm>>
      %dma_start3A_1253 = arith.constant 1024 : i32
      %dma_start3A_1254 = tpu.memref_slice %arg8[%dma_start3A_1253] : memref<8192xf32, #tpu.memory_space<vmem>> -> memref<1024xf32, #tpu.memory_space<vmem>>
      tpu.enqueue_dma source(%dma_start3A_1254 : memref<1024xf32, #tpu.memory_space<vmem>>) target(%dma_start3A_1252 : memref<1024xf32, #tpu.memory_space<hbm>>) target_semaphore(%arg12 : memref<!tpu.dma_semaphore, #tpu.memory_space<semaphore_mem>>)
      %dma_start3A_1255 = arith.constant 2 : i32
      %dma_start3A_1256 = arith.constant 2048 : i32
      %dma_start3A_1257 = tpu.memref_slice %arg8[%dma_start3A_1256] : memref<8192xf32, #tpu.memory_space<vmem>> -> memref<1024xf32, #tpu.memory_space<vmem>>
      %dma_start3A_1258 = arith.constant 0 : i32
      %dma_start3A_1259 = tpu.memref_slice %arg4[%select_n3A_1216, %dma_start3A_1255, %select_n3A_1232, %dma_start3A_1258] : memref<50x8x128x1024xf32, #tpu.memory_space<hbm>> -> memref<1x1x1x1024xf32, #tpu.memory_space<hbm>>
      %dma_start3A_1260 = tpu.memref_squeeze %dma_start3A_1259 : memref<1x1x1x1024xf32, #tpu.memory_space<hbm>> -> memref<1024xf32, #tpu.memory_space<hbm>>
      %dma_start3A_1261 = arith.constant 0 : i32
      %dma_start3A_1262 = tpu.memref_slice %arg4[%select_n3A_1216, %dma_start3A_1255, %select_n3A_1232, %dma_start3A_1261] : memref<50x8x128x1024xf32, #tpu.memory_space<hbm>> -> memref<1x1x1x1024xf32, #tpu.memory_space<hbm>>
      %dma_start3A_1263 = tpu.memref_squeeze %dma_start3A_1262 : memref<1x1x1x1024xf32, #tpu.memory_space<hbm>> -> memref<1024xf32, #tpu.memory_space<hbm>>
      %dma_start3A_1264 = arith.constant 2048 : i32
      %dma_start3A_1265 = tpu.memref_slice %arg8[%dma_start3A_1264] : memref<8192xf32, #tpu.memory_space<vmem>> -> memref<1024xf32, #tpu.memory_space<vmem>>
      tpu.enqueue_dma source(%dma_start3A_1265 : memref<1024xf32, #tpu.memory_space<vmem>>) target(%dma_start3A_1263 : memref<1024xf32, #tpu.memory_space<hbm>>) target_semaphore(%arg12 : memref<!tpu.dma_semaphore, #tpu.memory_space<semaphore_mem>>)
      %dma_start3A_1266 = arith.constant 3 : i32
      %dma_start3A_1267 = arith.constant 3072 : i32
      %dma_start3A_1268 = tpu.memref_slice %arg8[%dma_start3A_1267] : memref<8192xf32, #tpu.memory_space<vmem>> -> memref<1024xf32, #tpu.memory_space<vmem>>
      %dma_start3A_1269 = arith.constant 0 : i32
      %dma_start3A_1270 = tpu.memref_slice %arg4[%select_n3A_1216, %dma_start3A_1266, %select_n3A_1232, %dma_start3A_1269] : memref<50x8x128x1024xf32, #tpu.memory_space<hbm>> -> memref<1x1x1x1024xf32, #tpu.memory_space<hbm>>
      %dma_start3A_1271 = tpu.memref_squeeze %dma_start3A_1270 : memref<1x1x1x1024xf32, #tpu.memory_space<hbm>> -> memref<1024xf32, #tpu.memory_space<hbm>>
      %dma_start3A_1272 = arith.constant 0 : i32
      %dma_start3A_1273 = tpu.memref_slice %arg4[%select_n3A_1216, %dma_start3A_1266, %select_n3A_1232, %dma_start3A_1272] : memref<50x8x128x1024xf32, #tpu.memory_space<hbm>> -> memref<1x1x1x1024xf32, #tpu.memory_space<hbm>>
      %dma_start3A_1274 = tpu.memref_squeeze %dma_start3A_1273 : memref<1x1x1x1024xf32, #tpu.memory_space<hbm>> -> memref<1024xf32, #tpu.memory_space<hbm>>
      %dma_start3A_1275 = arith.constant 3072 : i32
      %dma_start3A_1276 = tpu.memref_slice %arg8[%dma_start3A_1275] : memref<8192xf32, #tpu.memory_space<vmem>> -> memref<1024xf32, #tpu.memory_space<vmem>>
      tpu.enqueue_dma source(%dma_start3A_1276 : memref<1024xf32, #tpu.memory_space<vmem>>) target(%dma_start3A_1274 : memref<1024xf32, #tpu.memory_space<hbm>>) target_semaphore(%arg12 : memref<!tpu.dma_semaphore, #tpu.memory_space<semaphore_mem>>)
      %dma_start3A_1277 = arith.constant 4 : i32
      %dma_start3A_1278 = arith.constant 4096 : i32
      %dma_start3A_1279 = tpu.memref_slice %arg8[%dma_start3A_1278] : memref<8192xf32, #tpu.memory_space<vmem>> -> memref<1024xf32, #tpu.memory_space<vmem>>
      %dma_start3A_1280 = arith.constant 0 : i32
      %dma_start3A_1281 = tpu.memref_slice %arg4[%select_n3A_1216, %dma_start3A_1277, %select_n3A_1232, %dma_start3A_1280] : memref<50x8x128x1024xf32, #tpu.memory_space<hbm>> -> memref<1x1x1x1024xf32, #tpu.memory_space<hbm>>
      %dma_start3A_1282 = tpu.memref_squeeze %dma_start3A_1281 : memref<1x1x1x1024xf32, #tpu.memory_space<hbm>> -> memref<1024xf32, #tpu.memory_space<hbm>>
      %dma_start3A_1283 = arith.constant 0 : i32
      %dma_start3A_1284 = tpu.memref_slice %arg4[%select_n3A_1216, %dma_start3A_1277, %select_n3A_1232, %dma_start3A_1283] : memref<50x8x128x1024xf32, #tpu.memory_space<hbm>> -> memref<1x1x1x1024xf32, #tpu.memory_space<hbm>>
      %dma_start3A_1285 = tpu.memref_squeeze %dma_start3A_1284 : memref<1x1x1x1024xf32, #tpu.memory_space<hbm>> -> memref<1024xf32, #tpu.memory_space<hbm>>
      %dma_start3A_1286 = arith.constant 4096 : i32
      %dma_start3A_1287 = tpu.memref_slice %arg8[%dma_start3A_1286] : memref<8192xf32, #tpu.memory_space<vmem>> -> memref<1024xf32, #tpu.memory_space<vmem>>
      tpu.enqueue_dma source(%dma_start3A_1287 : memref<1024xf32, #tpu.memory_space<vmem>>) target(%dma_start3A_1285 : memref<1024xf32, #tpu.memory_space<hbm>>) target_semaphore(%arg12 : memref<!tpu.dma_semaphore, #tpu.memory_space<semaphore_mem>>)
      %dma_start3A_1288 = arith.constant 5 : i32
      %dma_start3A_1289 = arith.constant 5120 : i32
      %dma_start3A_1290 = tpu.memref_slice %arg8[%dma_start3A_1289] : memref<8192xf32, #tpu.memory_space<vmem>> -> memref<1024xf32, #tpu.memory_space<vmem>>
      %dma_start3A_1291 = arith.constant 0 : i32
      %dma_start3A_1292 = tpu.memref_slice %arg4[%select_n3A_1216, %dma_start3A_1288, %select_n3A_1232, %dma_start3A_1291] : memref<50x8x128x1024xf32, #tpu.memory_space<hbm>> -> memref<1x1x1x1024xf32, #tpu.memory_space<hbm>>
      %dma_start3A_1293 = tpu.memref_squeeze %dma_start3A_1292 : memref<1x1x1x1024xf32, #tpu.memory_space<hbm>> -> memref<1024xf32, #tpu.memory_space<hbm>>
      %dma_start3A_1294 = arith.constant 0 : i32
      %dma_start3A_1295 = tpu.memref_slice %arg4[%select_n3A_1216, %dma_start3A_1288, %select_n3A_1232, %dma_start3A_1294] : memref<50x8x128x1024xf32, #tpu.memory_space<hbm>> -> memref<1x1x1x1024xf32, #tpu.memory_space<hbm>>
      %dma_start3A_1296 = tpu.memref_squeeze %dma_start3A_1295 : memref<1x1x1x1024xf32, #tpu.memory_space<hbm>> -> memref<1024xf32, #tpu.memory_space<hbm>>
      %dma_start3A_1297 = arith.constant 5120 : i32
      %dma_start3A_1298 = tpu.memref_slice %arg8[%dma_start3A_1297] : memref<8192xf32, #tpu.memory_space<vmem>> -> memref<1024xf32, #tpu.memory_space<vmem>>
      tpu.enqueue_dma source(%dma_start3A_1298 : memref<1024xf32, #tpu.memory_space<vmem>>) target(%dma_start3A_1296 : memref<1024xf32, #tpu.memory_space<hbm>>) target_semaphore(%arg12 : memref<!tpu.dma_semaphore, #tpu.memory_space<semaphore_mem>>)
      %dma_start3A_1299 = arith.constant 6 : i32
      %dma_start3A_1300 = arith.constant 6144 : i32
      %dma_start3A_1301 = tpu.memref_slice %arg8[%dma_start3A_1300] : memref<8192xf32, #tpu.memory_space<vmem>> -> memref<1024xf32, #tpu.memory_space<vmem>>
      %dma_start3A_1302 = arith.constant 0 : i32
      %dma_start3A_1303 = tpu.memref_slice %arg4[%select_n3A_1216, %dma_start3A_1299, %select_n3A_1232, %dma_start3A_1302] : memref<50x8x128x1024xf32, #tpu.memory_space<hbm>> -> memref<1x1x1x1024xf32, #tpu.memory_space<hbm>>
      %dma_start3A_1304 = tpu.memref_squeeze %dma_start3A_1303 : memref<1x1x1x1024xf32, #tpu.memory_space<hbm>> -> memref<1024xf32, #tpu.memory_space<hbm>>
      %dma_start3A_1305 = arith.constant 0 : i32
      %dma_start3A_1306 = tpu.memref_slice %arg4[%select_n3A_1216, %dma_start3A_1299, %select_n3A_1232, %dma_start3A_1305] : memref<50x8x128x1024xf32, #tpu.memory_space<hbm>> -> memref<1x1x1x1024xf32, #tpu.memory_space<hbm>>
      %dma_start3A_1307 = tpu.memref_squeeze %dma_start3A_1306 : memref<1x1x1x1024xf32, #tpu.memory_space<hbm>> -> memref<1024xf32, #tpu.memory_space<hbm>>
      %dma_start3A_1308 = arith.constant 6144 : i32
      %dma_start3A_1309 = tpu.memref_slice %arg8[%dma_start3A_1308] : memref<8192xf32, #tpu.memory_space<vmem>> -> memref<1024xf32, #tpu.memory_space<vmem>>
      tpu.enqueue_dma source(%dma_start3A_1309 : memref<1024xf32, #tpu.memory_space<vmem>>) target(%dma_start3A_1307 : memref<1024xf32, #tpu.memory_space<hbm>>) target_semaphore(%arg12 : memref<!tpu.dma_semaphore, #tpu.memory_space<semaphore_mem>>)
      %dma_start3A_1310 = arith.constant 7 : i32
      %dma_start3A_1311 = arith.constant 7168 : i32
      %dma_start3A_1312 = tpu.memref_slice %arg8[%dma_start3A_1311] : memref<8192xf32, #tpu.memory_space<vmem>> -> memref<1024xf32, #tpu.memory_space<vmem>>
      %dma_start3A_1313 = arith.constant 0 : i32
      %dma_start3A_1314 = tpu.memref_slice %arg4[%select_n3A_1216, %dma_start3A_1310, %select_n3A_1232, %dma_start3A_1313] : memref<50x8x128x1024xf32, #tpu.memory_space<hbm>> -> memref<1x1x1x1024xf32, #tpu.memory_space<hbm>>
      %dma_start3A_1315 = tpu.memref_squeeze %dma_start3A_1314 : memref<1x1x1x1024xf32, #tpu.memory_space<hbm>> -> memref<1024xf32, #tpu.memory_space<hbm>>
      %dma_start3A_1316 = arith.constant 0 : i32
      %dma_start3A_1317 = tpu.memref_slice %arg4[%select_n3A_1216, %dma_start3A_1310, %select_n3A_1232, %dma_start3A_1316] : memref<50x8x128x1024xf32, #tpu.memory_space<hbm>> -> memref<1x1x1x1024xf32, #tpu.memory_space<hbm>>
      %dma_start3A_1318 = tpu.memref_squeeze %dma_start3A_1317 : memref<1x1x1x1024xf32, #tpu.memory_space<hbm>> -> memref<1024xf32, #tpu.memory_space<hbm>>
      %dma_start3A_1319 = arith.constant 7168 : i32
      %dma_start3A_1320 = tpu.memref_slice %arg8[%dma_start3A_1319] : memref<8192xf32, #tpu.memory_space<vmem>> -> memref<1024xf32, #tpu.memory_space<vmem>>
      tpu.enqueue_dma source(%dma_start3A_1320 : memref<1024xf32, #tpu.memory_space<vmem>>) target(%dma_start3A_1318 : memref<1024xf32, #tpu.memory_space<hbm>>) target_semaphore(%arg12 : memref<!tpu.dma_semaphore, #tpu.memory_space<semaphore_mem>>)
    }
    %scan3A_465 = arith.constant 99 : i32
    %dma_wait3A_466 = arith.constant 0 : i32
    %dma_wait3A_467 = tpu.memref_slice %arg5[%dma_wait3A_466] : memref<25600xi32, #tpu.memory_space<vmem>> -> memref<128xi32, #tpu.memory_space<vmem>>
    %dma_wait3A_468 = arith.constant 0 : i32
    %dma_wait3A_469 = arith.constant 0 : i32
    %dma_wait3A_470 = tpu.memref_slice %arg3[%dma_wait3A_468, %dma_wait3A_469] : memref<1000000x64xf32, #tpu.memory_space<hbm>> -> memref<1000000x64xf32, #tpu.memory_space<hbm>>
    tpu.wait_indirect_dma semaphore(%arg11 : memref<!tpu.dma_semaphore, #tpu.memory_space<semaphore_mem>>) src(%dma_wait3A_470 : memref<1000000x64xf32, #tpu.memory_space<hbm>>) dst(%arg7 : memref<128x64xf32, #tpu.memory_space<vmem>>)
    %parallel_loop3A_471 = arith.constant 0 : i32
    %parallel_loop3A_472 = arith.constant 32 : i32
    %parallel_loop3A_473 = arith.constant 1 : i32
    scf.for %parallel_loop3A_814 = %parallel_loop3A_471 to %parallel_loop3A_472 step %parallel_loop3A_473  : i32 {
      %parallel_loop3A_815 = arith.constant 7 : i32
      %parallel_loop3A_816 = arith.andi %parallel_loop3A_814, %parallel_loop3A_815 : i32
      %parallel_loop3A_817 = arith.constant 16 : i32
      %parallel_loop3A_818 = arith.muli %parallel_loop3A_816, %parallel_loop3A_817 : i32
      %parallel_loop3A_819 = arith.constant 3 : i32
      %parallel_loop3A_820 = arith.shrui %parallel_loop3A_814, %parallel_loop3A_819 : i32
      %parallel_loop3A_821 = arith.constant 16 : i32
      %parallel_loop3A_822 = arith.muli %parallel_loop3A_820, %parallel_loop3A_821 : i32
      %parallel_loop3A_823 = arith.constant 64 : i32
      %parallel_loop3A_824 = arith.muli %parallel_loop3A_818, %parallel_loop3A_823 : i32
      %parallel_loop3A_825 = arith.addi %parallel_loop3A_824, %parallel_loop3A_822 : i32
      %parallel_loop3A_826 = arith.constant 128 : i32
      %parallel_loop3A_827 = arith.muli %parallel_loop3A_822, %parallel_loop3A_826 : i32
      %parallel_loop3A_828 = arith.addi %parallel_loop3A_827, %parallel_loop3A_818 : i32
      %parallel_loop3A_829 = vector.broadcast %parallel_loop3A_825 : i32 to vector<16xi32>
      %parallel_loop3A_830 = arith.addi %parallel_loop3A_829, %add3A_14 : vector<16xi32>
      %parallel_loop3A_831 = tpu.vector_load_idx %arg7[%and3A_4, %parallel_loop3A_830] : memref<128x64xf32, #tpu.memory_space<vmem>>[vector<16xi32>, vector<16xi32>], vector<16xf32>,
      %parallel_loop3A_832 = vector.broadcast %parallel_loop3A_828 : i32 to vector<16xi32>
      %parallel_loop3A_833 = arith.addi %parallel_loop3A_832, %add3A_174 : vector<16xi32>
      tpu.vector_store_idx %arg9[%parallel_loop3A_833], %parallel_loop3A_831 : memref<8192xf32, #tpu.memory_space<vmem>>[vector<16xi32>], vector<16xf32>,
      %parallel_loop3A_834 = vector.broadcast %parallel_loop3A_825 : i32 to vector<16xi32>
      %parallel_loop3A_835 = arith.addi %parallel_loop3A_834, %add3A_24 : vector<16xi32>
      %parallel_loop3A_836 = tpu.vector_load_idx %arg7[%and3A_4, %parallel_loop3A_835] : memref<128x64xf32, #tpu.memory_space<vmem>>[vector<16xi32>, vector<16xi32>], vector<16xf32>,
      %parallel_loop3A_837 = vector.broadcast %parallel_loop3A_828 : i32 to vector<16xi32>
      %parallel_loop3A_838 = arith.addi %parallel_loop3A_837, %add3A_184 : vector<16xi32>
      tpu.vector_store_idx %arg9[%parallel_loop3A_838], %parallel_loop3A_836 : memref<8192xf32, #tpu.memory_space<vmem>>[vector<16xi32>], vector<16xf32>,
      %parallel_loop3A_839 = vector.broadcast %parallel_loop3A_825 : i32 to vector<16xi32>
      %parallel_loop3A_840 = arith.addi %parallel_loop3A_839, %add3A_34 : vector<16xi32>
      %parallel_loop3A_841 = tpu.vector_load_idx %arg7[%and3A_4, %parallel_loop3A_840] : memref<128x64xf32, #tpu.memory_space<vmem>>[vector<16xi32>, vector<16xi32>], vector<16xf32>,
      %parallel_loop3A_842 = vector.broadcast %parallel_loop3A_828 : i32 to vector<16xi32>
      %parallel_loop3A_843 = arith.addi %parallel_loop3A_842, %add3A_194 : vector<16xi32>
      tpu.vector_store_idx %arg9[%parallel_loop3A_843], %parallel_loop3A_841 : memref<8192xf32, #tpu.memory_space<vmem>>[vector<16xi32>], vector<16xf32>,
      %parallel_loop3A_844 = vector.broadcast %parallel_loop3A_825 : i32 to vector<16xi32>
      %parallel_loop3A_845 = arith.addi %parallel_loop3A_844, %add3A_44 : vector<16xi32>
      %parallel_loop3A_846 = tpu.vector_load_idx %arg7[%and3A_4, %parallel_loop3A_845] : memref<128x64xf32, #tpu.memory_space<vmem>>[vector<16xi32>, vector<16xi32>], vector<16xf32>,
      %parallel_loop3A_847 = vector.broadcast %parallel_loop3A_828 : i32 to vector<16xi32>
      %parallel_loop3A_848 = arith.addi %parallel_loop3A_847, %add3A_204 : vector<16xi32>
      tpu.vector_store_idx %arg9[%parallel_loop3A_848], %parallel_loop3A_846 : memref<8192xf32, #tpu.memory_space<vmem>>[vector<16xi32>], vector<16xf32>,
      %parallel_loop3A_849 = vector.broadcast %parallel_loop3A_825 : i32 to vector<16xi32>
      %parallel_loop3A_850 = arith.addi %parallel_loop3A_849, %add3A_54 : vector<16xi32>
      %parallel_loop3A_851 = tpu.vector_load_idx %arg7[%and3A_4, %parallel_loop3A_850] : memref<128x64xf32, #tpu.memory_space<vmem>>[vector<16xi32>, vector<16xi32>], vector<16xf32>,
      %parallel_loop3A_852 = vector.broadcast %parallel_loop3A_828 : i32 to vector<16xi32>
      %parallel_loop3A_853 = arith.addi %parallel_loop3A_852, %add3A_214 : vector<16xi32>
      tpu.vector_store_idx %arg9[%parallel_loop3A_853], %parallel_loop3A_851 : memref<8192xf32, #tpu.memory_space<vmem>>[vector<16xi32>], vector<16xf32>,
      %parallel_loop3A_854 = vector.broadcast %parallel_loop3A_825 : i32 to vector<16xi32>
      %parallel_loop3A_855 = arith.addi %parallel_loop3A_854, %add3A_64 : vector<16xi32>
      %parallel_loop3A_856 = tpu.vector_load_idx %arg7[%and3A_4, %parallel_loop3A_855] : memref<128x64xf32, #tpu.memory_space<vmem>>[vector<16xi32>, vector<16xi32>], vector<16xf32>,
      %parallel_loop3A_857 = vector.broadcast %parallel_loop3A_828 : i32 to vector<16xi32>
      %parallel_loop3A_858 = arith.addi %parallel_loop3A_857, %add3A_224 : vector<16xi32>
      tpu.vector_store_idx %arg9[%parallel_loop3A_858], %parallel_loop3A_856 : memref<8192xf32, #tpu.memory_space<vmem>>[vector<16xi32>], vector<16xf32>,
      %parallel_loop3A_859 = vector.broadcast %parallel_loop3A_825 : i32 to vector<16xi32>
      %parallel_loop3A_860 = arith.addi %parallel_loop3A_859, %add3A_74 : vector<16xi32>
      %parallel_loop3A_861 = tpu.vector_load_idx %arg7[%and3A_4, %parallel_loop3A_860] : memref<128x64xf32, #tpu.memory_space<vmem>>[vector<16xi32>, vector<16xi32>], vector<16xf32>,
      %parallel_loop3A_862 = vector.broadcast %parallel_loop3A_828 : i32 to vector<16xi32>
      %parallel_loop3A_863 = arith.addi %parallel_loop3A_862, %add3A_234 : vector<16xi32>
      tpu.vector_store_idx %arg9[%parallel_loop3A_863], %parallel_loop3A_861 : memref<8192xf32, #tpu.memory_space<vmem>>[vector<16xi32>], vector<16xf32>,
      %parallel_loop3A_864 = vector.broadcast %parallel_loop3A_825 : i32 to vector<16xi32>
      %parallel_loop3A_865 = arith.addi %parallel_loop3A_864, %add3A_84 : vector<16xi32>
      %parallel_loop3A_866 = tpu.vector_load_idx %arg7[%and3A_4, %parallel_loop3A_865] : memref<128x64xf32, #tpu.memory_space<vmem>>[vector<16xi32>, vector<16xi32>], vector<16xf32>,
      %parallel_loop3A_867 = vector.broadcast %parallel_loop3A_828 : i32 to vector<16xi32>
      %parallel_loop3A_868 = arith.addi %parallel_loop3A_867, %add3A_244 : vector<16xi32>
      tpu.vector_store_idx %arg9[%parallel_loop3A_868], %parallel_loop3A_866 : memref<8192xf32, #tpu.memory_space<vmem>>[vector<16xi32>], vector<16xf32>,
      %parallel_loop3A_869 = vector.broadcast %parallel_loop3A_825 : i32 to vector<16xi32>
      %parallel_loop3A_870 = arith.addi %parallel_loop3A_869, %add3A_94 : vector<16xi32>
      %parallel_loop3A_871 = tpu.vector_load_idx %arg7[%and3A_4, %parallel_loop3A_870] : memref<128x64xf32, #tpu.memory_space<vmem>>[vector<16xi32>, vector<16xi32>], vector<16xf32>,
      %parallel_loop3A_872 = vector.broadcast %parallel_loop3A_828 : i32 to vector<16xi32>
      %parallel_loop3A_873 = arith.addi %parallel_loop3A_872, %add3A_254 : vector<16xi32>
      tpu.vector_store_idx %arg9[%parallel_loop3A_873], %parallel_loop3A_871 : memref<8192xf32, #tpu.memory_space<vmem>>[vector<16xi32>], vector<16xf32>,
      %parallel_loop3A_874 = vector.broadcast %parallel_loop3A_825 : i32 to vector<16xi32>
      %parallel_loop3A_875 = arith.addi %parallel_loop3A_874, %add3A_104 : vector<16xi32>
      %parallel_loop3A_876 = tpu.vector_load_idx %arg7[%and3A_4, %parallel_loop3A_875] : memref<128x64xf32, #tpu.memory_space<vmem>>[vector<16xi32>, vector<16xi32>], vector<16xf32>,
      %parallel_loop3A_877 = vector.broadcast %parallel_loop3A_828 : i32 to vector<16xi32>
      %parallel_loop3A_878 = arith.addi %parallel_loop3A_877, %add3A_264 : vector<16xi32>
      tpu.vector_store_idx %arg9[%parallel_loop3A_878], %parallel_loop3A_876 : memref<8192xf32, #tpu.memory_space<vmem>>[vector<16xi32>], vector<16xf32>,
      %parallel_loop3A_879 = vector.broadcast %parallel_loop3A_825 : i32 to vector<16xi32>
      %parallel_loop3A_880 = arith.addi %parallel_loop3A_879, %add3A_114 : vector<16xi32>
      %parallel_loop3A_881 = tpu.vector_load_idx %arg7[%and3A_4, %parallel_loop3A_880] : memref<128x64xf32, #tpu.memory_space<vmem>>[vector<16xi32>, vector<16xi32>], vector<16xf32>,
      %parallel_loop3A_882 = vector.broadcast %parallel_loop3A_828 : i32 to vector<16xi32>
      %parallel_loop3A_883 = arith.addi %parallel_loop3A_882, %add3A_274 : vector<16xi32>
      tpu.vector_store_idx %arg9[%parallel_loop3A_883], %parallel_loop3A_881 : memref<8192xf32, #tpu.memory_space<vmem>>[vector<16xi32>], vector<16xf32>,
      %parallel_loop3A_884 = vector.broadcast %parallel_loop3A_825 : i32 to vector<16xi32>
      %parallel_loop3A_885 = arith.addi %parallel_loop3A_884, %add3A_124 : vector<16xi32>
      %parallel_loop3A_886 = tpu.vector_load_idx %arg7[%and3A_4, %parallel_loop3A_885] : memref<128x64xf32, #tpu.memory_space<vmem>>[vector<16xi32>, vector<16xi32>], vector<16xf32>,
      %parallel_loop3A_887 = vector.broadcast %parallel_loop3A_828 : i32 to vector<16xi32>
      %parallel_loop3A_888 = arith.addi %parallel_loop3A_887, %add3A_284 : vector<16xi32>
      tpu.vector_store_idx %arg9[%parallel_loop3A_888], %parallel_loop3A_886 : memref<8192xf32, #tpu.memory_space<vmem>>[vector<16xi32>], vector<16xf32>,
      %parallel_loop3A_889 = vector.broadcast %parallel_loop3A_825 : i32 to vector<16xi32>
      %parallel_loop3A_890 = arith.addi %parallel_loop3A_889, %add3A_134 : vector<16xi32>
      %parallel_loop3A_891 = tpu.vector_load_idx %arg7[%and3A_4, %parallel_loop3A_890] : memref<128x64xf32, #tpu.memory_space<vmem>>[vector<16xi32>, vector<16xi32>], vector<16xf32>,
      %parallel_loop3A_892 = vector.broadcast %parallel_loop3A_828 : i32 to vector<16xi32>
      %parallel_loop3A_893 = arith.addi %parallel_loop3A_892, %add3A_294 : vector<16xi32>
      tpu.vector_store_idx %arg9[%parallel_loop3A_893], %parallel_loop3A_891 : memref<8192xf32, #tpu.memory_space<vmem>>[vector<16xi32>], vector<16xf32>,
      %parallel_loop3A_894 = vector.broadcast %parallel_loop3A_825 : i32 to vector<16xi32>
      %parallel_loop3A_895 = arith.addi %parallel_loop3A_894, %add3A_144 : vector<16xi32>
      %parallel_loop3A_896 = tpu.vector_load_idx %arg7[%and3A_4, %parallel_loop3A_895] : memref<128x64xf32, #tpu.memory_space<vmem>>[vector<16xi32>, vector<16xi32>], vector<16xf32>,
      %parallel_loop3A_897 = vector.broadcast %parallel_loop3A_828 : i32 to vector<16xi32>
      %parallel_loop3A_898 = arith.addi %parallel_loop3A_897, %add3A_304 : vector<16xi32>
      tpu.vector_store_idx %arg9[%parallel_loop3A_898], %parallel_loop3A_896 : memref<8192xf32, #tpu.memory_space<vmem>>[vector<16xi32>], vector<16xf32>,
      %parallel_loop3A_899 = vector.broadcast %parallel_loop3A_825 : i32 to vector<16xi32>
      %parallel_loop3A_900 = arith.addi %parallel_loop3A_899, %add3A_154 : vector<16xi32>
      %parallel_loop3A_901 = tpu.vector_load_idx %arg7[%and3A_4, %parallel_loop3A_900] : memref<128x64xf32, #tpu.memory_space<vmem>>[vector<16xi32>, vector<16xi32>], vector<16xf32>,
      %parallel_loop3A_902 = vector.broadcast %parallel_loop3A_828 : i32 to vector<16xi32>
      %parallel_loop3A_903 = arith.addi %parallel_loop3A_902, %add3A_314 : vector<16xi32>
      tpu.vector_store_idx %arg9[%parallel_loop3A_903], %parallel_loop3A_901 : memref<8192xf32, #tpu.memory_space<vmem>>[vector<16xi32>], vector<16xf32>,
      %parallel_loop3A_904 = vector.broadcast %parallel_loop3A_825 : i32 to vector<16xi32>
      %parallel_loop3A_905 = arith.addi %parallel_loop3A_904, %add3A_164 : vector<16xi32>
      %parallel_loop3A_906 = tpu.vector_load_idx %arg7[%and3A_4, %parallel_loop3A_905] : memref<128x64xf32, #tpu.memory_space<vmem>>[vector<16xi32>, vector<16xi32>], vector<16xf32>,
      %parallel_loop3A_907 = vector.broadcast %parallel_loop3A_828 : i32 to vector<16xi32>
      %parallel_loop3A_908 = arith.addi %parallel_loop3A_907, %add3A_324 : vector<16xi32>
      tpu.vector_store_idx %arg9[%parallel_loop3A_908], %parallel_loop3A_906 : memref<8192xf32, #tpu.memory_space<vmem>>[vector<16xi32>], vector<16xf32>,
    } {sc.loop_unroll_factor = 2 : i64, sc.parallel_access}
    %add3A_474 = arith.constant 200 : i32
    %add3A_475 = arith.addi %mul3A_2, %add3A_474 : i32
    %sub3A_476 = arith.constant 1 : i32
    %sub3A_477 = arith.subi %add3A_475, %sub3A_476 : i32
    %jit3A_478 = arith.constant 128 : i32
    %div3A_479 = arith.divsi %sub3A_477, %jit3A_478 : i32
    %sign3A_480 = arith.constant 0 : i32
    %sign3A_481 = arith.cmpi sgt, %sub3A_477, %sign3A_480 : i32
    %sign3A_482 = arith.extui %sign3A_481 : i1 to i32
    %sign3A_483 = arith.constant 0 : i32
    %sign3A_484 = arith.cmpi slt, %sub3A_477, %sign3A_483 : i32
    %sign3A_485 = arith.extui %sign3A_484 : i1 to i32
    %sign3A_486 = arith.subi %sign3A_482, %sign3A_485 : i32
    %sign3A_487 = arith.constant 0 : i32
    %sign3A_488 = arith.cmpi sgt, %jit3A_478, %sign3A_487 : i32
    %sign3A_489 = arith.extui %sign3A_488 : i1 to i32
    %sign3A_490 = arith.constant 0 : i32
    %sign3A_491 = arith.cmpi slt, %jit3A_478, %sign3A_490 : i32
    %sign3A_492 = arith.extui %sign3A_491 : i1 to i32
    %sign3A_493 = arith.subi %sign3A_489, %sign3A_492 : i32
    %ne3A_494 = arith.cmpi ne, %sign3A_486, %sign3A_493 : i32
    %rem3A_495 = arith.remsi %sub3A_477, %jit3A_478 : i32
    %ne3A_496 = arith.constant 0 : i32
    %ne3A_497 = arith.cmpi ne, %rem3A_495, %ne3A_496 : i32
    %and3A_498 = arith.andi %ne3A_494, %ne3A_497 : i1
    %sub3A_499 = arith.constant 1 : i32
    %sub3A_500 = arith.subi %div3A_479, %sub3A_499 : i32
    %select_n3A_501 = arith.select %and3A_498, %sub3A_500, %div3A_479 : i32
    %jit3A_502 = arith.constant 128 : i32
    %eq3A_503 = arith.constant 0 : i32
    %eq3A_504 = arith.cmpi eq, %jit3A_502, %eq3A_503 : i32
    %jit3A_505 = arith.constant 1 : i32
    %select_n3A_506 = arith.select %eq3A_504, %jit3A_505, %jit3A_502 : i32
    %rem3A_507 = arith.remsi %sub3A_477, %select_n3A_506 : i32
    %ne3A_508 = arith.constant 0 : i32
    %ne3A_509 = arith.cmpi ne, %rem3A_507, %ne3A_508 : i32
    %lt3A_510 = arith.constant 0 : i32
    %lt3A_511 = arith.cmpi slt, %rem3A_507, %lt3A_510 : i32
    %lt3A_512 = arith.constant 0 : i32
    %lt3A_513 = arith.cmpi slt, %select_n3A_506, %lt3A_512 : i32
    %ne3A_514 = arith.xori %lt3A_511, %lt3A_513 : i1
    %and3A_515 = arith.andi %ne3A_514, %ne3A_509 : i1
    %add3A_516 = arith.addi %rem3A_507, %select_n3A_506 : i32
    %select_n3A_517 = arith.select %and3A_515, %add3A_516, %rem3A_507 : i32
    %dma_start3A_518 = arith.constant 0 : i32
    %dma_start3A_519 = arith.constant 0 : i32
    %dma_start3A_520 = tpu.memref_slice %arg9[%dma_start3A_519] : memref<8192xf32, #tpu.memory_space<vmem>> -> memref<1024xf32, #tpu.memory_space<vmem>>
    %dma_start3A_521 = arith.constant 0 : i32
    %dma_start3A_522 = tpu.memref_slice %arg4[%select_n3A_501, %dma_start3A_518, %select_n3A_517, %dma_start3A_521] : memref<50x8x128x1024xf32, #tpu.memory_space<hbm>> -> memref<1x1x1x1024xf32, #tpu.memory_space<hbm>>
    %dma_start3A_523 = tpu.memref_squeeze %dma_start3A_522 : memref<1x1x1x1024xf32, #tpu.memory_space<hbm>> -> memref<1024xf32, #tpu.memory_space<hbm>>
    %dma_start3A_524 = arith.constant 0 : i32
    %dma_start3A_525 = tpu.memref_slice %arg4[%select_n3A_501, %dma_start3A_518, %select_n3A_517, %dma_start3A_524] : memref<50x8x128x1024xf32, #tpu.memory_space<hbm>> -> memref<1x1x1x1024xf32, #tpu.memory_space<hbm>>
    %dma_start3A_526 = tpu.memref_squeeze %dma_start3A_525 : memref<1x1x1x1024xf32, #tpu.memory_space<hbm>> -> memref<1024xf32, #tpu.memory_space<hbm>>
    %dma_start3A_527 = arith.constant 0 : i32
    %dma_start3A_528 = tpu.memref_slice %arg9[%dma_start3A_527] : memref<8192xf32, #tpu.memory_space<vmem>> -> memref<1024xf32, #tpu.memory_space<vmem>>
    tpu.enqueue_dma source(%dma_start3A_528 : memref<1024xf32, #tpu.memory_space<vmem>>) target(%dma_start3A_526 : memref<1024xf32, #tpu.memory_space<hbm>>) target_semaphore(%arg13 : memref<!tpu.dma_semaphore, #tpu.memory_space<semaphore_mem>>)
    %dma_start3A_529 = arith.constant 1 : i32
    %dma_start3A_530 = arith.constant 1024 : i32
    %dma_start3A_531 = tpu.memref_slice %arg9[%dma_start3A_530] : memref<8192xf32, #tpu.memory_space<vmem>> -> memref<1024xf32, #tpu.memory_space<vmem>>
    %dma_start3A_532 = arith.constant 0 : i32
    %dma_start3A_533 = tpu.memref_slice %arg4[%select_n3A_501, %dma_start3A_529, %select_n3A_517, %dma_start3A_532] : memref<50x8x128x1024xf32, #tpu.memory_space<hbm>> -> memref<1x1x1x1024xf32, #tpu.memory_space<hbm>>
    %dma_start3A_534 = tpu.memref_squeeze %dma_start3A_533 : memref<1x1x1x1024xf32, #tpu.memory_space<hbm>> -> memref<1024xf32, #tpu.memory_space<hbm>>
    %dma_start3A_535 = arith.constant 0 : i32
    %dma_start3A_536 = tpu.memref_slice %arg4[%select_n3A_501, %dma_start3A_529, %select_n3A_517, %dma_start3A_535] : memref<50x8x128x1024xf32, #tpu.memory_space<hbm>> -> memref<1x1x1x1024xf32, #tpu.memory_space<hbm>>
    %dma_start3A_537 = tpu.memref_squeeze %dma_start3A_536 : memref<1x1x1x1024xf32, #tpu.memory_space<hbm>> -> memref<1024xf32, #tpu.memory_space<hbm>>
    %dma_start3A_538 = arith.constant 1024 : i32
    %dma_start3A_539 = tpu.memref_slice %arg9[%dma_start3A_538] : memref<8192xf32, #tpu.memory_space<vmem>> -> memref<1024xf32, #tpu.memory_space<vmem>>
    tpu.enqueue_dma source(%dma_start3A_539 : memref<1024xf32, #tpu.memory_space<vmem>>) target(%dma_start3A_537 : memref<1024xf32, #tpu.memory_space<hbm>>) target_semaphore(%arg13 : memref<!tpu.dma_semaphore, #tpu.memory_space<semaphore_mem>>)
    %dma_start3A_540 = arith.constant 2 : i32
    %dma_start3A_541 = arith.constant 2048 : i32
    %dma_start3A_542 = tpu.memref_slice %arg9[%dma_start3A_541] : memref<8192xf32, #tpu.memory_space<vmem>> -> memref<1024xf32, #tpu.memory_space<vmem>>
    %dma_start3A_543 = arith.constant 0 : i32
    %dma_start3A_544 = tpu.memref_slice %arg4[%select_n3A_501, %dma_start3A_540, %select_n3A_517, %dma_start3A_543] : memref<50x8x128x1024xf32, #tpu.memory_space<hbm>> -> memref<1x1x1x1024xf32, #tpu.memory_space<hbm>>
    %dma_start3A_545 = tpu.memref_squeeze %dma_start3A_544 : memref<1x1x1x1024xf32, #tpu.memory_space<hbm>> -> memref<1024xf32, #tpu.memory_space<hbm>>
    %dma_start3A_546 = arith.constant 0 : i32
    %dma_start3A_547 = tpu.memref_slice %arg4[%select_n3A_501, %dma_start3A_540, %select_n3A_517, %dma_start3A_546] : memref<50x8x128x1024xf32, #tpu.memory_space<hbm>> -> memref<1x1x1x1024xf32, #tpu.memory_space<hbm>>
    %dma_start3A_548 = tpu.memref_squeeze %dma_start3A_547 : memref<1x1x1x1024xf32, #tpu.memory_space<hbm>> -> memref<1024xf32, #tpu.memory_space<hbm>>
    %dma_start3A_549 = arith.constant 2048 : i32
    %dma_start3A_550 = tpu.memref_slice %arg9[%dma_start3A_549] : memref<8192xf32, #tpu.memory_space<vmem>> -> memref<1024xf32, #tpu.memory_space<vmem>>
    tpu.enqueue_dma source(%dma_start3A_550 : memref<1024xf32, #tpu.memory_space<vmem>>) target(%dma_start3A_548 : memref<1024xf32, #tpu.memory_space<hbm>>) target_semaphore(%arg13 : memref<!tpu.dma_semaphore, #tpu.memory_space<semaphore_mem>>)
    %dma_start3A_551 = arith.constant 3 : i32
    %dma_start3A_552 = arith.constant 3072 : i32
    %dma_start3A_553 = tpu.memref_slice %arg9[%dma_start3A_552] : memref<8192xf32, #tpu.memory_space<vmem>> -> memref<1024xf32, #tpu.memory_space<vmem>>
    %dma_start3A_554 = arith.constant 0 : i32
    %dma_start3A_555 = tpu.memref_slice %arg4[%select_n3A_501, %dma_start3A_551, %select_n3A_517, %dma_start3A_554] : memref<50x8x128x1024xf32, #tpu.memory_space<hbm>> -> memref<1x1x1x1024xf32, #tpu.memory_space<hbm>>
    %dma_start3A_556 = tpu.memref_squeeze %dma_start3A_555 : memref<1x1x1x1024xf32, #tpu.memory_space<hbm>> -> memref<1024xf32, #tpu.memory_space<hbm>>
    %dma_start3A_557 = arith.constant 0 : i32
    %dma_start3A_558 = tpu.memref_slice %arg4[%select_n3A_501, %dma_start3A_551, %select_n3A_517, %dma_start3A_557] : memref<50x8x128x1024xf32, #tpu.memory_space<hbm>> -> memref<1x1x1x1024xf32, #tpu.memory_space<hbm>>
    %dma_start3A_559 = tpu.memref_squeeze %dma_start3A_558 : memref<1x1x1x1024xf32, #tpu.memory_space<hbm>> -> memref<1024xf32, #tpu.memory_space<hbm>>
    %dma_start3A_560 = arith.constant 3072 : i32
    %dma_start3A_561 = tpu.memref_slice %arg9[%dma_start3A_560] : memref<8192xf32, #tpu.memory_space<vmem>> -> memref<1024xf32, #tpu.memory_space<vmem>>
    tpu.enqueue_dma source(%dma_start3A_561 : memref<1024xf32, #tpu.memory_space<vmem>>) target(%dma_start3A_559 : memref<1024xf32, #tpu.memory_space<hbm>>) target_semaphore(%arg13 : memref<!tpu.dma_semaphore, #tpu.memory_space<semaphore_mem>>)
    %dma_start3A_562 = arith.constant 4 : i32
    %dma_start3A_563 = arith.constant 4096 : i32
    %dma_start3A_564 = tpu.memref_slice %arg9[%dma_start3A_563] : memref<8192xf32, #tpu.memory_space<vmem>> -> memref<1024xf32, #tpu.memory_space<vmem>>
    %dma_start3A_565 = arith.constant 0 : i32
    %dma_start3A_566 = tpu.memref_slice %arg4[%select_n3A_501, %dma_start3A_562, %select_n3A_517, %dma_start3A_565] : memref<50x8x128x1024xf32, #tpu.memory_space<hbm>> -> memref<1x1x1x1024xf32, #tpu.memory_space<hbm>>
    %dma_start3A_567 = tpu.memref_squeeze %dma_start3A_566 : memref<1x1x1x1024xf32, #tpu.memory_space<hbm>> -> memref<1024xf32, #tpu.memory_space<hbm>>
    %dma_start3A_568 = arith.constant 0 : i32
    %dma_start3A_569 = tpu.memref_slice %arg4[%select_n3A_501, %dma_start3A_562, %select_n3A_517, %dma_start3A_568] : memref<50x8x128x1024xf32, #tpu.memory_space<hbm>> -> memref<1x1x1x1024xf32, #tpu.memory_space<hbm>>
    %dma_start3A_570 = tpu.memref_squeeze %dma_start3A_569 : memref<1x1x1x1024xf32, #tpu.memory_space<hbm>> -> memref<1024xf32, #tpu.memory_space<hbm>>
    %dma_start3A_571 = arith.constant 4096 : i32
    %dma_start3A_572 = tpu.memref_slice %arg9[%dma_start3A_571] : memref<8192xf32, #tpu.memory_space<vmem>> -> memref<1024xf32, #tpu.memory_space<vmem>>
    tpu.enqueue_dma source(%dma_start3A_572 : memref<1024xf32, #tpu.memory_space<vmem>>) target(%dma_start3A_570 : memref<1024xf32, #tpu.memory_space<hbm>>) target_semaphore(%arg13 : memref<!tpu.dma_semaphore, #tpu.memory_space<semaphore_mem>>)
    %dma_start3A_573 = arith.constant 5 : i32
    %dma_start3A_574 = arith.constant 5120 : i32
    %dma_start3A_575 = tpu.memref_slice %arg9[%dma_start3A_574] : memref<8192xf32, #tpu.memory_space<vmem>> -> memref<1024xf32, #tpu.memory_space<vmem>>
    %dma_start3A_576 = arith.constant 0 : i32
    %dma_start3A_577 = tpu.memref_slice %arg4[%select_n3A_501, %dma_start3A_573, %select_n3A_517, %dma_start3A_576] : memref<50x8x128x1024xf32, #tpu.memory_space<hbm>> -> memref<1x1x1x1024xf32, #tpu.memory_space<hbm>>
    %dma_start3A_578 = tpu.memref_squeeze %dma_start3A_577 : memref<1x1x1x1024xf32, #tpu.memory_space<hbm>> -> memref<1024xf32, #tpu.memory_space<hbm>>
    %dma_start3A_579 = arith.constant 0 : i32
    %dma_start3A_580 = tpu.memref_slice %arg4[%select_n3A_501, %dma_start3A_573, %select_n3A_517, %dma_start3A_579] : memref<50x8x128x1024xf32, #tpu.memory_space<hbm>> -> memref<1x1x1x1024xf32, #tpu.memory_space<hbm>>
    %dma_start3A_581 = tpu.memref_squeeze %dma_start3A_580 : memref<1x1x1x1024xf32, #tpu.memory_space<hbm>> -> memref<1024xf32, #tpu.memory_space<hbm>>
    %dma_start3A_582 = arith.constant 5120 : i32
    %dma_start3A_583 = tpu.memref_slice %arg9[%dma_start3A_582] : memref<8192xf32, #tpu.memory_space<vmem>> -> memref<1024xf32, #tpu.memory_space<vmem>>
    tpu.enqueue_dma source(%dma_start3A_583 : memref<1024xf32, #tpu.memory_space<vmem>>) target(%dma_start3A_581 : memref<1024xf32, #tpu.memory_space<hbm>>) target_semaphore(%arg13 : memref<!tpu.dma_semaphore, #tpu.memory_space<semaphore_mem>>)
    %dma_start3A_584 = arith.constant 6 : i32
    %dma_start3A_585 = arith.constant 6144 : i32
    %dma_start3A_586 = tpu.memref_slice %arg9[%dma_start3A_585] : memref<8192xf32, #tpu.memory_space<vmem>> -> memref<1024xf32, #tpu.memory_space<vmem>>
    %dma_start3A_587 = arith.constant 0 : i32
    %dma_start3A_588 = tpu.memref_slice %arg4[%select_n3A_501, %dma_start3A_584, %select_n3A_517, %dma_start3A_587] : memref<50x8x128x1024xf32, #tpu.memory_space<hbm>> -> memref<1x1x1x1024xf32, #tpu.memory_space<hbm>>
    %dma_start3A_589 = tpu.memref_squeeze %dma_start3A_588 : memref<1x1x1x1024xf32, #tpu.memory_space<hbm>> -> memref<1024xf32, #tpu.memory_space<hbm>>
    %dma_start3A_590 = arith.constant 0 : i32
    %dma_start3A_591 = tpu.memref_slice %arg4[%select_n3A_501, %dma_start3A_584, %select_n3A_517, %dma_start3A_590] : memref<50x8x128x1024xf32, #tpu.memory_space<hbm>> -> memref<1x1x1x1024xf32, #tpu.memory_space<hbm>>
    %dma_start3A_592 = tpu.memref_squeeze %dma_start3A_591 : memref<1x1x1x1024xf32, #tpu.memory_space<hbm>> -> memref<1024xf32, #tpu.memory_space<hbm>>
    %dma_start3A_593 = arith.constant 6144 : i32
    %dma_start3A_594 = tpu.memref_slice %arg9[%dma_start3A_593] : memref<8192xf32, #tpu.memory_space<vmem>> -> memref<1024xf32, #tpu.memory_space<vmem>>
    tpu.enqueue_dma source(%dma_start3A_594 : memref<1024xf32, #tpu.memory_space<vmem>>) target(%dma_start3A_592 : memref<1024xf32, #tpu.memory_space<hbm>>) target_semaphore(%arg13 : memref<!tpu.dma_semaphore, #tpu.memory_space<semaphore_mem>>)
    %dma_start3A_595 = arith.constant 7 : i32
    %dma_start3A_596 = arith.constant 7168 : i32
    %dma_start3A_597 = tpu.memref_slice %arg9[%dma_start3A_596] : memref<8192xf32, #tpu.memory_space<vmem>> -> memref<1024xf32, #tpu.memory_space<vmem>>
    %dma_start3A_598 = arith.constant 0 : i32
    %dma_start3A_599 = tpu.memref_slice %arg4[%select_n3A_501, %dma_start3A_595, %select_n3A_517, %dma_start3A_598] : memref<50x8x128x1024xf32, #tpu.memory_space<hbm>> -> memref<1x1x1x1024xf32, #tpu.memory_space<hbm>>
    %dma_start3A_600 = tpu.memref_squeeze %dma_start3A_599 : memref<1x1x1x1024xf32, #tpu.memory_space<hbm>> -> memref<1024xf32, #tpu.memory_space<hbm>>
    %dma_start3A_601 = arith.constant 0 : i32
    %dma_start3A_602 = tpu.memref_slice %arg4[%select_n3A_501, %dma_start3A_595, %select_n3A_517, %dma_start3A_601] : memref<50x8x128x1024xf32, #tpu.memory_space<hbm>> -> memref<1x1x1x1024xf32, #tpu.memory_space<hbm>>
    %dma_start3A_603 = tpu.memref_squeeze %dma_start3A_602 : memref<1x1x1x1024xf32, #tpu.memory_space<hbm>> -> memref<1024xf32, #tpu.memory_space<hbm>>
    %dma_start3A_604 = arith.constant 7168 : i32
    %dma_start3A_605 = tpu.memref_slice %arg9[%dma_start3A_604] : memref<8192xf32, #tpu.memory_space<vmem>> -> memref<1024xf32, #tpu.memory_space<vmem>>
    tpu.enqueue_dma source(%dma_start3A_605 : memref<1024xf32, #tpu.memory_space<vmem>>) target(%dma_start3A_603 : memref<1024xf32, #tpu.memory_space<hbm>>) target_semaphore(%arg13 : memref<!tpu.dma_semaphore, #tpu.memory_space<semaphore_mem>>)
    %dma_wait3A_606 = arith.constant 0 : i32
    %dma_wait3A_607 = arith.constant 0 : i32
    %dma_wait3A_608 = arith.constant 0 : i32
    %dma_wait3A_609 = arith.constant 0 : i32
    %dma_wait3A_610 = tpu.memref_slice %arg8[%dma_wait3A_609] : memref<8192xf32, #tpu.memory_space<vmem>> -> memref<1024xf32, #tpu.memory_space<vmem>>
    %dma_wait3A_611 = arith.constant 0 : i32
    %dma_wait3A_612 = tpu.memref_slice %arg4[%dma_wait3A_606, %dma_wait3A_607, %dma_wait3A_608, %dma_wait3A_611] : memref<50x8x128x1024xf32, #tpu.memory_space<hbm>> -> memref<1x1x1x1024xf32, #tpu.memory_space<hbm>>
    %dma_wait3A_613 = tpu.memref_squeeze %dma_wait3A_612 : memref<1x1x1x1024xf32, #tpu.memory_space<hbm>> -> memref<1024xf32, #tpu.memory_space<hbm>>
    %dma_wait3A_614 = arith.constant 0 : i32
    %dma_wait3A_615 = tpu.memref_slice %arg4[%dma_wait3A_606, %dma_wait3A_607, %dma_wait3A_608, %dma_wait3A_614] : memref<50x8x128x1024xf32, #tpu.memory_space<hbm>> -> memref<1x1x1x1024xf32, #tpu.memory_space<hbm>>
    %dma_wait3A_616 = tpu.memref_squeeze %dma_wait3A_615 : memref<1x1x1x1024xf32, #tpu.memory_space<hbm>> -> memref<1024xf32, #tpu.memory_space<hbm>>
    %dma_wait3A_617 = arith.constant 0 : i32
    %dma_wait3A_618 = tpu.memref_slice %arg8[%dma_wait3A_617] : memref<8192xf32, #tpu.memory_space<vmem>> -> memref<1024xf32, #tpu.memory_space<vmem>>
    tpu.wait_dma2 semaphore(%arg12 : memref<!tpu.dma_semaphore, #tpu.memory_space<semaphore_mem>>) src(%dma_wait3A_618 : memref<1024xf32, #tpu.memory_space<vmem>>) dst(%dma_wait3A_616 : memref<1024xf32, #tpu.memory_space<hbm>>)
    %dma_wait3A_619 = arith.constant 0 : i32
    %dma_wait3A_620 = arith.constant 1 : i32
    %dma_wait3A_621 = arith.constant 0 : i32
    %dma_wait3A_622 = arith.constant 1024 : i32
    %dma_wait3A_623 = tpu.memref_slice %arg8[%dma_wait3A_622] : memref<8192xf32, #tpu.memory_space<vmem>> -> memref<1024xf32, #tpu.memory_space<vmem>>
    %dma_wait3A_624 = arith.constant 0 : i32
    %dma_wait3A_625 = tpu.memref_slice %arg4[%dma_wait3A_619, %dma_wait3A_620, %dma_wait3A_621, %dma_wait3A_624] : memref<50x8x128x1024xf32, #tpu.memory_space<hbm>> -> memref<1x1x1x1024xf32, #tpu.memory_space<hbm>>
    %dma_wait3A_626 = tpu.memref_squeeze %dma_wait3A_625 : memref<1x1x1x1024xf32, #tpu.memory_space<hbm>> -> memref<1024xf32, #tpu.memory_space<hbm>>
    %dma_wait3A_627 = arith.constant 0 : i32
    %dma_wait3A_628 = tpu.memref_slice %arg4[%dma_wait3A_619, %dma_wait3A_620, %dma_wait3A_621, %dma_wait3A_627] : memref<50x8x128x1024xf32, #tpu.memory_space<hbm>> -> memref<1x1x1x1024xf32, #tpu.memory_space<hbm>>
    %dma_wait3A_629 = tpu.memref_squeeze %dma_wait3A_628 : memref<1x1x1x1024xf32, #tpu.memory_space<hbm>> -> memref<1024xf32, #tpu.memory_space<hbm>>
    %dma_wait3A_630 = arith.constant 1024 : i32
    %dma_wait3A_631 = tpu.memref_slice %arg8[%dma_wait3A_630] : memref<8192xf32, #tpu.memory_space<vmem>> -> memref<1024xf32, #tpu.memory_space<vmem>>
    tpu.wait_dma2 semaphore(%arg12 : memref<!tpu.dma_semaphore, #tpu.memory_space<semaphore_mem>>) src(%dma_wait3A_631 : memref<1024xf32, #tpu.memory_space<vmem>>) dst(%dma_wait3A_629 : memref<1024xf32, #tpu.memory_space<hbm>>)
    %dma_wait3A_632 = arith.constant 0 : i32
    %dma_wait3A_633 = arith.constant 2 : i32
    %dma_wait3A_634 = arith.constant 0 : i32
    %dma_wait3A_635 = arith.constant 2048 : i32
    %dma_wait3A_636 = tpu.memref_slice %arg8[%dma_wait3A_635] : memref<8192xf32, #tpu.memory_space<vmem>> -> memref<1024xf32, #tpu.memory_space<vmem>>
    %dma_wait3A_637 = arith.constant 0 : i32
    %dma_wait3A_638 = tpu.memref_slice %arg4[%dma_wait3A_632, %dma_wait3A_633, %dma_wait3A_634, %dma_wait3A_637] : memref<50x8x128x1024xf32, #tpu.memory_space<hbm>> -> memref<1x1x1x1024xf32, #tpu.memory_space<hbm>>
    %dma_wait3A_639 = tpu.memref_squeeze %dma_wait3A_638 : memref<1x1x1x1024xf32, #tpu.memory_space<hbm>> -> memref<1024xf32, #tpu.memory_space<hbm>>
    %dma_wait3A_640 = arith.constant 0 : i32
    %dma_wait3A_641 = tpu.memref_slice %arg4[%dma_wait3A_632, %dma_wait3A_633, %dma_wait3A_634, %dma_wait3A_640] : memref<50x8x128x1024xf32, #tpu.memory_space<hbm>> -> memref<1x1x1x1024xf32, #tpu.memory_space<hbm>>
    %dma_wait3A_642 = tpu.memref_squeeze %dma_wait3A_641 : memref<1x1x1x1024xf32, #tpu.memory_space<hbm>> -> memref<1024xf32, #tpu.memory_space<hbm>>
    %dma_wait3A_643 = arith.constant 2048 : i32
    %dma_wait3A_644 = tpu.memref_slice %arg8[%dma_wait3A_643] : memref<8192xf32, #tpu.memory_space<vmem>> -> memref<1024xf32, #tpu.memory_space<vmem>>
    tpu.wait_dma2 semaphore(%arg12 : memref<!tpu.dma_semaphore, #tpu.memory_space<semaphore_mem>>) src(%dma_wait3A_644 : memref<1024xf32, #tpu.memory_space<vmem>>) dst(%dma_wait3A_642 : memref<1024xf32, #tpu.memory_space<hbm>>)
    %dma_wait3A_645 = arith.constant 0 : i32
    %dma_wait3A_646 = arith.constant 3 : i32
    %dma_wait3A_647 = arith.constant 0 : i32
    %dma_wait3A_648 = arith.constant 3072 : i32
    %dma_wait3A_649 = tpu.memref_slice %arg8[%dma_wait3A_648] : memref<8192xf32, #tpu.memory_space<vmem>> -> memref<1024xf32, #tpu.memory_space<vmem>>
    %dma_wait3A_650 = arith.constant 0 : i32
    %dma_wait3A_651 = tpu.memref_slice %arg4[%dma_wait3A_645, %dma_wait3A_646, %dma_wait3A_647, %dma_wait3A_650] : memref<50x8x128x1024xf32, #tpu.memory_space<hbm>> -> memref<1x1x1x1024xf32, #tpu.memory_space<hbm>>
    %dma_wait3A_652 = tpu.memref_squeeze %dma_wait3A_651 : memref<1x1x1x1024xf32, #tpu.memory_space<hbm>> -> memref<1024xf32, #tpu.memory_space<hbm>>
    %dma_wait3A_653 = arith.constant 0 : i32
    %dma_wait3A_654 = tpu.memref_slice %arg4[%dma_wait3A_645, %dma_wait3A_646, %dma_wait3A_647, %dma_wait3A_653] : memref<50x8x128x1024xf32, #tpu.memory_space<hbm>> -> memref<1x1x1x1024xf32, #tpu.memory_space<hbm>>
    %dma_wait3A_655 = tpu.memref_squeeze %dma_wait3A_654 : memref<1x1x1x1024xf32, #tpu.memory_space<hbm>> -> memref<1024xf32, #tpu.memory_space<hbm>>
    %dma_wait3A_656 = arith.constant 3072 : i32
    %dma_wait3A_657 = tpu.memref_slice %arg8[%dma_wait3A_656] : memref<8192xf32, #tpu.memory_space<vmem>> -> memref<1024xf32, #tpu.memory_space<vmem>>
    tpu.wait_dma2 semaphore(%arg12 : memref<!tpu.dma_semaphore, #tpu.memory_space<semaphore_mem>>) src(%dma_wait3A_657 : memref<1024xf32, #tpu.memory_space<vmem>>) dst(%dma_wait3A_655 : memref<1024xf32, #tpu.memory_space<hbm>>)
    %dma_wait3A_658 = arith.constant 0 : i32
    %dma_wait3A_659 = arith.constant 4 : i32
    %dma_wait3A_660 = arith.constant 0 : i32
    %dma_wait3A_661 = arith.constant 4096 : i32
    %dma_wait3A_662 = tpu.memref_slice %arg8[%dma_wait3A_661] : memref<8192xf32, #tpu.memory_space<vmem>> -> memref<1024xf32, #tpu.memory_space<vmem>>
    %dma_wait3A_663 = arith.constant 0 : i32
    %dma_wait3A_664 = tpu.memref_slice %arg4[%dma_wait3A_658, %dma_wait3A_659, %dma_wait3A_660, %dma_wait3A_663] : memref<50x8x128x1024xf32, #tpu.memory_space<hbm>> -> memref<1x1x1x1024xf32, #tpu.memory_space<hbm>>
    %dma_wait3A_665 = tpu.memref_squeeze %dma_wait3A_664 : memref<1x1x1x1024xf32, #tpu.memory_space<hbm>> -> memref<1024xf32, #tpu.memory_space<hbm>>
    %dma_wait3A_666 = arith.constant 0 : i32
    %dma_wait3A_667 = tpu.memref_slice %arg4[%dma_wait3A_658, %dma_wait3A_659, %dma_wait3A_660, %dma_wait3A_666] : memref<50x8x128x1024xf32, #tpu.memory_space<hbm>> -> memref<1x1x1x1024xf32, #tpu.memory_space<hbm>>
    %dma_wait3A_668 = tpu.memref_squeeze %dma_wait3A_667 : memref<1x1x1x1024xf32, #tpu.memory_space<hbm>> -> memref<1024xf32, #tpu.memory_space<hbm>>
    %dma_wait3A_669 = arith.constant 4096 : i32
    %dma_wait3A_670 = tpu.memref_slice %arg8[%dma_wait3A_669] : memref<8192xf32, #tpu.memory_space<vmem>> -> memref<1024xf32, #tpu.memory_space<vmem>>
    tpu.wait_dma2 semaphore(%arg12 : memref<!tpu.dma_semaphore, #tpu.memory_space<semaphore_mem>>) src(%dma_wait3A_670 : memref<1024xf32, #tpu.memory_space<vmem>>) dst(%dma_wait3A_668 : memref<1024xf32, #tpu.memory_space<hbm>>)
    %dma_wait3A_671 = arith.constant 0 : i32
    %dma_wait3A_672 = arith.constant 5 : i32
    %dma_wait3A_673 = arith.constant 0 : i32
    %dma_wait3A_674 = arith.constant 5120 : i32
    %dma_wait3A_675 = tpu.memref_slice %arg8[%dma_wait3A_674] : memref<8192xf32, #tpu.memory_space<vmem>> -> memref<1024xf32, #tpu.memory_space<vmem>>
    %dma_wait3A_676 = arith.constant 0 : i32
    %dma_wait3A_677 = tpu.memref_slice %arg4[%dma_wait3A_671, %dma_wait3A_672, %dma_wait3A_673, %dma_wait3A_676] : memref<50x8x128x1024xf32, #tpu.memory_space<hbm>> -> memref<1x1x1x1024xf32, #tpu.memory_space<hbm>>
    %dma_wait3A_678 = tpu.memref_squeeze %dma_wait3A_677 : memref<1x1x1x1024xf32, #tpu.memory_space<hbm>> -> memref<1024xf32, #tpu.memory_space<hbm>>
    %dma_wait3A_679 = arith.constant 0 : i32
    %dma_wait3A_680 = tpu.memref_slice %arg4[%dma_wait3A_671, %dma_wait3A_672, %dma_wait3A_673, %dma_wait3A_679] : memref<50x8x128x1024xf32, #tpu.memory_space<hbm>> -> memref<1x1x1x1024xf32, #tpu.memory_space<hbm>>
    %dma_wait3A_681 = tpu.memref_squeeze %dma_wait3A_680 : memref<1x1x1x1024xf32, #tpu.memory_space<hbm>> -> memref<1024xf32, #tpu.memory_space<hbm>>
    %dma_wait3A_682 = arith.constant 5120 : i32
    %dma_wait3A_683 = tpu.memref_slice %arg8[%dma_wait3A_682] : memref<8192xf32, #tpu.memory_space<vmem>> -> memref<1024xf32, #tpu.memory_space<vmem>>
    tpu.wait_dma2 semaphore(%arg12 : memref<!tpu.dma_semaphore, #tpu.memory_space<semaphore_mem>>) src(%dma_wait3A_683 : memref<1024xf32, #tpu.memory_space<vmem>>) dst(%dma_wait3A_681 : memref<1024xf32, #tpu.memory_space<hbm>>)
    %dma_wait3A_684 = arith.constant 0 : i32
    %dma_wait3A_685 = arith.constant 6 : i32
    %dma_wait3A_686 = arith.constant 0 : i32
    %dma_wait3A_687 = arith.constant 6144 : i32
    %dma_wait3A_688 = tpu.memref_slice %arg8[%dma_wait3A_687] : memref<8192xf32, #tpu.memory_space<vmem>> -> memref<1024xf32, #tpu.memory_space<vmem>>
    %dma_wait3A_689 = arith.constant 0 : i32
    %dma_wait3A_690 = tpu.memref_slice %arg4[%dma_wait3A_684, %dma_wait3A_685, %dma_wait3A_686, %dma_wait3A_689] : memref<50x8x128x1024xf32, #tpu.memory_space<hbm>> -> memref<1x1x1x1024xf32, #tpu.memory_space<hbm>>
    %dma_wait3A_691 = tpu.memref_squeeze %dma_wait3A_690 : memref<1x1x1x1024xf32, #tpu.memory_space<hbm>> -> memref<1024xf32, #tpu.memory_space<hbm>>
    %dma_wait3A_692 = arith.constant 0 : i32
    %dma_wait3A_693 = tpu.memref_slice %arg4[%dma_wait3A_684, %dma_wait3A_685, %dma_wait3A_686, %dma_wait3A_692] : memref<50x8x128x1024xf32, #tpu.memory_space<hbm>> -> memref<1x1x1x1024xf32, #tpu.memory_space<hbm>>
    %dma_wait3A_694 = tpu.memref_squeeze %dma_wait3A_693 : memref<1x1x1x1024xf32, #tpu.memory_space<hbm>> -> memref<1024xf32, #tpu.memory_space<hbm>>
    %dma_wait3A_695 = arith.constant 6144 : i32
    %dma_wait3A_696 = tpu.memref_slice %arg8[%dma_wait3A_695] : memref<8192xf32, #tpu.memory_space<vmem>> -> memref<1024xf32, #tpu.memory_space<vmem>>
    tpu.wait_dma2 semaphore(%arg12 : memref<!tpu.dma_semaphore, #tpu.memory_space<semaphore_mem>>) src(%dma_wait3A_696 : memref<1024xf32, #tpu.memory_space<vmem>>) dst(%dma_wait3A_694 : memref<1024xf32, #tpu.memory_space<hbm>>)
    %dma_wait3A_697 = arith.constant 0 : i32
    %dma_wait3A_698 = arith.constant 7 : i32
    %dma_wait3A_699 = arith.constant 0 : i32
    %dma_wait3A_700 = arith.constant 7168 : i32
    %dma_wait3A_701 = tpu.memref_slice %arg8[%dma_wait3A_700] : memref<8192xf32, #tpu.memory_space<vmem>> -> memref<1024xf32, #tpu.memory_space<vmem>>
    %dma_wait3A_702 = arith.constant 0 : i32
    %dma_wait3A_703 = tpu.memref_slice %arg4[%dma_wait3A_697, %dma_wait3A_698, %dma_wait3A_699, %dma_wait3A_702] : memref<50x8x128x1024xf32, #tpu.memory_space<hbm>> -> memref<1x1x1x1024xf32, #tpu.memory_space<hbm>>
    %dma_wait3A_704 = tpu.memref_squeeze %dma_wait3A_703 : memref<1x1x1x1024xf32, #tpu.memory_space<hbm>> -> memref<1024xf32, #tpu.memory_space<hbm>>
    %dma_wait3A_705 = arith.constant 0 : i32
    %dma_wait3A_706 = tpu.memref_slice %arg4[%dma_wait3A_697, %dma_wait3A_698, %dma_wait3A_699, %dma_wait3A_705] : memref<50x8x128x1024xf32, #tpu.memory_space<hbm>> -> memref<1x1x1x1024xf32, #tpu.memory_space<hbm>>
    %dma_wait3A_707 = tpu.memref_squeeze %dma_wait3A_706 : memref<1x1x1x1024xf32, #tpu.memory_space<hbm>> -> memref<1024xf32, #tpu.memory_space<hbm>>
    %dma_wait3A_708 = arith.constant 7168 : i32
    %dma_wait3A_709 = tpu.memref_slice %arg8[%dma_wait3A_708] : memref<8192xf32, #tpu.memory_space<vmem>> -> memref<1024xf32, #tpu.memory_space<vmem>>
    tpu.wait_dma2 semaphore(%arg12 : memref<!tpu.dma_semaphore, #tpu.memory_space<semaphore_mem>>) src(%dma_wait3A_709 : memref<1024xf32, #tpu.memory_space<vmem>>) dst(%dma_wait3A_707 : memref<1024xf32, #tpu.memory_space<hbm>>)
    %dma_wait3A_710 = arith.constant 0 : i32
    %dma_wait3A_711 = arith.constant 0 : i32
    %dma_wait3A_712 = arith.constant 0 : i32
    %dma_wait3A_713 = arith.constant 0 : i32
    %dma_wait3A_714 = tpu.memref_slice %arg9[%dma_wait3A_713] : memref<8192xf32, #tpu.memory_space<vmem>> -> memref<1024xf32, #tpu.memory_space<vmem>>
    %dma_wait3A_715 = arith.constant 0 : i32
    %dma_wait3A_716 = tpu.memref_slice %arg4[%dma_wait3A_710, %dma_wait3A_711, %dma_wait3A_712, %dma_wait3A_715] : memref<50x8x128x1024xf32, #tpu.memory_space<hbm>> -> memref<1x1x1x1024xf32, #tpu.memory_space<hbm>>
    %dma_wait3A_717 = tpu.memref_squeeze %dma_wait3A_716 : memref<1x1x1x1024xf32, #tpu.memory_space<hbm>> -> memref<1024xf32, #tpu.memory_space<hbm>>
    %dma_wait3A_718 = arith.constant 0 : i32
    %dma_wait3A_719 = tpu.memref_slice %arg4[%dma_wait3A_710, %dma_wait3A_711, %dma_wait3A_712, %dma_wait3A_718] : memref<50x8x128x1024xf32, #tpu.memory_space<hbm>> -> memref<1x1x1x1024xf32, #tpu.memory_space<hbm>>
    %dma_wait3A_720 = tpu.memref_squeeze %dma_wait3A_719 : memref<1x1x1x1024xf32, #tpu.memory_space<hbm>> -> memref<1024xf32, #tpu.memory_space<hbm>>
    %dma_wait3A_721 = arith.constant 0 : i32
    %dma_wait3A_722 = tpu.memref_slice %arg9[%dma_wait3A_721] : memref<8192xf32, #tpu.memory_space<vmem>> -> memref<1024xf32, #tpu.memory_space<vmem>>
    tpu.wait_dma2 semaphore(%arg13 : memref<!tpu.dma_semaphore, #tpu.memory_space<semaphore_mem>>) src(%dma_wait3A_722 : memref<1024xf32, #tpu.memory_space<vmem>>) dst(%dma_wait3A_720 : memref<1024xf32, #tpu.memory_space<hbm>>)
    %dma_wait3A_723 = arith.constant 0 : i32
    %dma_wait3A_724 = arith.constant 1 : i32
    %dma_wait3A_725 = arith.constant 0 : i32
    %dma_wait3A_726 = arith.constant 1024 : i32
    %dma_wait3A_727 = tpu.memref_slice %arg9[%dma_wait3A_726] : memref<8192xf32, #tpu.memory_space<vmem>> -> memref<1024xf32, #tpu.memory_space<vmem>>
    %dma_wait3A_728 = arith.constant 0 : i32
    %dma_wait3A_729 = tpu.memref_slice %arg4[%dma_wait3A_723, %dma_wait3A_724, %dma_wait3A_725, %dma_wait3A_728] : memref<50x8x128x1024xf32, #tpu.memory_space<hbm>> -> memref<1x1x1x1024xf32, #tpu.memory_space<hbm>>
    %dma_wait3A_730 = tpu.memref_squeeze %dma_wait3A_729 : memref<1x1x1x1024xf32, #tpu.memory_space<hbm>> -> memref<1024xf32, #tpu.memory_space<hbm>>
    %dma_wait3A_731 = arith.constant 0 : i32
    %dma_wait3A_732 = tpu.memref_slice %arg4[%dma_wait3A_723, %dma_wait3A_724, %dma_wait3A_725, %dma_wait3A_731] : memref<50x8x128x1024xf32, #tpu.memory_space<hbm>> -> memref<1x1x1x1024xf32, #tpu.memory_space<hbm>>
    %dma_wait3A_733 = tpu.memref_squeeze %dma_wait3A_732 : memref<1x1x1x1024xf32, #tpu.memory_space<hbm>> -> memref<1024xf32, #tpu.memory_space<hbm>>
    %dma_wait3A_734 = arith.constant 1024 : i32
    %dma_wait3A_735 = tpu.memref_slice %arg9[%dma_wait3A_734] : memref<8192xf32, #tpu.memory_space<vmem>> -> memref<1024xf32, #tpu.memory_space<vmem>>
    tpu.wait_dma2 semaphore(%arg13 : memref<!tpu.dma_semaphore, #tpu.memory_space<semaphore_mem>>) src(%dma_wait3A_735 : memref<1024xf32, #tpu.memory_space<vmem>>) dst(%dma_wait3A_733 : memref<1024xf32, #tpu.memory_space<hbm>>)
    %dma_wait3A_736 = arith.constant 0 : i32
    %dma_wait3A_737 = arith.constant 2 : i32
    %dma_wait3A_738 = arith.constant 0 : i32
    %dma_wait3A_739 = arith.constant 2048 : i32
    %dma_wait3A_740 = tpu.memref_slice %arg9[%dma_wait3A_739] : memref<8192xf32, #tpu.memory_space<vmem>> -> memref<1024xf32, #tpu.memory_space<vmem>>
    %dma_wait3A_741 = arith.constant 0 : i32
    %dma_wait3A_742 = tpu.memref_slice %arg4[%dma_wait3A_736, %dma_wait3A_737, %dma_wait3A_738, %dma_wait3A_741] : memref<50x8x128x1024xf32, #tpu.memory_space<hbm>> -> memref<1x1x1x1024xf32, #tpu.memory_space<hbm>>
    %dma_wait3A_743 = tpu.memref_squeeze %dma_wait3A_742 : memref<1x1x1x1024xf32, #tpu.memory_space<hbm>> -> memref<1024xf32, #tpu.memory_space<hbm>>
    %dma_wait3A_744 = arith.constant 0 : i32
    %dma_wait3A_745 = tpu.memref_slice %arg4[%dma_wait3A_736, %dma_wait3A_737, %dma_wait3A_738, %dma_wait3A_744] : memref<50x8x128x1024xf32, #tpu.memory_space<hbm>> -> memref<1x1x1x1024xf32, #tpu.memory_space<hbm>>
    %dma_wait3A_746 = tpu.memref_squeeze %dma_wait3A_745 : memref<1x1x1x1024xf32, #tpu.memory_space<hbm>> -> memref<1024xf32, #tpu.memory_space<hbm>>
    %dma_wait3A_747 = arith.constant 2048 : i32
    %dma_wait3A_748 = tpu.memref_slice %arg9[%dma_wait3A_747] : memref<8192xf32, #tpu.memory_space<vmem>> -> memref<1024xf32, #tpu.memory_space<vmem>>
    tpu.wait_dma2 semaphore(%arg13 : memref<!tpu.dma_semaphore, #tpu.memory_space<semaphore_mem>>) src(%dma_wait3A_748 : memref<1024xf32, #tpu.memory_space<vmem>>) dst(%dma_wait3A_746 : memref<1024xf32, #tpu.memory_space<hbm>>)
    %dma_wait3A_749 = arith.constant 0 : i32
    %dma_wait3A_750 = arith.constant 3 : i32
    %dma_wait3A_751 = arith.constant 0 : i32
    %dma_wait3A_752 = arith.constant 3072 : i32
    %dma_wait3A_753 = tpu.memref_slice %arg9[%dma_wait3A_752] : memref<8192xf32, #tpu.memory_space<vmem>> -> memref<1024xf32, #tpu.memory_space<vmem>>
    %dma_wait3A_754 = arith.constant 0 : i32
    %dma_wait3A_755 = tpu.memref_slice %arg4[%dma_wait3A_749, %dma_wait3A_750, %dma_wait3A_751, %dma_wait3A_754] : memref<50x8x128x1024xf32, #tpu.memory_space<hbm>> -> memref<1x1x1x1024xf32, #tpu.memory_space<hbm>>
    %dma_wait3A_756 = tpu.memref_squeeze %dma_wait3A_755 : memref<1x1x1x1024xf32, #tpu.memory_space<hbm>> -> memref<1024xf32, #tpu.memory_space<hbm>>
    %dma_wait3A_757 = arith.constant 0 : i32
    %dma_wait3A_758 = tpu.memref_slice %arg4[%dma_wait3A_749, %dma_wait3A_750, %dma_wait3A_751, %dma_wait3A_757] : memref<50x8x128x1024xf32, #tpu.memory_space<hbm>> -> memref<1x1x1x1024xf32, #tpu.memory_space<hbm>>
    %dma_wait3A_759 = tpu.memref_squeeze %dma_wait3A_758 : memref<1x1x1x1024xf32, #tpu.memory_space<hbm>> -> memref<1024xf32, #tpu.memory_space<hbm>>
    %dma_wait3A_760 = arith.constant 3072 : i32
    %dma_wait3A_761 = tpu.memref_slice %arg9[%dma_wait3A_760] : memref<8192xf32, #tpu.memory_space<vmem>> -> memref<1024xf32, #tpu.memory_space<vmem>>
    tpu.wait_dma2 semaphore(%arg13 : memref<!tpu.dma_semaphore, #tpu.memory_space<semaphore_mem>>) src(%dma_wait3A_761 : memref<1024xf32, #tpu.memory_space<vmem>>) dst(%dma_wait3A_759 : memref<1024xf32, #tpu.memory_space<hbm>>)
    %dma_wait3A_762 = arith.constant 0 : i32
    %dma_wait3A_763 = arith.constant 4 : i32
    %dma_wait3A_764 = arith.constant 0 : i32
    %dma_wait3A_765 = arith.constant 4096 : i32
    %dma_wait3A_766 = tpu.memref_slice %arg9[%dma_wait3A_765] : memref<8192xf32, #tpu.memory_space<vmem>> -> memref<1024xf32, #tpu.memory_space<vmem>>
    %dma_wait3A_767 = arith.constant 0 : i32
    %dma_wait3A_768 = tpu.memref_slice %arg4[%dma_wait3A_762, %dma_wait3A_763, %dma_wait3A_764, %dma_wait3A_767] : memref<50x8x128x1024xf32, #tpu.memory_space<hbm>> -> memref<1x1x1x1024xf32, #tpu.memory_space<hbm>>
    %dma_wait3A_769 = tpu.memref_squeeze %dma_wait3A_768 : memref<1x1x1x1024xf32, #tpu.memory_space<hbm>> -> memref<1024xf32, #tpu.memory_space<hbm>>
    %dma_wait3A_770 = arith.constant 0 : i32
    %dma_wait3A_771 = tpu.memref_slice %arg4[%dma_wait3A_762, %dma_wait3A_763, %dma_wait3A_764, %dma_wait3A_770] : memref<50x8x128x1024xf32, #tpu.memory_space<hbm>> -> memref<1x1x1x1024xf32, #tpu.memory_space<hbm>>
    %dma_wait3A_772 = tpu.memref_squeeze %dma_wait3A_771 : memref<1x1x1x1024xf32, #tpu.memory_space<hbm>> -> memref<1024xf32, #tpu.memory_space<hbm>>
    %dma_wait3A_773 = arith.constant 4096 : i32
    %dma_wait3A_774 = tpu.memref_slice %arg9[%dma_wait3A_773] : memref<8192xf32, #tpu.memory_space<vmem>> -> memref<1024xf32, #tpu.memory_space<vmem>>
    tpu.wait_dma2 semaphore(%arg13 : memref<!tpu.dma_semaphore, #tpu.memory_space<semaphore_mem>>) src(%dma_wait3A_774 : memref<1024xf32, #tpu.memory_space<vmem>>) dst(%dma_wait3A_772 : memref<1024xf32, #tpu.memory_space<hbm>>)
    %dma_wait3A_775 = arith.constant 0 : i32
    %dma_wait3A_776 = arith.constant 5 : i32
    %dma_wait3A_777 = arith.constant 0 : i32
    %dma_wait3A_778 = arith.constant 5120 : i32
    %dma_wait3A_779 = tpu.memref_slice %arg9[%dma_wait3A_778] : memref<8192xf32, #tpu.memory_space<vmem>> -> memref<1024xf32, #tpu.memory_space<vmem>>
    %dma_wait3A_780 = arith.constant 0 : i32
    %dma_wait3A_781 = tpu.memref_slice %arg4[%dma_wait3A_775, %dma_wait3A_776, %dma_wait3A_777, %dma_wait3A_780] : memref<50x8x128x1024xf32, #tpu.memory_space<hbm>> -> memref<1x1x1x1024xf32, #tpu.memory_space<hbm>>
    %dma_wait3A_782 = tpu.memref_squeeze %dma_wait3A_781 : memref<1x1x1x1024xf32, #tpu.memory_space<hbm>> -> memref<1024xf32, #tpu.memory_space<hbm>>
    %dma_wait3A_783 = arith.constant 0 : i32
    %dma_wait3A_784 = tpu.memref_slice %arg4[%dma_wait3A_775, %dma_wait3A_776, %dma_wait3A_777, %dma_wait3A_783] : memref<50x8x128x1024xf32, #tpu.memory_space<hbm>> -> memref<1x1x1x1024xf32, #tpu.memory_space<hbm>>
    %dma_wait3A_785 = tpu.memref_squeeze %dma_wait3A_784 : memref<1x1x1x1024xf32, #tpu.memory_space<hbm>> -> memref<1024xf32, #tpu.memory_space<hbm>>
    %dma_wait3A_786 = arith.constant 5120 : i32
    %dma_wait3A_787 = tpu.memref_slice %arg9[%dma_wait3A_786] : memref<8192xf32, #tpu.memory_space<vmem>> -> memref<1024xf32, #tpu.memory_space<vmem>>
    tpu.wait_dma2 semaphore(%arg13 : memref<!tpu.dma_semaphore, #tpu.memory_space<semaphore_mem>>) src(%dma_wait3A_787 : memref<1024xf32, #tpu.memory_space<vmem>>) dst(%dma_wait3A_785 : memref<1024xf32, #tpu.memory_space<hbm>>)
    %dma_wait3A_788 = arith.constant 0 : i32
    %dma_wait3A_789 = arith.constant 6 : i32
    %dma_wait3A_790 = arith.constant 0 : i32
    %dma_wait3A_791 = arith.constant 6144 : i32
    %dma_wait3A_792 = tpu.memref_slice %arg9[%dma_wait3A_791] : memref<8192xf32, #tpu.memory_space<vmem>> -> memref<1024xf32, #tpu.memory_space<vmem>>
    %dma_wait3A_793 = arith.constant 0 : i32
    %dma_wait3A_794 = tpu.memref_slice %arg4[%dma_wait3A_788, %dma_wait3A_789, %dma_wait3A_790, %dma_wait3A_793] : memref<50x8x128x1024xf32, #tpu.memory_space<hbm>> -> memref<1x1x1x1024xf32, #tpu.memory_space<hbm>>
    %dma_wait3A_795 = tpu.memref_squeeze %dma_wait3A_794 : memref<1x1x1x1024xf32, #tpu.memory_space<hbm>> -> memref<1024xf32, #tpu.memory_space<hbm>>
    %dma_wait3A_796 = arith.constant 0 : i32
    %dma_wait3A_797 = tpu.memref_slice %arg4[%dma_wait3A_788, %dma_wait3A_789, %dma_wait3A_790, %dma_wait3A_796] : memref<50x8x128x1024xf32, #tpu.memory_space<hbm>> -> memref<1x1x1x1024xf32, #tpu.memory_space<hbm>>
    %dma_wait3A_798 = tpu.memref_squeeze %dma_wait3A_797 : memref<1x1x1x1024xf32, #tpu.memory_space<hbm>> -> memref<1024xf32, #tpu.memory_space<hbm>>
    %dma_wait3A_799 = arith.constant 6144 : i32
    %dma_wait3A_800 = tpu.memref_slice %arg9[%dma_wait3A_799] : memref<8192xf32, #tpu.memory_space<vmem>> -> memref<1024xf32, #tpu.memory_space<vmem>>
    tpu.wait_dma2 semaphore(%arg13 : memref<!tpu.dma_semaphore, #tpu.memory_space<semaphore_mem>>) src(%dma_wait3A_800 : memref<1024xf32, #tpu.memory_space<vmem>>) dst(%dma_wait3A_798 : memref<1024xf32, #tpu.memory_space<hbm>>)
    %dma_wait3A_801 = arith.constant 0 : i32
    %dma_wait3A_802 = arith.constant 7 : i32
    %dma_wait3A_803 = arith.constant 0 : i32
    %dma_wait3A_804 = arith.constant 7168 : i32
    %dma_wait3A_805 = tpu.memref_slice %arg9[%dma_wait3A_804] : memref<8192xf32, #tpu.memory_space<vmem>> -> memref<1024xf32, #tpu.memory_space<vmem>>
    %dma_wait3A_806 = arith.constant 0 : i32
    %dma_wait3A_807 = tpu.memref_slice %arg4[%dma_wait3A_801, %dma_wait3A_802, %dma_wait3A_803, %dma_wait3A_806] : memref<50x8x128x1024xf32, #tpu.memory_space<hbm>> -> memref<1x1x1x1024xf32, #tpu.memory_space<hbm>>
    %dma_wait3A_808 = tpu.memref_squeeze %dma_wait3A_807 : memref<1x1x1x1024xf32, #tpu.memory_space<hbm>> -> memref<1024xf32, #tpu.memory_space<hbm>>
    %dma_wait3A_809 = arith.constant 0 : i32
    %dma_wait3A_810 = tpu.memref_slice %arg4[%dma_wait3A_801, %dma_wait3A_802, %dma_wait3A_803, %dma_wait3A_809] : memref<50x8x128x1024xf32, #tpu.memory_space<hbm>> -> memref<1x1x1x1024xf32, #tpu.memory_space<hbm>>
    %dma_wait3A_811 = tpu.memref_squeeze %dma_wait3A_810 : memref<1x1x1x1024xf32, #tpu.memory_space<hbm>> -> memref<1024xf32, #tpu.memory_space<hbm>>
    %dma_wait3A_812 = arith.constant 7168 : i32
    %dma_wait3A_813 = tpu.memref_slice %arg9[%dma_wait3A_812] : memref<8192xf32, #tpu.memory_space<vmem>> -> memref<1024xf32, #tpu.memory_space<vmem>>
    tpu.wait_dma2 semaphore(%arg13 : memref<!tpu.dma_semaphore, #tpu.memory_space<semaphore_mem>>) src(%dma_wait3A_813 : memref<1024xf32, #tpu.memory_space<vmem>>) dst(%dma_wait3A_811 : memref<1024xf32, #tpu.memory_space<hbm>>)
    return
  }
}

module attributes {stable_mosaic.version = 14 : i64} {
  func.func @_tc_body(%arg0: i32, %arg1: memref<64x16384xf32, #tpu.memory_space<vmem>>, %arg2: memref<8192x128xf32, #tpu.memory_space<vmem>>) attributes {dimension_semantics = [#tpu.dimension_semantics<arbitrary>], iteration_bounds = array<i64: 62>, scalar_prefetch = 0 : i64, scratch_operands = 0 : i64, tpu.core_type = #tpu.core_type<tc>, window_params = [{transform_indices = @transform_0, window_bounds = array<i64: 64, 16384>}, {transform_indices = @transform_1, window_bounds = array<i64: 8192, 128>}]} {
    %get3A = arith.constant 0 : index
    %get3A_0 = arith.constant 0 : index
    %get3A_1 = vector.load %arg1[%get3A, %get3A_0] : memref<64x16384xf32, #tpu.memory_space<vmem>>, vector<64x16384xf32>
    %transpose3A = tpu.transpose %get3A_1, [1, 0] : vector<64x16384xf32> -> vector<16384x64xf32>
    %mul3A = arith.constant 8.000000e+00 : f32
    %mul3A_2 = vector.broadcast %mul3A : f32 to vector<16384x64xf32>
    %mul3A_3 = arith.mulf %transpose3A, %mul3A_2 : vector<16384x64xf32>
    %reshape3A = vector.shape_cast %mul3A_3 : vector<16384x64xf32> to vector<8192x2x64xf32>
    %slice3A = vector.extract_strided_slice %reshape3A {offsets = [0, 0, 0], sizes = [8192, 1, 64], strides = [1, 1, 1]} : vector<8192x2x64xf32> to vector<8192x1x64xf32>
    %squeeze3A = vector.shape_cast %slice3A : vector<8192x1x64xf32> to vector<8192x64xf32>
    %slice3A_4 = vector.extract_strided_slice %reshape3A {offsets = [0, 1, 0], sizes = [8192, 1, 64], strides = [1, 1, 1]} : vector<8192x2x64xf32> to vector<8192x1x64xf32>
    %squeeze3A_5 = vector.shape_cast %slice3A_4 : vector<8192x1x64xf32> to vector<8192x64xf32>
    %concatenate3A = tpu.concatenate %squeeze3A, %squeeze3A_5 in 1 : vector<8192x64xf32>, vector<8192x64xf32> -> vector<8192x128xf32>
    %swap3A = arith.constant 0 : index
    %swap3A_6 = arith.constant 0 : index
    %swap3A_7 = vector.load %arg2[%swap3A, %swap3A_6] : memref<8192x128xf32, #tpu.memory_space<vmem>>, vector<8192x128xf32>
    tpu.vector_store %arg2[%swap3A, %swap3A_6], %concatenate3A {strides = array<i32>} : memref<8192x128xf32, #tpu.memory_space<vmem>>, vector<8192x128xf32>,
    return
  }
  func.func @transform_0(%arg0: i32) -> (i32, i32) {
    %c0_i32 = arith.constant 0 : i32
    %c0_i32_0 = arith.constant 0 : i32
    return %c0_i32, %arg0 : i32, i32
  }
  func.func @transform_1(%arg0: i32) -> (i32, i32) {
    %c0_i32 = arith.constant 0 : i32
    %c0_i32_0 = arith.constant 0 : i32
    return %arg0, %c0_i32 : i32, i32
  }
}

</mosaic_0001>

<sc_bundles>
// kernel: kernel.4.cloned.1.call-start
scs
__scs_entry_jumppad:
0x0: {  	(pc) =	sbr.rel $0x88, $3  }
0x1: {  	(tag) =	ssettag $0x0;
	lr =	simm.s32 $0x1  }
0x2: {  	[smem:$0x3F9F] =	sst lr;
	_ =	strace $0xD0000000  }
0x3: {  	_ = 	snop  }
0x4: {  	_ = 	snop  }
0x5: {  	_ = 	snop  }
0x6: {  	_ = 	snop  }
0x7: {  	_ = 	snop  }
__scs_overlays_trampoline_lowered:
0x8: {  	[smem:$0x3FAE] =	sst s0  }
0x9: {  	[smem:$0x3FAF] =	sst s1  }
0xa: {  	[smem:$0x3FB0] =	sst s2  }
0xb: {  	[smem:$0x3FB1] =	sst s3  }
0xc: {  	[smem:$0x3FB2] =	sst s4  }
0xd: {  	[smem:$0x3FB3] =	sst s5  }
0xe: {  	[smem:$0x3FB4] =	sst s6  }
0xf: {  	[smem:$0x3FB5] =	sst s7  }
0x10: {  	[smem:$0x3FB6] =	sst s8  }
0x11: {  	[smem:$0x3FB7] =	sst s9;
	s0 =	simm.s32 @!p0 $0x0  }
0x12: {  	s1 =	sld [smem:$0x3F9D];
	s0 =	simm.s32 @p0 $0x1  }
0x13: {  	[smem:$0x3FB8] =	sst s0;
	s0 =	simm.s32 @!p1 $0x0  }
0x14: {  	s2 =	sld [smem:$0x3F9C];
	s0 =	simm.s32 @p1 $0x1  }
0x15: {  	[smem:$0x3FB9] =	sst s0;
	s0 =	simm.s32 @!p2 $0x0  }
0x16: {  	s3 =	sld [smem:$0x3FDB];
	s0 =	simm.s32 @p2 $0x1  }
0x17: {  	s4 =	simm.s32 $0x1BF5;
	[smem:$0x3FBB] =	sst s0  }
0x18: {  	s0 =	sld [smem:$0x3F9E];
	_ =	swait.ge [sflag:s4], $0x0  }
0x19: {  	s7 =	sld [smem:$0x3F9F]  }
0x1a: {  	s8 =	sadd.s32 $0xFFFFE003, lr  }
0x1b: {  	s9 =	sadd.s32 $0xFFFFFEF7, lr;
	s5 =	simm.s32 $0xFFFFFFFF;
	p2 =	slt.u32 s8, $0xFFFFF086  }
0x1c: {  	p1 =	slt.u32 s9, $0xF7A;
	s5 =	simm.s32 @!p2 $0x0  }
0x1d: {  	s5 =	simm.s32 @p1 $0x1;
	p0 =	seq.s32 s7, s2  }
0x1e: {  	s7 =	smul.u32 @!p0 $0xF7A, s2;
	p2 =	seq.s32 @!p0 s5, $0x0  }
0x1f: {  	s9 =	smul.u32 $0xF7A, s1;
	s8 =	simm.s32 @!p0 $0x1BF5;
	p2 =	por !p2, p0  }
0x20: {  	[sflag:s8] =	ssyncset.s32 @!p0 $0xFFFFF086;
	s6 =	sadd.s32 @!p0 s3, s7;
	s7 =	simm.s32 @!p0 $0x108  }
0x21: {  	s3 =	sadd.s32 s3, s9;
	s6 =	sadd.s32 @!p0 $0x88, s6;
	s7 =	simm.s32 @p2 $0x1082  }
0x22: {  	[simem:s7], [sflag:s8] =	dma.local @!p0 [hbm:s6], $0xF7A  }
0x23: {  	s9 =	sor.u32 $0xD0000000, s2;
	s6 =	simm.s32 $0x108;
	_ =	swait.ge @!p0 [sflag:s8], $0x0  }
0x24: {  	s3 =	sadd.s32 $0x88, s3;
	s6 =	simm.s32 @!p1 $0x1082;
	[sflag:s4] =	ssyncset.s32 $0xFFFFF086  }
0x25: {  	[simem:s6], [sflag:s4] =	dma.local [hbm:s3], $0xF7A  }
0x26: {  	[smem:$0x3F9F] =	sst s1;
	(tag) =	ssettag s2;
	_ =	strace s9  }
0x27: {  	s1 =	sld [smem:$0x3FAF]  }
0x28: {  	s2 =	sld [smem:$0x3FB0]  }
0x29: {  	s4 =	sld [smem:$0x3FB2]  }
0x2a: {  	p0 =	seq.s32 s5, $0x0;
	s5 =	sld [smem:$0x3FB3]  }
0x2b: {  	s6 =	sld [smem:$0x3FB4]  }
0x2c: {  	s7 =	sld [smem:$0x3FB5]  }
0x2d: {  	s3 =	simm.s32 $0x108;
	s8 =	sld [smem:$0x3FB6]  }
0x2e: {  	s3 =	simm.s32 @!p0 $0x1082;
	s9 =	sld [smem:$0x3FB7]  }
0x2f: {  	lr =	sadd.s32 s0, s3;
	s0 =	sld [smem:$0x3FAE]  }
0x30: {  	s3 =	sld [smem:$0x3FB1]  }
0x31: {  	[smem:$0x3FBA] =	sst s10  }
0x32: {  	s10 =	sld [smem:$0x3FB8];
	_ =	sdelay $0x3  }
0x33: {  	p0 =	seq.s32 s10, $0x1;
	s10 =	sld [smem:$0x3FBA];
	_ =	sdelay $0x3  }
0x34: {  	[smem:$0x3FBA] =	sst s10  }
0x35: {  	s10 =	sld [smem:$0x3FB9];
	_ =	sdelay $0x3  }
0x36: {  	p1 =	seq.s32 s10, $0x1;
	s10 =	sld [smem:$0x3FBA];
	_ =	sdelay $0x3  }
0x37: {  	[smem:$0x3FBA] =	sst s10  }
0x38: {  	s10 =	sld [smem:$0x3FBB]  }
0x39: {  	_ = 	snop;
	(pc) =	sbr.ind lr, $3  }
0x3a: {  	_ = 	snop  }
0x3b: {  	_ = 	snop  }
0x3c: {  	p2 =	seq.s32 s10, $0x1;
	s10 =	sld [smem:$0x3FBA]  }
0x3d: {  	_ =	shalt  }
0x3e: {  	_ =	shalt  }
0x3f: {  	_ =	shalt  }
0x40: {  	_ =	shalt  }
0x41: {  	_ =	shalt  }
0x42: {  	_ =	shalt  }
0x43: {  	_ =	shalt  }
0x44: {  	_ =	shalt  }
0x45: {  	_ =	shalt  }
0x46: {  	_ =	shalt  }
0x47: {  	_ =	shalt  }
0x48: {  	_ =	shalt  }
0x49: {  	_ =	shalt  }
0x4a: {  	_ =	shalt  }
0x4b: {  	_ =	shalt  }
0x4c: {  	_ =	shalt  }
0x4d: {  	_ =	shalt  }
0x4e: {  	_ =	shalt  }
0x4f: {  	_ =	shalt  }
0x50: {  	_ =	shalt  }
0x51: {  	_ =	shalt  }
0x52: {  	_ =	shalt  }
0x53: {  	_ =	shalt  }
0x54: {  	_ =	shalt  }
0x55: {  	_ =	shalt  }
0x56: {  	_ =	shalt  }
0x57: {  	_ =	shalt  }
0x58: {  	_ =	shalt  }
0x59: {  	_ =	shalt  }
0x5a: {  	_ =	shalt  }
0x5b: {  	_ =	shalt  }
0x5c: {  	_ =	shalt  }
0x5d: {  	_ =	shalt  }
0x5e: {  	_ =	shalt  }
0x5f: {  	_ =	shalt  }
0x60: {  	_ =	shalt  }
0x61: {  	_ =	shalt  }
0x62: {  	_ =	shalt  }
0x63: {  	_ =	shalt  }
0x64: {  	_ =	shalt  }
0x65: {  	_ =	shalt  }
0x66: {  	_ =	shalt  }
0x67: {  	_ =	shalt  }
0x68: {  	_ =	shalt  }
0x69: {  	_ =	shalt  }
0x6a: {  	_ =	shalt  }
0x6b: {  	_ =	shalt  }
0x6c: {  	_ =	shalt  }
0x6d: {  	_ =	shalt  }
0x6e: {  	_ =	shalt  }
0x6f: {  	_ =	shalt  }
0x70: {  	_ =	shalt  }
0x71: {  	_ =	shalt  }
0x72: {  	_ =	shalt  }
0x73: {  	_ =	shalt  }
0x74: {  	_ =	shalt  }
0x75: {  	_ =	shalt  }
0x76: {  	_ =	shalt  }
0x77: {  	_ =	shalt  }
0x78: {  	_ =	shalt  }
0x79: {  	_ =	shalt  }
0x7a: {  	_ =	shalt  }
0x7b: {  	_ =	shalt  }
0x7c: {  	_ =	shalt  }
0x7d: {  	_ =	shalt  }
0x7e: {  	_ =	shalt  }
0x7f: {  	_ =	shalt  }
0x80: {  	_ =	shalt  }
0x81: {  	_ =	shalt  }
0x82: {  	_ =	shalt  }
0x83: {  	_ =	shalt  }
0x84: {  	_ =	shalt  }
0x85: {  	_ =	shalt  }
0x86: {  	_ =	shalt  }
0x87: {  	_ =	shalt  }
.Lfunc_end0:
.L_simem_size_0:
called_computation_lowered:
.L_overlay_start_0:
0x88: {  	s2 =	sld [smem:$0x3FD9]  }
0x89: {  	s3 =	sld [smem:$0x3FFE];
	_ =	sdelay $0x1  }
0x8a: {  	s1 =	srdreg.scid  }
0x8b: {  	s0 =	sand.u32 $0x1, s1  }
0x8c: {  	s17 =	sshll.u32 s0, $0xA;
	s2 =	sadd.s32 s3, s2  }
0x8d: {  	s2 =	sadd.s32 s2, s17  }
0x8e: {  	[smem:$0x3FC6] =	sst s2  }
0x8f: {  	_ = 	snop  }
0x90: {  	s2 =	sld [smem:$0x3FD0];
	(tm) =	ssettm $0x1  }
0x91: {  	s18 =	sld [smem:$0x3FFB];
	_ =	sdelay $0x3  }
0x92: {  	_ =	strace s18  }
0x93: {  	s3 =	sld [smem:$0x3FFC];
	_ =	sdelay $0x3  }
0x94: {  	_ =	strace s3  }
0x95: {  	s3 =	sld [smem:$0x3FFD];
	_ =	sdelay $0x3  }
0x96: {  	_ =	strace s3  }
0x97: {  	_ =	strace $0x8FFFFFFF  }
0x98: {  	s19 =	sld [smem:$0x3FDB];
	_ =	sdelay $0x1  }
0x99: {  	s4 =	simm.s32 $_scs_section_size  }
0x9a: {  	s5 =	simm.s32 $_size__tile_overlayer_lowered;
	s6 =	simm.s32 $_tile_overlayer_lowered  }
0x9b: {  	s22 =	simm.s32 $0x1BFF;
	s21 =	sshll.u32 s6, $0x1;
	s3 =	sadd.s32 s4, s19  }
0x9c: {  	s7 =	simm.s32 $0x0;
	s20 =	sshll.u32 s5, $0x1;
	s5 =	sadd.s32 s21, s3  }
0x9d: {  	[timem:s7], [sflag:s22] =	dma.local [hbm:s5], s20  }
0x9e: {  	_ =	swait.ge [sflag:s22], s20  }
0x9f: {  	s4 =	ssub.s32 $0x0, s20;
	[sflag:s22] =	ssyncset.done $0x0  }
0xa0: {  	[sflag:s22] =	ssyncadd.s32 s4;
	_ =	sdelay $0x1  }
0xa1: {  	s23 =	simm.s32 $0x1B8B  }
0xa2: {  	_ =	swait.ge [sflag:s23], $0x1  }
0xa3: {  	[sflag:s23] =	ssyncset.done $0x0  }
0xa4: {  	s25 =	simm.s32 $0x1B8E;
	s24 =	sld [smem:$0x3FFE];
	[sflag:s23] =	ssyncadd.s32 $0xFFFFFFFF  }
0xa5: {  	s26 =	simm.s32 $execute0_lowered;
	[smem:$0x3FD2] =	sst s25  }
0xa6: {  	s5 =	sshll.u32 s26, $0x1;
	_ =	strace $0x80000046;
	[dreg:$0x1] =	wrdreg $0xFFFFFFFF  }
0xa7: {  	s28 =	simm.s32 $_size_execute0_lowered;
	s3 =	sadd.s32 s3, s5;
	[dreg:$0x0] =	wrdreg $0x0  }
0xa8: {  	s5 =	sshll.u32 s28, $0x1;
	[dreg:$0x2] =	wrdreg s3  }
0xa9: {  	[dreg:$0x3] =	wrdreg s5  }
0xaa: {  	[dreg:$0x4] =	wrdreg $0xC0  }
0xab: {  	_ =	task [dreg:s7], $0x5FFFF  }
0xac: {  	[dreg:$0x1] =	wrdreg $0xFFFFFFFF  }
0xad: {  	[dreg:$0x0] =	wrdreg $0x60  }
0xae: {  	[dreg:$0x2] =	wrdreg s24  }
0xaf: {  	[dreg:$0x3] =	wrdreg s2  }
0xb0: {  	[dreg:$0x4] =	wrdreg $0x9  }
0xb1: {  	_ =	task.clear_ibuf [dreg:s7], $0x5FFFF;
	_ =	strace $0x90000046  }
0xb2: {  	s29 =	simm.s32 $0x9;
	_ =	strace $0x80000048  }
0xb3: {  	_ =	swait.ge [sflag:s29], $0x1  }
0xb4: {  	[sflag:s29] =	ssyncadd.s32 $0xFFFFFFFF  }
0xb5: {  	_ =	strace $0x90000048  }
0xb6: {  	_ =	sfence  }
0xb7: {  	s30 =	sld [smem:$0x0];
	_ =	sdelay $0x2  }
0xb8: {  	s31 =	sshll.u32 s1, $0xD;
	s1 =	sshrl.u32 s1, $0x2  }
0xb9: {  	s3 =	sand.u32 $0x4000, s31;
	s1 =	sadd.s32 s1, s30  }
0xba: {  	s0 =	sor.u32 s3, s0;
	s1 =	sshll.u32 s1, $0x11  }
0xbb: {  	s0 =	sor.u32 s1, s0  }
0xbc: {  	s0 =	sadd.s32 $0x8F2B, s0  }
0xbd: {  	[sflag:s0] =	ssyncadd.remote.s32 $0x1  }
0xbe: {  	_ =	sfence.sel $0xFFFF  }
0xbf: {  	[dreg:$0x0] =	wrdreg $0xFFFFFFFF;
	(pc) =	sbr.abs _section_cstart, $3  }
0xc0: {  	[dreg:$0x1] =	wrdreg $0xFFFFFFFF  }
0xc1: {  	_ =	task.clear_ibuf [dreg:s7], $0x2FFFF;
	_ =	strace $0x9FFFFFFF  }
0xc2: {  	(tm) =	ssettm $0x7FFFFFFF  }
0xc3: {  	_ =	shalt  }
tec
execute0_lowered:
.L_overlay_start_1:
0x0: {  	(tag) =	ssettag $0x1  }
0x1: {  	v0 =	vimm.s32 $0xC4834201  }
0x2: {  	vm11 =	vcmask $0xF00;
	vm10 =	vcmask $0x1310;
	vm9 =	vcmask $0x1714  }
0x3: {  	vm8 =	vcmask $0x1B18;
	v1 =	vlaneseq.u32;
	vm7 =	vcmask $0x1F1C  }
0x4: {  	vm6 =	vcmask $0x2320;
	vm1 =	vcmask $0x2724;
	v3 =	vimm.s32 $0xF  }
0x5: {  	vm15 =	vcmask $0x300;
	vm0 =	vcmask $0x2B28;
	vm14 =	vcmask $0x704  }
0x6: {  	vm13 =	vcmask $0xB08;
	v4 =	vimm.s32 $0xC5844302;
	vm12 =	vcmask $0xF0C  }
0x7: {  	vm5 =	vcmask $0x2F2C;
	vm2 =	vcmask $0x3330;
	vm3 =	vcmask $0x3734  }
0x8: {  	vm4 =	vcmask $0x3B38;
	v5 =	vimm.s32 $0x8F;
	v6 =	vimm.s32 $0xC6854403  }
0x9: {  	v7 =	vimm.s32 $0x10F;
	v8 =	vimm.s32 $0xC7864504;
	v9 =	vimm.s32 $0x18F  }
0xa: {  	v10 =	vimm.s32 $0xC8874605;
	v11 =	vimm.s32 $0x20F;
	v12 =	vimm.s32 $0xC9884706  }
0xb: {  	v13 =	vimm.s32 $0x28F;
	v14 =	vimm.s32 $0xCA894807;
	v15 =	vimm.s32 $0x30F  }
0xc: {  	v16 =	vimm.s32 $0xCB8A4908;
	v17 =	vimm.s32 $0x38F;
	v18 =	vimm.s32 $0xCC8B4A09  }
0xd: {  	v19 =	vimm.s32 $0x40F;
	v20 =	vimm.s32 $0xCD8C4B0A;
	v21 =	vimm.s32 $0x48F  }
0xe: {  	v22 =	vimm.s32 $0xCE8D4C0B;
	v23 =	vimm.s32 $0x50F;
	v24 =	vimm.s32 $0xCF8E4D0C  }
0xf: {  	v25 =	vimm.s32 $0x58F;
	v26 =	vimm.s32 $0xC08F4E0D;
	v27 =	vimm.s32 $0x60F  }
0x10: {  	v28 =	vimm.s32 $0xC1804F0E;
	v29 =	vimm.s32 $0x68F;
	v30 =	vimm.s32 $0x70F  }
0x11: {  	v31 =	vimm.s32 $0xC281400F;
	v0 =	vunpack.c.0.s8.s32 v0;
	v3 =	vsel vm15, $0x80, v3  }
0x12: {  	v4 =	vunpack.c.0.s8.s32 v4;
	v5 =	vsel vm15, $0x100, v5;
	v6 =	vunpack.c.0.s8.s32 v6  }
0x13: {  	v7 =	vsel vm15, $0x180, v7;
	v8 =	vunpack.c.0.s8.s32 v8;
	v9 =	vsel vm15, $0x200, v9  }
0x14: {  	v10 =	vunpack.c.0.s8.s32 v10;
	v11 =	vsel vm15, $0x280, v11;
	v12 =	vunpack.c.0.s8.s32 v12  }
0x15: {  	v13 =	vsel vm15, $0x300, v13;
	v14 =	vunpack.c.0.s8.s32 v14;
	v15 =	vsel vm15, $0x380, v15  }
0x16: {  	v16 =	vunpack.c.0.s8.s32 v16;
	v17 =	vsel vm15, $0x400, v17;
	v18 =	vunpack.c.0.s8.s32 v18  }
0x17: {  	v19 =	vsel vm15, $0x480, v19;
	v20 =	vunpack.c.0.s8.s32 v20;
	v21 =	vsel vm15, $0x500, v21  }
0x18: {  	v22 =	vunpack.c.0.s8.s32 v22;
	v23 =	vsel vm15, $0x580, v23;
	v24 =	vunpack.c.0.s8.s32 v24  }
0x19: {  	v25 =	vsel vm15, $0x600, v25;
	v26 =	vunpack.c.0.s8.s32 v26;
	v27 =	vsel vm15, $0x680, v27  }
0x1a: {  	v28 =	vunpack.c.0.s8.s32 v28;
	v29 =	vsel vm15, $0x700, v29;
	v30 =	vsel vm15, $0x780, v30  }
0x1b: {  	v31 =	vunpack.c.0.s8.s32 v31;
	v3 =	vsel vm14, $0x101, v3;
	v5 =	vsel vm14, $0x181, v5  }
0x1c: {  	v7 =	vsel vm14, $0x201, v7;
	v9 =	vsel vm14, $0x281, v9;
	v11 =	vsel vm14, $0x301, v11  }
0x1d: {  	v13 =	vsel vm14, $0x381, v13;
	v15 =	vsel vm14, $0x401, v15;
	v17 =	vsel vm14, $0x481, v17  }
0x1e: {  	v19 =	vsel vm14, $0x501, v19;
	v21 =	vsel vm14, $0x581, v21;
	v23 =	vsel vm14, $0x601, v23  }
0x1f: {  	v25 =	vsel vm14, $0x681, v25;
	v27 =	vsel vm14, $0x701, v27;
	v29 =	vsel vm14, $0x781, v29  }
0x20: {  	v30 =	vsel vm14, $0x1, v30;
	v0 =	vand.u32 $0xFF, v0;
	v3 =	vsel vm13, $0x182, v3  }
0x21: {  	v4 =	vand.u32 $0xFF, v4;
	v5 =	vsel vm13, $0x202, v5;
	v6 =	vand.u32 $0xFF, v6  }
0x22: {  	v7 =	vsel vm13, $0x282, v7;
	v8 =	vand.u32 $0xFF, v8;
	v9 =	vsel vm13, $0x302, v9  }
0x23: {  	v10 =	vand.u32 $0xFF, v10;
	v11 =	vsel vm13, $0x382, v11;
	v12 =	vand.u32 $0xFF, v12  }
0x24: {  	v13 =	vsel vm13, $0x402, v13;
	v14 =	vand.u32 $0xFF, v14;
	v15 =	vsel vm13, $0x482, v15  }
0x25: {  	v16 =	vand.u32 $0xFF, v16;
	v17 =	vsel vm13, $0x502, v17;
	v18 =	vand.u32 $0xFF, v18  }
0x26: {  	v19 =	vsel vm13, $0x582, v19;
	v20 =	vand.u32 $0xFF, v20;
	v21 =	vsel vm13, $0x602, v21  }
0x27: {  	v22 =	vand.u32 $0xFF, v22;
	v23 =	vsel vm13, $0x682, v23;
	v24 =	vand.u32 $0xFF, v24  }
0x28: {  	v25 =	vsel vm13, $0x702, v25;
	v26 =	vand.u32 $0xFF, v26;
	v27 =	vsel vm13, $0x782, v27  }
0x29: {  	v28 =	vand.u32 $0xFF, v28;
	v29 =	vsel vm13, $0x2, v29;
	v31 =	vand.u32 $0xFF, v31  }
0x2a: {  	v30 =	vsel vm13, $0x82, v30;
	v0 =	vnsel vm11, $0x3C0, v0;
	v3 =	vsel vm12, $0x203, v3  }
0x2b: {  	v4 =	vnsel vm11, $0x3C1, v4;
	v5 =	vsel vm12, $0x283, v5;
	v6 =	vnsel vm11, $0x3C2, v6  }
0x2c: {  	v7 =	vsel vm12, $0x303, v7;
	v8 =	vnsel vm11, $0x3C3, v8;
	v9 =	vsel vm12, $0x383, v9  }
0x2d: {  	v10 =	vnsel vm11, $0x3C4, v10;
	v11 =	vsel vm12, $0x403, v11;
	v12 =	vnsel vm11, $0x3C5, v12  }
0x2e: {  	v13 =	vsel vm12, $0x483, v13;
	v14 =	vnsel vm11, $0x3C6, v14;
	v15 =	vsel vm12, $0x503, v15  }
0x2f: {  	v16 =	vnsel vm11, $0x3C7, v16;
	v17 =	vsel vm12, $0x583, v17;
	v18 =	vnsel vm11, $0x3C8, v18  }
0x30: {  	v19 =	vsel vm12, $0x603, v19;
	v20 =	vnsel vm11, $0x3C9, v20;
	v21 =	vsel vm12, $0x683, v21  }
0x31: {  	v22 =	vnsel vm11, $0x3CA, v22;
	v23 =	vsel vm12, $0x703, v23;
	v24 =	vnsel vm11, $0x3CB, v24  }
0x32: {  	v25 =	vsel vm12, $0x783, v25;
	v26 =	vnsel vm11, $0x3CC, v26;
	v27 =	vsel vm12, $0x3, v27  }
0x33: {  	v28 =	vnsel vm11, $0x3CD, v28;
	v29 =	vsel vm12, $0x83, v29;
	v31 =	vnsel vm11, $0x3CE, v31  }
0x34: {  	v30 =	vsel vm12, $0x103, v30;
	v0 =	vsel vm10, $0x105, v0;
	v3 =	vsel vm10, $0x284, v3  }
0x35: {  	v4 =	vsel vm10, $0x106, v4;
	v5 =	vsel vm10, $0x304, v5;
	v6 =	vsel vm10, $0x107, v6  }
0x36: {  	v7 =	vsel vm10, $0x384, v7;
	v8 =	vsel vm10, $0x108, v8;
	v9 =	vsel vm10, $0x404, v9  }
0x37: {  	v10 =	vsel vm10, $0x109, v10;
	v11 =	vsel vm10, $0x484, v11;
	v12 =	vsel vm10, $0x10A, v12  }
0x38: {  	v13 =	vsel vm10, $0x504, v13;
	v14 =	vsel vm10, $0x10B, v14;
	v15 =	vsel vm10, $0x584, v15  }
0x39: {  	v16 =	vsel vm10, $0x10C, v16;
	v17 =	vsel vm10, $0x604, v17;
	v18 =	vsel vm10, $0x10D, v18  }
0x3a: {  	v19 =	vsel vm10, $0x684, v19;
	v20 =	vsel vm10, $0x10E, v20;
	v21 =	vsel vm10, $0x704, v21  }
0x3b: {  	v22 =	vsel vm10, $0x10F, v22;
	v23 =	vsel vm10, $0x784, v23;
	v24 =	vsel vm10, $0x100, v24  }
0x3c: {  	v25 =	vsel vm10, $0x4, v25;
	v26 =	vsel vm10, $0x101, v26;
	v27 =	vsel vm10, $0x84, v27  }
0x3d: {  	v28 =	vsel vm10, $0x102, v28;
	v29 =	vsel vm10, $0x104, v29;
	v31 =	vsel vm10, $0x103, v31  }
0x3e: {  	v30 =	vsel vm10, $0x184, v30;
	v0 =	vsel vm9, $0x146, v0;
	v3 =	vsel vm9, $0x305, v3  }
0x3f: {  	v4 =	vsel vm9, $0x147, v4;
	v5 =	vsel vm9, $0x385, v5;
	v6 =	vsel vm9, $0x148, v6  }
0x40: {  	v7 =	vsel vm9, $0x405, v7;
	v8 =	vsel vm9, $0x149, v8;
	v9 =	vsel vm9, $0x485, v9  }
0x41: {  	v10 =	vsel vm9, $0x14A, v10;
	v11 =	vsel vm9, $0x505, v11;
	v12 =	vsel vm9, $0x14B, v12  }
0x42: {  	v13 =	vsel vm9, $0x585, v13;
	v14 =	vsel vm9, $0x14C, v14;
	v15 =	vsel vm9, $0x605, v15  }
0x43: {  	v16 =	vsel vm9, $0x14D, v16;
	v17 =	vsel vm9, $0x685, v17;
	v18 =	vsel vm9, $0x14E, v18  }
0x44: {  	v19 =	vsel vm9, $0x705, v19;
	v20 =	vsel vm9, $0x14F, v20;
	v21 =	vsel vm9, $0x785, v21  }
0x45: {  	v22 =	vsel vm9, $0x140, v22;
	v23 =	vsel vm9, $0x5, v23;
	v24 =	vsel vm9, $0x141, v24  }
0x46: {  	v25 =	vsel vm9, $0x85, v25;
	v26 =	vsel vm9, $0x142, v26;
	v27 =	vsel vm9, $0x105, v27  }
0x47: {  	v28 =	vsel vm9, $0x143, v28;
	v29 =	vsel vm9, $0x185, v29;
	v31 =	vsel vm9, $0x144, v31  }
0x48: {  	v30 =	vsel vm9, $0x205, v30;
	v2 =	vsel vm8, $0x187, v0;
	v0 =	vmul.u32 $0x41, v1  }
0x49: {  	v1 =	vmul.u32 $0x81, v1;
	v3 =	vsel vm8, $0x386, v3;
	v4 =	vsel vm8, $0x188, v4  }
0x4a: {  	v5 =	vsel vm8, $0x406, v5;
	v6 =	vsel vm8, $0x189, v6;
	v7 =	vsel vm8, $0x486, v7  }
0x4b: {  	v8 =	vsel vm8, $0x18A, v8;
	v9 =	vsel vm8, $0x506, v9;
	v10 =	vsel vm8, $0x18B, v10  }
0x4c: {  	v11 =	vsel vm8, $0x586, v11;
	v12 =	vsel vm8, $0x18C, v12;
	v13 =	vsel vm8, $0x606, v13  }
0x4d: {  	v14 =	vsel vm8, $0x18D, v14;
	v15 =	vsel vm8, $0x686, v15;
	v16 =	vsel vm8, $0x18E, v16  }
0x4e: {  	v17 =	vsel vm8, $0x706, v17;
	v18 =	vsel vm8, $0x18F, v18;
	v19 =	vsel vm8, $0x786, v19  }
0x4f: {  	v20 =	vsel vm8, $0x180, v20;
	v21 =	vsel vm8, $0x6, v21;
	v22 =	vsel vm8, $0x181, v22  }
0x50: {  	v23 =	vsel vm8, $0x86, v23;
	v24 =	vsel vm8, $0x182, v24;
	v25 =	vsel vm8, $0x106, v25  }
0x51: {  	v26 =	vsel vm8, $0x183, v26;
	v27 =	vsel vm8, $0x186, v27;
	v28 =	vsel vm8, $0x184, v28  }
0x52: {  	v29 =	vsel vm8, $0x206, v29;
	v31 =	vsel vm8, $0x185, v31;
	v30 =	vsel vm8, $0x286, v30  }
0x53: {  	v2 =	vsel vm7, $0x1C8, v2;
	v3 =	vsel vm7, $0x407, v3;
	v4 =	vsel vm7, $0x1C9, v4  }
0x54: {  	v5 =	vsel vm7, $0x487, v5;
	v6 =	vsel vm7, $0x1CA, v6;
	v7 =	vsel vm7, $0x507, v7  }
0x55: {  	v8 =	vsel vm7, $0x1CB, v8;
	v9 =	vsel vm7, $0x587, v9;
	v10 =	vsel vm7, $0x1CC, v10  }
0x56: {  	v11 =	vsel vm7, $0x607, v11;
	v12 =	vsel vm7, $0x1CD, v12;
	v13 =	vsel vm7, $0x687, v13  }
0x57: {  	v14 =	vsel vm7, $0x1CE, v14;
	v15 =	vsel vm7, $0x707, v15;
	v16 =	vsel vm7, $0x1CF, v16  }
0x58: {  	v17 =	vsel vm7, $0x787, v17;
	v18 =	vsel vm7, $0x1C0, v18;
	v19 =	vsel vm7, $0x7, v19  }
0x59: {  	v20 =	vsel vm7, $0x1C1, v20;
	v21 =	vsel vm7, $0x87, v21;
	v22 =	vsel vm7, $0x1C2, v22  }
0x5a: {  	v23 =	vsel vm7, $0x107, v23;
	v24 =	vsel vm7, $0x1C3, v24;
	v25 =	vsel vm7, $0x187, v25  }
0x5b: {  	v26 =	vsel vm7, $0x1C4, v26;
	v27 =	vsel vm7, $0x207, v27;
	v28 =	vsel vm7, $0x1C5, v28  }
0x5c: {  	v29 =	vsel vm7, $0x287, v29;
	v31 =	vsel vm7, $0x1C6, v31;
	v30 =	vsel vm7, $0x307, v30  }
0x5d: {  	v2 =	vsel vm6, $0x209, v2;
	v3 =	vsel vm6, $0x488, v3;
	v4 =	vsel vm6, $0x20A, v4  }
0x5e: {  	v5 =	vsel vm6, $0x508, v5;
	v6 =	vsel vm6, $0x20B, v6;
	v7 =	vsel vm6, $0x588, v7  }
0x5f: {  	v8 =	vsel vm6, $0x20C, v8;
	v9 =	vsel vm6, $0x608, v9;
	v10 =	vsel vm6, $0x20D, v10  }
0x60: {  	v11 =	vsel vm6, $0x688, v11;
	v12 =	vsel vm6, $0x20E, v12;
	v13 =	vsel vm6, $0x708, v13  }
0x61: {  	v14 =	vsel vm6, $0x20F, v14;
	v15 =	vsel vm6, $0x788, v15;
	v16 =	vsel vm6, $0x200, v16  }
0x62: {  	v17 =	vsel vm6, $0x8, v17;
	v18 =	vsel vm6, $0x201, v18;
	v19 =	vsel vm6, $0x88, v19  }
0x63: {  	v20 =	vsel vm6, $0x202, v20;
	v21 =	vsel vm6, $0x108, v21;
	v22 =	vsel vm6, $0x203, v22  }
0x64: {  	v23 =	vsel vm6, $0x188, v23;
	v24 =	vsel vm6, $0x204, v24;
	v25 =	vsel vm6, $0x208, v25  }
0x65: {  	v26 =	vsel vm6, $0x205, v26;
	v27 =	vsel vm6, $0x288, v27;
	v28 =	vsel vm6, $0x206, v28  }
0x66: {  	v29 =	vsel vm6, $0x308, v29;
	v31 =	vsel vm6, $0x207, v31;
	v30 =	vsel vm6, $0x388, v30  }
0x67: {  	v2 =	vsel vm1, $0x24A, v2;
	v3 =	vsel vm1, $0x509, v3;
	v4 =	vsel vm1, $0x24B, v4  }
0x68: {  	v5 =	vsel vm1, $0x589, v5;
	v6 =	vsel vm1, $0x24C, v6;
	v7 =	vsel vm1, $0x609, v7  }
0x69: {  	v8 =	vsel vm1, $0x24D, v8;
	v9 =	vsel vm1, $0x689, v9;
	v10 =	vsel vm1, $0x24E, v10  }
0x6a: {  	v11 =	vsel vm1, $0x709, v11;
	v12 =	vsel vm1, $0x24F, v12;
	v13 =	vsel vm1, $0x789, v13  }
0x6b: {  	v14 =	vsel vm1, $0x240, v14;
	v15 =	vsel vm1, $0x9, v15;
	v16 =	vsel vm1, $0x241, v16  }
0x6c: {  	v17 =	vsel vm1, $0x89, v17;
	v18 =	vsel vm1, $0x242, v18;
	v19 =	vsel vm1, $0x109, v19  }
0x6d: {  	v20 =	vsel vm1, $0x243, v20;
	v21 =	vsel vm1, $0x189, v21;
	v22 =	vsel vm1, $0x244, v22  }
0x6e: {  	v23 =	vsel vm1, $0x209, v23;
	v24 =	vsel vm1, $0x245, v24;
	v25 =	vsel vm1, $0x289, v25  }
0x6f: {  	v26 =	vsel vm1, $0x246, v26;
	v27 =	vsel vm1, $0x309, v27;
	v28 =	vsel vm1, $0x247, v28  }
0x70: {  	v29 =	vsel vm1, $0x389, v29;
	v31 =	vsel vm1, $0x248, v31;
	v30 =	vsel vm1, $0x409, v30  }
0x71: {  	v2 =	vsel vm0, $0x28B, v2;
	v3 =	vsel vm0, $0x58A, v3;
	v4 =	vsel vm0, $0x28C, v4  }
0x72: {  	v5 =	vsel vm0, $0x60A, v5;
	v6 =	vsel vm0, $0x28D, v6;
	v7 =	vsel vm0, $0x68A, v7  }
0x73: {  	v8 =	vsel vm0, $0x28E, v8;
	v9 =	vsel vm0, $0x70A, v9;
	v10 =	vsel vm0, $0x28F, v10  }
0x74: {  	v11 =	vsel vm0, $0x78A, v11;
	v12 =	vsel vm0, $0x280, v12;
	v13 =	vsel vm0, $0xA, v13  }
0x75: {  	v14 =	vsel vm0, $0x281, v14;
	v15 =	vsel vm0, $0x8A, v15;
	v16 =	vsel vm0, $0x282, v16  }
0x76: {  	v17 =	vsel vm0, $0x10A, v17;
	v18 =	vsel vm0, $0x283, v18;
	v19 =	vsel vm0, $0x18A, v19  }
0x77: {  	v20 =	vsel vm0, $0x284, v20;
	v21 =	vsel vm0, $0x20A, v21;
	v22 =	vsel vm0, $0x285, v22  }
0x78: {  	v23 =	vsel vm0, $0x28A, v23;
	v24 =	vsel vm0, $0x286, v24;
	v25 =	vsel vm0, $0x30A, v25  }
0x79: {  	v26 =	vsel vm0, $0x287, v26;
	v27 =	vsel vm0, $0x38A, v27;
	v28 =	vsel vm0, $0x288, v28  }
0x7a: {  	v29 =	vsel vm0, $0x40A, v29;
	v31 =	vsel vm0, $0x289, v31;
	v30 =	vsel vm0, $0x48A, v30  }
0x7b: {  	v2 =	vsel vm5, $0x2CC, v2;
	v3 =	vsel vm5, $0x60B, v3;
	v4 =	vsel vm5, $0x2CD, v4  }
0x7c: {  	v5 =	vsel vm5, $0x68B, v5;
	v6 =	vsel vm5, $0x2CE, v6;
	v7 =	vsel vm5, $0x70B, v7  }
0x7d: {  	v8 =	vsel vm5, $0x2CF, v8;
	v9 =	vsel vm5, $0x78B, v9;
	v10 =	vsel vm5, $0x2C0, v10  }
0x7e: {  	v11 =	vsel vm5, $0xB, v11;
	v12 =	vsel vm5, $0x2C1, v12;
	v13 =	vsel vm5, $0x8B, v13  }
0x7f: {  	v14 =	vsel vm5, $0x2C2, v14;
	v15 =	vsel vm5, $0x10B, v15;
	v16 =	vsel vm5, $0x2C3, v16  }
0x80: {  	v17 =	vsel vm5, $0x18B, v17;
	v18 =	vsel vm5, $0x2C4, v18;
	v19 =	vsel vm5, $0x20B, v19  }
0x81: {  	v20 =	vsel vm5, $0x2C5, v20;
	v21 =	vsel vm5, $0x28B, v21;
	v22 =	vsel vm5, $0x2C6, v22  }
0x82: {  	v23 =	vsel vm5, $0x30B, v23;
	v24 =	vsel vm5, $0x2C7, v24;
	v25 =	vsel vm5, $0x38B, v25  }
0x83: {  	s0 =	srdreg.scid;
	v26 =	vsel vm5, $0x2C8, v26;
	v27 =	vsel vm5, $0x40B, v27;
	v28 =	vsel vm5, $0x2C9, v28  }
0x84: {  	s2 =	stileid.u32;
	s1 =	rddreg [dreg:$0x0];
	v29 =	vsel vm5, $0x48B, v29;
	v31 =	vsel vm5, $0x2CA, v31;
	v30 =	vsel vm5, $0x50B, v30  }
0x85: {  	s8 =	rddreg [dreg:$0x1];
	s3 =	simm.s32 $0x0;
	s0 =	sand.u32 $0x1, s0;
	v2 =	vsel vm2, $0x30D, v2;
	v3 =	vsel vm2, $0x68C, v3;
	v4 =	vsel vm2, $0x30E, v4  }
0x86: {  	s2 =	sshll.u32 s2, $0x1;
	[smem:$0x7FF] =	sst s3;
	s15 =	sadd.s32 $0x8000, s8;
	v5 =	vsel vm2, $0x70C, v5;
	v6 =	vsel vm2, $0x30F, v6;
	v7 =	vsel vm2, $0x78C, v7  }
0x87: {  	s17 =	sadd.s32 $0xC000, s8;
	_ =	strace $0x80000047;
	[dreg:$0x9] =	wrdreg s15;
	v8 =	vsel vm2, $0x300, v8;
	v9 =	vsel vm2, $0xC, v9;
	v10 =	vsel vm2, $0x301, v10  }
0x88: {  	s9 =	sadd.s32 $0x10000, s8;
	s2 =	sor.u32 s0, s2;
	[dreg:$0xb] =	wrdreg s17;
	v11 =	vsel vm2, $0x8C, v11;
	v12 =	vsel vm2, $0x302, v12;
	v13 =	vsel vm2, $0x10C, v13  }
0x89: {  	s10 =	sadd.s32 $0x14000, s8;
	[dreg:$0xc] =	wrdreg s9;
	s4 =	smul.u32 $0xC80, s2;
	v14 =	vsel vm2, $0x303, v14;
	v15 =	vsel vm2, $0x18C, v15;
	v16 =	vsel vm2, $0x304, v16  }
0x8a: {  	s21 =	sadd.s32 $0x18000, s8;
	[dreg:$0xf] =	wrdreg s10;
	s5 =	smul.u32 $0x190000, s2;
	v17 =	vsel vm2, $0x20C, v17;
	v18 =	vsel vm2, $0x305, v18;
	v19 =	vsel vm2, $0x28C, v19  }
0x8b: {  	s12 =	sadd.s32 $0x1C000, s8;
	[dreg:$0x11] =	wrdreg s21;
	s6 =	smul.u32 $0x12000, s2;
	v20 =	vsel vm2, $0x306, v20;
	v21 =	vsel vm2, $0x30C, v21;
	v22 =	vsel vm2, $0x307, v22  }
0x8c: {  	s0 =	ssub.s32 $0x2, s0;
	[dreg:$0x12] =	wrdreg s12;
	s2 =	smul.u32 $0xC8, s2;
	v23 =	vsel vm2, $0x38C, v23;
	v24 =	vsel vm2, $0x308, v24;
	v25 =	vsel vm2, $0x40C, v25  }
0x8d: {  	s7 =	sadd.s32 s4, s1;
	s1 =	sadd.s32 $0x19400, s1;
	s4 =	sshrl.u32 s0, $0x1;
	v26 =	vsel vm2, $0x309, v26;
	v27 =	vsel vm2, $0x48C, v27;
	v28 =	vsel vm2, $0x30A, v28  }
0x8e: {  	s5 =	sand.u32 $0x3F00000, s5;
	s6 =	sand.u32 $0x1E000, s6;
	[dreg:$0x4] =	wrdreg s2;
	v29 =	vsel vm2, $0x50C, v29;
	v31 =	vsel vm2, $0x30B, v31;
	v30 =	vsel vm2, $0x58C, v30  }
0x8f: {  	[dreg:$0x3] =	wrdreg s1;
	s0 =	ssub.s32 s0, s4;
	s4 =	sadd.s32 $0x400, s7;
	v2 =	vsel vm3, $0x34E, v2;
	v3 =	vsel vm3, $0x70D, v3;
	v4 =	vsel vm3, $0x34F, v4  }
0x90: {  	s6 =	sor.u32 s6, s5;
	s7 =	sadd.s32 $0x4000, s8;
	[dreg:$0x5] =	wrdreg s4;
	v5 =	vsel vm3, $0x78D, v5;
	v6 =	vsel vm3, $0x340, v6;
	v7 =	vsel vm3, $0xD, v7  }
0x91: {  	s1 =	sshrl.u32 s6, $0x3;
	[dreg:$0x6] =	wrdreg s7;
	s0 =	smax.u32 s0, $0x1;
	v8 =	vsel vm3, $0x341, v8;
	v9 =	vsel vm3, $0x8D, v9;
	v10 =	vsel vm3, $0x342, v10  }
0x92: {  	s13 =	sadd.s32 s8, s1;
	[dreg:$0x1d] =	wrdreg s0;
	v11 =	vsel vm3, $0x10D, v11;
	v12 =	vsel vm3, $0x343, v12;
	v13 =	vsel vm3, $0x18D, v13  }
0x93: {  	s14 =	sadd.s32 s1, s7;
	[dreg:$0x7] =	wrdreg s13;
	v14 =	vsel vm3, $0x344, v14;
	v15 =	vsel vm3, $0x20D, v15;
	v16 =	vsel vm3, $0x345, v16  }
0x94: {  	s2 =	sadd.s32 $0xC7, s2;
	s16 =	sadd.s32 s1, s15;
	[dreg:$0x8] =	wrdreg s14;
	v17 =	vsel vm3, $0x28D, v17;
	v18 =	vsel vm3, $0x346, v18;
	v19 =	vsel vm3, $0x30D, v19  }
0x95: {  	s20 =	sshll.u32 s2, $0xA;
	s18 =	sadd.s32 s1, s17;
	[dreg:$0xa] =	wrdreg s16;
	v20 =	vsel vm3, $0x347, v20;
	v21 =	vsel vm3, $0x38D, v21;
	v22 =	vsel vm3, $0x348, v22  }
0x96: {  	s2 =	sshll.u32 s2, $0x7;
	s19 =	sadd.s32 s1, s9;
	[dreg:$0xd] =	wrdreg s18;
	v23 =	vsel vm3, $0x40D, v23;
	v24 =	vsel vm3, $0x349, v24;
	v25 =	vsel vm3, $0x48D, v25  }
0x97: {  	s5 =	sand.u32 $0xFE0000, s20;
	s11 =	sadd.s32 s1, s10;
	[dreg:$0xe] =	wrdreg s19;
	v26 =	vsel vm3, $0x34A, v26;
	v27 =	vsel vm3, $0x50D, v27;
	v28 =	vsel vm3, $0x34B, v28  }
0x98: {  	s2 =	sand.u32 $0x3F80, s2;
	s22 =	sadd.s32 s1, s21;
	[dreg:$0x10] =	wrdreg s11;
	v29 =	vsel vm3, $0x58D, v29;
	v31 =	vsel vm3, $0x34C, v31;
	v32 =	vsel vm3, $0x60D, v30  }
0x99: {  	s2 =	sor.u32 s2, s5;
	s1 =	sadd.s32 s1, s12;
	[dreg:$0x13] =	wrdreg s22;
	v2 =	vsel vm4, $0x38F, v2;
	v3 =	vsel vm4, $0x78E, v3;
	v4 =	vsel vm4, $0x380, v4  }
0x9a: {  	[dreg:$0x14] =	wrdreg s1;
	s23 =	sadd.s32 s8, s2;
	v5 =	vsel vm4, $0xE, v5;
	v6 =	vsel vm4, $0x381, v6;
	v7 =	vsel vm4, $0x8E, v7  }
0x9b: {  	s24 =	sadd.s32 s2, s7;
	[dreg:$0x15] =	wrdreg s23;
	v8 =	vsel vm4, $0x382, v8;
	v9 =	vsel vm4, $0x10E, v9;
	v10 =	vsel vm4, $0x383, v10  }
0x9c: {  	s25 =	sadd.s32 s2, s15;
	[dreg:$0x16] =	wrdreg s24;
	v11 =	vsel vm4, $0x18E, v11;
	v12 =	vsel vm4, $0x384, v12;
	v13 =	vsel vm4, $0x20E, v13  }
0x9d: {  	s6 =	simm.s32 $0x6400;
	s26 =	sadd.s32 s2, s17;
	[dreg:$0x17] =	wrdreg s25;
	v14 =	vsel vm4, $0x385, v14;
	v15 =	vsel vm4, $0x28E, v15;
	v16 =	vsel vm4, $0x386, v16  }
0x9e: {  	s28 =	sadd.s32 s2, s9;
	s29 =	sadd.s32 s2, s10;
	[dreg:$0x18] =	wrdreg s26;
	v17 =	vsel vm4, $0x30E, v17;
	v18 =	vsel vm4, $0x387, v18;
	v19 =	vsel vm4, $0x38E, v19  }
0x9f: {  	s30 =	sadd.s32 s2, s21;
	s31 =	sadd.s32 s2, s12;
	[dreg:$0x19] =	wrdreg s28;
	v20 =	vsel vm4, $0x388, v20;
	v21 =	vsel vm4, $0x40E, v21;
	v22 =	vsel vm4, $0x389, v22  }
0xa0: {  	s8 =	simm.s32 $0x8400;
	s11 =	simm.s32 $0xA400;
	[dreg:$0x1a] =	wrdreg s29;
	v23 =	vsel vm4, $0x48E, v23;
	v24 =	vsel vm4, $0x38A, v24;
	v25 =	vsel vm4, $0x50E, v25  }
0xa1: {  	s17 =	simm.s32 $0x4;
	s1 =	simm.s32 $0x0;
	[dreg:$0x1b] =	wrdreg s30;
	v26 =	vsel vm4, $0x38B, v26;
	v27 =	vsel vm4, $0x58E, v27;
	v28 =	vsel vm4, $0x38C, v28  }
0xa2: {  	[dreg:$0x1c] =	wrdreg s31;
	s24 =	simm.s32 $0x3;
	s26 =	simm.s32 $0xC400;
	v29 =	vsel vm4, $0x60E, v29;
	v30 =	vsel vm4, $0x38D, v31;
	v31 =	vsel vm4, $0x68E, v32  }
.LBB2_1:
0xa3: {  	s0 =	rddreg [dreg:$0x5];
	s30 =	simm.s32 $0x0  }
0xa4: {  	[tilespmem:s3], [sflag:$0x5] =	stream.linear.gather [hbm4b:s0+s3], $0x6400, $0x38;
	[tilespmem:$0xE400] =	vst v63  }
0xa5: {  	[dreg:$0x1e] =	wrdreg s1;
	s22 =	simm.s32 $0x5;
	s0 =	sand.u32 $0x6, s30  }
0xa6: {  	s25 =	simm.s32 $0x80;
	_ =	swait.ge [sflag:s22], $0x6400;
	s31 =	sor.u32 $0x1, s0  }
0xa7: {  	s4 =	sshll.u32 s0, $0xA;
	[sflag:s22] =	ssyncset.done $0x0;
	s2 =	sshll.u32 s31, $0xA  }
0xa8: {  	s23 =	rddreg [dreg:$0x3];
	[sflag:s22] =	ssyncadd.s32 $0xFFFF9C00;
	s15 =	sadd.s32 $0x0, s2  }
0xa9: {  	[tilespmem:s6], [sflag:$0x1] =	stream.indirect.gather [hbm4b:s23+s25], $0x40, s3, s25, $0xb8;
	[tilespmem:$0xE400] =	vst v63  }
0xaa: {  	s9 =	sadd.s32 $0x0, s4;
	s4 =	simm.s32 $0x1;
	v32 =	vor.u32 s15, v0  }
0xab: {  	v33 =	vor.u32 s9, v0;
	[tilespmem:s8], [sflag:$0x2] =	stream.indirect.gather [hbm4b:s23+s25], $0x40, s25, s25, $0xb8;
	[tilespmem:$0xE400] =	vst v63  }
0xac: {  	_ =	swait.ge [sflag:s4], $0x2000  }
0xad: {  	s5 =	simm.s32 $0x0;
	s1 =	sshll.u32 s31, $0x4;
	[sflag:s4] =	ssyncset.done $0x0  }
0xae: {  	s0 =	sshll.u32 s0, $0x4;
	s28 =	sor.u32 s5, s1;
	[sflag:s4] =	ssyncadd.s32 $0xFFFFE000  }
0xaf: {  	s14 =	sor.u32 s0, s5;
	v34 =	vor.u32 s28, v1;
	v32 =	vld.idx.msk [tilespmem:v32+s6+$0x0], $0xffff  }
0xb0: {  	v36 =	vor.u32 s14, v1;
	v35 =	vor.u32 s15, v2;
	v33 =	vld.idx.msk [tilespmem:v33+s6+$0x0], $0xffff  }
0xb1: {  	v37 =	vor.u32 s9, v2;
	_ =	sdelay $0x2  }
0xb2: {  	[tilespmem:v34+s11+$0x0] =	vst.idx.msk $0xffff, v32  }
0xb3: {  	v63 =	vor.u32 s28, v3;
	[tilespmem:v36+s11+$0x0] =	vst.idx.msk $0xffff, v33;
	v32 =	vld.idx.msk [tilespmem:v35+s6+$0x0], $0xffff  }
0xb4: {  	s7 =	simm.s32 $0x2;
	v42 =	vor.u32 s14, v3;
	v40 =	vor.u32 s15, v4;
	v41 =	vld.idx.msk [tilespmem:v37+s6+$0x0], $0xffff  }
0xb5: {  	s0 =	sand.u32 $0x6, s7;
	v43 =	vor.u32 s9, v4  }
0xb6: {  	s10 =	sor.u32 $0x1, s0  }
0xb7: {  	s12 =	sshll.u32 s10, $0xA  }
0xb8: {  	s21 =	sadd.s32 $0x0, s12;
	[tilespmem:v63+s11+$0x0] =	vst.idx.msk $0xffff, v32  }
0xb9: {  	v44 =	vor.u32 s28, v5;
	v38 =	vor.u32 s21, v0;
	[tilespmem:v42+s11+$0x0] =	vst.idx.msk $0xffff, v41;
	v33 =	vld.idx.msk [tilespmem:v40+s6+$0x0], $0xffff  }
0xba: {  	v46 =	vor.u32 s14, v5;
	v45 =	vor.u32 s15, v6;
	v35 =	vld.idx.msk [tilespmem:v43+s6+$0x0], $0xffff  }
0xbb: {  	v47 =	vor.u32 s9, v6  }
0xbc: {  	s13 =	simm.s32 $0x0;
	s1 =	sshll.u32 s10, $0x4  }
0xbd: {  	s20 =	sor.u32 s13, s1  }
0xbe: {  	v52 =	vor.u32 s20, v1;
	v51 =	vld.idx.msk [tilespmem:v38+s6+$0x0], $0xffff;
	[tilespmem:v44+s11+$0x0] =	vst.idx.msk $0xffff, v33  }
0xbf: {  	v48 =	vor.u32 s28, v7;
	v40 =	vor.u32 s21, v2;
	[tilespmem:v46+s11+$0x0] =	vst.idx.msk $0xffff, v35;
	v32 =	vld.idx.msk [tilespmem:v45+s6+$0x0], $0xffff  }
0xc0: {  	v50 =	vor.u32 s14, v7;
	s16 =	sshll.u32 s0, $0xA;
	v49 =	vor.u32 s15, v8;
	v35 =	vld.idx.msk [tilespmem:v47+s6+$0x0], $0xffff  }
0xc1: {  	v39 =	vor.u32 s9, v8;
	s23 =	sadd.s32 $0x0, s16  }
0xc2: {  	v53 =	vor.u32 s23, v0  }
0xc3: {  	[tilespmem:v52+s11+$0x0] =	vst.idx.msk $0xffff, v51  }
0xc4: {  	v56 =	vor.u32 s20, v3;
	v37 =	vld.idx.msk [tilespmem:v40+s6+$0x0], $0xffff;
	[tilespmem:v48+s11+$0x0] =	vst.idx.msk $0xffff, v32  }
0xc5: {  	s0 =	sshll.u32 s0, $0x4;
	v54 =	vor.u32 s28, v9;
	v58 =	vor.u32 s21, v4;
	[tilespmem:v50+s11+$0x0] =	vst.idx.msk $0xffff, v35;
	v33 =	vld.idx.msk [tilespmem:v49+s6+$0x0], $0xffff  }
0xc6: {  	v55 =	vor.u32 s14, v9;
	s22 =	sor.u32 s0, s13;
	v41 =	vor.u32 s15, v10;
	v35 =	vld.idx.msk [tilespmem:v39+s6+$0x0], $0xffff  }
0xc7: {  	v57 =	vor.u32 s9, v10;
	v59 =	vor.u32 s22, v1;
	v32 =	vld.idx.msk [tilespmem:v53+s6+$0x0], $0xffff  }
0xc8: {  	v60 =	vor.u32 s23, v2  }
0xc9: {  	[tilespmem:v56+s11+$0x0] =	vst.idx.msk $0xffff, v37  }
0xca: {  	v62 =	vor.u32 s20, v5;
	v38 =	vld.idx.msk [tilespmem:v58+s6+$0x0], $0xffff;
	[tilespmem:v54+s11+$0x0] =	vst.idx.msk $0xffff, v33  }
0xcb: {  	v42 =	vor.u32 s28, v11;
	v45 =	vor.u32 s21, v6;
	[tilespmem:v55+s11+$0x0] =	vst.idx.msk $0xffff, v35;
	v34 =	vld.idx.msk [tilespmem:v41+s6+$0x0], $0xffff  }
0xcc: {  	v61 =	vor.u32 s14, v11;
	v43 =	vor.u32 s15, v12;
	[tilespmem:v59+s11+$0x0] =	vst.idx.msk $0xffff, v32;
	v35 =	vld.idx.msk [tilespmem:v57+s6+$0x0], $0xffff  }
0xcd: {  	v63 =	vor.u32 s9, v12;
	v46 =	vor.u32 s22, v3;
	v33 =	vld.idx.msk [tilespmem:v60+s6+$0x0], $0xffff  }
0xce: {  	v49 =	vor.u32 s23, v4  }
0xcf: {  	[tilespmem:v62+s11+$0x0] =	vst.idx.msk $0xffff, v38  }
0xd0: {  	s18 =	simm.s32 $0x4;
	v52 =	vor.u32 s20, v7;
	v32 =	vld.idx.msk [tilespmem:v45+s6+$0x0], $0xffff;
	[tilespmem:v42+s11+$0x0] =	vst.idx.msk $0xffff, v34  }
0xd1: {  	s19 =	sand.u32 $0x6, s18;
	v48 =	vor.u32 s28, v13;
	v54 =	vor.u32 s21, v8;
	[tilespmem:v61+s11+$0x0] =	vst.idx.msk $0xffff, v35;
	v47 =	vld.idx.msk [tilespmem:v43+s6+$0x0], $0xffff  }
0xd2: {  	s0 =	sor.u32 $0x1, s19;
	v51 =	vor.u32 s14, v13;
	v50 =	vor.u32 s15, v14;
	[tilespmem:v46+s11+$0x0] =	vst.idx.msk $0xffff, v33;
	v35 =	vld.idx.msk [tilespmem:v63+s6+$0x0], $0xffff  }
0xd3: {  	s25 =	sshll.u32 s0, $0xA;
	v56 =	vor.u32 s22, v5;
	v53 =	vor.u32 s9, v14;
	v34 =	vld.idx.msk [tilespmem:v49+s6+$0x0], $0xffff  }
0xd4: {  	s29 =	sadd.s32 $0x0, s25;
	v58 =	vor.u32 s23, v6  }
0xd5: {  	v55 =	vor.u32 s29, v0;
	[tilespmem:v52+s11+$0x0] =	vst.idx.msk $0xffff, v32  }
0xd6: {  	v62 =	vor.u32 s20, v9;
	v61 =	vld.idx.msk [tilespmem:v54+s6+$0x0], $0xffff;
	[tilespmem:v48+s11+$0x0] =	vst.idx.msk $0xffff, v47  }
0xd7: {  	v45 =	vor.u32 s21, v10;
	v57 =	vor.u32 s28, v15;
	[tilespmem:v51+s11+$0x0] =	vst.idx.msk $0xffff, v35;
	v41 =	vld.idx.msk [tilespmem:v50+s6+$0x0], $0xffff  }
0xd8: {  	s5 =	simm.s32 $0x0;
	s0 =	sshll.u32 s0, $0x4;
	v44 =	vor.u32 s15, v16;
	v60 =	vor.u32 s14, v15;
	[tilespmem:v56+s11+$0x0] =	vst.idx.msk $0xffff, v34;
	v59 =	vld.idx.msk [tilespmem:v53+s6+$0x0], $0xffff  }
0xd9: {  	s1 =	sor.u32 s5, s0;
	v63 =	vor.u32 s9, v16;
	v40 =	vld.idx.msk [tilespmem:v58+s6+$0x0], $0xffff;
	v50 =	vor.u32 s22, v7  }
0xda: {  	v33 =	vld.idx.msk [tilespmem:v55+s6+$0x0], $0xffff;
	v52 =	vor.u32 s23, v8;
	v48 =	vor.u32 s1, v1  }
0xdb: {  	s30 =	sshll.u32 s19, $0xA;
	v49 =	vor.u32 s29, v2;
	[tilespmem:v62+s11+$0x0] =	vst.idx.msk $0xffff, v61  }
0xdc: {  	s0 =	sadd.s32 $0x0, s30;
	v55 =	vor.u32 s20, v11;
	v37 =	vld.idx.msk [tilespmem:v45+s6+$0x0], $0xffff;
	[tilespmem:v57+s11+$0x0] =	vst.idx.msk $0xffff, v41  }
0xdd: {  	v51 =	vor.u32 s28, v17;
	v53 =	vor.u32 s0, v0;
	[tilespmem:v60+s11+$0x0] =	vst.idx.msk $0xffff, v59;
	v42 =	vld.idx.msk [tilespmem:v44+s6+$0x0], $0xffff  }
0xde: {  	v54 =	vor.u32 s14, v17;
	[tilespmem:v50+s11+$0x0] =	vst.idx.msk $0xffff, v40;
	v57 =	vor.u32 s21, v12;
	v35 =	vld.idx.msk [tilespmem:v63+s6+$0x0], $0xffff  }
0xdf: {  	v46 =	vor.u32 s15, v18;
	[tilespmem:v48+s11+$0x0] =	vst.idx.msk $0xffff, v33;
	v60 =	vor.u32 s22, v9;
	v41 =	vld.idx.msk [tilespmem:v52+s6+$0x0], $0xffff  }
0xe0: {  	s2 =	sshll.u32 s19, $0x4;
	v62 =	vor.u32 s23, v10;
	v58 =	vor.u32 s1, v3;
	v34 =	vld.idx.msk [tilespmem:v49+s6+$0x0], $0xffff  }
0xe1: {  	s2 =	sor.u32 s2, s5;
	v56 =	vor.u32 s9, v18;
	[tilespmem:v55+s11+$0x0] =	vst.idx.msk $0xffff, v37  }
0xe2: {  	v47 =	vor.u32 s2, v1;
	v59 =	vor.u32 s29, v4;
	v32 =	vld.idx.msk [tilespmem:v53+s6+$0x0], $0xffff;
	[tilespmem:v51+s11+$0x0] =	vst.idx.msk $0xffff, v42  }
0xe3: {  	v55 =	vor.u32 s20, v13;
	[tilespmem:v54+s11+$0x0] =	vst.idx.msk $0xffff, v35;
	v54 =	vld.idx.msk [tilespmem:v57+s6+$0x0], $0xffff  }
0xe4: {  	v50 =	vor.u32 s0, v2;
	v63 =	vor.u32 s28, v19;
	[tilespmem:v60+s11+$0x0] =	vst.idx.msk $0xffff, v41;
	v61 =	vld.idx.msk [tilespmem:v46+s6+$0x0], $0xffff  }
0xe5: {  	s12 =	simm.s32 $0x6;
	[tilespmem:v58+s11+$0x0] =	vst.idx.msk $0xffff, v34;
	v57 =	vor.u32 s21, v14;
	v60 =	vor.u32 s22, v11;
	v58 =	vld.idx.msk [tilespmem:v62+s6+$0x0], $0xffff  }
0xe6: {  	s10 =	sand.u32 $0x6, s12;
	v48 =	vor.u32 s15, v20;
	v52 =	vor.u32 s14, v19;
	v51 =	vld.idx.msk [tilespmem:v56+s6+$0x0], $0xffff  }
0xe7: {  	s13 =	sor.u32 $0x1, s10;
	v53 =	vor.u32 s9, v20;
	[tilespmem:v47+s11+$0x0] =	vst.idx.msk $0xffff, v32;
	v40 =	vld.idx.msk [tilespmem:v59+s6+$0x0], $0xffff;
	v56 =	vor.u32 s1, v5  }
0xe8: {  	s31 =	sshll.u32 s13, $0xA;
	v59 =	vor.u32 s29, v6;
	[tilespmem:v55+s11+$0x0] =	vst.idx.msk $0xffff, v54  }
0xe9: {  	s5 =	sadd.s32 $0x0, s31;
	v49 =	vor.u32 s2, v3;
	v35 =	vld.idx.msk [tilespmem:v50+s6+$0x0], $0xffff;
	v62 =	vor.u32 s23, v12;
	[tilespmem:v63+s11+$0x0] =	vst.idx.msk $0xffff, v61  }
0xea: {  	v54 =	vor.u32 s5, v0;
	v38 =	vld.idx.msk [tilespmem:v57+s6+$0x0], $0xffff;
	[tilespmem:v60+s11+$0x0] =	vst.idx.msk $0xffff, v58;
	v60 =	vor.u32 s20, v15  }
0xeb: {  	v63 =	vor.u32 s28, v21;
	[tilespmem:v52+s11+$0x0] =	vst.idx.msk $0xffff, v51;
	v52 =	vor.u32 s0, v4;
	v61 =	vld.idx.msk [tilespmem:v48+s6+$0x0], $0xffff  }
0xec: {  	v51 =	vor.u32 s14, v21;
	[tilespmem:v56+s11+$0x0] =	vst.idx.msk $0xffff, v40;
	v56 =	vor.u32 s21, v16;
	v50 =	vld.idx.msk [tilespmem:v53+s6+$0x0], $0xffff  }
0xed: {  	s7 =	sshll.u32 s10, $0xA;
	v53 =	vor.u32 s9, v22;
	v55 =	vld.idx.msk [tilespmem:v59+s6+$0x0], $0xffff  }
0xee: {  	s7 =	sadd.s32 $0x0, s7;
	[tilespmem:v49+s11+$0x0] =	vst.idx.msk $0xffff, v35;
	v48 =	vor.u32 s15, v22;
	v59 =	vor.u32 s1, v7;
	v43 =	vld.idx.msk [tilespmem:v62+s6+$0x0], $0xffff  }
0xef: {  	v58 =	vor.u32 s7, v0;
	v62 =	vor.u32 s22, v13;
	v40 =	vld.idx.msk [tilespmem:v54+s6+$0x0], $0xffff;
	[tilespmem:v60+s11+$0x0] =	vst.idx.msk $0xffff, v38  }
0xf0: {  	s16 =	simm.s32 $0x0;
	s13 =	sshll.u32 s13, $0x4;
	v57 =	vor.u32 s23, v14;
	v37 =	vld.idx.msk [tilespmem:v52+s6+$0x0], $0xffff;
	[tilespmem:v63+s11+$0x0] =	vst.idx.msk $0xffff, v61;
	v63 =	vor.u32 s2, v5  }
0xf1: {  	s25 =	sor.u32 s16, s13;
	v49 =	vor.u32 s20, v17;
	v61 =	vor.u32 s29, v8;
	[tilespmem:v51+s11+$0x0] =	vst.idx.msk $0xffff, v50;
	v35 =	vld.idx.msk [tilespmem:v56+s6+$0x0], $0xffff  }
0xf2: {  	v50 =	vor.u32 s25, v1;
	v39 =	vld.idx.msk [tilespmem:v53+s6+$0x0], $0xffff;
	v53 =	vor.u32 s0, v6  }
0xf3: {  	v52 =	vor.u32 s28, v23;
	[tilespmem:v59+s11+$0x0] =	vst.idx.msk $0xffff, v55;
	v56 =	vor.u32 s21, v18;
	v45 =	vld.idx.msk [tilespmem:v48+s6+$0x0], $0xffff  }
0xf4: {  	v34 =	vld.idx.msk [tilespmem:v58+s6+$0x0], $0xffff;
	v58 =	vor.u32 s5, v2;
	v59 =	vor.u32 s14, v23;
	[tilespmem:v62+s11+$0x0] =	vst.idx.msk $0xffff, v43  }
0xf5: {  	v32 =	vor.u32 s7, v20;
	v54 =	vor.u32 s15, v24;
	v46 =	vld.idx.msk [tilespmem:v57+s6+$0x0], $0xffff;
	[tilespmem:v63+s11+$0x0] =	vst.idx.msk $0xffff, v37  }
0xf6: {  	v60 =	vor.u32 s9, v24;
	v55 =	vld.idx.msk [tilespmem:v61+s6+$0x0], $0xffff;
	v61 =	vor.u32 s1, v9;
	[tilespmem:v49+s11+$0x0] =	vst.idx.msk $0xffff, v35  }
0xf7: {  	s10 =	sshll.u32 s10, $0x4;
	v62 =	vor.u32 s29, v10;
	v63 =	vor.u32 s22, v15;
	[tilespmem:v50+s11+$0x0] =	vst.idx.msk $0xffff, v40;
	v41 =	vld.idx.msk [tilespmem:v53+s6+$0x0], $0xffff  }
0xf8: {  	s10 =	sor.u32 s10, s16;
	v51 =	vor.u32 s2, v7;
	v57 =	vor.u32 s23, v16;
	[tilespmem:v52+s11+$0x0] =	vst.idx.msk $0xffff, v45;
	v36 =	vld.idx.msk [tilespmem:v56+s6+$0x0], $0xffff  }
0xf9: {  	v48 =	vor.u32 s10, v1;
	[tilespmem:v59+s11+$0x0] =	vst.idx.msk $0xffff, v39;
	v59 =	vor.u32 s0, v8;
	v47 =	vld.idx.msk [tilespmem:v58+s6+$0x0], $0xffff  }
0xfa: {  	v42 =	vor.u32 s21, v20;
	v38 =	vor.u32 s28, v25;
	v49 =	vor.u32 s7, v2;
	v39 =	vld.idx.msk [tilespmem:v54+s6+$0x0], $0xffff  }
0xfb: {  	v43 =	vor.u32 s15, v26;
	v44 =	vld.idx.msk [tilespmem:v60+s6+$0x0], $0xffff;
	v60 =	vor.u32 s14, v25;
	[tilespmem:v61+s11+$0x0] =	vst.idx.msk $0xffff, v55  }
0xfc: {  	v35 =	vor.u32 s25, v5;
	v54 =	vor.u32 s25, v3;
	[tilespmem:v63+s11+$0x0] =	vst.idx.msk $0xffff, v46;
	v52 =	vld.idx.msk [tilespmem:v62+s6+$0x0], $0xffff;
	v62 =	vor.u32 s9, v26  }
0xfd: {  	v61 =	vor.u32 s1, v11;
	v45 =	vld.idx.msk [tilespmem:v57+s6+$0x0], $0xffff;
	[tilespmem:v51+s11+$0x0] =	vst.idx.msk $0xffff, v41;
	v57 =	vor.u32 s5, v4  }
0xfe: {  	v53 =	vor.u32 s22, v17;
	[tilespmem:v48+s11+$0x0] =	vst.idx.msk $0xffff, v34;
	v63 =	vor.u32 s29, v12;
	v55 =	vld.idx.msk [tilespmem:v59+s6+$0x0], $0xffff  }
0xff: {  	v33 =	vor.u32 s23, v20;
	v56 =	vor.u32 s23, v18;
	v58 =	vor.u32 s2, v9;
	[tilespmem:v38+s11+$0x0] =	vst.idx.msk $0xffff, v39;
	v38 =	vld.idx.msk [tilespmem:v49+s6+$0x0], $0xffff  }
0x100: {  	v50 =	vor.u32 s20, v19;
	v51 =	vor.u32 s0, v10;
	[tilespmem:v60+s11+$0x0] =	vst.idx.msk $0xffff, v44;
	v43 =	vld.idx.msk [tilespmem:v43+s6+$0x0], $0xffff  }
0x101: {  	v37 =	vor.u32 s9, v28;
	v34 =	vor.u32 s0, v20;
	[tilespmem:v54+s11+$0x0] =	vst.idx.msk $0xffff, v47;
	v40 =	vld.idx.msk [tilespmem:v62+s6+$0x0], $0xffff  }
0x102: {  	v48 =	vor.u32 s1, v13;
	v49 =	vor.u32 s28, v27;
	[tilespmem:v61+s11+$0x0] =	vst.idx.msk $0xffff, v52;
	v52 =	vld.idx.msk [tilespmem:v57+s6+$0x0], $0xffff  }
0x103: {  	v41 =	vor.u32 s15, v28;
	[tilespmem:v53+s11+$0x0] =	vst.idx.msk $0xffff, v45;
	v45 =	vor.u32 s14, v27;
	v46 =	vld.idx.msk [tilespmem:v63+s6+$0x0], $0xffff  }
0x104: {  	v47 =	vor.u32 s29, v14;
	v44 =	vor.u32 s22, v19;
	v39 =	vld.idx.msk [tilespmem:v56+s6+$0x0], $0xffff;
	[tilespmem:v58+s11+$0x0] =	vst.idx.msk $0xffff, v55  }
.LBB2_2:
0x105: {  	v51 =	vld.idx.msk [tilespmem:v51+s6+$0x0], $0xffff  }
0x106: {  	s12 =	sadd.s32 $0x2, s12;
	[tilespmem:v50+s11+$0x0] =	vst.idx.msk $0xffff, v36;
	v36 =	vor.u32 s5, v6;
	v50 =	vor.u32 s2, v11;
	v55 =	vor.u32 s10, v3  }
0x107: {  	s13 =	sand.u32 $0x6, s12;
	s16 =	sshrl.u32 s12, $0x3;
	p0 =	slt.u32 s12, $0x1E;
	v42 =	vld.idx.msk [tilespmem:v42+s6+$0x0], $0xffff;
	[tilespmem:v49+s11+$0x0] =	vst.idx.msk $0xffff, v43;
	v43 =	vor.u32 s0, v12;
	v49 =	vor.u32 s20, v21  }
0x108: {  	s30 =	sshll.u32 s16, $0x4;
	s31 =	sshll.u32 s13, $0xA;
	s18 =	sor.u32 $0x1, s13;
	[tilespmem:v45+s11+$0x0] =	vst.idx.msk $0xffff, v40;
	v40 =	vor.u32 s9, v30;
	v41 =	vld.idx.msk [tilespmem:v41+s6+$0x0], $0xffff;
	v45 =	vor.u32 s21, v22  }
0x109: {  	s31 =	sadd.s32 s30, s31;
	s9 =	sshll.u32 s18, $0x4;
	s18 =	sshll.u32 s18, $0xA;
	[tilespmem:v48+s11+$0x0] =	vst.idx.msk $0xffff, v46;
	v37 =	vld.idx.msk [tilespmem:v37+s6+$0x0], $0xffff;
	v46 =	vor.u32 s28, v29;
	v48 =	vor.u32 s15, v30  }
0x10a: {  	s13 =	sshll.u32 s13, $0x4;
	s15 =	sshll.u32 s16, $0xB;
	v53 =	vor.u32 s31, v0;
	v54 =	vor.u32 s31, v20;
	s16 =	sadd.s32 s30, s18;
	v47 =	vld.idx.msk [tilespmem:v47+s6+$0x0], $0xffff;
	[tilespmem:v44+s11+$0x0] =	vst.idx.msk $0xffff, v39;
	v39 =	vor.u32 s14, v29  }
0x10b: {  	v56 =	vor.u32 s22, v21;
	s18 =	sor.u32 s13, s15;
	s13 =	sor.u32 s15, s9;
	s9 =	smov.u32 s23;
	v44 =	vor.u32 s16, v0;
	[tilespmem:v35+s11+$0x0] =	vst.idx.msk $0xffff, v52;
	v52 =	vld.idx.msk [tilespmem:v33+s6+$0x0], $0xffff;
	v33 =	vmov v34  }
0x10c: {  	v57 =	vor.u32 s7, v4;
	s23 =	smov.u32 s0;
	s0 =	smov.u32 s7;
	s7 =	smov.u32 s31;
	v35 =	vor.u32 s13, v5;
	v34 =	vmovc v32;
	v32 =	vmov v54;
	v36 =	vld.idx.msk [tilespmem:v36+s6+$0x0], $0xffff;
	[tilespmem:v50+s11+$0x0] =	vst.idx.msk $0xffff, v51  }
0x10d: {  	s15 =	smov.u32 s21;
	s21 =	smov.u32 s29;
	s29 =	smov.u32 s5;
	v50 =	vor.u32 s25, v7;
	v51 =	vor.u32 s9, v22;
	v43 =	vld.idx.msk [tilespmem:v43+s6+$0x0], $0xffff;
	[tilespmem:v49+s11+$0x0] =	vst.idx.msk $0xffff, v42  }
0x10e: {  	s5 =	smov.u32 s16;
	v42 =	vor.u32 s1, v15;
	v45 =	vld.idx.msk [tilespmem:v45+s6+$0x0], $0xffff;
	[tilespmem:v46+s11+$0x0] =	vst.idx.msk $0xffff, v41  }
0x10f: {  	v41 =	vor.u32 s29, v8;
	v46 =	vor.u32 s20, v23;
	[tilespmem:v39+s11+$0x0] =	vst.idx.msk $0xffff, v37;
	v37 =	vld.idx.msk [tilespmem:v48+s6+$0x0], $0xffff  }
0x110: {  	v39 =	vor.u32 s21, v16;
	[tilespmem:v55+s11+$0x0] =	vst.idx.msk $0xffff, v38;
	v38 =	vor.u32 s2, v13;
	v40 =	vld.idx.msk [tilespmem:v40+s6+$0x0], $0xffff  }
0x111: {  	v48 =	vld.idx.msk [tilespmem:v57+s6+$0x0], $0xffff;
	[tilespmem:v56+s11+$0x0] =	vst.idx.msk $0xffff, v52;
	v52 =	vor.u32 s14, v31;
	s14 =	smov.u32 s22;
	s22 =	smov.u32 s2;
	s2 =	smov.u32 s10  }
0x112: {  	v49 =	vor.u32 s23, v14;
	v54 =	vor.u32 s2, v5  }
0x113: {  	s10 =	smov.u32 s18;
	[tilespmem:v50+s11+$0x0] =	vst.idx.msk $0xffff, v36;
	v36 =	vld.idx.msk [tilespmem:v51+s6+$0x0], $0xffff;
	v50 =	vor.u32 s28, v31;
	s28 =	smov.u32 s20;
	s20 =	smov.u32 s1;
	v51 =	vor.u32 s0, v6  }
0x114: {  	s1 =	smov.u32 s25;
	s25 =	smov.u32 s13;
	v44 =	vld.idx.msk [tilespmem:v44+s6+$0x0], $0xffff;
	[tilespmem:v42+s11+$0x0] =	vst.idx.msk $0xffff, v47;
	v42 =	vor.u32 s9, v24;
	v47 =	vor.u32 s15, v24  }
0x115: {  	v56 =	vor.u32 s14, v23;
	v55 =	vor.u32 s25, v1;
	v41 =	vld.idx.msk [tilespmem:v41+s6+$0x0], $0xffff;
	[tilespmem:v46+s11+$0x0] =	vst.idx.msk $0xffff, v45  }
0x116: {  	v45 =	vor.u32 s5, v2;
	v46 =	vor.u32 s1, v9;
	[tilespmem:v38+s11+$0x0] =	vst.idx.msk $0xffff, v43;
	v38 =	vld.idx.msk [tilespmem:v39+s6+$0x0], $0xffff  }
0x117: {  	v39 =	vor.u32 s29, v10;
	v43 =	vld.idx.msk [tilespmem:v49+s6+$0x0], $0xffff;
	v49 =	vor.u32 s20, v17;
	[tilespmem:v52+s11+$0x0] =	vst.idx.msk $0xffff, v40  }
0x118: {  	v52 =	vor.u32 s21, v18;
	v40 =	vld.idx.msk [tilespmem:v53+s6+$0x0], $0xffff;
	[tilespmem:v54+s11+$0x0] =	vst.idx.msk $0xffff, v48;
	v48 =	vor.u32 s22, v15  }
0x119: {  	v53 =	vor.u32 s23, v16;
	v51 =	vld.idx.msk [tilespmem:v51+s6+$0x0], $0xffff;
	[tilespmem:v50+s11+$0x0] =	vst.idx.msk $0xffff, v37  }
0x11a: {  	v37 =	vor.u32 s2, v7;
	[tilespmem:v56+s11+$0x0] =	vst.idx.msk $0xffff, v36;
	v47 =	vld.idx.msk [tilespmem:v47+s6+$0x0], $0xffff  }
0x11b: {  	v50 =	vor.u32 s0, v8;
	[tilespmem:v46+s11+$0x0] =	vst.idx.msk $0xffff, v41;
	v41 =	vld.idx.msk [tilespmem:v42+s6+$0x0], $0xffff;
	v42 =	vor.u32 s28, v25  }
0x11c: {  	v46 =	vor.u32 s10, v1;
	v39 =	vld.idx.msk [tilespmem:v39+s6+$0x0], $0xffff;
	[tilespmem:v49+s11+$0x0] =	vst.idx.msk $0xffff, v38;
	v38 =	vor.u32 s15, v26  }
0x11d: {  	v49 =	vor.u32 s7, v2;
	[tilespmem:v48+s11+$0x0] =	vst.idx.msk $0xffff, v43;
	v36 =	vld.idx.msk [tilespmem:v52+s6+$0x0], $0xffff;
	v48 =	vor.u32 s14, v25  }
0x11e: {  	[tilespmem:v55+s11+$0x0] =	vst.idx.msk $0xffff, v44;
	v44 =	vor.u32 s1, v11;
	v52 =	vld.idx.msk [tilespmem:v53+s6+$0x0], $0xffff;
	v53 =	vor.u32 s9, v26  }
0x11f: {  	v54 =	vld.idx.msk [tilespmem:v45+s6+$0x0], $0xffff;
	[tilespmem:v37+s11+$0x0] =	vst.idx.msk $0xffff, v51;
	v37 =	vor.u32 s29, v12;
	v45 =	vor.u32 s22, v17  }
0x120: {  	v57 =	vor.u32 s23, v18;
	v55 =	vor.u32 s25, v3;
	v56 =	vld.idx.msk [tilespmem:v50+s6+$0x0], $0xffff;
	[tilespmem:v42+s11+$0x0] =	vst.idx.msk $0xffff, v47  }
0x121: {  	v58 =	vor.u32 s2, v9;
	v47 =	vor.u32 s5, v4;
	[tilespmem:v46+s11+$0x0] =	vst.idx.msk $0xffff, v40;
	v43 =	vld.idx.msk [tilespmem:v38+s6+$0x0], $0xffff  }
.Ltmp0:
0x122: {  	v51 =	vor.u32 s0, v10;
	v50 =	vor.u32 s20, v19;
	v38 =	vld.idx.msk [tilespmem:v49+s6+$0x0], $0xffff;
	[tilespmem:v48+s11+$0x0] =	vst.idx.msk $0xffff, v41;
	(pc) =	sbr.rel @p0 .LBB2_2-.Ltmp0, $4  }
0x123: {  	v42 =	vor.u32 s21, v20;
	v49 =	vor.u32 s28, v27;
	[tilespmem:v44+s11+$0x0] =	vst.idx.msk $0xffff, v39;
	v40 =	vld.idx.msk [tilespmem:v53+s6+$0x0], $0xffff  }
0x124: {  	v41 =	vor.u32 s15, v28;
	v46 =	vld.idx.msk [tilespmem:v37+s6+$0x0], $0xffff;
	[tilespmem:v45+s11+$0x0] =	vst.idx.msk $0xffff, v52;
	v45 =	vor.u32 s14, v27  }
0x125: {  	v48 =	vor.u32 s1, v13;
	v37 =	vor.u32 s9, v28;
	[tilespmem:v55+s11+$0x0] =	vst.idx.msk $0xffff, v54;
	v39 =	vld.idx.msk [tilespmem:v57+s6+$0x0], $0xffff  }
0x126: {  	v44 =	vor.u32 s22, v19;
	v52 =	vld.idx.msk [tilespmem:v47+s6+$0x0], $0xffff;
	[tilespmem:v58+s11+$0x0] =	vst.idx.msk $0xffff, v56;
	v47 =	vor.u32 s29, v14  }
0x127: {  	v53 =	vor.u32 s10, v3  }
0x128: {  	v54 =	vor.u32 s7, v4;
	_ =	sdelay $0x3  }
0x129: {  	[tilespmem:v53+s11+$0x0] =	vst.idx.msk $0xffff, v38  }
0x12a: {  	v60 =	vor.u32 s10, v5;
	v55 =	vor.u32 s5, v6;
	v38 =	vld.idx.msk [tilespmem:v54+s6+$0x0], $0xffff  }
0x12b: {  	v61 =	vor.u32 s7, v6;
	_ =	sdelay $0x2  }
0x12c: {  	[tilespmem:v35+s11+$0x0] =	vst.idx.msk $0xffff, v52  }
0x12d: {  	v57 =	vor.u32 s25, v7;
	v52 =	vld.idx.msk [tilespmem:v55+s6+$0x0], $0xffff;
	[tilespmem:v60+s11+$0x0] =	vst.idx.msk $0xffff, v38  }
0x12e: {  	v63 =	vor.u32 s10, v7;
	v59 =	vor.u32 s5, v8;
	v62 =	vld.idx.msk [tilespmem:v61+s6+$0x0], $0xffff  }
0x12f: {  	v58 =	vor.u32 s7, v8;
	_ =	sdelay $0x2  }
0x130: {  	[tilespmem:v57+s11+$0x0] =	vst.idx.msk $0xffff, v52  }
0x131: {  	v52 =	vld.idx.msk [tilespmem:v59+s6+$0x0], $0xffff;
	v61 =	vor.u32 s25, v9;
	[tilespmem:v63+s11+$0x0] =	vst.idx.msk $0xffff, v62  }
0x132: {  	v60 =	vor.u32 s10, v9;
	v63 =	vor.u32 s5, v10;
	v35 =	vld.idx.msk [tilespmem:v58+s6+$0x0], $0xffff  }
0x133: {  	v62 =	vor.u32 s7, v10  }
0x134: {  	v51 =	vld.idx.msk [tilespmem:v51+s6+$0x0], $0xffff;
	v56 =	vor.u32 s2, v11  }
0x135: {  	v57 =	vor.u32 s0, v12  }
0x136: {  	[tilespmem:v61+s11+$0x0] =	vst.idx.msk $0xffff, v52  }
0x137: {  	v61 =	vor.u32 s25, v11;
	v52 =	vld.idx.msk [tilespmem:v63+s6+$0x0], $0xffff;
	[tilespmem:v60+s11+$0x0] =	vst.idx.msk $0xffff, v35  }
0x138: {  	v63 =	vor.u32 s5, v12;
	v60 =	vor.u32 s10, v11;
	v35 =	vld.idx.msk [tilespmem:v62+s6+$0x0], $0xffff  }
0x139: {  	[tilespmem:v56+s11+$0x0] =	vst.idx.msk $0xffff, v51  }
0x13a: {  	v56 =	vor.u32 s2, v13;
	v51 =	vld.idx.msk [tilespmem:v57+s6+$0x0], $0xffff;
	v62 =	vor.u32 s7, v12  }
0x13b: {  	[tilespmem:v50+s11+$0x0] =	vst.idx.msk $0xffff, v36;
	v58 =	vor.u32 s0, v14  }
0x13c: {  	[tilespmem:v61+s11+$0x0] =	vst.idx.msk $0xffff, v52  }
0x13d: {  	v61 =	vor.u32 s25, v13;
	[tilespmem:v60+s11+$0x0] =	vst.idx.msk $0xffff, v35;
	v60 =	vld.idx.msk [tilespmem:v63+s6+$0x0], $0xffff  }
0x13e: {  	[tilespmem:v49+s11+$0x0] =	vst.idx.msk $0xffff, v43;
	v63 =	vor.u32 s5, v14  }
0x13f: {  	v59 =	vor.u32 s10, v13;
	[tilespmem:v56+s11+$0x0] =	vst.idx.msk $0xffff, v51;
	v38 =	vld.idx.msk [tilespmem:v62+s6+$0x0], $0xffff  }
0x140: {  	[tilespmem:v48+s11+$0x0] =	vst.idx.msk $0xffff, v46;
	v54 =	vor.u32 s2, v15;
	v35 =	vld.idx.msk [tilespmem:v58+s6+$0x0], $0xffff;
	v62 =	vor.u32 s7, v14  }
0x141: {  	[tilespmem:v45+s11+$0x0] =	vst.idx.msk $0xffff, v40;
	v47 =	vld.idx.msk [tilespmem:v47+s6+$0x0], $0xffff;
	v55 =	vor.u32 s1, v15;
	v56 =	vor.u32 s0, v16  }
0x142: {  	v41 =	vld.idx.msk [tilespmem:v41+s6+$0x0], $0xffff;
	v53 =	vor.u32 s28, v29;
	v57 =	vor.u32 s29, v16;
	[tilespmem:v61+s11+$0x0] =	vst.idx.msk $0xffff, v60  }
0x143: {  	[tilespmem:v44+s11+$0x0] =	vst.idx.msk $0xffff, v39;
	v61 =	vor.u32 s25, v15;
	v60 =	vld.idx.msk [tilespmem:v63+s6+$0x0], $0xffff  }
0x144: {  	v42 =	vld.idx.msk [tilespmem:v42+s6+$0x0], $0xffff;
	[tilespmem:v59+s11+$0x0] =	vst.idx.msk $0xffff, v38;
	v63 =	vor.u32 s20, v21  }
0x145: {  	v52 =	vor.u32 s5, v16;
	[tilespmem:v54+s11+$0x0] =	vst.idx.msk $0xffff, v35;
	v59 =	vor.u32 s10, v15;
	v58 =	vld.idx.msk [tilespmem:v62+s6+$0x0], $0xffff  }
0x146: {  	[tilespmem:v55+s11+$0x0] =	vst.idx.msk $0xffff, v47;
	v54 =	vor.u32 s2, v17;
	v35 =	vld.idx.msk [tilespmem:v56+s6+$0x0], $0xffff;
	v62 =	vor.u32 s7, v16  }
0x147: {  	v55 =	vor.u32 s1, v17;
	[tilespmem:v53+s11+$0x0] =	vst.idx.msk $0xffff, v41;
	v38 =	vld.idx.msk [tilespmem:v57+s6+$0x0], $0xffff;
	v56 =	vor.u32 s0, v18  }
0x148: {  	[tilespmem:v61+s11+$0x0] =	vst.idx.msk $0xffff, v60  }
0x149: {  	v33 =	vld.idx.msk [tilespmem:v33+s6+$0x0], $0xffff;
	v53 =	vor.u32 s22, v21;
	[tilespmem:v63+s11+$0x0] =	vst.idx.msk $0xffff, v42  }
0x14a: {  	v57 =	vor.u32 s29, v18;
	v60 =	vor.u32 s25, v17;
	[tilespmem:v59+s11+$0x0] =	vst.idx.msk $0xffff, v58;
	v39 =	vld.idx.msk [tilespmem:v52+s6+$0x0], $0xffff  }
0x14b: {  	v63 =	vor.u32 s5, v18;
	[tilespmem:v54+s11+$0x0] =	vst.idx.msk $0xffff, v35;
	v59 =	vor.u32 s10, v17;
	v58 =	vld.idx.msk [tilespmem:v62+s6+$0x0], $0xffff  }
0x14c: {  	v61 =	vor.u32 s7, v18;
	[tilespmem:v55+s11+$0x0] =	vst.idx.msk $0xffff, v38;
	v55 =	vor.u32 s2, v19;
	v54 =	vld.idx.msk [tilespmem:v56+s6+$0x0], $0xffff  }
0x14d: {  	v37 =	vld.idx.msk [tilespmem:v37+s6+$0x0], $0xffff;
	v52 =	vor.u32 s21, v22;
	v62 =	vor.u32 s14, v29  }
0x14e: {  	[tilespmem:v53+s11+$0x0] =	vst.idx.msk $0xffff, v33  }
0x14f: {  	v35 =	vor.u32 s9, v30;
	v36 =	vld.idx.msk [tilespmem:v57+s6+$0x0], $0xffff;
	v56 =	vor.u32 s1, v19;
	[tilespmem:v60+s11+$0x0] =	vst.idx.msk $0xffff, v39  }
0x150: {  	v57 =	vor.u32 s29, v20;
	v60 =	vor.u32 s25, v19;
	[tilespmem:v59+s11+$0x0] =	vst.idx.msk $0xffff, v58;
	v59 =	vld.idx.msk [tilespmem:v63+s6+$0x0], $0xffff  }
0x151: {  	[tilespmem:v55+s11+$0x0] =	vst.idx.msk $0xffff, v54;
	v58 =	vor.u32 s10, v19;
	v63 =	vor.u32 s5, v20;
	v39 =	vld.idx.msk [tilespmem:v61+s6+$0x0], $0xffff  }
0x152: {  	v53 =	vor.u32 s23, v22;
	[tilespmem:v62+s11+$0x0] =	vst.idx.msk $0xffff, v37;
	v62 =	vor.u32 s20, v23;
	v61 =	vld.idx.msk [tilespmem:v52+s6+$0x0], $0xffff  }
0x153: {  	v54 =	vor.u32 s15, v30;
	v55 =	vor.u32 s2, v21;
	v34 =	vld.idx.msk [tilespmem:v34+s6+$0x0], $0xffff  }
0x154: {  	[tilespmem:v56+s11+$0x0] =	vst.idx.msk $0xffff, v36;
	v52 =	vor.u32 s14, v31;
	v35 =	vld.idx.msk [tilespmem:v35+s6+$0x0], $0xffff  }
0x155: {  	v56 =	vor.u32 s1, v21;
	v40 =	vld.idx.msk [tilespmem:v57+s6+$0x0], $0xffff;
	[tilespmem:v60+s11+$0x0] =	vst.idx.msk $0xffff, v59  }
0x156: {  	v57 =	vor.u32 s0, v22;
	v60 =	vor.u32 s25, v21;
	[tilespmem:v58+s11+$0x0] =	vst.idx.msk $0xffff, v39;
	v33 =	vld.idx.msk [tilespmem:v63+s6+$0x0], $0xffff  }
0x157: {  	v58 =	vor.u32 s29, v22;
	[tilespmem:v62+s11+$0x0] =	vst.idx.msk $0xffff, v61;
	v62 =	vld.idx.msk [tilespmem:v53+s6+$0x0], $0xffff;
	v63 =	vor.u32 s22, v23  }
0x158: {  	v38 =	vld.idx.msk [tilespmem:v54+s6+$0x0], $0xffff;
	[tilespmem:v55+s11+$0x0] =	vst.idx.msk $0xffff, v34;
	v55 =	vor.u32 s21, v24;
	v53 =	vor.u32 s28, v31  }
0x159: {  	v59 =	vor.u32 s10, v21;
	[tilespmem:v52+s11+$0x0] =	vst.idx.msk $0xffff, v35;
	v52 =	vor.u32 s5, v22;
	v32 =	vld.idx.msk [tilespmem:v32+s6+$0x0], $0xffff  }
0x15a: {  	v54 =	vor.u32 s23, v24;
	[tilespmem:v56+s11+$0x0] =	vst.idx.msk $0xffff, v40  }
0x15b: {  	v56 =	vor.u32 s2, v23;
	v61 =	vor.u32 s7, v22;
	v36 =	vld.idx.msk [tilespmem:v57+s6+$0x0], $0xffff;
	[tilespmem:v60+s11+$0x0] =	vst.idx.msk $0xffff, v33  }
0x15c: {  	v57 =	vor.u32 s1, v23;
	v39 =	vld.idx.msk [tilespmem:v58+s6+$0x0], $0xffff;
	[tilespmem:v63+s11+$0x0] =	vst.idx.msk $0xffff, v62  }
0x15d: {  	v34 =	vld.idx.msk [tilespmem:v55+s6+$0x0], $0xffff;
	v58 =	vor.u32 s0, v24;
	[tilespmem:v53+s11+$0x0] =	vst.idx.msk $0xffff, v38;
	v53 =	vor.u32 s20, v25  }
0x15e: {  	v41 =	vor.u32 s25, v23;
	[tilespmem:v59+s11+$0x0] =	vst.idx.msk $0xffff, v32;
	v59 =	vor.u32 s29, v24;
	v35 =	vld.idx.msk [tilespmem:v52+s6+$0x0], $0xffff  }
0x15f: {  	v55 =	vor.u32 s21, v26;
	v63 =	vor.u32 s22, v25;
	v62 =	vld.idx.msk [tilespmem:v54+s6+$0x0], $0xffff  }
0x160: {  	v60 =	vor.u32 s10, v23;
	[tilespmem:v56+s11+$0x0] =	vst.idx.msk $0xffff, v36;
	v52 =	vor.u32 s5, v24;
	v33 =	vld.idx.msk [tilespmem:v61+s6+$0x0], $0xffff  }
0x161: {  	v54 =	vor.u32 s23, v26;
	[tilespmem:v57+s11+$0x0] =	vst.idx.msk $0xffff, v39  }
0x162: {  	v61 =	vor.u32 s7, v24;
	v56 =	vld.idx.msk [tilespmem:v58+s6+$0x0], $0xffff;
	[tilespmem:v53+s11+$0x0] =	vst.idx.msk $0xffff, v34  }
0x163: {  	v57 =	vor.u32 s2, v25;
	v32 =	vld.idx.msk [tilespmem:v59+s6+$0x0], $0xffff;
	[tilespmem:v41+s11+$0x0] =	vst.idx.msk $0xffff, v35  }
0x164: {  	v58 =	vor.u32 s1, v25;
	v59 =	vor.u32 s0, v26;
	[tilespmem:v63+s11+$0x0] =	vst.idx.msk $0xffff, v62;
	v36 =	vld.idx.msk [tilespmem:v55+s6+$0x0], $0xffff  }
0x165: {  	v41 =	vor.u32 s25, v25;
	[tilespmem:v60+s11+$0x0] =	vst.idx.msk $0xffff, v33;
	v60 =	vor.u32 s29, v26;
	v38 =	vld.idx.msk [tilespmem:v52+s6+$0x0], $0xffff  }
0x166: {  	v53 =	vor.u32 s5, v26;
	v63 =	vld.idx.msk [tilespmem:v54+s6+$0x0], $0xffff;
	v52 =	vor.u32 s22, v27  }
0x167: {  	v55 =	vor.u32 s23, v28;
	v35 =	vld.idx.msk [tilespmem:v61+s6+$0x0], $0xffff;
	v61 =	vor.u32 s10, v25  }
0x168: {  	v62 =	vor.u32 s7, v26;
	v54 =	vor.u32 s20, v27;
	[tilespmem:v57+s11+$0x0] =	vst.idx.msk $0xffff, v56  }
0x169: {  	[tilespmem:v58+s11+$0x0] =	vst.idx.msk $0xffff, v32;
	v57 =	vld.idx.msk [tilespmem:v59+s6+$0x0], $0xffff;
	v58 =	vor.u32 s2, v27  }
0x16a: {  	v56 =	vor.u32 s21, v28;
	v59 =	vor.u32 s1, v27;
	v33 =	vld.idx.msk [tilespmem:v60+s6+$0x0], $0xffff;
	[tilespmem:v41+s11+$0x0] =	vst.idx.msk $0xffff, v38  }
0x16b: {  	v60 =	vor.u32 s0, v28;
	[tilespmem:v52+s11+$0x0] =	vst.idx.msk $0xffff, v63;
	v41 =	vor.u32 s25, v27;
	v34 =	vld.idx.msk [tilespmem:v53+s6+$0x0], $0xffff  }
0x16c: {  	[tilespmem:v61+s11+$0x0] =	vst.idx.msk $0xffff, v35;
	v61 =	vor.u32 s29, v28;
	v52 =	vld.idx.msk [tilespmem:v55+s6+$0x0], $0xffff;
	v53 =	vor.u32 s22, v29  }
0x16d: {  	[tilespmem:v54+s11+$0x0] =	vst.idx.msk $0xffff, v36;
	v54 =	vor.u32 s5, v28;
	v37 =	vld.idx.msk [tilespmem:v62+s6+$0x0], $0xffff;
	v62 =	vor.u32 s10, v27  }
0x16e: {  	v63 =	vor.u32 s7, v28;
	[tilespmem:v58+s11+$0x0] =	vst.idx.msk $0xffff, v57  }
0x16f: {  	v55 =	vor.u32 s23, v30;
	v39 =	vld.idx.msk [tilespmem:v56+s6+$0x0], $0xffff;
	v56 =	vor.u32 s20, v29;
	[tilespmem:v59+s11+$0x0] =	vst.idx.msk $0xffff, v33  }
0x170: {  	v57 =	vor.u32 s21, v30;
	v58 =	vld.idx.msk [tilespmem:v60+s6+$0x0], $0xffff;
	v59 =	vor.u32 s2, v29;
	[tilespmem:v41+s11+$0x0] =	vst.idx.msk $0xffff, v34  }
0x171: {  	v60 =	vor.u32 s0, v30;
	v35 =	vld.idx.msk [tilespmem:v61+s6+$0x0], $0xffff;
	v61 =	vor.u32 s1, v29;
	[tilespmem:v53+s11+$0x0] =	vst.idx.msk $0xffff, v52  }
0x172: {  	v52 =	vor.u32 s25, v29;
	[tilespmem:v62+s11+$0x0] =	vst.idx.msk $0xffff, v37;
	v62 =	vor.u32 s29, v30;
	v51 =	vld.idx.msk [tilespmem:v54+s6+$0x0], $0xffff  }
0x173: {  	v49 =	vor.u32 s10, v29;
	v54 =	vor.u32 s5, v30;
	v63 =	vld.idx.msk [tilespmem:v63+s6+$0x0], $0xffff  }
0x174: {  	v50 =	vor.u32 s7, v30;
	v53 =	vor.u32 s22, v31;
	v55 =	vld.idx.msk [tilespmem:v55+s6+$0x0], $0xffff;
	[tilespmem:v56+s11+$0x0] =	vst.idx.msk $0xffff, v39  }
0x175: {  	v56 =	vor.u32 s20, v31;
	v32 =	vld.idx.msk [tilespmem:v57+s6+$0x0], $0xffff;
	[tilespmem:v59+s11+$0x0] =	vst.idx.msk $0xffff, v58  }
0x176: {  	v57 =	vor.u32 s2, v31;
	[tilespmem:v61+s11+$0x0] =	vst.idx.msk $0xffff, v35;
	v58 =	vld.idx.msk [tilespmem:v60+s6+$0x0], $0xffff  }
0x177: {  	v59 =	vor.u32 s1, v31;
	v37 =	vld.idx.msk [tilespmem:v62+s6+$0x0], $0xffff;
	[tilespmem:v52+s11+$0x0] =	vst.idx.msk $0xffff, v51  }
0x178: {  	[tilespmem:v49+s11+$0x0] =	vst.idx.msk $0xffff, v63;
	v62 =	vld.idx.msk [tilespmem:v54+s6+$0x0], $0xffff;
	v63 =	vor.u32 s25, v31  }
0x179: {  	v60 =	vor.u32 s10, v31;
	[tilespmem:v53+s11+$0x0] =	vst.idx.msk $0xffff, v55;
	v61 =	vld.idx.msk [tilespmem:v50+s6+$0x0], $0xffff  }
0x17a: {  	[tilespmem:v56+s11+$0x0] =	vst.idx.msk $0xffff, v32  }
0x17b: {  	[tilespmem:v57+s11+$0x0] =	vst.idx.msk $0xffff, v58  }
0x17c: {  	[tilespmem:v59+s11+$0x0] =	vst.idx.msk $0xffff, v37  }
0x17d: {  	[tilespmem:v63+s11+$0x0] =	vst.idx.msk $0xffff, v62  }
0x17e: {  	[tilespmem:v60+s11+$0x0] =	vst.idx.msk $0xffff, v61  }
0x17f: {  	s20 =	simm.s32 $0x0;
	s12 =	rddreg [dreg:$0x7]  }
0x180: {  	[hbm4b:s12+s20] =	stream.linear.scatter [tilespmem:s11], [sflag:$0x3], $0x400, $0x38;
	[tilespmem:$0xE400] =	vst v63  }
0x181: {  	s14 =	simm.s32 $0xA800;
	s13 =	rddreg [dreg:$0x8]  }
0x182: {  	[hbm4b:s13+s20] =	stream.linear.scatter [tilespmem:s14], [sflag:$0x3], $0x400, $0x38;
	[tilespmem:$0xE400] =	vst v63  }
0x183: {  	s16 =	simm.s32 $0xAC00;
	s15 =	rddreg [dreg:$0xa]  }
0x184: {  	[hbm4b:s15+s20] =	stream.linear.scatter [tilespmem:s16], [sflag:$0x3], $0x400, $0x38;
	[tilespmem:$0xE400] =	vst v63  }
0x185: {  	s19 =	simm.s32 $0xB000;
	s18 =	rddreg [dreg:$0xd]  }
0x186: {  	[hbm4b:s18+s20] =	stream.linear.scatter [tilespmem:s19], [sflag:$0x3], $0x400, $0x38;
	[tilespmem:$0xE400] =	vst v63  }
0x187: {  	s22 =	simm.s32 $0xB400;
	s21 =	rddreg [dreg:$0xe]  }
0x188: {  	[hbm4b:s21+s20] =	stream.linear.scatter [tilespmem:s22], [sflag:$0x3], $0x400, $0x38;
	[tilespmem:$0xE400] =	vst v63  }
0x189: {  	s25 =	simm.s32 $0xB800;
	s23 =	rddreg [dreg:$0x10]  }
0x18a: {  	[hbm4b:s23+s20] =	stream.linear.scatter [tilespmem:s25], [sflag:$0x3], $0x400, $0x38;
	[tilespmem:$0xE400] =	vst v63  }
0x18b: {  	s29 =	simm.s32 $0xBC00;
	s28 =	rddreg [dreg:$0x13]  }
0x18c: {  	[hbm4b:s28+s20] =	stream.linear.scatter [tilespmem:s29], [sflag:$0x3], $0x400, $0x38;
	[tilespmem:$0xE400] =	vst v63  }
0x18d: {  	s31 =	simm.s32 $0xC000;
	s30 =	rddreg [dreg:$0x14]  }
0x18e: {  	[hbm4b:s30+s20] =	stream.linear.scatter [tilespmem:s31], [sflag:$0x3], $0x400, $0x38;
	[tilespmem:$0xE400] =	vst v63  }
.LBB2_4:
0x18f: {  	_ =	swait.ge [sflag:s24], $0x400  }
0x190: {  	[sflag:s24] =	ssyncset.done $0x0  }
0x191: {  	[sflag:s24] =	ssyncadd.s32 $0xFFFFFC00  }
0x192: {  	_ =	swait.ge [sflag:s24], $0x400  }
0x193: {  	[sflag:s24] =	ssyncset.done $0x0  }
0x194: {  	[sflag:s24] =	ssyncadd.s32 $0xFFFFFC00  }
0x195: {  	_ =	swait.ge [sflag:s24], $0x400  }
0x196: {  	[sflag:s24] =	ssyncset.done $0x0  }
0x197: {  	[sflag:s24] =	ssyncadd.s32 $0xFFFFFC00  }
0x198: {  	_ =	swait.ge [sflag:s24], $0x400  }
0x199: {  	[sflag:s24] =	ssyncset.done $0x0  }
0x19a: {  	[sflag:s24] =	ssyncadd.s32 $0xFFFFFC00  }
0x19b: {  	_ =	swait.ge [sflag:s24], $0x400  }
0x19c: {  	[sflag:s24] =	ssyncset.done $0x0  }
0x19d: {  	[sflag:s24] =	ssyncadd.s32 $0xFFFFFC00  }
0x19e: {  	_ =	swait.ge [sflag:s24], $0x400  }
0x19f: {  	[sflag:s24] =	ssyncset.done $0x0  }
0x1a0: {  	[sflag:s24] =	ssyncadd.s32 $0xFFFFFC00  }
0x1a1: {  	_ =	swait.ge [sflag:s24], $0x400  }
0x1a2: {  	[sflag:s24] =	ssyncset.done $0x0  }
0x1a3: {  	s22 =	sshll.u32 s20, $0x1;
	s2 =	simm.s32 $0x80;
	[sflag:s24] =	ssyncadd.s32 $0xFFFFFC00  }
0x1a4: {  	s18 =	simm.s32 $0x0;
	s0 =	sadd.s32 $0x2, s22;
	_ =	swait.ge [sflag:s24], $0x400  }
0x1a5: {  	[dreg:$0x1f] =	wrdreg s0;
	s0 =	sshll.u32 s0, $0x7;
	[sflag:s24] =	ssyncset.done $0x0  }
0x1a6: {  	s0 =	sand.u32 $0x3FFFFF00, s0;
	s1 =	rddreg [dreg:$0x3];
	[sflag:s24] =	ssyncadd.s32 $0xFFFFFC00  }
0x1a7: {  	[tilespmem:s6], [sflag:$0x1] =	stream.indirect.gather [hbm4b:s1+s2], $0x40, s0, s2, $0xb8;
	[tilespmem:$0xE400] =	vst v63  }
0x1a8: {  	s0 =	sand.u32 $0x6, s18  }
0x1a9: {  	s5 =	sshll.u32 s0, $0xA  }
0x1aa: {  	s19 =	sor.u32 $0x1, s0;
	s25 =	sadd.s32 $0x0, s5  }
0x1ab: {  	s21 =	sshll.u32 s19, $0xA;
	v33 =	vor.u32 s25, v0  }
0x1ac: {  	s4 =	simm.s32 $0x2;
	s2 =	sadd.s32 $0x0, s21  }
0x1ad: {  	_ =	swait.ge [sflag:s4], $0x2000;
	v32 =	vor.u32 s2, v0  }
0x1ae: {  	s23 =	simm.s32 $0x0;
	s0 =	sshll.u32 s0, $0x4;
	[sflag:s4] =	ssyncset.done $0x0  }
0x1af: {  	s15 =	sor.u32 s0, s23;
	[sflag:s4] =	ssyncadd.s32 $0xFFFFE000  }
0x1b0: {  	s1 =	sshll.u32 s19, $0x4;
	v36 =	vor.u32 s15, v1;
	v33 =	vld.idx.msk [tilespmem:v33+s8+$0x0], $0xffff  }
0x1b1: {  	s31 =	sor.u32 s23, s1;
	v37 =	vor.u32 s25, v2  }
0x1b2: {  	v34 =	vor.u32 s31, v1;
	v32 =	vld.idx.msk [tilespmem:v32+s8+$0x0], $0xffff  }
0x1b3: {  	v35 =	vor.u32 s2, v2;
	_ =	sdelay $0x1  }
0x1b4: {  	[tilespmem:v36+s26+$0x0] =	vst.idx.msk $0xffff, v33  }
0x1b5: {  	v42 =	vor.u32 s15, v3;
	v41 =	vld.idx.msk [tilespmem:v37+s8+$0x0], $0xffff  }
0x1b6: {  	s5 =	simm.s32 $0x2;
	v43 =	vor.u32 s25, v4;
	[tilespmem:v34+s26+$0x0] =	vst.idx.msk $0xffff, v32  }
0x1b7: {  	s0 =	sand.u32 $0x6, s5;
	v63 =	vor.u32 s31, v3;
	v32 =	vld.idx.msk [tilespmem:v35+s8+$0x0], $0xffff  }
0x1b8: {  	v40 =	vor.u32 s2, v4;
	s7 =	sor.u32 $0x1, s0  }
0x1b9: {  	s9 =	sshll.u32 s7, $0xA  }
0x1ba: {  	s28 =	sadd.s32 $0x0, s9;
	[tilespmem:v42+s26+$0x0] =	vst.idx.msk $0xffff, v41  }
0x1bb: {  	v46 =	vor.u32 s15, v5;
	v38 =	vor.u32 s28, v0;
	v35 =	vld.idx.msk [tilespmem:v43+s8+$0x0], $0xffff  }
0x1bc: {  	v47 =	vor.u32 s25, v6;
	[tilespmem:v63+s26+$0x0] =	vst.idx.msk $0xffff, v32  }
0x1bd: {  	v44 =	vor.u32 s31, v5;
	v33 =	vld.idx.msk [tilespmem:v40+s8+$0x0], $0xffff  }
0x1be: {  	s10 =	simm.s32 $0x0;
	v45 =	vor.u32 s2, v6;
	s1 =	sshll.u32 s7, $0x4  }
0x1bf: {  	s23 =	sor.u32 s10, s1  }
0x1c0: {  	v52 =	vor.u32 s23, v1;
	v51 =	vld.idx.msk [tilespmem:v38+s8+$0x0], $0xffff;
	[tilespmem:v46+s26+$0x0] =	vst.idx.msk $0xffff, v35  }
0x1c1: {  	v50 =	vor.u32 s15, v7;
	v40 =	vor.u32 s28, v2;
	v35 =	vld.idx.msk [tilespmem:v47+s8+$0x0], $0xffff  }
0x1c2: {  	v39 =	vor.u32 s25, v8;
	[tilespmem:v44+s26+$0x0] =	vst.idx.msk $0xffff, v33  }
0x1c3: {  	v48 =	vor.u32 s31, v7;
	v32 =	vld.idx.msk [tilespmem:v45+s8+$0x0], $0xffff  }
0x1c4: {  	v49 =	vor.u32 s2, v8;
	s12 =	sshll.u32 s0, $0xA  }
0x1c5: {  	s30 =	sadd.s32 $0x0, s12;
	[tilespmem:v52+s26+$0x0] =	vst.idx.msk $0xffff, v51  }
0x1c6: {  	v53 =	vor.u32 s30, v0;
	v56 =	vor.u32 s23, v3;
	v37 =	vld.idx.msk [tilespmem:v40+s8+$0x0], $0xffff;
	[tilespmem:v50+s26+$0x0] =	vst.idx.msk $0xffff, v35  }
0x1c7: {  	v55 =	vor.u32 s15, v9;
	v58 =	vor.u32 s28, v4;
	v35 =	vld.idx.msk [tilespmem:v39+s8+$0x0], $0xffff  }
0x1c8: {  	v57 =	vor.u32 s25, v10;
	[tilespmem:v48+s26+$0x0] =	vst.idx.msk $0xffff, v32  }
0x1c9: {  	v54 =	vor.u32 s31, v9;
	s0 =	sshll.u32 s0, $0x4;
	v33 =	vld.idx.msk [tilespmem:v49+s8+$0x0], $0xffff  }
0x1ca: {  	s29 =	sor.u32 s0, s10;
	v41 =	vor.u32 s2, v10  }
0x1cb: {  	v59 =	vor.u32 s29, v1;
	[tilespmem:v56+s26+$0x0] =	vst.idx.msk $0xffff, v37;
	v32 =	vld.idx.msk [tilespmem:v53+s8+$0x0], $0xffff  }
0x1cc: {  	v60 =	vor.u32 s30, v2;
	v62 =	vor.u32 s23, v5;
	v38 =	vld.idx.msk [tilespmem:v58+s8+$0x0], $0xffff;
	[tilespmem:v55+s26+$0x0] =	vst.idx.msk $0xffff, v35  }
0x1cd: {  	v61 =	vor.u32 s15, v11;
	v45 =	vor.u32 s28, v6;
	v35 =	vld.idx.msk [tilespmem:v57+s8+$0x0], $0xffff  }
0x1ce: {  	v63 =	vor.u32 s25, v12;
	[tilespmem:v54+s26+$0x0] =	vst.idx.msk $0xffff, v33  }
0x1cf: {  	v42 =	vor.u32 s31, v11;
	v34 =	vld.idx.msk [tilespmem:v41+s8+$0x0], $0xffff  }
0x1d0: {  	s13 =	simm.s32 $0x4;
	v43 =	vor.u32 s2, v12;
	[tilespmem:v59+s26+$0x0] =	vst.idx.msk $0xffff, v32  }
0x1d1: {  	s0 =	sand.u32 $0x6, s13;
	v46 =	vor.u32 s29, v3;
	[tilespmem:v62+s26+$0x0] =	vst.idx.msk $0xffff, v38;
	v33 =	vld.idx.msk [tilespmem:v60+s8+$0x0], $0xffff  }
0x1d2: {  	s14 =	sor.u32 $0x1, s0;
	v52 =	vor.u32 s23, v7;
	v49 =	vor.u32 s30, v4;
	v32 =	vld.idx.msk [tilespmem:v45+s8+$0x0], $0xffff;
	[tilespmem:v61+s26+$0x0] =	vst.idx.msk $0xffff, v35  }
0x1d3: {  	s16 =	sshll.u32 s14, $0xA;
	v51 =	vor.u32 s15, v13;
	v54 =	vor.u32 s28, v8;
	v35 =	vld.idx.msk [tilespmem:v63+s8+$0x0], $0xffff  }
0x1d4: {  	s1 =	sadd.s32 $0x0, s16;
	v53 =	vor.u32 s25, v14;
	[tilespmem:v42+s26+$0x0] =	vst.idx.msk $0xffff, v34  }
0x1d5: {  	v48 =	vor.u32 s31, v13;
	v55 =	vor.u32 s1, v0;
	v47 =	vld.idx.msk [tilespmem:v43+s8+$0x0], $0xffff  }
0x1d6: {  	v50 =	vor.u32 s2, v14;
	[tilespmem:v46+s26+$0x0] =	vst.idx.msk $0xffff, v33  }
0x1d7: {  	v56 =	vor.u32 s29, v5;
	[tilespmem:v52+s26+$0x0] =	vst.idx.msk $0xffff, v32;
	v34 =	vld.idx.msk [tilespmem:v49+s8+$0x0], $0xffff  }
0x1d8: {  	s7 =	simm.s32 $0x0;
	s5 =	sshll.u32 s14, $0x4;
	v58 =	vor.u32 s30, v6;
	v62 =	vor.u32 s23, v9;
	v61 =	vld.idx.msk [tilespmem:v54+s8+$0x0], $0xffff;
	[tilespmem:v51+s26+$0x0] =	vst.idx.msk $0xffff, v35  }
0x1d9: {  	s14 =	sor.u32 s7, s5;
	v60 =	vor.u32 s15, v15;
	v45 =	vor.u32 s28, v10;
	v59 =	vld.idx.msk [tilespmem:v53+s8+$0x0], $0xffff  }
0x1da: {  	v33 =	vld.idx.msk [tilespmem:v55+s8+$0x0], $0xffff;
	v63 =	vor.u32 s25, v16;
	[tilespmem:v48+s26+$0x0] =	vst.idx.msk $0xffff, v47;
	v48 =	vor.u32 s14, v1  }
0x1db: {  	v57 =	vor.u32 s31, v15;
	v49 =	vor.u32 s1, v2;
	v41 =	vld.idx.msk [tilespmem:v50+s8+$0x0], $0xffff  }
0x1dc: {  	v44 =	vor.u32 s2, v16;
	[tilespmem:v56+s26+$0x0] =	vst.idx.msk $0xffff, v34  }
0x1dd: {  	s18 =	sshll.u32 s0, $0xA;
	[tilespmem:v62+s26+$0x0] =	vst.idx.msk $0xffff, v61;
	v40 =	vld.idx.msk [tilespmem:v58+s8+$0x0], $0xffff;
	v50 =	vor.u32 s29, v7  }
0x1de: {  	s9 =	sadd.s32 $0x0, s18;
	v52 =	vor.u32 s30, v8;
	v55 =	vor.u32 s23, v11;
	v37 =	vld.idx.msk [tilespmem:v45+s8+$0x0], $0xffff;
	[tilespmem:v60+s26+$0x0] =	vst.idx.msk $0xffff, v59  }
0x1df: {  	v54 =	vor.u32 s15, v17;
	v53 =	vor.u32 s9, v0;
	[tilespmem:v48+s26+$0x0] =	vst.idx.msk $0xffff, v33;
	v35 =	vld.idx.msk [tilespmem:v63+s8+$0x0], $0xffff  }
0x1e0: {  	v58 =	vor.u32 s14, v3;
	[tilespmem:v57+s26+$0x0] =	vst.idx.msk $0xffff, v41;
	v34 =	vld.idx.msk [tilespmem:v49+s8+$0x0], $0xffff;
	v57 =	vor.u32 s28, v12  }
0x1e1: {  	v51 =	vor.u32 s31, v17;
	v56 =	vor.u32 s25, v18;
	v42 =	vld.idx.msk [tilespmem:v44+s8+$0x0], $0xffff  }
0x1e2: {  	s0 =	sshll.u32 s0, $0x4;
	v59 =	vor.u32 s1, v4;
	[tilespmem:v50+s26+$0x0] =	vst.idx.msk $0xffff, v40  }
0x1e3: {  	s0 =	sor.u32 s0, s7;
	v46 =	vor.u32 s2, v18;
	v60 =	vor.u32 s29, v9;
	[tilespmem:v55+s26+$0x0] =	vst.idx.msk $0xffff, v37;
	v41 =	vld.idx.msk [tilespmem:v52+s8+$0x0], $0xffff  }
0x1e4: {  	v62 =	vor.u32 s30, v10;
	v47 =	vor.u32 s0, v1;
	v32 =	vld.idx.msk [tilespmem:v53+s8+$0x0], $0xffff;
	[tilespmem:v54+s26+$0x0] =	vst.idx.msk $0xffff, v35  }
0x1e5: {  	v55 =	vor.u32 s23, v13;
	v54 =	vld.idx.msk [tilespmem:v57+s8+$0x0], $0xffff;
	[tilespmem:v58+s26+$0x0] =	vst.idx.msk $0xffff, v34  }
0x1e6: {  	v50 =	vor.u32 s9, v2;
	v52 =	vor.u32 s15, v19;
	[tilespmem:v51+s26+$0x0] =	vst.idx.msk $0xffff, v42;
	v51 =	vld.idx.msk [tilespmem:v56+s8+$0x0], $0xffff  }
0x1e7: {  	s13 =	simm.s32 $0x6;
	v57 =	vor.u32 s28, v14;
	v56 =	vor.u32 s14, v5;
	v40 =	vld.idx.msk [tilespmem:v59+s8+$0x0], $0xffff  }
0x1e8: {  	s12 =	sand.u32 $0x6, s13;
	v53 =	vor.u32 s25, v20;
	v63 =	vor.u32 s31, v19;
	[tilespmem:v60+s26+$0x0] =	vst.idx.msk $0xffff, v41;
	v61 =	vld.idx.msk [tilespmem:v46+s8+$0x0], $0xffff  }
0x1e9: {  	s10 =	sor.u32 $0x1, s12;
	v48 =	vor.u32 s2, v20;
	[tilespmem:v47+s26+$0x0] =	vst.idx.msk $0xffff, v32;
	v60 =	vor.u32 s29, v11;
	v58 =	vld.idx.msk [tilespmem:v62+s8+$0x0], $0xffff  }
0x1ea: {  	s19 =	sshll.u32 s10, $0xA;
	v59 =	vor.u32 s1, v6;
	[tilespmem:v55+s26+$0x0] =	vst.idx.msk $0xffff, v54  }
0x1eb: {  	s5 =	sadd.s32 $0x0, s19;
	v35 =	vld.idx.msk [tilespmem:v50+s8+$0x0], $0xffff;
	v62 =	vor.u32 s30, v12;
	[tilespmem:v52+s26+$0x0] =	vst.idx.msk $0xffff, v51  }
0x1ec: {  	s21 =	sshll.u32 s12, $0xA;
	v49 =	vor.u32 s0, v3;
	v54 =	vor.u32 s5, v0;
	v38 =	vld.idx.msk [tilespmem:v57+s8+$0x0], $0xffff;
	[tilespmem:v56+s26+$0x0] =	vst.idx.msk $0xffff, v40  }
0x1ed: {  	s7 =	sadd.s32 $0x0, s21;
	v51 =	vor.u32 s15, v21;
	v52 =	vor.u32 s9, v4;
	[tilespmem:v63+s26+$0x0] =	vst.idx.msk $0xffff, v61;
	v50 =	vld.idx.msk [tilespmem:v53+s8+$0x0], $0xffff  }
0x1ee: {  	v63 =	vor.u32 s31, v21;
	[tilespmem:v60+s26+$0x0] =	vst.idx.msk $0xffff, v58;
	v58 =	vor.u32 s7, v0;
	v61 =	vld.idx.msk [tilespmem:v48+s8+$0x0], $0xffff  }
0x1ef: {  	v53 =	vor.u32 s25, v22;
	v55 =	vld.idx.msk [tilespmem:v59+s8+$0x0], $0xffff;
	v60 =	vor.u32 s23, v15  }
0x1f0: {  	v56 =	vor.u32 s28, v16;
	v59 =	vor.u32 s14, v7;
	v43 =	vld.idx.msk [tilespmem:v62+s8+$0x0], $0xffff  }
0x1f1: {  	s10 =	sshll.u32 s10, $0x4;
	s16 =	simm.s32 $0x0;
	[tilespmem:v49+s26+$0x0] =	vst.idx.msk $0xffff, v35;
	v48 =	vor.u32 s2, v22;
	v62 =	vor.u32 s29, v13;
	v40 =	vld.idx.msk [tilespmem:v54+s8+$0x0], $0xffff  }
0x1f2: {  	s10 =	sor.u32 s16, s10;
	v57 =	vor.u32 s30, v14;
	v37 =	vld.idx.msk [tilespmem:v52+s8+$0x0], $0xffff;
	[tilespmem:v51+s26+$0x0] =	vst.idx.msk $0xffff, v50  }
0x1f3: {  	v34 =	vld.idx.msk [tilespmem:v58+s8+$0x0], $0xffff;
	v50 =	vor.u32 s10, v1;
	[tilespmem:v63+s26+$0x0] =	vst.idx.msk $0xffff, v61;
	v61 =	vor.u32 s1, v8  }
0x1f4: {  	[tilespmem:v60+s26+$0x0] =	vst.idx.msk $0xffff, v38;
	v58 =	vor.u32 s5, v2;
	v63 =	vor.u32 s0, v5;
	v39 =	vld.idx.msk [tilespmem:v53+s8+$0x0], $0xffff  }
0x1f5: {  	[tilespmem:v59+s26+$0x0] =	vst.idx.msk $0xffff, v55;
	v59 =	vor.u32 s15, v23;
	v53 =	vor.u32 s9, v6;
	v35 =	vld.idx.msk [tilespmem:v56+s8+$0x0], $0xffff  }
0x1f6: {  	v52 =	vor.u32 s31, v23;
	v60 =	vor.u32 s25, v24;
	[tilespmem:v62+s26+$0x0] =	vst.idx.msk $0xffff, v43;
	v45 =	vld.idx.msk [tilespmem:v48+s8+$0x0], $0xffff  }
0x1f7: {  	v49 =	vor.u32 s23, v17;
	v54 =	vor.u32 s2, v24;
	v51 =	vor.u32 s0, v7;
	v46 =	vld.idx.msk [tilespmem:v57+s8+$0x0], $0xffff  }
0x1f8: {  	v42 =	vor.u32 s28, v20;
	v56 =	vor.u32 s28, v18;
	[tilespmem:v50+s26+$0x0] =	vst.idx.msk $0xffff, v40;
	v55 =	vld.idx.msk [tilespmem:v61+s8+$0x0], $0xffff;
	v61 =	vor.u32 s14, v9  }
0x1f9: {  	s12 =	sshll.u32 s12, $0x4;
	v62 =	vor.u32 s1, v10;
	[tilespmem:v63+s26+$0x0] =	vst.idx.msk $0xffff, v37;
	v63 =	vor.u32 s29, v15;
	v47 =	vld.idx.msk [tilespmem:v58+s8+$0x0], $0xffff  }
0x1fa: {  	s12 =	sor.u32 s12, s16;
	v38 =	vor.u32 s31, v25;
	v57 =	vor.u32 s30, v16;
	[tilespmem:v59+s26+$0x0] =	vst.idx.msk $0xffff, v39;
	v41 =	vld.idx.msk [tilespmem:v53+s8+$0x0], $0xffff  }
0x1fb: {  	v48 =	vor.u32 s12, v1;
	v59 =	vor.u32 s9, v8;
	[tilespmem:v52+s26+$0x0] =	vst.idx.msk $0xffff, v45;
	v44 =	vld.idx.msk [tilespmem:v60+s8+$0x0], $0xffff  }
0x1fc: {  	v32 =	vor.u32 s7, v20;
	v43 =	vor.u32 s2, v26;
	[tilespmem:v49+s26+$0x0] =	vst.idx.msk $0xffff, v35;
	v49 =	vor.u32 s7, v2;
	v39 =	vld.idx.msk [tilespmem:v54+s8+$0x0], $0xffff  }
0x1fd: {  	v50 =	vor.u32 s23, v19;
	v36 =	vld.idx.msk [tilespmem:v56+s8+$0x0], $0xffff;
	v60 =	vor.u32 s15, v25;
	[tilespmem:v61+s26+$0x0] =	vst.idx.msk $0xffff, v55  }
0x1fe: {  	v54 =	vor.u32 s10, v3;
	[tilespmem:v63+s26+$0x0] =	vst.idx.msk $0xffff, v46;
	v52 =	vld.idx.msk [tilespmem:v62+s8+$0x0], $0xffff;
	v62 =	vor.u32 s25, v26  }
0x1ff: {  	v61 =	vor.u32 s14, v11;
	v45 =	vld.idx.msk [tilespmem:v57+s8+$0x0], $0xffff;
	[tilespmem:v51+s26+$0x0] =	vst.idx.msk $0xffff, v41;
	v57 =	vor.u32 s5, v4  }
0x200: {  	v53 =	vor.u32 s29, v17;
	[tilespmem:v48+s26+$0x0] =	vst.idx.msk $0xffff, v34;
	v63 =	vor.u32 s1, v12;
	v55 =	vld.idx.msk [tilespmem:v59+s8+$0x0], $0xffff  }
0x201: {  	v33 =	vor.u32 s30, v20;
	v58 =	vor.u32 s0, v9;
	v56 =	vor.u32 s30, v18;
	[tilespmem:v38+s26+$0x0] =	vst.idx.msk $0xffff, v39;
	v38 =	vld.idx.msk [tilespmem:v49+s8+$0x0], $0xffff  }
0x202: {  	v35 =	vor.u32 s10, v5;
	v51 =	vor.u32 s9, v10;
	[tilespmem:v60+s26+$0x0] =	vst.idx.msk $0xffff, v44;
	v43 =	vld.idx.msk [tilespmem:v43+s8+$0x0], $0xffff  }
0x203: {  	v37 =	vor.u32 s25, v28;
	v34 =	vor.u32 s9, v20;
	[tilespmem:v54+s26+$0x0] =	vst.idx.msk $0xffff, v47;
	v40 =	vld.idx.msk [tilespmem:v62+s8+$0x0], $0xffff  }
0x204: {  	v48 =	vor.u32 s14, v13;
	v49 =	vor.u32 s31, v27;
	[tilespmem:v61+s26+$0x0] =	vst.idx.msk $0xffff, v52;
	v52 =	vld.idx.msk [tilespmem:v57+s8+$0x0], $0xffff  }
0x205: {  	v41 =	vor.u32 s2, v28;
	[tilespmem:v53+s26+$0x0] =	vst.idx.msk $0xffff, v45;
	v45 =	vor.u32 s15, v27;
	v46 =	vld.idx.msk [tilespmem:v63+s8+$0x0], $0xffff  }
0x206: {  	v44 =	vor.u32 s29, v19;
	v47 =	vor.u32 s1, v14;
	v39 =	vld.idx.msk [tilespmem:v56+s8+$0x0], $0xffff;
	[tilespmem:v58+s26+$0x0] =	vst.idx.msk $0xffff, v55  }
.LBB2_5:
0x207: {  	v51 =	vld.idx.msk [tilespmem:v51+s8+$0x0], $0xffff  }
0x208: {  	s13 =	sadd.s32 $0x2, s13;
	[tilespmem:v50+s26+$0x0] =	vst.idx.msk $0xffff, v36;
	v36 =	vor.u32 s5, v6;
	v50 =	vor.u32 s0, v11;
	v55 =	vor.u32 s12, v3  }
0x209: {  	s16 =	sand.u32 $0x6, s13;
	s18 =	sshrl.u32 s13, $0x3;
	p0 =	slt.u32 s13, $0x1E;
	v42 =	vld.idx.msk [tilespmem:v42+s8+$0x0], $0xffff;
	[tilespmem:v49+s26+$0x0] =	vst.idx.msk $0xffff, v43;
	v43 =	vor.u32 s9, v12;
	v49 =	vor.u32 s23, v21  }
0x20a: {  	s19 =	sshll.u32 s18, $0x4;
	s4 =	sshll.u32 s16, $0xA;
	s21 =	sor.u32 $0x1, s16;
	[tilespmem:v45+s26+$0x0] =	vst.idx.msk $0xffff, v40;
	v40 =	vor.u32 s25, v30;
	v41 =	vld.idx.msk [tilespmem:v41+s8+$0x0], $0xffff;
	v45 =	vor.u32 s28, v22  }
0x20b: {  	s4 =	sadd.s32 s19, s4;
	s25 =	sshll.u32 s21, $0x4;
	s21 =	sshll.u32 s21, $0xA;
	[tilespmem:v48+s26+$0x0] =	vst.idx.msk $0xffff, v46;
	v37 =	vld.idx.msk [tilespmem:v37+s8+$0x0], $0xffff;
	v46 =	vor.u32 s31, v29;
	v48 =	vor.u32 s2, v30  }
0x20c: {  	s2 =	sshll.u32 s16, $0x4;
	s16 =	sshll.u32 s18, $0xB;
	v53 =	vor.u32 s4, v0;
	v54 =	vor.u32 s4, v20;
	s18 =	sadd.s32 s19, s21;
	v47 =	vld.idx.msk [tilespmem:v47+s8+$0x0], $0xffff;
	[tilespmem:v44+s26+$0x0] =	vst.idx.msk $0xffff, v39;
	v39 =	vor.u32 s15, v29  }
0x20d: {  	v56 =	vor.u32 s29, v21;
	s19 =	sor.u32 s2, s16;
	s16 =	sor.u32 s16, s25;
	s25 =	smov.u32 s30;
	v44 =	vor.u32 s18, v0;
	[tilespmem:v35+s26+$0x0] =	vst.idx.msk $0xffff, v52;
	v52 =	vld.idx.msk [tilespmem:v33+s8+$0x0], $0xffff;
	v33 =	vmov v34  }
0x20e: {  	v57 =	vor.u32 s7, v4;
	s30 =	smov.u32 s9;
	s9 =	smov.u32 s7;
	s7 =	smov.u32 s4;
	v35 =	vor.u32 s16, v5;
	v34 =	vmovc v32;
	v32 =	vmov v54;
	v36 =	vld.idx.msk [tilespmem:v36+s8+$0x0], $0xffff;
	[tilespmem:v50+s26+$0x0] =	vst.idx.msk $0xffff, v51  }
0x20f: {  	s2 =	smov.u32 s28;
	s28 =	smov.u32 s1;
	s1 =	smov.u32 s5;
	v50 =	vor.u32 s10, v7;
	v51 =	vor.u32 s25, v22;
	v43 =	vld.idx.msk [tilespmem:v43+s8+$0x0], $0xffff;
	[tilespmem:v49+s26+$0x0] =	vst.idx.msk $0xffff, v42  }
0x210: {  	s5 =	smov.u32 s18;
	v42 =	vor.u32 s14, v15;
	v45 =	vld.idx.msk [tilespmem:v45+s8+$0x0], $0xffff;
	[tilespmem:v46+s26+$0x0] =	vst.idx.msk $0xffff, v41  }
0x211: {  	v41 =	vor.u32 s1, v8;
	v46 =	vor.u32 s23, v23;
	[tilespmem:v39+s26+$0x0] =	vst.idx.msk $0xffff, v37;
	v37 =	vld.idx.msk [tilespmem:v48+s8+$0x0], $0xffff  }
0x212: {  	v39 =	vor.u32 s28, v16;
	[tilespmem:v55+s26+$0x0] =	vst.idx.msk $0xffff, v38;
	v38 =	vor.u32 s0, v13;
	v40 =	vld.idx.msk [tilespmem:v40+s8+$0x0], $0xffff  }
0x213: {  	v48 =	vld.idx.msk [tilespmem:v57+s8+$0x0], $0xffff;
	[tilespmem:v56+s26+$0x0] =	vst.idx.msk $0xffff, v52;
	v52 =	vor.u32 s15, v31;
	s15 =	smov.u32 s29;
	s29 =	smov.u32 s0;
	s0 =	smov.u32 s12  }
0x214: {  	v49 =	vor.u32 s30, v14;
	v54 =	vor.u32 s0, v5  }
0x215: {  	s12 =	smov.u32 s19;
	[tilespmem:v50+s26+$0x0] =	vst.idx.msk $0xffff, v36;
	v36 =	vld.idx.msk [tilespmem:v51+s8+$0x0], $0xffff;
	v50 =	vor.u32 s31, v31;
	s31 =	smov.u32 s23;
	s23 =	smov.u32 s14;
	v51 =	vor.u32 s9, v6  }
0x216: {  	s14 =	smov.u32 s10;
	s10 =	smov.u32 s16;
	v44 =	vld.idx.msk [tilespmem:v44+s8+$0x0], $0xffff;
	[tilespmem:v42+s26+$0x0] =	vst.idx.msk $0xffff, v47;
	v42 =	vor.u32 s25, v24;
	v47 =	vor.u32 s2, v24  }
0x217: {  	v56 =	vor.u32 s15, v23;
	v55 =	vor.u32 s10, v1;
	v41 =	vld.idx.msk [tilespmem:v41+s8+$0x0], $0xffff;
	[tilespmem:v46+s26+$0x0] =	vst.idx.msk $0xffff, v45  }
0x218: {  	v45 =	vor.u32 s5, v2;
	v46 =	vor.u32 s14, v9;
	[tilespmem:v38+s26+$0x0] =	vst.idx.msk $0xffff, v43;
	v38 =	vld.idx.msk [tilespmem:v39+s8+$0x0], $0xffff  }
0x219: {  	v39 =	vor.u32 s1, v10;
	v43 =	vld.idx.msk [tilespmem:v49+s8+$0x0], $0xffff;
	v49 =	vor.u32 s23, v17;
	[tilespmem:v52+s26+$0x0] =	vst.idx.msk $0xffff, v40  }
0x21a: {  	v52 =	vor.u32 s28, v18;
	v40 =	vld.idx.msk [tilespmem:v53+s8+$0x0], $0xffff;
	[tilespmem:v54+s26+$0x0] =	vst.idx.msk $0xffff, v48;
	v48 =	vor.u32 s29, v15  }
0x21b: {  	v53 =	vor.u32 s30, v16;
	v51 =	vld.idx.msk [tilespmem:v51+s8+$0x0], $0xffff;
	[tilespmem:v50+s26+$0x0] =	vst.idx.msk $0xffff, v37  }
0x21c: {  	v37 =	vor.u32 s0, v7;
	[tilespmem:v56+s26+$0x0] =	vst.idx.msk $0xffff, v36;
	v47 =	vld.idx.msk [tilespmem:v47+s8+$0x0], $0xffff  }
0x21d: {  	v50 =	vor.u32 s9, v8;
	[tilespmem:v46+s26+$0x0] =	vst.idx.msk $0xffff, v41;
	v41 =	vld.idx.msk [tilespmem:v42+s8+$0x0], $0xffff;
	v42 =	vor.u32 s31, v25  }
0x21e: {  	v46 =	vor.u32 s12, v1;
	v39 =	vld.idx.msk [tilespmem:v39+s8+$0x0], $0xffff;
	[tilespmem:v49+s26+$0x0] =	vst.idx.msk $0xffff, v38;
	v38 =	vor.u32 s2, v26  }
0x21f: {  	v49 =	vor.u32 s7, v2;
	[tilespmem:v48+s26+$0x0] =	vst.idx.msk $0xffff, v43;
	v36 =	vld.idx.msk [tilespmem:v52+s8+$0x0], $0xffff;
	v48 =	vor.u32 s15, v25  }
0x220: {  	[tilespmem:v55+s26+$0x0] =	vst.idx.msk $0xffff, v44;
	v44 =	vor.u32 s14, v11;
	v52 =	vld.idx.msk [tilespmem:v53+s8+$0x0], $0xffff;
	v53 =	vor.u32 s25, v26  }
0x221: {  	v54 =	vld.idx.msk [tilespmem:v45+s8+$0x0], $0xffff;
	[tilespmem:v37+s26+$0x0] =	vst.idx.msk $0xffff, v51;
	v37 =	vor.u32 s1, v12;
	v45 =	vor.u32 s29, v17  }
0x222: {  	v57 =	vor.u32 s30, v18;
	v55 =	vor.u32 s10, v3;
	v56 =	vld.idx.msk [tilespmem:v50+s8+$0x0], $0xffff;
	[tilespmem:v42+s26+$0x0] =	vst.idx.msk $0xffff, v47  }
0x223: {  	v58 =	vor.u32 s0, v9;
	v47 =	vor.u32 s5, v4;
	[tilespmem:v46+s26+$0x0] =	vst.idx.msk $0xffff, v40;
	v43 =	vld.idx.msk [tilespmem:v38+s8+$0x0], $0xffff  }
.Ltmp1:
0x224: {  	v51 =	vor.u32 s9, v10;
	v50 =	vor.u32 s23, v19;
	v38 =	vld.idx.msk [tilespmem:v49+s8+$0x0], $0xffff;
	[tilespmem:v48+s26+$0x0] =	vst.idx.msk $0xffff, v41;
	(pc) =	sbr.rel @p0 .LBB2_5-.Ltmp1, $4  }
0x225: {  	v42 =	vor.u32 s28, v20;
	v49 =	vor.u32 s31, v27;
	[tilespmem:v44+s26+$0x0] =	vst.idx.msk $0xffff, v39;
	v40 =	vld.idx.msk [tilespmem:v53+s8+$0x0], $0xffff  }
0x226: {  	v41 =	vor.u32 s2, v28;
	v46 =	vld.idx.msk [tilespmem:v37+s8+$0x0], $0xffff;
	[tilespmem:v45+s26+$0x0] =	vst.idx.msk $0xffff, v52;
	v45 =	vor.u32 s15, v27  }
0x227: {  	v48 =	vor.u32 s14, v13;
	v37 =	vor.u32 s25, v28;
	[tilespmem:v55+s26+$0x0] =	vst.idx.msk $0xffff, v54;
	v39 =	vld.idx.msk [tilespmem:v57+s8+$0x0], $0xffff  }
0x228: {  	v44 =	vor.u32 s29, v19;
	v52 =	vld.idx.msk [tilespmem:v47+s8+$0x0], $0xffff;
	[tilespmem:v58+s26+$0x0] =	vst.idx.msk $0xffff, v56;
	v47 =	vor.u32 s1, v14  }
0x229: {  	v53 =	vor.u32 s12, v3  }
0x22a: {  	v54 =	vor.u32 s7, v4;
	_ =	sdelay $0x3  }
0x22b: {  	[tilespmem:v53+s26+$0x0] =	vst.idx.msk $0xffff, v38  }
0x22c: {  	v60 =	vor.u32 s12, v5;
	v55 =	vor.u32 s5, v6;
	v38 =	vld.idx.msk [tilespmem:v54+s8+$0x0], $0xffff  }
0x22d: {  	v61 =	vor.u32 s7, v6;
	_ =	sdelay $0x2  }
0x22e: {  	[tilespmem:v35+s26+$0x0] =	vst.idx.msk $0xffff, v52  }
0x22f: {  	v57 =	vor.u32 s10, v7;
	v52 =	vld.idx.msk [tilespmem:v55+s8+$0x0], $0xffff;
	[tilespmem:v60+s26+$0x0] =	vst.idx.msk $0xffff, v38  }
0x230: {  	v63 =	vor.u32 s12, v7;
	v59 =	vor.u32 s5, v8;
	v62 =	vld.idx.msk [tilespmem:v61+s8+$0x0], $0xffff  }
0x231: {  	v58 =	vor.u32 s7, v8;
	_ =	sdelay $0x2  }
0x232: {  	[tilespmem:v57+s26+$0x0] =	vst.idx.msk $0xffff, v52  }
0x233: {  	v52 =	vld.idx.msk [tilespmem:v59+s8+$0x0], $0xffff;
	v61 =	vor.u32 s10, v9;
	[tilespmem:v63+s26+$0x0] =	vst.idx.msk $0xffff, v62  }
0x234: {  	v60 =	vor.u32 s12, v9;
	v63 =	vor.u32 s5, v10;
	v35 =	vld.idx.msk [tilespmem:v58+s8+$0x0], $0xffff  }
0x235: {  	v62 =	vor.u32 s7, v10;
	_ =	sdelay $0x1  }
0x236: {  	v51 =	vld.idx.msk [tilespmem:v51+s8+$0x0], $0xffff;
	v56 =	vor.u32 s0, v11  }
0x237: {  	v57 =	vor.u32 s9, v12;
	[tilespmem:v61+s26+$0x0] =	vst.idx.msk $0xffff, v52  }
0x238: {  	v61 =	vor.u32 s10, v11;
	v52 =	vld.idx.msk [tilespmem:v63+s8+$0x0], $0xffff;
	[tilespmem:v60+s26+$0x0] =	vst.idx.msk $0xffff, v35  }
0x239: {  	v63 =	vor.u32 s5, v12;
	v60 =	vor.u32 s12, v11;
	v35 =	vld.idx.msk [tilespmem:v62+s8+$0x0], $0xffff  }
0x23a: {  	v62 =	vor.u32 s7, v12  }
0x23b: {  	[tilespmem:v56+s26+$0x0] =	vst.idx.msk $0xffff, v51  }
0x23c: {  	v56 =	vor.u32 s0, v13;
	v51 =	vld.idx.msk [tilespmem:v57+s8+$0x0], $0xffff  }
0x23d: {  	v58 =	vor.u32 s9, v14;
	[tilespmem:v61+s26+$0x0] =	vst.idx.msk $0xffff, v52  }
0x23e: {  	v61 =	vor.u32 s10, v13;
	[tilespmem:v60+s26+$0x0] =	vst.idx.msk $0xffff, v35;
	v60 =	vld.idx.msk [tilespmem:v63+s8+$0x0], $0xffff  }
0x23f: {  	[tilespmem:v50+s26+$0x0] =	vst.idx.msk $0xffff, v36;
	v59 =	vor.u32 s12, v13;
	v63 =	vor.u32 s5, v14;
	v38 =	vld.idx.msk [tilespmem:v62+s8+$0x0], $0xffff  }
0x240: {  	[tilespmem:v49+s26+$0x0] =	vst.idx.msk $0xffff, v43;
	v62 =	vor.u32 s7, v14  }
0x241: {  	[tilespmem:v56+s26+$0x0] =	vst.idx.msk $0xffff, v51  }
0x242: {  	[tilespmem:v48+s26+$0x0] =	vst.idx.msk $0xffff, v46;
	v46 =	vor.u32 s0, v15;
	v35 =	vld.idx.msk [tilespmem:v58+s8+$0x0], $0xffff  }
0x243: {  	v48 =	vor.u32 s14, v15;
	v47 =	vld.idx.msk [tilespmem:v47+s8+$0x0], $0xffff;
	v54 =	vor.u32 s9, v16;
	[tilespmem:v61+s26+$0x0] =	vst.idx.msk $0xffff, v60  }
0x244: {  	v55 =	vor.u32 s1, v16;
	[tilespmem:v59+s26+$0x0] =	vst.idx.msk $0xffff, v38;
	v58 =	vld.idx.msk [tilespmem:v63+s8+$0x0], $0xffff;
	v59 =	vor.u32 s10, v15  }
0x245: {  	[tilespmem:v45+s26+$0x0] =	vst.idx.msk $0xffff, v40;
	v57 =	vor.u32 s12, v15;
	v56 =	vld.idx.msk [tilespmem:v62+s8+$0x0], $0xffff;
	v62 =	vor.u32 s5, v16  }
0x246: {  	v42 =	vld.idx.msk [tilespmem:v42+s8+$0x0], $0xffff;
	[tilespmem:v44+s26+$0x0] =	vst.idx.msk $0xffff, v39;
	v60 =	vor.u32 s7, v16;
	v61 =	vor.u32 s23, v21  }
0x247: {  	v41 =	vld.idx.msk [tilespmem:v41+s8+$0x0], $0xffff;
	[tilespmem:v46+s26+$0x0] =	vst.idx.msk $0xffff, v35;
	v63 =	vor.u32 s31, v29  }
0x248: {  	[tilespmem:v48+s26+$0x0] =	vst.idx.msk $0xffff, v47;
	v52 =	vor.u32 s0, v17;
	v35 =	vld.idx.msk [tilespmem:v54+s8+$0x0], $0xffff  }
0x249: {  	v53 =	vor.u32 s14, v17;
	v38 =	vld.idx.msk [tilespmem:v55+s8+$0x0], $0xffff;
	v54 =	vor.u32 s9, v18;
	[tilespmem:v59+s26+$0x0] =	vst.idx.msk $0xffff, v58  }
0x24a: {  	v55 =	vor.u32 s1, v18;
	v58 =	vor.u32 s10, v17;
	[tilespmem:v57+s26+$0x0] =	vst.idx.msk $0xffff, v56;
	v39 =	vld.idx.msk [tilespmem:v62+s8+$0x0], $0xffff  }
0x24b: {  	[tilespmem:v61+s26+$0x0] =	vst.idx.msk $0xffff, v42;
	v61 =	vor.u32 s5, v18;
	v57 =	vor.u32 s12, v17;
	v56 =	vld.idx.msk [tilespmem:v60+s8+$0x0], $0xffff  }
0x24c: {  	v33 =	vld.idx.msk [tilespmem:v33+s8+$0x0], $0xffff;
	v59 =	vor.u32 s7, v18;
	[tilespmem:v63+s26+$0x0] =	vst.idx.msk $0xffff, v41;
	v63 =	vor.u32 s29, v21  }
0x24d: {  	v37 =	vld.idx.msk [tilespmem:v37+s8+$0x0], $0xffff;
	[tilespmem:v52+s26+$0x0] =	vst.idx.msk $0xffff, v35;
	v62 =	vor.u32 s28, v22;
	v60 =	vor.u32 s15, v29  }
0x24e: {  	v51 =	vor.u32 s25, v30;
	[tilespmem:v53+s26+$0x0] =	vst.idx.msk $0xffff, v38;
	v52 =	vor.u32 s0, v19;
	v38 =	vld.idx.msk [tilespmem:v54+s8+$0x0], $0xffff  }
0x24f: {  	v53 =	vor.u32 s14, v19;
	v36 =	vld.idx.msk [tilespmem:v55+s8+$0x0], $0xffff;
	[tilespmem:v58+s26+$0x0] =	vst.idx.msk $0xffff, v39  }
0x250: {  	v54 =	vor.u32 s1, v20;
	v58 =	vor.u32 s10, v19;
	[tilespmem:v57+s26+$0x0] =	vst.idx.msk $0xffff, v56;
	v57 =	vld.idx.msk [tilespmem:v61+s8+$0x0], $0xffff  }
0x251: {  	[tilespmem:v63+s26+$0x0] =	vst.idx.msk $0xffff, v33;
	v56 =	vor.u32 s12, v19;
	v61 =	vor.u32 s5, v20;
	v55 =	vld.idx.msk [tilespmem:v59+s8+$0x0], $0xffff  }
0x252: {  	[tilespmem:v60+s26+$0x0] =	vst.idx.msk $0xffff, v37;
	v60 =	vor.u32 s23, v23;
	v59 =	vld.idx.msk [tilespmem:v62+s8+$0x0], $0xffff;
	v62 =	vor.u32 s30, v22  }
0x253: {  	v63 =	vor.u32 s15, v31;
	[tilespmem:v52+s26+$0x0] =	vst.idx.msk $0xffff, v38;
	v35 =	vld.idx.msk [tilespmem:v51+s8+$0x0], $0xffff  }
0x254: {  	[tilespmem:v53+s26+$0x0] =	vst.idx.msk $0xffff, v36;
	v52 =	vor.u32 s0, v21;
	v34 =	vld.idx.msk [tilespmem:v34+s8+$0x0], $0xffff;
	v51 =	vor.u32 s2, v30  }
0x255: {  	v53 =	vor.u32 s14, v21;
	v40 =	vld.idx.msk [tilespmem:v54+s8+$0x0], $0xffff;
	v54 =	vor.u32 s9, v22;
	[tilespmem:v58+s26+$0x0] =	vst.idx.msk $0xffff, v57  }
0x256: {  	v57 =	vor.u32 s10, v21;
	[tilespmem:v56+s26+$0x0] =	vst.idx.msk $0xffff, v55;
	v55 =	vor.u32 s1, v22;
	v33 =	vld.idx.msk [tilespmem:v61+s8+$0x0], $0xffff  }
0x257: {  	[tilespmem:v60+s26+$0x0] =	vst.idx.msk $0xffff, v59;
	v59 =	vld.idx.msk [tilespmem:v62+s8+$0x0], $0xffff;
	v60 =	vor.u32 s29, v23;
	v61 =	vor.u32 s5, v22  }
0x258: {  	v56 =	vor.u32 s12, v21;
	[tilespmem:v63+s26+$0x0] =	vst.idx.msk $0xffff, v35;
	v63 =	vor.u32 s30, v24;
	v32 =	vld.idx.msk [tilespmem:v32+s8+$0x0], $0xffff  }
0x259: {  	v58 =	vor.u32 s7, v22;
	[tilespmem:v52+s26+$0x0] =	vst.idx.msk $0xffff, v34;
	v38 =	vld.idx.msk [tilespmem:v51+s8+$0x0], $0xffff;
	v62 =	vor.u32 s31, v31  }
0x25a: {  	[tilespmem:v53+s26+$0x0] =	vst.idx.msk $0xffff, v40;
	v40 =	vor.u32 s0, v23;
	v36 =	vld.idx.msk [tilespmem:v54+s8+$0x0], $0xffff  }
0x25b: {  	v52 =	vor.u32 s14, v23;
	v51 =	vor.u32 s28, v24;
	v39 =	vld.idx.msk [tilespmem:v55+s8+$0x0], $0xffff;
	[tilespmem:v57+s26+$0x0] =	vst.idx.msk $0xffff, v33  }
0x25c: {  	v53 =	vor.u32 s9, v24;
	[tilespmem:v60+s26+$0x0] =	vst.idx.msk $0xffff, v59;
	v57 =	vor.u32 s10, v23;
	v35 =	vld.idx.msk [tilespmem:v61+s8+$0x0], $0xffff  }
0x25d: {  	v54 =	vor.u32 s1, v24;
	v60 =	vor.u32 s29, v25;
	[tilespmem:v56+s26+$0x0] =	vst.idx.msk $0xffff, v32;
	v59 =	vld.idx.msk [tilespmem:v63+s8+$0x0], $0xffff  }
0x25e: {  	[tilespmem:v62+s26+$0x0] =	vst.idx.msk $0xffff, v38;
	v56 =	vor.u32 s12, v23;
	v61 =	vor.u32 s5, v24;
	v55 =	vld.idx.msk [tilespmem:v58+s8+$0x0], $0xffff  }
0x25f: {  	[tilespmem:v40+s26+$0x0] =	vst.idx.msk $0xffff, v36;
	v63 =	vor.u32 s30, v26  }
0x260: {  	v34 =	vld.idx.msk [tilespmem:v51+s8+$0x0], $0xffff;
	v62 =	vor.u32 s23, v25;
	v58 =	vor.u32 s7, v24;
	[tilespmem:v52+s26+$0x0] =	vst.idx.msk $0xffff, v39  }
0x261: {  	v40 =	vor.u32 s0, v25;
	v39 =	vld.idx.msk [tilespmem:v53+s8+$0x0], $0xffff;
	[tilespmem:v57+s26+$0x0] =	vst.idx.msk $0xffff, v35  }
0x262: {  	v51 =	vor.u32 s28, v26;
	v52 =	vor.u32 s14, v25;
	v32 =	vld.idx.msk [tilespmem:v54+s8+$0x0], $0xffff;
	[tilespmem:v60+s26+$0x0] =	vst.idx.msk $0xffff, v59  }
0x263: {  	v53 =	vor.u32 s9, v26;
	v57 =	vor.u32 s10, v25;
	[tilespmem:v56+s26+$0x0] =	vst.idx.msk $0xffff, v55;
	v56 =	vld.idx.msk [tilespmem:v61+s8+$0x0], $0xffff  }
0x264: {  	v54 =	vor.u32 s1, v26;
	v60 =	vor.u32 s29, v27;
	v59 =	vld.idx.msk [tilespmem:v63+s8+$0x0], $0xffff  }
0x265: {  	[tilespmem:v62+s26+$0x0] =	vst.idx.msk $0xffff, v34;
	v55 =	vor.u32 s12, v25;
	v61 =	vor.u32 s5, v26;
	v35 =	vld.idx.msk [tilespmem:v58+s8+$0x0], $0xffff  }
0x266: {  	v63 =	vor.u32 s30, v28;
	[tilespmem:v40+s26+$0x0] =	vst.idx.msk $0xffff, v39  }
0x267: {  	v62 =	vor.u32 s23, v27;
	v36 =	vld.idx.msk [tilespmem:v51+s8+$0x0], $0xffff;
	v58 =	vor.u32 s7, v26;
	[tilespmem:v52+s26+$0x0] =	vst.idx.msk $0xffff, v32  }
0x268: {  	v51 =	vor.u32 s28, v28;
	v32 =	vld.idx.msk [tilespmem:v53+s8+$0x0], $0xffff;
	v52 =	vor.u32 s0, v27;
	[tilespmem:v57+s26+$0x0] =	vst.idx.msk $0xffff, v56  }
0x269: {  	v53 =	vor.u32 s14, v27;
	v33 =	vld.idx.msk [tilespmem:v54+s8+$0x0], $0xffff;
	v54 =	vor.u32 s9, v28;
	[tilespmem:v60+s26+$0x0] =	vst.idx.msk $0xffff, v59  }
0x26a: {  	v57 =	vor.u32 s10, v27;
	[tilespmem:v55+s26+$0x0] =	vst.idx.msk $0xffff, v35;
	v55 =	vor.u32 s1, v28;
	v34 =	vld.idx.msk [tilespmem:v61+s8+$0x0], $0xffff  }
0x26b: {  	v60 =	vor.u32 s29, v29;
	v59 =	vld.idx.msk [tilespmem:v63+s8+$0x0], $0xffff;
	v61 =	vor.u32 s5, v28  }
0x26c: {  	[tilespmem:v62+s26+$0x0] =	vst.idx.msk $0xffff, v36;
	v62 =	vor.u32 s30, v30;
	v56 =	vor.u32 s12, v27;
	v37 =	vld.idx.msk [tilespmem:v58+s8+$0x0], $0xffff  }
0x26d: {  	v39 =	vld.idx.msk [tilespmem:v51+s8+$0x0], $0xffff;
	v63 =	vor.u32 s23, v29;
	v58 =	vor.u32 s7, v28;
	[tilespmem:v52+s26+$0x0] =	vst.idx.msk $0xffff, v32  }
0x26e: {  	[tilespmem:v53+s26+$0x0] =	vst.idx.msk $0xffff, v33;
	v52 =	vld.idx.msk [tilespmem:v54+s8+$0x0], $0xffff;
	v53 =	vor.u32 s0, v29  }
0x26f: {  	v51 =	vor.u32 s28, v30;
	v35 =	vld.idx.msk [tilespmem:v55+s8+$0x0], $0xffff;
	v55 =	vor.u32 s14, v29;
	[tilespmem:v57+s26+$0x0] =	vst.idx.msk $0xffff, v34  }
0x270: {  	v54 =	vor.u32 s9, v30;
	[tilespmem:v60+s26+$0x0] =	vst.idx.msk $0xffff, v59;
	v60 =	vor.u32 s10, v29;
	v41 =	vld.idx.msk [tilespmem:v61+s8+$0x0], $0xffff  }
0x271: {  	[tilespmem:v56+s26+$0x0] =	vst.idx.msk $0xffff, v37;
	v56 =	vor.u32 s1, v30;
	v61 =	vld.idx.msk [tilespmem:v62+s8+$0x0], $0xffff;
	v62 =	vor.u32 s29, v31  }
0x272: {  	[tilespmem:v63+s26+$0x0] =	vst.idx.msk $0xffff, v39;
	v63 =	vor.u32 s5, v30;
	v57 =	vld.idx.msk [tilespmem:v58+s8+$0x0], $0xffff;
	v58 =	vor.u32 s12, v29  }
0x273: {  	v59 =	vor.u32 s7, v30;
	[tilespmem:v53+s26+$0x0] =	vst.idx.msk $0xffff, v52  }
0x274: {  	v48 =	vor.u32 s23, v31;
	v32 =	vld.idx.msk [tilespmem:v51+s8+$0x0], $0xffff;
	[tilespmem:v55+s26+$0x0] =	vst.idx.msk $0xffff, v35  }
0x275: {  	v49 =	vor.u32 s0, v31;
	v33 =	vld.idx.msk [tilespmem:v54+s8+$0x0], $0xffff;
	[tilespmem:v60+s26+$0x0] =	vst.idx.msk $0xffff, v41  }
0x276: {  	v50 =	vor.u32 s14, v31;
	v37 =	vld.idx.msk [tilespmem:v56+s8+$0x0], $0xffff;
	[tilespmem:v62+s26+$0x0] =	vst.idx.msk $0xffff, v61  }
0x277: {  	v53 =	vor.u32 s10, v31;
	[tilespmem:v58+s26+$0x0] =	vst.idx.msk $0xffff, v57;
	v52 =	vld.idx.msk [tilespmem:v63+s8+$0x0], $0xffff  }
0x278: {  	v51 =	vor.u32 s12, v31;
	v34 =	vld.idx.msk [tilespmem:v59+s8+$0x0], $0xffff;
	s15 =	rddreg [dreg:$0x4]  }
0x279: {  	[tilespmem:v48+s26+$0x0] =	vst.idx.msk $0xffff, v32;
	s0 =	sadd.s32 s22, s15  }
0x27a: {  	s0 =	sadd.s32 $0x1, s0;
	[tilespmem:v49+s26+$0x0] =	vst.idx.msk $0xffff, v33  }
0x27b: {  	s16 =	sshll.u32 s0, $0xA;
	s0 =	sshll.u32 s0, $0x7;
	[tilespmem:v50+s26+$0x0] =	vst.idx.msk $0xffff, v37  }
0x27c: {  	s1 =	sand.u32 $0xFFE0000, s16;
	s0 =	sand.u32 $0x3F80, s0;
	[tilespmem:v53+s26+$0x0] =	vst.idx.msk $0xffff, v52  }
0x27d: {  	s18 =	rddreg [dreg:$0x1];
	[tilespmem:v51+s26+$0x0] =	vst.idx.msk $0xffff, v34;
	s0 =	sor.u32 s0, s1  }
0x27e: {  	s1 =	sadd.s32 s18, s0;
	s19 =	rddreg [dreg:$0x6]  }
0x27f: {  	[hbm4b:s1+s3] =	stream.linear.scatter [tilespmem:s26], [sflag:$0x4], $0x400, $0x38;
	[tilespmem:$0xE400] =	vst v63  }
0x280: {  	s21 =	simm.s32 $0xC800;
	s22 =	rddreg [dreg:$0x9];
	s1 =	sadd.s32 s0, s19  }
0x281: {  	[hbm4b:s1+s3] =	stream.linear.scatter [tilespmem:s21], [sflag:$0x4], $0x400, $0x38;
	[tilespmem:$0xE400] =	vst v63  }
0x282: {  	s23 =	simm.s32 $0xCC00;
	s25 =	rddreg [dreg:$0xb];
	s1 =	sadd.s32 s0, s22  }
0x283: {  	[hbm4b:s1+s3] =	stream.linear.scatter [tilespmem:s23], [sflag:$0x4], $0x400, $0x38;
	[tilespmem:$0xE400] =	vst v63  }
0x284: {  	s31 =	simm.s32 $0xD000;
	s4 =	rddreg [dreg:$0xc];
	s1 =	sadd.s32 s0, s25  }
0x285: {  	[hbm4b:s1+s3] =	stream.linear.scatter [tilespmem:s31], [sflag:$0x4], $0x400, $0x38;
	[tilespmem:$0xE400] =	vst v63  }
0x286: {  	s5 =	simm.s32 $0xD400;
	s7 =	rddreg [dreg:$0xf];
	s1 =	sadd.s32 s0, s4  }
0x287: {  	[hbm4b:s1+s3] =	stream.linear.scatter [tilespmem:s5], [sflag:$0x4], $0x400, $0x38;
	[tilespmem:$0xE400] =	vst v63  }
0x288: {  	s9 =	simm.s32 $0xD800;
	s10 =	rddreg [dreg:$0x11];
	s1 =	sadd.s32 s0, s7  }
0x289: {  	[hbm4b:s1+s3] =	stream.linear.scatter [tilespmem:s9], [sflag:$0x4], $0x400, $0x38;
	[tilespmem:$0xE400] =	vst v63  }
0x28a: {  	s12 =	simm.s32 $0xDC00;
	s13 =	rddreg [dreg:$0x12];
	s1 =	sadd.s32 s0, s10  }
0x28b: {  	[hbm4b:s1+s3] =	stream.linear.scatter [tilespmem:s12], [sflag:$0x4], $0x400, $0x38;
	[tilespmem:$0xE400] =	vst v63  }
0x28c: {  	s14 =	simm.s32 $0xE000;
	s0 =	sadd.s32 s0, s13  }
0x28d: {  	[hbm4b:s0+s3] =	stream.linear.scatter [tilespmem:s14], [sflag:$0x4], $0x400, $0x38;
	[tilespmem:$0xE400] =	vst v63  }
0x28e: {  	_ =	swait.ge [sflag:s17], $0x400  }
0x28f: {  	[sflag:s17] =	ssyncset.done $0x0  }
0x290: {  	[sflag:s17] =	ssyncadd.s32 $0xFFFFFC00  }
0x291: {  	_ =	swait.ge [sflag:s17], $0x400  }
0x292: {  	[sflag:s17] =	ssyncset.done $0x0  }
0x293: {  	[sflag:s17] =	ssyncadd.s32 $0xFFFFFC00  }
0x294: {  	_ =	swait.ge [sflag:s17], $0x400  }
0x295: {  	[sflag:s17] =	ssyncset.done $0x0  }
0x296: {  	[sflag:s17] =	ssyncadd.s32 $0xFFFFFC00  }
0x297: {  	_ =	swait.ge [sflag:s17], $0x400  }
0x298: {  	[sflag:s17] =	ssyncset.done $0x0  }
0x299: {  	[sflag:s17] =	ssyncadd.s32 $0xFFFFFC00  }
0x29a: {  	_ =	swait.ge [sflag:s17], $0x400  }
0x29b: {  	[sflag:s17] =	ssyncset.done $0x0  }
0x29c: {  	[sflag:s17] =	ssyncadd.s32 $0xFFFFFC00  }
0x29d: {  	_ =	swait.ge [sflag:s17], $0x400  }
0x29e: {  	[sflag:s17] =	ssyncset.done $0x0  }
0x29f: {  	[sflag:s17] =	ssyncadd.s32 $0xFFFFFC00  }
0x2a0: {  	_ =	swait.ge [sflag:s17], $0x400  }
0x2a1: {  	[sflag:s17] =	ssyncset.done $0x0  }
0x2a2: {  	[sflag:s17] =	ssyncadd.s32 $0xFFFFFC00  }
0x2a3: {  	s15 =	sshll.u32 s20, $0x8;
	s18 =	simm.s32 $0x80;
	_ =	swait.ge [sflag:s17], $0x400  }
0x2a4: {  	s19 =	simm.s32 $0x0;
	s0 =	sand.u32 $0x3FFFFF00, s15;
	[sflag:s17] =	ssyncset.done $0x0  }
0x2a5: {  	s0 =	sadd.s32 $0x180, s0;
	s16 =	rddreg [dreg:$0x3];
	[sflag:s17] =	ssyncadd.s32 $0xFFFFFC00  }
0x2a6: {  	[tilespmem:s8], [sflag:$0x2] =	stream.indirect.gather [hbm4b:s16+s18], $0x40, s0, s18, $0xb8;
	[tilespmem:$0xE400] =	vst v63  }
0x2a7: {  	s0 =	sand.u32 $0x6, s19  }
0x2a8: {  	s4 =	sshll.u32 s0, $0xA  }
0x2a9: {  	s21 =	sor.u32 $0x1, s0;
	s25 =	sadd.s32 $0x0, s4  }
0x2aa: {  	s22 =	sshll.u32 s21, $0xA;
	v55 =	vor.u32 s25, v0  }
0x2ab: {  	s23 =	simm.s32 $0x1;
	s2 =	sadd.s32 $0x0, s22  }
0x2ac: {  	_ =	swait.ge [sflag:s23], $0x2000;
	v54 =	vor.u32 s2, v0  }
0x2ad: {  	s31 =	simm.s32 $0x0;
	s0 =	sshll.u32 s0, $0x4;
	[sflag:s23] =	ssyncset.done $0x0  }
0x2ae: {  	s15 =	sor.u32 s0, s31;
	[sflag:s23] =	ssyncadd.s32 $0xFFFFE000  }
0x2af: {  	s1 =	sshll.u32 s21, $0x4;
	v58 =	vor.u32 s15, v1;
	v33 =	vld.idx.msk [tilespmem:v55+s6+$0x0], $0xffff  }
0x2b0: {  	s30 =	sor.u32 s31, s1;
	v59 =	vor.u32 s25, v2  }
0x2b1: {  	v56 =	vor.u32 s30, v1;
	v32 =	vld.idx.msk [tilespmem:v54+s6+$0x0], $0xffff  }
0x2b2: {  	v57 =	vor.u32 s2, v2;
	_ =	sdelay $0x1  }
0x2b3: {  	[tilespmem:v58+s11+$0x0] =	vst.idx.msk $0xffff, v33  }
0x2b4: {  	v63 =	vor.u32 s15, v3;
	v62 =	vld.idx.msk [tilespmem:v59+s6+$0x0], $0xffff  }
0x2b5: {  	v40 =	vor.u32 s25, v4;
	[tilespmem:v56+s11+$0x0] =	vst.idx.msk $0xffff, v32  }
0x2b6: {  	v60 =	vor.u32 s30, v3;
	v32 =	vld.idx.msk [tilespmem:v57+s6+$0x0], $0xffff  }
0x2b7: {  	s7 =	simm.s32 $0x2;
	v61 =	vor.u32 s2, v4  }
0x2b8: {  	s0 =	sand.u32 $0x6, s7  }
0x2b9: {  	s9 =	sor.u32 $0x1, s0;
	[tilespmem:v63+s11+$0x0] =	vst.idx.msk $0xffff, v62  }
0x2ba: {  	v43 =	vor.u32 s15, v5;
	s10 =	sshll.u32 s9, $0xA;
	v35 =	vld.idx.msk [tilespmem:v40+s6+$0x0], $0xffff  }
0x2bb: {  	v44 =	vor.u32 s25, v6;
	s23 =	sadd.s32 $0x0, s10;
	[tilespmem:v60+s11+$0x0] =	vst.idx.msk $0xffff, v32  }
0x2bc: {  	v41 =	vor.u32 s30, v5;
	v45 =	vor.u32 s23, v0;
	v33 =	vld.idx.msk [tilespmem:v61+s6+$0x0], $0xffff  }
0x2bd: {  	v42 =	vor.u32 s2, v6;
	_ =	sdelay $0x1  }
0x2be: {  	s12 =	simm.s32 $0x0;
	s1 =	sshll.u32 s9, $0x4;
	[tilespmem:v43+s11+$0x0] =	vst.idx.msk $0xffff, v35  }
0x2bf: {  	v48 =	vor.u32 s15, v7;
	s22 =	sor.u32 s12, s1;
	v35 =	vld.idx.msk [tilespmem:v44+s6+$0x0], $0xffff  }
0x2c0: {  	v51 =	vor.u32 s25, v8;
	v50 =	vor.u32 s22, v1;
	v49 =	vld.idx.msk [tilespmem:v45+s6+$0x0], $0xffff;
	[tilespmem:v41+s11+$0x0] =	vst.idx.msk $0xffff, v33  }
0x2c1: {  	v46 =	vor.u32 s30, v7;
	v52 =	vor.u32 s23, v2;
	v32 =	vld.idx.msk [tilespmem:v42+s6+$0x0], $0xffff  }
0x2c2: {  	v47 =	vor.u32 s2, v8  }
0x2c3: {  	s13 =	sshll.u32 s0, $0xA  }
0x2c4: {  	s29 =	sadd.s32 $0x0, s13;
	[tilespmem:v48+s11+$0x0] =	vst.idx.msk $0xffff, v35  }
0x2c5: {  	v53 =	vor.u32 s29, v0;
	v56 =	vor.u32 s15, v9;
	[tilespmem:v50+s11+$0x0] =	vst.idx.msk $0xffff, v49;
	v35 =	vld.idx.msk [tilespmem:v51+s6+$0x0], $0xffff  }
0x2c6: {  	v58 =	vor.u32 s25, v10;
	v57 =	vor.u32 s22, v3;
	v37 =	vld.idx.msk [tilespmem:v52+s6+$0x0], $0xffff;
	[tilespmem:v46+s11+$0x0] =	vst.idx.msk $0xffff, v32  }
0x2c7: {  	v54 =	vor.u32 s30, v9;
	v59 =	vor.u32 s23, v4;
	v33 =	vld.idx.msk [tilespmem:v47+s6+$0x0], $0xffff  }
0x2c8: {  	s0 =	sshll.u32 s0, $0x4;
	v55 =	vor.u32 s2, v10  }
0x2c9: {  	s28 =	sor.u32 s0, s12  }
0x2ca: {  	v60 =	vor.u32 s28, v1;
	v32 =	vld.idx.msk [tilespmem:v53+s6+$0x0], $0xffff;
	[tilespmem:v56+s11+$0x0] =	vst.idx.msk $0xffff, v35  }
0x2cb: {  	v45 =	vor.u32 s15, v11;
	v61 =	vor.u32 s29, v2;
	[tilespmem:v57+s11+$0x0] =	vst.idx.msk $0xffff, v37;
	v35 =	vld.idx.msk [tilespmem:v58+s6+$0x0], $0xffff  }
0x2cc: {  	v38 =	vld.idx.msk [tilespmem:v59+s6+$0x0], $0xffff;
	v46 =	vor.u32 s22, v5;
	v47 =	vor.u32 s25, v12;
	[tilespmem:v54+s11+$0x0] =	vst.idx.msk $0xffff, v33  }
0x2cd: {  	v62 =	vor.u32 s30, v11;
	v48 =	vor.u32 s23, v6;
	v34 =	vld.idx.msk [tilespmem:v55+s6+$0x0], $0xffff  }
0x2ce: {  	v63 =	vor.u32 s2, v12  }
0x2cf: {  	[tilespmem:v60+s11+$0x0] =	vst.idx.msk $0xffff, v32  }
0x2d0: {  	v49 =	vor.u32 s28, v3;
	v33 =	vld.idx.msk [tilespmem:v61+s6+$0x0], $0xffff;
	[tilespmem:v45+s11+$0x0] =	vst.idx.msk $0xffff, v35  }
0x2d1: {  	s14 =	simm.s32 $0x4;
	v52 =	vor.u32 s29, v4;
	[tilespmem:v46+s11+$0x0] =	vst.idx.msk $0xffff, v38;
	v54 =	vor.u32 s15, v13;
	v35 =	vld.idx.msk [tilespmem:v47+s6+$0x0], $0xffff  }
0x2d2: {  	s16 =	sand.u32 $0x6, s14;
	v56 =	vor.u32 s25, v14;
	v32 =	vld.idx.msk [tilespmem:v48+s6+$0x0], $0xffff;
	v55 =	vor.u32 s22, v7;
	[tilespmem:v62+s11+$0x0] =	vst.idx.msk $0xffff, v34  }
0x2d3: {  	s0 =	sor.u32 $0x1, s16;
	v57 =	vor.u32 s23, v8;
	v51 =	vor.u32 s30, v13;
	v50 =	vld.idx.msk [tilespmem:v63+s6+$0x0], $0xffff  }
0x2d4: {  	s18 =	sshll.u32 s0, $0xA;
	v53 =	vor.u32 s2, v14  }
0x2d5: {  	s1 =	sadd.s32 $0x0, s18;
	[tilespmem:v49+s11+$0x0] =	vst.idx.msk $0xffff, v33  }
0x2d6: {  	v59 =	vor.u32 s28, v5;
	v58 =	vor.u32 s1, v0;
	v34 =	vld.idx.msk [tilespmem:v52+s6+$0x0], $0xffff;
	[tilespmem:v54+s11+$0x0] =	vst.idx.msk $0xffff, v35  }
0x2d7: {  	v61 =	vor.u32 s29, v6;
	v48 =	vor.u32 s15, v15;
	[tilespmem:v55+s11+$0x0] =	vst.idx.msk $0xffff, v32;
	v63 =	vld.idx.msk [tilespmem:v56+s6+$0x0], $0xffff  }
0x2d8: {  	v49 =	vld.idx.msk [tilespmem:v57+s6+$0x0], $0xffff;
	[tilespmem:v51+s11+$0x0] =	vst.idx.msk $0xffff, v50;
	v50 =	vor.u32 s22, v9  }
0x2d9: {  	s19 =	simm.s32 $0x0;
	s0 =	sshll.u32 s0, $0x4;
	v60 =	vor.u32 s30, v15;
	v51 =	vor.u32 s25, v16;
	v41 =	vld.idx.msk [tilespmem:v53+s6+$0x0], $0xffff  }
0x2da: {  	s14 =	sor.u32 s19, s0;
	v53 =	vor.u32 s23, v10  }
0x2db: {  	v33 =	vld.idx.msk [tilespmem:v58+s6+$0x0], $0xffff;
	v62 =	vor.u32 s2, v16;
	v52 =	vor.u32 s14, v1;
	[tilespmem:v59+s11+$0x0] =	vst.idx.msk $0xffff, v34  }
0x2dc: {  	v55 =	vor.u32 s28, v7;
	v54 =	vor.u32 s1, v2;
	v40 =	vld.idx.msk [tilespmem:v61+s6+$0x0], $0xffff;
	[tilespmem:v48+s11+$0x0] =	vst.idx.msk $0xffff, v63  }
0x2dd: {  	s21 =	sshll.u32 s16, $0xA;
	[tilespmem:v50+s11+$0x0] =	vst.idx.msk $0xffff, v49  }
0x2de: {  	s0 =	sadd.s32 $0x0, s21;
	v57 =	vor.u32 s29, v8;
	[tilespmem:v60+s11+$0x0] =	vst.idx.msk $0xffff, v41;
	v35 =	vld.idx.msk [tilespmem:v51+s6+$0x0], $0xffff;
	v60 =	vor.u32 s15, v17  }
0x2df: {  	v59 =	vor.u32 s0, v0;
	v61 =	vor.u32 s22, v11;
	v37 =	vld.idx.msk [tilespmem:v53+s6+$0x0], $0xffff  }
0x2e0: {  	[tilespmem:v52+s11+$0x0] =	vst.idx.msk $0xffff, v33;
	v56 =	vor.u32 s30, v17;
	v42 =	vld.idx.msk [tilespmem:v62+s6+$0x0], $0xffff;
	v62 =	vor.u32 s25, v18  }
0x2e1: {  	v58 =	vor.u32 s2, v18;
	v34 =	vld.idx.msk [tilespmem:v54+s6+$0x0], $0xffff;
	[tilespmem:v55+s11+$0x0] =	vst.idx.msk $0xffff, v40;
	v40 =	vor.u32 s14, v3  }
0x2e2: {  	s4 =	sshll.u32 s16, $0x4;
	v52 =	vor.u32 s1, v4  }
0x2e3: {  	s9 =	sor.u32 s4, s19;
	v63 =	vor.u32 s23, v12;
	v41 =	vld.idx.msk [tilespmem:v57+s6+$0x0], $0xffff;
	v53 =	vor.u32 s28, v9;
	[tilespmem:v60+s11+$0x0] =	vst.idx.msk $0xffff, v35  }
0x2e4: {  	v32 =	vld.idx.msk [tilespmem:v59+s6+$0x0], $0xffff;
	v55 =	vor.u32 s29, v10;
	v57 =	vor.u32 s9, v1;
	[tilespmem:v61+s11+$0x0] =	vst.idx.msk $0xffff, v37  }
0x2e5: {  	v59 =	vor.u32 s0, v2;
	v61 =	vor.u32 s15, v19;
	[tilespmem:v56+s11+$0x0] =	vst.idx.msk $0xffff, v42;
	v60 =	vld.idx.msk [tilespmem:v62+s6+$0x0], $0xffff  }
0x2e6: {  	[tilespmem:v40+s11+$0x0] =	vst.idx.msk $0xffff, v34;
	v56 =	vor.u32 s30, v19;
	v62 =	vor.u32 s25, v20;
	v54 =	vld.idx.msk [tilespmem:v58+s6+$0x0], $0xffff  }
0x2e7: {  	v40 =	vld.idx.msk [tilespmem:v52+s6+$0x0], $0xffff  }
0x2e8: {  	s13 =	simm.s32 $0x6;
	v50 =	vor.u32 s14, v5;
	[tilespmem:v53+s11+$0x0] =	vst.idx.msk $0xffff, v41;
	v63 =	vld.idx.msk [tilespmem:v63+s6+$0x0], $0xffff;
	v58 =	vor.u32 s2, v20  }
0x2e9: {  	s31 =	sand.u32 $0x6, s13;
	v49 =	vor.u32 s22, v13;
	v53 =	vor.u32 s1, v6;
	[tilespmem:v57+s11+$0x0] =	vst.idx.msk $0xffff, v32;
	v52 =	vld.idx.msk [tilespmem:v55+s6+$0x0], $0xffff  }
0x2ea: {  	s18 =	sor.u32 $0x1, s31;
	v51 =	vor.u32 s23, v14;
	v35 =	vld.idx.msk [tilespmem:v59+s6+$0x0], $0xffff;
	v59 =	vor.u32 s9, v3;
	[tilespmem:v61+s11+$0x0] =	vst.idx.msk $0xffff, v60  }
0x2eb: {  	s19 =	sshll.u32 s18, $0xA;
	[tilespmem:v56+s11+$0x0] =	vst.idx.msk $0xffff, v54;
	v54 =	vor.u32 s28, v11;
	v60 =	vld.idx.msk [tilespmem:v62+s6+$0x0], $0xffff;
	v62 =	vor.u32 s0, v4  }
0x2ec: {  	s5 =	sadd.s32 $0x0, s19;
	v61 =	vor.u32 s15, v21;
	v56 =	vor.u32 s29, v12  }
0x2ed: {  	v48 =	vor.u32 s5, v0;
	v57 =	vor.u32 s30, v21;
	[tilespmem:v50+s11+$0x0] =	vst.idx.msk $0xffff, v40;
	v55 =	vld.idx.msk [tilespmem:v58+s6+$0x0], $0xffff  }
0x2ee: {  	[tilespmem:v49+s11+$0x0] =	vst.idx.msk $0xffff, v63;
	v63 =	vor.u32 s25, v22;
	v49 =	vld.idx.msk [tilespmem:v53+s6+$0x0], $0xffff  }
0x2ef: {  	v50 =	vor.u32 s14, v7;
	[tilespmem:v59+s11+$0x0] =	vst.idx.msk $0xffff, v35;
	v38 =	vld.idx.msk [tilespmem:v51+s6+$0x0], $0xffff;
	v58 =	vor.u32 s2, v22  }
0x2f0: {  	v51 =	vor.u32 s22, v15;
	[tilespmem:v54+s11+$0x0] =	vst.idx.msk $0xffff, v52;
	v52 =	vor.u32 s1, v8;
	v37 =	vld.idx.msk [tilespmem:v62+s6+$0x0], $0xffff  }
0x2f1: {  	v59 =	vor.u32 s9, v5;
	[tilespmem:v61+s11+$0x0] =	vst.idx.msk $0xffff, v60;
	v43 =	vld.idx.msk [tilespmem:v56+s6+$0x0], $0xffff;
	v56 =	vor.u32 s23, v16  }
0x2f2: {  	s21 =	sshll.u32 s31, $0xA;
	v40 =	vld.idx.msk [tilespmem:v48+s6+$0x0], $0xffff;
	v61 =	vor.u32 s0, v6;
	[tilespmem:v57+s11+$0x0] =	vst.idx.msk $0xffff, v55;
	v55 =	vor.u32 s28, v13  }
0x2f3: {  	s7 =	sadd.s32 $0x0, s21;
	v62 =	vor.u32 s15, v23;
	v57 =	vor.u32 s29, v14;
	v39 =	vld.idx.msk [tilespmem:v63+s6+$0x0], $0xffff  }
0x2f4: {  	[tilespmem:v50+s11+$0x0] =	vst.idx.msk $0xffff, v49;
	v60 =	vor.u32 s30, v23;
	v53 =	vld.idx.msk [tilespmem:v58+s6+$0x0], $0xffff;
	v58 =	vor.u32 s7, v0  }
0x2f5: {  	[tilespmem:v51+s11+$0x0] =	vst.idx.msk $0xffff, v38;
	v54 =	vor.u32 s14, v9;
	v63 =	vor.u32 s25, v24;
	v38 =	vld.idx.msk [tilespmem:v52+s6+$0x0], $0xffff  }
0x2f6: {  	v32 =	vor.u32 s2, v24;
	v49 =	vor.u32 s22, v17;
	[tilespmem:v59+s11+$0x0] =	vst.idx.msk $0xffff, v37;
	v35 =	vld.idx.msk [tilespmem:v56+s6+$0x0], $0xffff  }
0x2f7: {  	s16 =	simm.s32 $0x0;
	s4 =	sshll.u32 s18, $0x4;
	[tilespmem:v55+s11+$0x0] =	vst.idx.msk $0xffff, v43;
	v55 =	vor.u32 s1, v10;
	v41 =	vld.idx.msk [tilespmem:v61+s6+$0x0], $0xffff;
	v61 =	vor.u32 s9, v7  }
0x2f8: {  	s10 =	sor.u32 s16, s4;
	v56 =	vor.u32 s28, v15;
	[tilespmem:v62+s11+$0x0] =	vst.idx.msk $0xffff, v39;
	v46 =	vld.idx.msk [tilespmem:v57+s6+$0x0], $0xffff;
	v57 =	vor.u32 s23, v18  }
0x2f9: {  	v62 =	vor.u32 s0, v8;
	v34 =	vld.idx.msk [tilespmem:v58+s6+$0x0], $0xffff;
	v58 =	vor.u32 s10, v1;
	[tilespmem:v60+s11+$0x0] =	vst.idx.msk $0xffff, v53  }
0x2fa: {  	s31 =	sshll.u32 s31, $0x4;
	v42 =	vor.u32 s23, v20;
	v59 =	vor.u32 s29, v16;
	v44 =	vld.idx.msk [tilespmem:v63+s6+$0x0], $0xffff;
	[tilespmem:v54+s11+$0x0] =	vst.idx.msk $0xffff, v38  }
0x2fb: {  	s12 =	sor.u32 s31, s16;
	v60 =	vor.u32 s5, v2;
	v39 =	vld.idx.msk [tilespmem:v32+s6+$0x0], $0xffff;
	v38 =	vor.u32 s30, v25;
	[tilespmem:v49+s11+$0x0] =	vst.idx.msk $0xffff, v35  }
0x2fc: {  	v43 =	vor.u32 s2, v26;
	v63 =	vor.u32 s12, v1;
	v52 =	vld.idx.msk [tilespmem:v55+s6+$0x0], $0xffff;
	[tilespmem:v61+s11+$0x0] =	vst.idx.msk $0xffff, v41  }
0x2fd: {  	v37 =	vor.u32 s15, v25;
	v49 =	vor.u32 s7, v2;
	[tilespmem:v56+s11+$0x0] =	vst.idx.msk $0xffff, v46;
	v36 =	vld.idx.msk [tilespmem:v57+s6+$0x0], $0xffff  }
0x2fe: {  	v48 =	vor.u32 s14, v13;
	[tilespmem:v58+s11+$0x0] =	vst.idx.msk $0xffff, v40;
	v40 =	vor.u32 s14, v11;
	v46 =	vor.u32 s25, v26;
	v61 =	vld.idx.msk [tilespmem:v62+s6+$0x0], $0xffff  }
0x2ff: {  	v50 =	vor.u32 s22, v19;
	v53 =	vor.u32 s28, v17;
	v41 =	vor.u32 s1, v12;
	v45 =	vld.idx.msk [tilespmem:v59+s6+$0x0], $0xffff  }
0x300: {  	v33 =	vor.u32 s29, v20;
	v62 =	vor.u32 s29, v18;
	v47 =	vld.idx.msk [tilespmem:v60+s6+$0x0], $0xffff;
	v60 =	vor.u32 s10, v3;
	[tilespmem:v38+s11+$0x0] =	vst.idx.msk $0xffff, v39  }
0x301: {  	[tilespmem:v63+s11+$0x0] =	vst.idx.msk $0xffff, v34;
	v63 =	vor.u32 s5, v4;
	v58 =	vor.u32 s9, v9;
	v43 =	vld.idx.msk [tilespmem:v43+s6+$0x0], $0xffff  }
0x302: {  	v51 =	vor.u32 s0, v10;
	v32 =	vor.u32 s7, v20;
	[tilespmem:v37+s11+$0x0] =	vst.idx.msk $0xffff, v44;
	v38 =	vld.idx.msk [tilespmem:v49+s6+$0x0], $0xffff  }
0x303: {  	v35 =	vor.u32 s10, v5;
	v34 =	vor.u32 s0, v20;
	[tilespmem:v40+s11+$0x0] =	vst.idx.msk $0xffff, v52;
	v40 =	vld.idx.msk [tilespmem:v46+s6+$0x0], $0xffff  }
0x304: {  	v37 =	vor.u32 s25, v28;
	v49 =	vor.u32 s30, v27;
	v46 =	vld.idx.msk [tilespmem:v41+s6+$0x0], $0xffff;
	[tilespmem:v53+s11+$0x0] =	vst.idx.msk $0xffff, v45  }
0x305: {  	v45 =	vor.u32 s15, v27;
	v41 =	vor.u32 s2, v28;
	[tilespmem:v60+s11+$0x0] =	vst.idx.msk $0xffff, v47;
	v39 =	vld.idx.msk [tilespmem:v62+s6+$0x0], $0xffff  }
0x306: {  	v44 =	vor.u32 s28, v19;
	[tilespmem:v58+s11+$0x0] =	vst.idx.msk $0xffff, v61;
	v47 =	vor.u32 s1, v14;
	v52 =	vld.idx.msk [tilespmem:v63+s6+$0x0], $0xffff  }
.LBB2_7:
0x307: {  	v51 =	vld.idx.msk [tilespmem:v51+s6+$0x0], $0xffff  }
0x308: {  	s13 =	sadd.s32 $0x2, s13;
	[tilespmem:v50+s11+$0x0] =	vst.idx.msk $0xffff, v36;
	v36 =	vor.u32 s5, v6;
	v50 =	vor.u32 s9, v11;
	v55 =	vor.u32 s12, v3  }
0x309: {  	s4 =	sand.u32 $0x6, s13;
	s16 =	sshrl.u32 s13, $0x3;
	p0 =	slt.u32 s13, $0x1E;
	v42 =	vld.idx.msk [tilespmem:v42+s6+$0x0], $0xffff;
	[tilespmem:v49+s11+$0x0] =	vst.idx.msk $0xffff, v43;
	v43 =	vor.u32 s0, v12;
	v49 =	vor.u32 s22, v21  }
0x30a: {  	s18 =	sshll.u32 s16, $0x4;
	s19 =	sshll.u32 s4, $0xA;
	s21 =	sor.u32 $0x1, s4;
	[tilespmem:v45+s11+$0x0] =	vst.idx.msk $0xffff, v40;
	v40 =	vor.u32 s25, v30;
	v41 =	vld.idx.msk [tilespmem:v41+s6+$0x0], $0xffff;
	v45 =	vor.u32 s23, v22  }
0x30b: {  	s19 =	sadd.s32 s18, s19;
	s25 =	sshll.u32 s21, $0x4;
	s21 =	sshll.u32 s21, $0xA;
	[tilespmem:v48+s11+$0x0] =	vst.idx.msk $0xffff, v46;
	v37 =	vld.idx.msk [tilespmem:v37+s6+$0x0], $0xffff;
	v46 =	vor.u32 s30, v29;
	v48 =	vor.u32 s2, v30  }
0x30c: {  	s2 =	sshll.u32 s4, $0x4;
	s4 =	sshll.u32 s16, $0xB;
	v53 =	vor.u32 s19, v0;
	v54 =	vor.u32 s19, v20;
	s18 =	sadd.s32 s18, s21;
	v47 =	vld.idx.msk [tilespmem:v47+s6+$0x0], $0xffff;
	[tilespmem:v44+s11+$0x0] =	vst.idx.msk $0xffff, v39;
	v39 =	vor.u32 s15, v29  }
0x30d: {  	v56 =	vor.u32 s28, v21;
	s21 =	sor.u32 s2, s4;
	s16 =	sor.u32 s4, s25;
	s25 =	smov.u32 s29;
	v44 =	vor.u32 s18, v0;
	[tilespmem:v35+s11+$0x0] =	vst.idx.msk $0xffff, v52;
	v52 =	vld.idx.msk [tilespmem:v33+s6+$0x0], $0xffff;
	v33 =	vmov v34  }
0x30e: {  	v57 =	vor.u32 s7, v4;
	s29 =	smov.u32 s0;
	s0 =	smov.u32 s7;
	s7 =	smov.u32 s19;
	v35 =	vor.u32 s16, v5;
	v34 =	vmovc v32;
	v32 =	vmov v54;
	v36 =	vld.idx.msk [tilespmem:v36+s6+$0x0], $0xffff;
	[tilespmem:v50+s11+$0x0] =	vst.idx.msk $0xffff, v51  }
0x30f: {  	s2 =	smov.u32 s23;
	s23 =	smov.u32 s1;
	s1 =	smov.u32 s5;
	v50 =	vor.u32 s10, v7;
	v51 =	vor.u32 s25, v22;
	v43 =	vld.idx.msk [tilespmem:v43+s6+$0x0], $0xffff;
	[tilespmem:v49+s11+$0x0] =	vst.idx.msk $0xffff, v42  }
0x310: {  	s5 =	smov.u32 s18;
	v42 =	vor.u32 s14, v15;
	v45 =	vld.idx.msk [tilespmem:v45+s6+$0x0], $0xffff;
	[tilespmem:v46+s11+$0x0] =	vst.idx.msk $0xffff, v41  }
0x311: {  	v41 =	vor.u32 s1, v8;
	v46 =	vor.u32 s22, v23;
	[tilespmem:v39+s11+$0x0] =	vst.idx.msk $0xffff, v37;
	v37 =	vld.idx.msk [tilespmem:v48+s6+$0x0], $0xffff  }
0x312: {  	v39 =	vor.u32 s23, v16;
	[tilespmem:v55+s11+$0x0] =	vst.idx.msk $0xffff, v38;
	v38 =	vor.u32 s9, v13;
	v40 =	vld.idx.msk [tilespmem:v40+s6+$0x0], $0xffff  }
0x313: {  	v48 =	vld.idx.msk [tilespmem:v57+s6+$0x0], $0xffff;
	[tilespmem:v56+s11+$0x0] =	vst.idx.msk $0xffff, v52;
	v52 =	vor.u32 s15, v31;
	s15 =	smov.u32 s28;
	s28 =	smov.u32 s9;
	s9 =	smov.u32 s12  }
0x314: {  	v49 =	vor.u32 s29, v14;
	v54 =	vor.u32 s9, v5  }
0x315: {  	s12 =	smov.u32 s21;
	[tilespmem:v50+s11+$0x0] =	vst.idx.msk $0xffff, v36;
	v36 =	vld.idx.msk [tilespmem:v51+s6+$0x0], $0xffff;
	v50 =	vor.u32 s30, v31;
	s30 =	smov.u32 s22;
	s22 =	smov.u32 s14;
	v51 =	vor.u32 s0, v6  }
0x316: {  	s14 =	smov.u32 s10;
	s10 =	smov.u32 s16;
	v44 =	vld.idx.msk [tilespmem:v44+s6+$0x0], $0xffff;
	[tilespmem:v42+s11+$0x0] =	vst.idx.msk $0xffff, v47;
	v42 =	vor.u32 s25, v24;
	v47 =	vor.u32 s2, v24  }
0x317: {  	v56 =	vor.u32 s15, v23;
	v55 =	vor.u32 s10, v1;
	v41 =	vld.idx.msk [tilespmem:v41+s6+$0x0], $0xffff;
	[tilespmem:v46+s11+$0x0] =	vst.idx.msk $0xffff, v45  }
0x318: {  	v45 =	vor.u32 s5, v2;
	v46 =	vor.u32 s14, v9;
	[tilespmem:v38+s11+$0x0] =	vst.idx.msk $0xffff, v43;
	v38 =	vld.idx.msk [tilespmem:v39+s6+$0x0], $0xffff  }
0x319: {  	v39 =	vor.u32 s1, v10;
	v43 =	vld.idx.msk [tilespmem:v49+s6+$0x0], $0xffff;
	v49 =	vor.u32 s22, v17;
	[tilespmem:v52+s11+$0x0] =	vst.idx.msk $0xffff, v40  }
0x31a: {  	v52 =	vor.u32 s23, v18;
	v40 =	vld.idx.msk [tilespmem:v53+s6+$0x0], $0xffff;
	[tilespmem:v54+s11+$0x0] =	vst.idx.msk $0xffff, v48;
	v48 =	vor.u32 s28, v15  }
0x31b: {  	v53 =	vor.u32 s29, v16;
	v51 =	vld.idx.msk [tilespmem:v51+s6+$0x0], $0xffff;
	[tilespmem:v50+s11+$0x0] =	vst.idx.msk $0xffff, v37  }
0x31c: {  	v37 =	vor.u32 s9, v7;
	[tilespmem:v56+s11+$0x0] =	vst.idx.msk $0xffff, v36;
	v47 =	vld.idx.msk [tilespmem:v47+s6+$0x0], $0xffff  }
0x31d: {  	v50 =	vor.u32 s0, v8;
	[tilespmem:v46+s11+$0x0] =	vst.idx.msk $0xffff, v41;
	v41 =	vld.idx.msk [tilespmem:v42+s6+$0x0], $0xffff;
	v42 =	vor.u32 s30, v25  }
0x31e: {  	v46 =	vor.u32 s12, v1;
	v39 =	vld.idx.msk [tilespmem:v39+s6+$0x0], $0xffff;
	[tilespmem:v49+s11+$0x0] =	vst.idx.msk $0xffff, v38;
	v38 =	vor.u32 s2, v26  }
0x31f: {  	v49 =	vor.u32 s7, v2;
	[tilespmem:v48+s11+$0x0] =	vst.idx.msk $0xffff, v43;
	v36 =	vld.idx.msk [tilespmem:v52+s6+$0x0], $0xffff;
	v48 =	vor.u32 s15, v25  }
0x320: {  	[tilespmem:v55+s11+$0x0] =	vst.idx.msk $0xffff, v44;
	v44 =	vor.u32 s14, v11;
	v52 =	vld.idx.msk [tilespmem:v53+s6+$0x0], $0xffff;
	v53 =	vor.u32 s25, v26  }
0x321: {  	v54 =	vld.idx.msk [tilespmem:v45+s6+$0x0], $0xffff;
	[tilespmem:v37+s11+$0x0] =	vst.idx.msk $0xffff, v51;
	v37 =	vor.u32 s1, v12;
	v45 =	vor.u32 s28, v17  }
0x322: {  	v57 =	vor.u32 s29, v18;
	v55 =	vor.u32 s10, v3;
	v56 =	vld.idx.msk [tilespmem:v50+s6+$0x0], $0xffff;
	[tilespmem:v42+s11+$0x0] =	vst.idx.msk $0xffff, v47  }
0x323: {  	v58 =	vor.u32 s9, v9;
	v47 =	vor.u32 s5, v4;
	[tilespmem:v46+s11+$0x0] =	vst.idx.msk $0xffff, v40;
	v43 =	vld.idx.msk [tilespmem:v38+s6+$0x0], $0xffff  }
.Ltmp2:
0x324: {  	v51 =	vor.u32 s0, v10;
	v50 =	vor.u32 s22, v19;
	v38 =	vld.idx.msk [tilespmem:v49+s6+$0x0], $0xffff;
	[tilespmem:v48+s11+$0x0] =	vst.idx.msk $0xffff, v41;
	(pc) =	sbr.rel @p0 .LBB2_7-.Ltmp2, $4  }
0x325: {  	v42 =	vor.u32 s23, v20;
	v49 =	vor.u32 s30, v27;
	[tilespmem:v44+s11+$0x0] =	vst.idx.msk $0xffff, v39;
	v40 =	vld.idx.msk [tilespmem:v53+s6+$0x0], $0xffff  }
0x326: {  	v41 =	vor.u32 s2, v28;
	v46 =	vld.idx.msk [tilespmem:v37+s6+$0x0], $0xffff;
	[tilespmem:v45+s11+$0x0] =	vst.idx.msk $0xffff, v52;
	v45 =	vor.u32 s15, v27  }
0x327: {  	v48 =	vor.u32 s14, v13;
	v37 =	vor.u32 s25, v28;
	[tilespmem:v55+s11+$0x0] =	vst.idx.msk $0xffff, v54;
	v39 =	vld.idx.msk [tilespmem:v57+s6+$0x0], $0xffff  }
0x328: {  	v44 =	vor.u32 s28, v19;
	v52 =	vld.idx.msk [tilespmem:v47+s6+$0x0], $0xffff;
	[tilespmem:v58+s11+$0x0] =	vst.idx.msk $0xffff, v56;
	v47 =	vor.u32 s1, v14  }
0x329: {  	v53 =	vor.u32 s12, v3  }
0x32a: {  	v54 =	vor.u32 s7, v4;
	_ =	sdelay $0x3  }
0x32b: {  	[tilespmem:v53+s11+$0x0] =	vst.idx.msk $0xffff, v38  }
0x32c: {  	v60 =	vor.u32 s12, v5;
	v55 =	vor.u32 s5, v6;
	v38 =	vld.idx.msk [tilespmem:v54+s6+$0x0], $0xffff  }
0x32d: {  	v61 =	vor.u32 s7, v6;
	_ =	sdelay $0x2  }
0x32e: {  	[tilespmem:v35+s11+$0x0] =	vst.idx.msk $0xffff, v52  }
0x32f: {  	v57 =	vor.u32 s10, v7;
	v52 =	vld.idx.msk [tilespmem:v55+s6+$0x0], $0xffff;
	[tilespmem:v60+s11+$0x0] =	vst.idx.msk $0xffff, v38  }
0x330: {  	v63 =	vor.u32 s12, v7;
	v59 =	vor.u32 s5, v8;
	v62 =	vld.idx.msk [tilespmem:v61+s6+$0x0], $0xffff  }
0x331: {  	v58 =	vor.u32 s7, v8;
	_ =	sdelay $0x2  }
0x332: {  	[tilespmem:v57+s11+$0x0] =	vst.idx.msk $0xffff, v52  }
0x333: {  	v52 =	vld.idx.msk [tilespmem:v59+s6+$0x0], $0xffff;
	v61 =	vor.u32 s10, v9;
	[tilespmem:v63+s11+$0x0] =	vst.idx.msk $0xffff, v62  }
0x334: {  	v60 =	vor.u32 s12, v9;
	v63 =	vor.u32 s5, v10;
	v35 =	vld.idx.msk [tilespmem:v58+s6+$0x0], $0xffff  }
0x335: {  	v62 =	vor.u32 s7, v10;
	_ =	sdelay $0x1  }
0x336: {  	v51 =	vld.idx.msk [tilespmem:v51+s6+$0x0], $0xffff;
	v56 =	vor.u32 s9, v11  }
0x337: {  	v57 =	vor.u32 s0, v12;
	[tilespmem:v61+s11+$0x0] =	vst.idx.msk $0xffff, v52  }
0x338: {  	v61 =	vor.u32 s10, v11;
	v52 =	vld.idx.msk [tilespmem:v63+s6+$0x0], $0xffff;
	[tilespmem:v60+s11+$0x0] =	vst.idx.msk $0xffff, v35  }
0x339: {  	v63 =	vor.u32 s5, v12;
	v60 =	vor.u32 s12, v11;
	v35 =	vld.idx.msk [tilespmem:v62+s6+$0x0], $0xffff  }
0x33a: {  	v62 =	vor.u32 s7, v12  }
0x33b: {  	[tilespmem:v56+s11+$0x0] =	vst.idx.msk $0xffff, v51  }
0x33c: {  	v56 =	vor.u32 s9, v13;
	v51 =	vld.idx.msk [tilespmem:v57+s6+$0x0], $0xffff  }
0x33d: {  	v58 =	vor.u32 s0, v14;
	[tilespmem:v61+s11+$0x0] =	vst.idx.msk $0xffff, v52  }
0x33e: {  	v61 =	vor.u32 s10, v13;
	[tilespmem:v60+s11+$0x0] =	vst.idx.msk $0xffff, v35;
	v60 =	vld.idx.msk [tilespmem:v63+s6+$0x0], $0xffff  }
0x33f: {  	[tilespmem:v50+s11+$0x0] =	vst.idx.msk $0xffff, v36;
	v59 =	vor.u32 s12, v13;
	v63 =	vor.u32 s5, v14;
	v38 =	vld.idx.msk [tilespmem:v62+s6+$0x0], $0xffff  }
0x340: {  	[tilespmem:v49+s11+$0x0] =	vst.idx.msk $0xffff, v43;
	v62 =	vor.u32 s7, v14  }
0x341: {  	[tilespmem:v56+s11+$0x0] =	vst.idx.msk $0xffff, v51  }
0x342: {  	[tilespmem:v48+s11+$0x0] =	vst.idx.msk $0xffff, v46;
	v54 =	vor.u32 s9, v15;
	v35 =	vld.idx.msk [tilespmem:v58+s6+$0x0], $0xffff  }
0x343: {  	v47 =	vld.idx.msk [tilespmem:v47+s6+$0x0], $0xffff;
	v55 =	vor.u32 s14, v15;
	v56 =	vor.u32 s0, v16;
	[tilespmem:v61+s11+$0x0] =	vst.idx.msk $0xffff, v60  }
0x344: {  	v57 =	vor.u32 s1, v16;
	v61 =	vor.u32 s10, v15;
	[tilespmem:v59+s11+$0x0] =	vst.idx.msk $0xffff, v38;
	v60 =	vld.idx.msk [tilespmem:v63+s6+$0x0], $0xffff  }
0x345: {  	[tilespmem:v45+s11+$0x0] =	vst.idx.msk $0xffff, v40;
	v52 =	vor.u32 s5, v16;
	v59 =	vor.u32 s12, v15;
	v58 =	vld.idx.msk [tilespmem:v62+s6+$0x0], $0xffff  }
0x346: {  	v42 =	vld.idx.msk [tilespmem:v42+s6+$0x0], $0xffff;
	[tilespmem:v44+s11+$0x0] =	vst.idx.msk $0xffff, v39;
	v63 =	vor.u32 s22, v21;
	v62 =	vor.u32 s7, v16  }
0x347: {  	v41 =	vld.idx.msk [tilespmem:v41+s6+$0x0], $0xffff;
	v53 =	vor.u32 s30, v29;
	[tilespmem:v54+s11+$0x0] =	vst.idx.msk $0xffff, v35  }
0x348: {  	[tilespmem:v55+s11+$0x0] =	vst.idx.msk $0xffff, v47;
	v54 =	vor.u32 s9, v17;
	v35 =	vld.idx.msk [tilespmem:v56+s6+$0x0], $0xffff  }
0x349: {  	v55 =	vor.u32 s14, v17;
	v38 =	vld.idx.msk [tilespmem:v57+s6+$0x0], $0xffff;
	v56 =	vor.u32 s0, v18;
	[tilespmem:v61+s11+$0x0] =	vst.idx.msk $0xffff, v60  }
0x34a: {  	v57 =	vor.u32 s1, v18;
	v60 =	vor.u32 s10, v17;
	[tilespmem:v59+s11+$0x0] =	vst.idx.msk $0xffff, v58;
	v39 =	vld.idx.msk [tilespmem:v52+s6+$0x0], $0xffff  }
0x34b: {  	[tilespmem:v63+s11+$0x0] =	vst.idx.msk $0xffff, v42;
	v63 =	vor.u32 s5, v18;
	v59 =	vor.u32 s12, v17;
	v58 =	vld.idx.msk [tilespmem:v62+s6+$0x0], $0xffff  }
0x34c: {  	v33 =	vld.idx.msk [tilespmem:v33+s6+$0x0], $0xffff;
	[tilespmem:v53+s11+$0x0] =	vst.idx.msk $0xffff, v41;
	v53 =	vor.u32 s28, v21;
	v61 =	vor.u32 s7, v18  }
0x34d: {  	v37 =	vld.idx.msk [tilespmem:v37+s6+$0x0], $0xffff;
	[tilespmem:v54+s11+$0x0] =	vst.idx.msk $0xffff, v35;
	v52 =	vor.u32 s23, v22;
	v62 =	vor.u32 s15, v29  }
0x34e: {  	v35 =	vor.u32 s25, v30;
	[tilespmem:v55+s11+$0x0] =	vst.idx.msk $0xffff, v38;
	v55 =	vor.u32 s9, v19;
	v54 =	vld.idx.msk [tilespmem:v56+s6+$0x0], $0xffff  }
0x34f: {  	v36 =	vld.idx.msk [tilespmem:v57+s6+$0x0], $0xffff;
	v56 =	vor.u32 s14, v19;
	[tilespmem:v60+s11+$0x0] =	vst.idx.msk $0xffff, v39  }
0x350: {  	v57 =	vor.u32 s1, v20;
	v60 =	vor.u32 s10, v19;
	[tilespmem:v59+s11+$0x0] =	vst.idx.msk $0xffff, v58;
	v59 =	vld.idx.msk [tilespmem:v63+s6+$0x0], $0xffff  }
0x351: {  	[tilespmem:v53+s11+$0x0] =	vst.idx.msk $0xffff, v33;
	v58 =	vor.u32 s12, v19;
	v63 =	vor.u32 s5, v20;
	v39 =	vld.idx.msk [tilespmem:v61+s6+$0x0], $0xffff  }
0x352: {  	v53 =	vor.u32 s29, v22;
	[tilespmem:v62+s11+$0x0] =	vst.idx.msk $0xffff, v37;
	v62 =	vor.u32 s22, v23;
	v61 =	vld.idx.msk [tilespmem:v52+s6+$0x0], $0xffff  }
0x353: {  	[tilespmem:v55+s11+$0x0] =	vst.idx.msk $0xffff, v54;
	v52 =	vor.u32 s15, v31;
	v35 =	vld.idx.msk [tilespmem:v35+s6+$0x0], $0xffff  }
0x354: {  	v54 =	vor.u32 s2, v30;
	[tilespmem:v56+s11+$0x0] =	vst.idx.msk $0xffff, v36;
	v55 =	vor.u32 s9, v21;
	v34 =	vld.idx.msk [tilespmem:v34+s6+$0x0], $0xffff  }
0x355: {  	v56 =	vor.u32 s14, v21;
	v40 =	vld.idx.msk [tilespmem:v57+s6+$0x0], $0xffff;
	[tilespmem:v60+s11+$0x0] =	vst.idx.msk $0xffff, v59  }
0x356: {  	v57 =	vor.u32 s0, v22;
	v60 =	vor.u32 s10, v21;
	[tilespmem:v58+s11+$0x0] =	vst.idx.msk $0xffff, v39;
	v33 =	vld.idx.msk [tilespmem:v63+s6+$0x0], $0xffff  }
0x357: {  	v58 =	vor.u32 s1, v22;
	[tilespmem:v62+s11+$0x0] =	vst.idx.msk $0xffff, v61;
	v62 =	vld.idx.msk [tilespmem:v53+s6+$0x0], $0xffff;
	v63 =	vor.u32 s28, v23  }
0x358: {  	v59 =	vor.u32 s12, v21;
	[tilespmem:v52+s11+$0x0] =	vst.idx.msk $0xffff, v35;
	v52 =	vor.u32 s5, v22;
	v32 =	vld.idx.msk [tilespmem:v32+s6+$0x0], $0xffff  }
0x359: {  	v38 =	vld.idx.msk [tilespmem:v54+s6+$0x0], $0xffff;
	v54 =	vor.u32 s29, v24;
	[tilespmem:v55+s11+$0x0] =	vst.idx.msk $0xffff, v34  }
0x35a: {  	[tilespmem:v56+s11+$0x0] =	vst.idx.msk $0xffff, v40;
	v61 =	vor.u32 s7, v22;
	v53 =	vor.u32 s30, v31  }
0x35b: {  	v55 =	vor.u32 s23, v24;
	v56 =	vor.u32 s9, v23;
	v36 =	vld.idx.msk [tilespmem:v57+s6+$0x0], $0xffff;
	[tilespmem:v60+s11+$0x0] =	vst.idx.msk $0xffff, v33  }
0x35c: {  	v57 =	vor.u32 s14, v23;
	v39 =	vld.idx.msk [tilespmem:v58+s6+$0x0], $0xffff;
	v58 =	vor.u32 s0, v24;
	[tilespmem:v63+s11+$0x0] =	vst.idx.msk $0xffff, v62  }
0x35d: {  	v41 =	vor.u32 s10, v23;
	[tilespmem:v59+s11+$0x0] =	vst.idx.msk $0xffff, v32;
	v59 =	vor.u32 s1, v24;
	v35 =	vld.idx.msk [tilespmem:v52+s6+$0x0], $0xffff  }
0x35e: {  	v63 =	vor.u32 s28, v25;
	v62 =	vld.idx.msk [tilespmem:v54+s6+$0x0], $0xffff;
	v52 =	vor.u32 s5, v24  }
0x35f: {  	v60 =	vor.u32 s12, v23;
	[tilespmem:v53+s11+$0x0] =	vst.idx.msk $0xffff, v38;
	v54 =	vor.u32 s29, v26;
	v33 =	vld.idx.msk [tilespmem:v61+s6+$0x0], $0xffff  }
0x360: {  	v34 =	vld.idx.msk [tilespmem:v55+s6+$0x0], $0xffff;
	v53 =	vor.u32 s22, v25;
	[tilespmem:v56+s11+$0x0] =	vst.idx.msk $0xffff, v36;
	v61 =	vor.u32 s7, v24  }
0x361: {  	v55 =	vor.u32 s23, v26;
	[tilespmem:v57+s11+$0x0] =	vst.idx.msk $0xffff, v39;
	v56 =	vld.idx.msk [tilespmem:v58+s6+$0x0], $0xffff;
	v57 =	vor.u32 s9, v25  }
0x362: {  	v58 =	vor.u32 s14, v25;
	v32 =	vld.idx.msk [tilespmem:v59+s6+$0x0], $0xffff;
	[tilespmem:v41+s11+$0x0] =	vst.idx.msk $0xffff, v35  }
0x363: {  	v59 =	vor.u32 s0, v26;
	[tilespmem:v63+s11+$0x0] =	vst.idx.msk $0xffff, v62;
	v41 =	vor.u32 s10, v25;
	v38 =	vld.idx.msk [tilespmem:v52+s6+$0x0], $0xffff  }
0x364: {  	[tilespmem:v60+s11+$0x0] =	vst.idx.msk $0xffff, v33;
	v60 =	vor.u32 s1, v26;
	v63 =	vld.idx.msk [tilespmem:v54+s6+$0x0], $0xffff;
	v52 =	vor.u32 s28, v27  }
0x365: {  	[tilespmem:v53+s11+$0x0] =	vst.idx.msk $0xffff, v34;
	v53 =	vor.u32 s5, v26;
	v35 =	vld.idx.msk [tilespmem:v61+s6+$0x0], $0xffff;
	v61 =	vor.u32 s12, v25  }
0x366: {  	v36 =	vld.idx.msk [tilespmem:v55+s6+$0x0], $0xffff;
	v55 =	vor.u32 s29, v28;
	v54 =	vor.u32 s22, v27;
	[tilespmem:v57+s11+$0x0] =	vst.idx.msk $0xffff, v56  }
0x367: {  	v62 =	vor.u32 s7, v26;
	[tilespmem:v58+s11+$0x0] =	vst.idx.msk $0xffff, v32  }
0x368: {  	v56 =	vor.u32 s23, v28;
	v57 =	vld.idx.msk [tilespmem:v59+s6+$0x0], $0xffff;
	v58 =	vor.u32 s9, v27;
	[tilespmem:v41+s11+$0x0] =	vst.idx.msk $0xffff, v38  }
0x369: {  	v59 =	vor.u32 s14, v27;
	v33 =	vld.idx.msk [tilespmem:v60+s6+$0x0], $0xffff;
	v60 =	vor.u32 s0, v28;
	[tilespmem:v52+s11+$0x0] =	vst.idx.msk $0xffff, v63  }
0x36a: {  	v41 =	vor.u32 s10, v27;
	[tilespmem:v61+s11+$0x0] =	vst.idx.msk $0xffff, v35;
	v61 =	vor.u32 s1, v28;
	v34 =	vld.idx.msk [tilespmem:v53+s6+$0x0], $0xffff  }
0x36b: {  	[tilespmem:v54+s11+$0x0] =	vst.idx.msk $0xffff, v36;
	v54 =	vor.u32 s5, v28;
	v52 =	vld.idx.msk [tilespmem:v55+s6+$0x0], $0xffff;
	v53 =	vor.u32 s28, v29  }
0x36c: {  	v55 =	vor.u32 s29, v30;
	v37 =	vld.idx.msk [tilespmem:v62+s6+$0x0], $0xffff;
	v62 =	vor.u32 s12, v27  }
0x36d: {  	v63 =	vor.u32 s7, v28;
	v39 =	vld.idx.msk [tilespmem:v56+s6+$0x0], $0xffff;
	v56 =	vor.u32 s22, v29;
	[tilespmem:v58+s11+$0x0] =	vst.idx.msk $0xffff, v57  }
0x36e: {  	v57 =	vor.u32 s23, v30;
	[tilespmem:v59+s11+$0x0] =	vst.idx.msk $0xffff, v33;
	v58 =	vld.idx.msk [tilespmem:v60+s6+$0x0], $0xffff;
	v59 =	vor.u32 s9, v29  }
0x36f: {  	v35 =	vld.idx.msk [tilespmem:v61+s6+$0x0], $0xffff;
	v61 =	vor.u32 s14, v29;
	[tilespmem:v41+s11+$0x0] =	vst.idx.msk $0xffff, v34  }
0x370: {  	[tilespmem:v53+s11+$0x0] =	vst.idx.msk $0xffff, v52;
	v52 =	vor.u32 s10, v29;
	v51 =	vld.idx.msk [tilespmem:v54+s6+$0x0], $0xffff  }
0x371: {  	v60 =	vor.u32 s0, v30;
	v53 =	vor.u32 s28, v31;
	[tilespmem:v62+s11+$0x0] =	vst.idx.msk $0xffff, v37;
	v55 =	vld.idx.msk [tilespmem:v55+s6+$0x0], $0xffff  }
0x372: {  	v49 =	vor.u32 s12, v29;
	v62 =	vor.u32 s1, v30;
	v63 =	vld.idx.msk [tilespmem:v63+s6+$0x0], $0xffff;
	[tilespmem:v56+s11+$0x0] =	vst.idx.msk $0xffff, v39  }
0x373: {  	v54 =	vor.u32 s5, v30;
	v56 =	vor.u32 s22, v31;
	v32 =	vld.idx.msk [tilespmem:v57+s6+$0x0], $0xffff;
	[tilespmem:v59+s11+$0x0] =	vst.idx.msk $0xffff, v58  }
0x374: {  	v50 =	vor.u32 s7, v30;
	[tilespmem:v61+s11+$0x0] =	vst.idx.msk $0xffff, v35  }
0x375: {  	[tilespmem:v52+s11+$0x0] =	vst.idx.msk $0xffff, v51  }
0x376: {  	v57 =	vor.u32 s9, v31;
	v58 =	vld.idx.msk [tilespmem:v60+s6+$0x0], $0xffff;
	[tilespmem:v53+s11+$0x0] =	vst.idx.msk $0xffff, v55  }
0x377: {  	v59 =	vor.u32 s14, v31;
	v37 =	vld.idx.msk [tilespmem:v62+s6+$0x0], $0xffff;
	[tilespmem:v49+s11+$0x0] =	vst.idx.msk $0xffff, v63  }
0x378: {  	v62 =	vld.idx.msk [tilespmem:v54+s6+$0x0], $0xffff;
	v63 =	vor.u32 s10, v31;
	[tilespmem:v56+s11+$0x0] =	vst.idx.msk $0xffff, v32  }
0x379: {  	v60 =	vor.u32 s12, v31;
	v61 =	vld.idx.msk [tilespmem:v50+s6+$0x0], $0xffff;
	s9 =	rddreg [dreg:$0x4]  }
0x37a: {  	s10 =	rddreg [dreg:$0x1f]  }
0x37b: {  	s0 =	sadd.s32 s9, s10;
	[tilespmem:v57+s11+$0x0] =	vst.idx.msk $0xffff, v58  }
0x37c: {  	s1 =	sshll.u32 s0, $0xA;
	s0 =	sshll.u32 s0, $0x7;
	[tilespmem:v59+s11+$0x0] =	vst.idx.msk $0xffff, v37  }
0x37d: {  	s1 =	sand.u32 $0xFFE0000, s1;
	s0 =	sand.u32 $0x3F00, s0;
	[tilespmem:v63+s11+$0x0] =	vst.idx.msk $0xffff, v62  }
0x37e: {  	s12 =	rddreg [dreg:$0x1];
	[tilespmem:v60+s11+$0x0] =	vst.idx.msk $0xffff, v61;
	s0 =	sor.u32 s0, s1  }
0x37f: {  	s16 =	simm.s32 $0xAC00;
	s1 =	sadd.s32 s12, s0;
	s13 =	rddreg [dreg:$0x6]  }
0x380: {  	[hbm4b:s1+s3] =	stream.linear.scatter [tilespmem:s11], [sflag:$0x3], $0x400, $0x38;
	[tilespmem:$0xE400] =	vst v63  }
0x381: {  	s14 =	simm.s32 $0xA800;
	s15 =	rddreg [dreg:$0x9];
	s1 =	sadd.s32 s0, s13  }
0x382: {  	[hbm4b:s1+s3] =	stream.linear.scatter [tilespmem:s14], [sflag:$0x3], $0x400, $0x38;
	[tilespmem:$0xE400] =	vst v63  }
0x383: {  	s19 =	simm.s32 $0xB000;
	s18 =	rddreg [dreg:$0xb];
	s1 =	sadd.s32 s0, s15  }
0x384: {  	[hbm4b:s1+s3] =	stream.linear.scatter [tilespmem:s16], [sflag:$0x3], $0x400, $0x38;
	[tilespmem:$0xE400] =	vst v63  }
0x385: {  	s20 =	sadd.s32 $0x1, s20;
	s21 =	rddreg [dreg:$0xc];
	s1 =	sadd.s32 s0, s18  }
0x386: {  	[hbm4b:s1+s3] =	stream.linear.scatter [tilespmem:s19], [sflag:$0x3], $0x400, $0x38;
	[tilespmem:$0xE400] =	vst v63  }
0x387: {  	s22 =	simm.s32 $0xB400;
	s23 =	rddreg [dreg:$0xf];
	s1 =	sadd.s32 s0, s21  }
0x388: {  	[hbm4b:s1+s3] =	stream.linear.scatter [tilespmem:s22], [sflag:$0x3], $0x400, $0x38;
	[tilespmem:$0xE400] =	vst v63  }
0x389: {  	p0 =	sne.s32 s20, $0x63;
	s25 =	simm.s32 $0xB800;
	s1 =	sadd.s32 s0, s23  }
0x38a: {  	[hbm4b:s1+s3] =	stream.linear.scatter [tilespmem:s25], [sflag:$0x3], $0x400, $0x38;
	[tilespmem:$0xE400] =	vst v63  }
.Ltmp3:
0x38b: {  	s28 =	rddreg [dreg:$0x11];
	(pc) =	sbr.rel @p0 .LBB2_4-.Ltmp3, $4  }
0x38c: {  	s29 =	simm.s32 $0xBC00;
	s30 =	rddreg [dreg:$0x12];
	s1 =	sadd.s32 s0, s28  }
0x38d: {  	[hbm4b:s1+s3] =	stream.linear.scatter [tilespmem:s29], [sflag:$0x3], $0x400, $0x38;
	[tilespmem:$0xE400] =	vst v63  }
0x38e: {  	s31 =	simm.s32 $0xC000;
	s0 =	sadd.s32 s0, s30  }
0x38f: {  	[hbm4b:s0+s3] =	stream.linear.scatter [tilespmem:s31], [sflag:$0x3], $0x400, $0x38;
	[tilespmem:$0xE400] =	vst v63  }
0x390: {  	s0 =	simm.s32 $0x0  }
0x391: {  	s0 =	sand.u32 $0x6, s0  }
0x392: {  	s4 =	sshll.u32 s0, $0xA  }
0x393: {  	s1 =	sor.u32 $0x1, s0;
	s25 =	sadd.s32 $0x0, s4  }
0x394: {  	s2 =	sshll.u32 s1, $0xA;
	v33 =	vor.u32 s25, v0  }
0x395: {  	s5 =	simm.s32 $0x2;
	s2 =	sadd.s32 $0x0, s2  }
0x396: {  	_ =	swait.ge [sflag:s5], $0x2000;
	v32 =	vor.u32 s2, v0  }
0x397: {  	s31 =	simm.s32 $0x0;
	[sflag:s5] =	ssyncset.done $0x0;
	s0 =	sshll.u32 s0, $0x4  }
0x398: {  	[sflag:s5] =	ssyncadd.s32 $0xFFFFE000;
	s15 =	sor.u32 s0, s31  }
0x399: {  	s1 =	sshll.u32 s1, $0x4;
	v36 =	vor.u32 s15, v1;
	v33 =	vld.idx.msk [tilespmem:v33+s8+$0x0], $0xffff  }
0x39a: {  	s28 =	sor.u32 s31, s1;
	v37 =	vor.u32 s25, v2  }
0x39b: {  	v34 =	vor.u32 s28, v1;
	v32 =	vld.idx.msk [tilespmem:v32+s8+$0x0], $0xffff  }
0x39c: {  	v35 =	vor.u32 s2, v2;
	_ =	sdelay $0x1  }
0x39d: {  	[tilespmem:v36+s26+$0x0] =	vst.idx.msk $0xffff, v33  }
0x39e: {  	v42 =	vor.u32 s15, v3;
	v41 =	vld.idx.msk [tilespmem:v37+s8+$0x0], $0xffff  }
0x39f: {  	s4 =	simm.s32 $0x2;
	v43 =	vor.u32 s25, v4;
	[tilespmem:v34+s26+$0x0] =	vst.idx.msk $0xffff, v32  }
0x3a0: {  	s0 =	sand.u32 $0x6, s4;
	v63 =	vor.u32 s28, v3;
	v32 =	vld.idx.msk [tilespmem:v35+s8+$0x0], $0xffff  }
0x3a1: {  	v40 =	vor.u32 s2, v4;
	s5 =	sor.u32 $0x1, s0  }
0x3a2: {  	s7 =	sshll.u32 s5, $0xA  }
0x3a3: {  	s21 =	sadd.s32 $0x0, s7;
	[tilespmem:v42+s26+$0x0] =	vst.idx.msk $0xffff, v41  }
0x3a4: {  	v46 =	vor.u32 s15, v5;
	v38 =	vor.u32 s21, v0;
	v35 =	vld.idx.msk [tilespmem:v43+s8+$0x0], $0xffff  }
0x3a5: {  	v47 =	vor.u32 s25, v6;
	[tilespmem:v63+s26+$0x0] =	vst.idx.msk $0xffff, v32  }
0x3a6: {  	v44 =	vor.u32 s28, v5;
	v33 =	vld.idx.msk [tilespmem:v40+s8+$0x0], $0xffff  }
0x3a7: {  	s9 =	simm.s32 $0x0;
	v45 =	vor.u32 s2, v6;
	s1 =	sshll.u32 s5, $0x4  }
0x3a8: {  	s20 =	sor.u32 s9, s1  }
0x3a9: {  	v52 =	vor.u32 s20, v1;
	v51 =	vld.idx.msk [tilespmem:v38+s8+$0x0], $0xffff;
	[tilespmem:v46+s26+$0x0] =	vst.idx.msk $0xffff, v35  }
0x3aa: {  	v50 =	vor.u32 s15, v7;
	v40 =	vor.u32 s21, v2;
	v35 =	vld.idx.msk [tilespmem:v47+s8+$0x0], $0xffff  }
0x3ab: {  	v39 =	vor.u32 s25, v8;
	[tilespmem:v44+s26+$0x0] =	vst.idx.msk $0xffff, v33  }
0x3ac: {  	v48 =	vor.u32 s28, v7;
	v32 =	vld.idx.msk [tilespmem:v45+s8+$0x0], $0xffff  }
0x3ad: {  	v49 =	vor.u32 s2, v8;
	s10 =	sshll.u32 s0, $0xA  }
0x3ae: {  	s23 =	sadd.s32 $0x0, s10;
	[tilespmem:v52+s26+$0x0] =	vst.idx.msk $0xffff, v51  }
0x3af: {  	v53 =	vor.u32 s23, v0;
	v56 =	vor.u32 s20, v3;
	v37 =	vld.idx.msk [tilespmem:v40+s8+$0x0], $0xffff;
	[tilespmem:v50+s26+$0x0] =	vst.idx.msk $0xffff, v35  }
0x3b0: {  	v55 =	vor.u32 s15, v9;
	v58 =	vor.u32 s21, v4;
	v35 =	vld.idx.msk [tilespmem:v39+s8+$0x0], $0xffff  }
0x3b1: {  	v57 =	vor.u32 s25, v10;
	[tilespmem:v48+s26+$0x0] =	vst.idx.msk $0xffff, v32  }
0x3b2: {  	v54 =	vor.u32 s28, v9;
	s0 =	sshll.u32 s0, $0x4;
	v33 =	vld.idx.msk [tilespmem:v49+s8+$0x0], $0xffff  }
0x3b3: {  	s22 =	sor.u32 s0, s9;
	v41 =	vor.u32 s2, v10  }
0x3b4: {  	v59 =	vor.u32 s22, v1;
	[tilespmem:v56+s26+$0x0] =	vst.idx.msk $0xffff, v37;
	v32 =	vld.idx.msk [tilespmem:v53+s8+$0x0], $0xffff  }
0x3b5: {  	v60 =	vor.u32 s23, v2;
	v62 =	vor.u32 s20, v5;
	v38 =	vld.idx.msk [tilespmem:v58+s8+$0x0], $0xffff;
	[tilespmem:v55+s26+$0x0] =	vst.idx.msk $0xffff, v35  }
0x3b6: {  	v61 =	vor.u32 s15, v11;
	v45 =	vor.u32 s21, v6;
	v35 =	vld.idx.msk [tilespmem:v57+s8+$0x0], $0xffff  }
0x3b7: {  	v63 =	vor.u32 s25, v12;
	[tilespmem:v54+s26+$0x0] =	vst.idx.msk $0xffff, v33  }
0x3b8: {  	v42 =	vor.u32 s28, v11;
	v34 =	vld.idx.msk [tilespmem:v41+s8+$0x0], $0xffff  }
0x3b9: {  	s12 =	simm.s32 $0x4;
	v43 =	vor.u32 s2, v12;
	[tilespmem:v59+s26+$0x0] =	vst.idx.msk $0xffff, v32  }
0x3ba: {  	s13 =	sand.u32 $0x6, s12;
	v46 =	vor.u32 s22, v3;
	[tilespmem:v62+s26+$0x0] =	vst.idx.msk $0xffff, v38;
	v33 =	vld.idx.msk [tilespmem:v60+s8+$0x0], $0xffff  }
0x3bb: {  	s0 =	sor.u32 $0x1, s13;
	v52 =	vor.u32 s20, v7;
	v49 =	vor.u32 s23, v4;
	v32 =	vld.idx.msk [tilespmem:v45+s8+$0x0], $0xffff;
	[tilespmem:v61+s26+$0x0] =	vst.idx.msk $0xffff, v35  }
0x3bc: {  	s16 =	sshll.u32 s0, $0xA;
	v51 =	vor.u32 s15, v13;
	v54 =	vor.u32 s21, v8;
	v35 =	vld.idx.msk [tilespmem:v63+s8+$0x0], $0xffff  }
0x3bd: {  	s1 =	sadd.s32 $0x0, s16;
	v53 =	vor.u32 s25, v14;
	[tilespmem:v42+s26+$0x0] =	vst.idx.msk $0xffff, v34  }
0x3be: {  	v48 =	vor.u32 s28, v13;
	v55 =	vor.u32 s1, v0;
	v47 =	vld.idx.msk [tilespmem:v43+s8+$0x0], $0xffff  }
0x3bf: {  	v50 =	vor.u32 s2, v14;
	[tilespmem:v46+s26+$0x0] =	vst.idx.msk $0xffff, v33  }
0x3c0: {  	v56 =	vor.u32 s22, v5;
	[tilespmem:v52+s26+$0x0] =	vst.idx.msk $0xffff, v32;
	v34 =	vld.idx.msk [tilespmem:v49+s8+$0x0], $0xffff  }
0x3c1: {  	s18 =	simm.s32 $0x0;
	s0 =	sshll.u32 s0, $0x4;
	v58 =	vor.u32 s23, v6;
	v62 =	vor.u32 s20, v9;
	v61 =	vld.idx.msk [tilespmem:v54+s8+$0x0], $0xffff;
	[tilespmem:v51+s26+$0x0] =	vst.idx.msk $0xffff, v35  }
0x3c2: {  	s14 =	sor.u32 s18, s0;
	v60 =	vor.u32 s15, v15;
	v45 =	vor.u32 s21, v10;
	v59 =	vld.idx.msk [tilespmem:v53+s8+$0x0], $0xffff  }
0x3c3: {  	v33 =	vld.idx.msk [tilespmem:v55+s8+$0x0], $0xffff;
	v63 =	vor.u32 s25, v16;
	[tilespmem:v48+s26+$0x0] =	vst.idx.msk $0xffff, v47;
	v48 =	vor.u32 s14, v1  }
0x3c4: {  	v57 =	vor.u32 s28, v15;
	v49 =	vor.u32 s1, v2;
	v41 =	vld.idx.msk [tilespmem:v50+s8+$0x0], $0xffff  }
0x3c5: {  	v44 =	vor.u32 s2, v16;
	[tilespmem:v56+s26+$0x0] =	vst.idx.msk $0xffff, v34  }
0x3c6: {  	s19 =	sshll.u32 s13, $0xA;
	[tilespmem:v62+s26+$0x0] =	vst.idx.msk $0xffff, v61;
	v40 =	vld.idx.msk [tilespmem:v58+s8+$0x0], $0xffff;
	v50 =	vor.u32 s22, v7  }
0x3c7: {  	s0 =	sadd.s32 $0x0, s19;
	v52 =	vor.u32 s23, v8;
	v55 =	vor.u32 s20, v11;
	v37 =	vld.idx.msk [tilespmem:v45+s8+$0x0], $0xffff;
	[tilespmem:v60+s26+$0x0] =	vst.idx.msk $0xffff, v59  }
0x3c8: {  	v54 =	vor.u32 s15, v17;
	v53 =	vor.u32 s0, v0;
	[tilespmem:v48+s26+$0x0] =	vst.idx.msk $0xffff, v33;
	v35 =	vld.idx.msk [tilespmem:v63+s8+$0x0], $0xffff  }
0x3c9: {  	v58 =	vor.u32 s14, v3;
	[tilespmem:v57+s26+$0x0] =	vst.idx.msk $0xffff, v41;
	v34 =	vld.idx.msk [tilespmem:v49+s8+$0x0], $0xffff;
	v57 =	vor.u32 s21, v12  }
0x3ca: {  	v51 =	vor.u32 s28, v17;
	v56 =	vor.u32 s25, v18;
	v42 =	vld.idx.msk [tilespmem:v44+s8+$0x0], $0xffff  }
0x3cb: {  	s4 =	sshll.u32 s13, $0x4;
	v59 =	vor.u32 s1, v4;
	[tilespmem:v50+s26+$0x0] =	vst.idx.msk $0xffff, v40  }
0x3cc: {  	s9 =	sor.u32 s4, s18;
	v46 =	vor.u32 s2, v18;
	v60 =	vor.u32 s22, v9;
	[tilespmem:v55+s26+$0x0] =	vst.idx.msk $0xffff, v37;
	v41 =	vld.idx.msk [tilespmem:v52+s8+$0x0], $0xffff  }
0x3cd: {  	v62 =	vor.u32 s23, v10;
	v47 =	vor.u32 s9, v1;
	v32 =	vld.idx.msk [tilespmem:v53+s8+$0x0], $0xffff;
	[tilespmem:v54+s26+$0x0] =	vst.idx.msk $0xffff, v35  }
0x3ce: {  	v55 =	vor.u32 s20, v13;
	v54 =	vld.idx.msk [tilespmem:v57+s8+$0x0], $0xffff;
	[tilespmem:v58+s26+$0x0] =	vst.idx.msk $0xffff, v34  }
0x3cf: {  	v50 =	vor.u32 s0, v2;
	v52 =	vor.u32 s15, v19;
	[tilespmem:v51+s26+$0x0] =	vst.idx.msk $0xffff, v42;
	v51 =	vld.idx.msk [tilespmem:v56+s8+$0x0], $0xffff  }
0x3d0: {  	s13 =	simm.s32 $0x6;
	v57 =	vor.u32 s21, v14;
	v56 =	vor.u32 s14, v5;
	v40 =	vld.idx.msk [tilespmem:v59+s8+$0x0], $0xffff  }
0x3d1: {  	s12 =	sand.u32 $0x6, s13;
	v53 =	vor.u32 s25, v20;
	v63 =	vor.u32 s28, v19;
	[tilespmem:v60+s26+$0x0] =	vst.idx.msk $0xffff, v41;
	v61 =	vld.idx.msk [tilespmem:v46+s8+$0x0], $0xffff  }
0x3d2: {  	s29 =	sor.u32 $0x1, s12;
	v48 =	vor.u32 s2, v20;
	[tilespmem:v47+s26+$0x0] =	vst.idx.msk $0xffff, v32;
	v60 =	vor.u32 s22, v11;
	v58 =	vld.idx.msk [tilespmem:v62+s8+$0x0], $0xffff  }
0x3d3: {  	s30 =	sshll.u32 s29, $0xA;
	v59 =	vor.u32 s1, v6;
	[tilespmem:v55+s26+$0x0] =	vst.idx.msk $0xffff, v54  }
0x3d4: {  	s5 =	sadd.s32 $0x0, s30;
	v35 =	vld.idx.msk [tilespmem:v50+s8+$0x0], $0xffff;
	v62 =	vor.u32 s23, v12;
	[tilespmem:v52+s26+$0x0] =	vst.idx.msk $0xffff, v51  }
0x3d5: {  	s7 =	sshll.u32 s12, $0xA;
	v49 =	vor.u32 s9, v3;
	v54 =	vor.u32 s5, v0;
	v38 =	vld.idx.msk [tilespmem:v57+s8+$0x0], $0xffff;
	[tilespmem:v56+s26+$0x0] =	vst.idx.msk $0xffff, v40  }
0x3d6: {  	s7 =	sadd.s32 $0x0, s7;
	v51 =	vor.u32 s15, v21;
	v52 =	vor.u32 s0, v4;
	[tilespmem:v63+s26+$0x0] =	vst.idx.msk $0xffff, v61;
	v50 =	vld.idx.msk [tilespmem:v53+s8+$0x0], $0xffff  }
0x3d7: {  	v63 =	vor.u32 s28, v21;
	[tilespmem:v60+s26+$0x0] =	vst.idx.msk $0xffff, v58;
	v58 =	vor.u32 s7, v0;
	v61 =	vld.idx.msk [tilespmem:v48+s8+$0x0], $0xffff  }
0x3d8: {  	v53 =	vor.u32 s25, v22;
	v55 =	vld.idx.msk [tilespmem:v59+s8+$0x0], $0xffff;
	v60 =	vor.u32 s20, v15  }
0x3d9: {  	v56 =	vor.u32 s21, v16;
	v59 =	vor.u32 s14, v7;
	v43 =	vld.idx.msk [tilespmem:v62+s8+$0x0], $0xffff  }
0x3da: {  	s16 =	simm.s32 $0x0;
	s4 =	sshll.u32 s29, $0x4;
	[tilespmem:v49+s26+$0x0] =	vst.idx.msk $0xffff, v35;
	v48 =	vor.u32 s2, v22;
	v62 =	vor.u32 s22, v13;
	v40 =	vld.idx.msk [tilespmem:v54+s8+$0x0], $0xffff  }
0x3db: {  	s10 =	sor.u32 s16, s4;
	v57 =	vor.u32 s23, v14;
	v37 =	vld.idx.msk [tilespmem:v52+s8+$0x0], $0xffff;
	[tilespmem:v51+s26+$0x0] =	vst.idx.msk $0xffff, v50  }
0x3dc: {  	v34 =	vld.idx.msk [tilespmem:v58+s8+$0x0], $0xffff;
	v50 =	vor.u32 s10, v1;
	[tilespmem:v63+s26+$0x0] =	vst.idx.msk $0xffff, v61;
	v61 =	vor.u32 s1, v8  }
0x3dd: {  	[tilespmem:v60+s26+$0x0] =	vst.idx.msk $0xffff, v38;
	v58 =	vor.u32 s5, v2;
	v63 =	vor.u32 s9, v5;
	v39 =	vld.idx.msk [tilespmem:v53+s8+$0x0], $0xffff  }
0x3de: {  	[tilespmem:v59+s26+$0x0] =	vst.idx.msk $0xffff, v55;
	v59 =	vor.u32 s15, v23;
	v53 =	vor.u32 s0, v6;
	v35 =	vld.idx.msk [tilespmem:v56+s8+$0x0], $0xffff  }
0x3df: {  	v52 =	vor.u32 s28, v23;
	v60 =	vor.u32 s25, v24;
	[tilespmem:v62+s26+$0x0] =	vst.idx.msk $0xffff, v43;
	v45 =	vld.idx.msk [tilespmem:v48+s8+$0x0], $0xffff  }
0x3e0: {  	v49 =	vor.u32 s20, v17;
	v54 =	vor.u32 s2, v24;
	v51 =	vor.u32 s9, v7;
	v46 =	vld.idx.msk [tilespmem:v57+s8+$0x0], $0xffff  }
0x3e1: {  	v42 =	vor.u32 s21, v20;
	v56 =	vor.u32 s21, v18;
	[tilespmem:v50+s26+$0x0] =	vst.idx.msk $0xffff, v40;
	v55 =	vld.idx.msk [tilespmem:v61+s8+$0x0], $0xffff;
	v61 =	vor.u32 s14, v9  }
0x3e2: {  	s31 =	sshll.u32 s12, $0x4;
	v62 =	vor.u32 s1, v10;
	[tilespmem:v63+s26+$0x0] =	vst.idx.msk $0xffff, v37;
	v63 =	vor.u32 s22, v15;
	v47 =	vld.idx.msk [tilespmem:v58+s8+$0x0], $0xffff  }
0x3e3: {  	s12 =	sor.u32 s31, s16;
	v38 =	vor.u32 s28, v25;
	v57 =	vor.u32 s23, v16;
	[tilespmem:v59+s26+$0x0] =	vst.idx.msk $0xffff, v39;
	v41 =	vld.idx.msk [tilespmem:v53+s8+$0x0], $0xffff  }
0x3e4: {  	v48 =	vor.u32 s12, v1;
	v59 =	vor.u32 s0, v8;
	[tilespmem:v52+s26+$0x0] =	vst.idx.msk $0xffff, v45;
	v44 =	vld.idx.msk [tilespmem:v60+s8+$0x0], $0xffff  }
0x3e5: {  	v32 =	vor.u32 s7, v20;
	v43 =	vor.u32 s2, v26;
	[tilespmem:v49+s26+$0x0] =	vst.idx.msk $0xffff, v35;
	v49 =	vor.u32 s7, v2;
	v39 =	vld.idx.msk [tilespmem:v54+s8+$0x0], $0xffff  }
0x3e6: {  	v50 =	vor.u32 s20, v19;
	v36 =	vld.idx.msk [tilespmem:v56+s8+$0x0], $0xffff;
	v60 =	vor.u32 s15, v25;
	[tilespmem:v61+s26+$0x0] =	vst.idx.msk $0xffff, v55  }
0x3e7: {  	v54 =	vor.u32 s10, v3;
	[tilespmem:v63+s26+$0x0] =	vst.idx.msk $0xffff, v46;
	v52 =	vld.idx.msk [tilespmem:v62+s8+$0x0], $0xffff;
	v62 =	vor.u32 s25, v26  }
0x3e8: {  	v61 =	vor.u32 s14, v11;
	v45 =	vld.idx.msk [tilespmem:v57+s8+$0x0], $0xffff;
	[tilespmem:v51+s26+$0x0] =	vst.idx.msk $0xffff, v41;
	v57 =	vor.u32 s5, v4  }
0x3e9: {  	v53 =	vor.u32 s22, v17;
	[tilespmem:v48+s26+$0x0] =	vst.idx.msk $0xffff, v34;
	v63 =	vor.u32 s1, v12;
	v55 =	vld.idx.msk [tilespmem:v59+s8+$0x0], $0xffff  }
0x3ea: {  	v33 =	vor.u32 s23, v20;
	v58 =	vor.u32 s9, v9;
	v56 =	vor.u32 s23, v18;
	[tilespmem:v38+s26+$0x0] =	vst.idx.msk $0xffff, v39;
	v38 =	vld.idx.msk [tilespmem:v49+s8+$0x0], $0xffff  }
0x3eb: {  	v35 =	vor.u32 s10, v5;
	v51 =	vor.u32 s0, v10;
	[tilespmem:v60+s26+$0x0] =	vst.idx.msk $0xffff, v44;
	v43 =	vld.idx.msk [tilespmem:v43+s8+$0x0], $0xffff  }
0x3ec: {  	v37 =	vor.u32 s25, v28;
	v34 =	vor.u32 s0, v20;
	[tilespmem:v54+s26+$0x0] =	vst.idx.msk $0xffff, v47;
	v40 =	vld.idx.msk [tilespmem:v62+s8+$0x0], $0xffff  }
0x3ed: {  	v48 =	vor.u32 s14, v13;
	v49 =	vor.u32 s28, v27;
	[tilespmem:v61+s26+$0x0] =	vst.idx.msk $0xffff, v52;
	v52 =	vld.idx.msk [tilespmem:v57+s8+$0x0], $0xffff  }
0x3ee: {  	v41 =	vor.u32 s2, v28;
	[tilespmem:v53+s26+$0x0] =	vst.idx.msk $0xffff, v45;
	v45 =	vor.u32 s15, v27;
	v46 =	vld.idx.msk [tilespmem:v63+s8+$0x0], $0xffff  }
0x3ef: {  	v44 =	vor.u32 s22, v19;
	v47 =	vor.u32 s1, v14;
	v39 =	vld.idx.msk [tilespmem:v56+s8+$0x0], $0xffff;
	[tilespmem:v58+s26+$0x0] =	vst.idx.msk $0xffff, v55  }
.LBB2_10:
0x3f0: {  	v51 =	vld.idx.msk [tilespmem:v51+s8+$0x0], $0xffff  }
0x3f1: {  	s13 =	sadd.s32 $0x2, s13;
	[tilespmem:v50+s26+$0x0] =	vst.idx.msk $0xffff, v36;
	v36 =	vor.u32 s5, v6;
	v50 =	vor.u32 s9, v11;
	v55 =	vor.u32 s12, v3  }
0x3f2: {  	s4 =	sand.u32 $0x6, s13;
	s16 =	sshrl.u32 s13, $0x3;
	p0 =	slt.u32 s13, $0x1E;
	v42 =	vld.idx.msk [tilespmem:v42+s8+$0x0], $0xffff;
	[tilespmem:v49+s26+$0x0] =	vst.idx.msk $0xffff, v43;
	v43 =	vor.u32 s0, v12;
	v49 =	vor.u32 s20, v21  }
0x3f3: {  	s18 =	sshll.u32 s16, $0x4;
	s19 =	sshll.u32 s4, $0xA;
	s29 =	sor.u32 $0x1, s4;
	[tilespmem:v45+s26+$0x0] =	vst.idx.msk $0xffff, v40;
	v40 =	vor.u32 s25, v30;
	v41 =	vld.idx.msk [tilespmem:v41+s8+$0x0], $0xffff;
	v45 =	vor.u32 s21, v22  }
0x3f4: {  	s19 =	sadd.s32 s18, s19;
	s25 =	sshll.u32 s29, $0x4;
	s29 =	sshll.u32 s29, $0xA;
	[tilespmem:v48+s26+$0x0] =	vst.idx.msk $0xffff, v46;
	v37 =	vld.idx.msk [tilespmem:v37+s8+$0x0], $0xffff;
	v46 =	vor.u32 s28, v29;
	v48 =	vor.u32 s2, v30  }
0x3f5: {  	s2 =	sshll.u32 s4, $0x4;
	s4 =	sshll.u32 s16, $0xB;
	v53 =	vor.u32 s19, v0;
	v54 =	vor.u32 s19, v20;
	s18 =	sadd.s32 s18, s29;
	v47 =	vld.idx.msk [tilespmem:v47+s8+$0x0], $0xffff;
	[tilespmem:v44+s26+$0x0] =	vst.idx.msk $0xffff, v39;
	v39 =	vor.u32 s15, v29  }
0x3f6: {  	v56 =	vor.u32 s22, v21;
	s29 =	sor.u32 s2, s4;
	s16 =	sor.u32 s4, s25;
	s25 =	smov.u32 s23;
	v44 =	vor.u32 s18, v0;
	[tilespmem:v35+s26+$0x0] =	vst.idx.msk $0xffff, v52;
	v52 =	vld.idx.msk [tilespmem:v33+s8+$0x0], $0xffff;
	v33 =	vmov v34  }
0x3f7: {  	v57 =	vor.u32 s7, v4;
	s23 =	smov.u32 s0;
	s0 =	smov.u32 s7;
	s7 =	smov.u32 s19;
	v35 =	vor.u32 s16, v5;
	v34 =	vmovc v32;
	v32 =	vmov v54;
	v36 =	vld.idx.msk [tilespmem:v36+s8+$0x0], $0xffff;
	[tilespmem:v50+s26+$0x0] =	vst.idx.msk $0xffff, v51  }
0x3f8: {  	s2 =	smov.u32 s21;
	s21 =	smov.u32 s1;
	s1 =	smov.u32 s5;
	v50 =	vor.u32 s10, v7;
	v51 =	vor.u32 s25, v22;
	v43 =	vld.idx.msk [tilespmem:v43+s8+$0x0], $0xffff;
	[tilespmem:v49+s26+$0x0] =	vst.idx.msk $0xffff, v42  }
0x3f9: {  	s5 =	smov.u32 s18;
	v42 =	vor.u32 s14, v15;
	v45 =	vld.idx.msk [tilespmem:v45+s8+$0x0], $0xffff;
	[tilespmem:v46+s26+$0x0] =	vst.idx.msk $0xffff, v41  }
0x3fa: {  	v41 =	vor.u32 s1, v8;
	v46 =	vor.u32 s20, v23;
	[tilespmem:v39+s26+$0x0] =	vst.idx.msk $0xffff, v37;
	v37 =	vld.idx.msk [tilespmem:v48+s8+$0x0], $0xffff  }
0x3fb: {  	v39 =	vor.u32 s21, v16;
	[tilespmem:v55+s26+$0x0] =	vst.idx.msk $0xffff, v38;
	v38 =	vor.u32 s9, v13;
	v40 =	vld.idx.msk [tilespmem:v40+s8+$0x0], $0xffff  }
0x3fc: {  	v48 =	vld.idx.msk [tilespmem:v57+s8+$0x0], $0xffff;
	[tilespmem:v56+s26+$0x0] =	vst.idx.msk $0xffff, v52;
	v52 =	vor.u32 s15, v31;
	s15 =	smov.u32 s22;
	s22 =	smov.u32 s9;
	s9 =	smov.u32 s12  }
0x3fd: {  	v49 =	vor.u32 s23, v14;
	v54 =	vor.u32 s9, v5  }
0x3fe: {  	s12 =	smov.u32 s29;
	[tilespmem:v50+s26+$0x0] =	vst.idx.msk $0xffff, v36;
	v36 =	vld.idx.msk [tilespmem:v51+s8+$0x0], $0xffff;
	v50 =	vor.u32 s28, v31;
	s28 =	smov.u32 s20;
	s20 =	smov.u32 s14;
	v51 =	vor.u32 s0, v6  }
0x3ff: {  	s14 =	smov.u32 s10;
	s10 =	smov.u32 s16;
	v44 =	vld.idx.msk [tilespmem:v44+s8+$0x0], $0xffff;
	[tilespmem:v42+s26+$0x0] =	vst.idx.msk $0xffff, v47;
	v42 =	vor.u32 s25, v24;
	v47 =	vor.u32 s2, v24  }
0x400: {  	v56 =	vor.u32 s15, v23;
	v55 =	vor.u32 s10, v1;
	v41 =	vld.idx.msk [tilespmem:v41+s8+$0x0], $0xffff;
	[tilespmem:v46+s26+$0x0] =	vst.idx.msk $0xffff, v45  }
0x401: {  	v45 =	vor.u32 s5, v2;
	v46 =	vor.u32 s14, v9;
	[tilespmem:v38+s26+$0x0] =	vst.idx.msk $0xffff, v43;
	v38 =	vld.idx.msk [tilespmem:v39+s8+$0x0], $0xffff  }
0x402: {  	v39 =	vor.u32 s1, v10;
	v43 =	vld.idx.msk [tilespmem:v49+s8+$0x0], $0xffff;
	v49 =	vor.u32 s20, v17;
	[tilespmem:v52+s26+$0x0] =	vst.idx.msk $0xffff, v40  }
0x403: {  	v52 =	vor.u32 s21, v18;
	v40 =	vld.idx.msk [tilespmem:v53+s8+$0x0], $0xffff;
	[tilespmem:v54+s26+$0x0] =	vst.idx.msk $0xffff, v48;
	v48 =	vor.u32 s22, v15  }
0x404: {  	v53 =	vor.u32 s23, v16;
	v51 =	vld.idx.msk [tilespmem:v51+s8+$0x0], $0xffff;
	[tilespmem:v50+s26+$0x0] =	vst.idx.msk $0xffff, v37  }
0x405: {  	v37 =	vor.u32 s9, v7;
	[tilespmem:v56+s26+$0x0] =	vst.idx.msk $0xffff, v36;
	v47 =	vld.idx.msk [tilespmem:v47+s8+$0x0], $0xffff  }
0x406: {  	v50 =	vor.u32 s0, v8;
	[tilespmem:v46+s26+$0x0] =	vst.idx.msk $0xffff, v41;
	v41 =	vld.idx.msk [tilespmem:v42+s8+$0x0], $0xffff;
	v42 =	vor.u32 s28, v25  }
0x407: {  	v46 =	vor.u32 s12, v1;
	v39 =	vld.idx.msk [tilespmem:v39+s8+$0x0], $0xffff;
	[tilespmem:v49+s26+$0x0] =	vst.idx.msk $0xffff, v38;
	v38 =	vor.u32 s2, v26  }
0x408: {  	v49 =	vor.u32 s7, v2;
	[tilespmem:v48+s26+$0x0] =	vst.idx.msk $0xffff, v43;
	v36 =	vld.idx.msk [tilespmem:v52+s8+$0x0], $0xffff;
	v48 =	vor.u32 s15, v25  }
0x409: {  	[tilespmem:v55+s26+$0x0] =	vst.idx.msk $0xffff, v44;
	v44 =	vor.u32 s14, v11;
	v52 =	vld.idx.msk [tilespmem:v53+s8+$0x0], $0xffff;
	v53 =	vor.u32 s25, v26  }
0x40a: {  	v54 =	vld.idx.msk [tilespmem:v45+s8+$0x0], $0xffff;
	[tilespmem:v37+s26+$0x0] =	vst.idx.msk $0xffff, v51;
	v37 =	vor.u32 s1, v12;
	v45 =	vor.u32 s22, v17  }
0x40b: {  	v57 =	vor.u32 s23, v18;
	v55 =	vor.u32 s10, v3;
	v56 =	vld.idx.msk [tilespmem:v50+s8+$0x0], $0xffff;
	[tilespmem:v42+s26+$0x0] =	vst.idx.msk $0xffff, v47  }
0x40c: {  	v58 =	vor.u32 s9, v9;
	v47 =	vor.u32 s5, v4;
	[tilespmem:v46+s26+$0x0] =	vst.idx.msk $0xffff, v40;
	v43 =	vld.idx.msk [tilespmem:v38+s8+$0x0], $0xffff  }
.Ltmp4:
0x40d: {  	v51 =	vor.u32 s0, v10;
	v50 =	vor.u32 s20, v19;
	v38 =	vld.idx.msk [tilespmem:v49+s8+$0x0], $0xffff;
	[tilespmem:v48+s26+$0x0] =	vst.idx.msk $0xffff, v41;
	(pc) =	sbr.rel @p0 .LBB2_10-.Ltmp4, $4  }
0x40e: {  	v42 =	vor.u32 s21, v20;
	v49 =	vor.u32 s28, v27;
	[tilespmem:v44+s26+$0x0] =	vst.idx.msk $0xffff, v39;
	v40 =	vld.idx.msk [tilespmem:v53+s8+$0x0], $0xffff  }
0x40f: {  	v41 =	vor.u32 s2, v28;
	v46 =	vld.idx.msk [tilespmem:v37+s8+$0x0], $0xffff;
	[tilespmem:v45+s26+$0x0] =	vst.idx.msk $0xffff, v52;
	v45 =	vor.u32 s15, v27  }
0x410: {  	v48 =	vor.u32 s14, v13;
	v37 =	vor.u32 s25, v28;
	[tilespmem:v55+s26+$0x0] =	vst.idx.msk $0xffff, v54;
	v39 =	vld.idx.msk [tilespmem:v57+s8+$0x0], $0xffff  }
0x411: {  	v44 =	vor.u32 s22, v19;
	v52 =	vld.idx.msk [tilespmem:v47+s8+$0x0], $0xffff;
	[tilespmem:v58+s26+$0x0] =	vst.idx.msk $0xffff, v56;
	v47 =	vor.u32 s1, v14  }
0x412: {  	v53 =	vor.u32 s12, v3  }
0x413: {  	v54 =	vor.u32 s7, v4;
	_ =	sdelay $0x3  }
0x414: {  	[tilespmem:v53+s26+$0x0] =	vst.idx.msk $0xffff, v38  }
0x415: {  	v60 =	vor.u32 s12, v5;
	v55 =	vor.u32 s5, v6;
	v38 =	vld.idx.msk [tilespmem:v54+s8+$0x0], $0xffff  }
0x416: {  	v61 =	vor.u32 s7, v6;
	_ =	sdelay $0x2  }
0x417: {  	[tilespmem:v35+s26+$0x0] =	vst.idx.msk $0xffff, v52  }
0x418: {  	v57 =	vor.u32 s10, v7;
	v52 =	vld.idx.msk [tilespmem:v55+s8+$0x0], $0xffff;
	[tilespmem:v60+s26+$0x0] =	vst.idx.msk $0xffff, v38  }
0x419: {  	v63 =	vor.u32 s12, v7;
	v59 =	vor.u32 s5, v8;
	v62 =	vld.idx.msk [tilespmem:v61+s8+$0x0], $0xffff  }
0x41a: {  	v58 =	vor.u32 s7, v8;
	_ =	sdelay $0x2  }
0x41b: {  	[tilespmem:v57+s26+$0x0] =	vst.idx.msk $0xffff, v52  }
0x41c: {  	v52 =	vld.idx.msk [tilespmem:v59+s8+$0x0], $0xffff;
	v61 =	vor.u32 s10, v9;
	[tilespmem:v63+s26+$0x0] =	vst.idx.msk $0xffff, v62  }
0x41d: {  	v60 =	vor.u32 s12, v9;
	v63 =	vor.u32 s5, v10;
	v35 =	vld.idx.msk [tilespmem:v58+s8+$0x0], $0xffff  }
0x41e: {  	v62 =	vor.u32 s7, v10  }
0x41f: {  	v51 =	vld.idx.msk [tilespmem:v51+s8+$0x0], $0xffff;
	v56 =	vor.u32 s9, v11  }
0x420: {  	v57 =	vor.u32 s0, v12  }
0x421: {  	[tilespmem:v61+s26+$0x0] =	vst.idx.msk $0xffff, v52  }
0x422: {  	v61 =	vor.u32 s10, v11;
	v52 =	vld.idx.msk [tilespmem:v63+s8+$0x0], $0xffff;
	[tilespmem:v60+s26+$0x0] =	vst.idx.msk $0xffff, v35  }
0x423: {  	v63 =	vor.u32 s5, v12;
	v60 =	vor.u32 s12, v11;
	v35 =	vld.idx.msk [tilespmem:v62+s8+$0x0], $0xffff  }
0x424: {  	[tilespmem:v56+s26+$0x0] =	vst.idx.msk $0xffff, v51  }
0x425: {  	v56 =	vor.u32 s9, v13;
	v51 =	vld.idx.msk [tilespmem:v57+s8+$0x0], $0xffff;
	v62 =	vor.u32 s7, v12  }
0x426: {  	[tilespmem:v50+s26+$0x0] =	vst.idx.msk $0xffff, v36;
	v58 =	vor.u32 s0, v14  }
0x427: {  	[tilespmem:v61+s26+$0x0] =	vst.idx.msk $0xffff, v52  }
0x428: {  	v61 =	vor.u32 s10, v13;
	[tilespmem:v60+s26+$0x0] =	vst.idx.msk $0xffff, v35;
	v60 =	vld.idx.msk [tilespmem:v63+s8+$0x0], $0xffff  }
0x429: {  	[tilespmem:v49+s26+$0x0] =	vst.idx.msk $0xffff, v43;
	v63 =	vor.u32 s5, v14  }
0x42a: {  	v59 =	vor.u32 s12, v13;
	[tilespmem:v56+s26+$0x0] =	vst.idx.msk $0xffff, v51;
	v38 =	vld.idx.msk [tilespmem:v62+s8+$0x0], $0xffff  }
0x42b: {  	[tilespmem:v48+s26+$0x0] =	vst.idx.msk $0xffff, v46;
	v54 =	vor.u32 s9, v15;
	v35 =	vld.idx.msk [tilespmem:v58+s8+$0x0], $0xffff;
	v62 =	vor.u32 s7, v14  }
0x42c: {  	[tilespmem:v45+s26+$0x0] =	vst.idx.msk $0xffff, v40;
	v47 =	vld.idx.msk [tilespmem:v47+s8+$0x0], $0xffff;
	v55 =	vor.u32 s14, v15;
	v56 =	vor.u32 s0, v16  }
0x42d: {  	v41 =	vld.idx.msk [tilespmem:v41+s8+$0x0], $0xffff;
	v53 =	vor.u32 s28, v29;
	v57 =	vor.u32 s1, v16;
	[tilespmem:v61+s26+$0x0] =	vst.idx.msk $0xffff, v60  }
0x42e: {  	[tilespmem:v44+s26+$0x0] =	vst.idx.msk $0xffff, v39;
	v61 =	vor.u32 s10, v15;
	v60 =	vld.idx.msk [tilespmem:v63+s8+$0x0], $0xffff  }
0x42f: {  	v42 =	vld.idx.msk [tilespmem:v42+s8+$0x0], $0xffff;
	[tilespmem:v59+s26+$0x0] =	vst.idx.msk $0xffff, v38;
	v63 =	vor.u32 s20, v21  }
0x430: {  	v52 =	vor.u32 s5, v16;
	[tilespmem:v54+s26+$0x0] =	vst.idx.msk $0xffff, v35;
	v59 =	vor.u32 s12, v15;
	v58 =	vld.idx.msk [tilespmem:v62+s8+$0x0], $0xffff  }
0x431: {  	[tilespmem:v55+s26+$0x0] =	vst.idx.msk $0xffff, v47;
	v54 =	vor.u32 s9, v17;
	v35 =	vld.idx.msk [tilespmem:v56+s8+$0x0], $0xffff;
	v62 =	vor.u32 s7, v16  }
0x432: {  	v55 =	vor.u32 s14, v17;
	[tilespmem:v53+s26+$0x0] =	vst.idx.msk $0xffff, v41;
	v38 =	vld.idx.msk [tilespmem:v57+s8+$0x0], $0xffff;
	v56 =	vor.u32 s0, v18  }
0x433: {  	[tilespmem:v61+s26+$0x0] =	vst.idx.msk $0xffff, v60  }
0x434: {  	v33 =	vld.idx.msk [tilespmem:v33+s8+$0x0], $0xffff;
	v53 =	vor.u32 s22, v21;
	[tilespmem:v63+s26+$0x0] =	vst.idx.msk $0xffff, v42  }
0x435: {  	v57 =	vor.u32 s1, v18;
	v60 =	vor.u32 s10, v17;
	[tilespmem:v59+s26+$0x0] =	vst.idx.msk $0xffff, v58;
	v39 =	vld.idx.msk [tilespmem:v52+s8+$0x0], $0xffff  }
0x436: {  	v63 =	vor.u32 s5, v18;
	[tilespmem:v54+s26+$0x0] =	vst.idx.msk $0xffff, v35;
	v59 =	vor.u32 s12, v17;
	v58 =	vld.idx.msk [tilespmem:v62+s8+$0x0], $0xffff  }
0x437: {  	v61 =	vor.u32 s7, v18;
	[tilespmem:v55+s26+$0x0] =	vst.idx.msk $0xffff, v38;
	v55 =	vor.u32 s9, v19;
	v54 =	vld.idx.msk [tilespmem:v56+s8+$0x0], $0xffff  }
0x438: {  	v37 =	vld.idx.msk [tilespmem:v37+s8+$0x0], $0xffff;
	v52 =	vor.u32 s21, v22;
	v62 =	vor.u32 s15, v29  }
0x439: {  	[tilespmem:v53+s26+$0x0] =	vst.idx.msk $0xffff, v33  }
0x43a: {  	v35 =	vor.u32 s25, v30;
	v36 =	vld.idx.msk [tilespmem:v57+s8+$0x0], $0xffff;
	v56 =	vor.u32 s14, v19;
	[tilespmem:v60+s26+$0x0] =	vst.idx.msk $0xffff, v39  }
0x43b: {  	v57 =	vor.u32 s1, v20;
	v60 =	vor.u32 s10, v19;
	[tilespmem:v59+s26+$0x0] =	vst.idx.msk $0xffff, v58;
	v59 =	vld.idx.msk [tilespmem:v63+s8+$0x0], $0xffff  }
0x43c: {  	[tilespmem:v55+s26+$0x0] =	vst.idx.msk $0xffff, v54;
	v58 =	vor.u32 s12, v19;
	v63 =	vor.u32 s5, v20;
	v39 =	vld.idx.msk [tilespmem:v61+s8+$0x0], $0xffff  }
0x43d: {  	v53 =	vor.u32 s23, v22;
	[tilespmem:v62+s26+$0x0] =	vst.idx.msk $0xffff, v37;
	v62 =	vor.u32 s20, v23;
	v61 =	vld.idx.msk [tilespmem:v52+s8+$0x0], $0xffff  }
0x43e: {  	v54 =	vor.u32 s2, v30;
	v55 =	vor.u32 s9, v21;
	v34 =	vld.idx.msk [tilespmem:v34+s8+$0x0], $0xffff  }
0x43f: {  	[tilespmem:v56+s26+$0x0] =	vst.idx.msk $0xffff, v36;
	v52 =	vor.u32 s15, v31;
	v35 =	vld.idx.msk [tilespmem:v35+s8+$0x0], $0xffff  }
0x440: {  	v56 =	vor.u32 s14, v21;
	v40 =	vld.idx.msk [tilespmem:v57+s8+$0x0], $0xffff;
	[tilespmem:v60+s26+$0x0] =	vst.idx.msk $0xffff, v59  }
0x441: {  	v57 =	vor.u32 s0, v22;
	v60 =	vor.u32 s10, v21;
	[tilespmem:v58+s26+$0x0] =	vst.idx.msk $0xffff, v39;
	v33 =	vld.idx.msk [tilespmem:v63+s8+$0x0], $0xffff  }
0x442: {  	v58 =	vor.u32 s1, v22;
	[tilespmem:v62+s26+$0x0] =	vst.idx.msk $0xffff, v61;
	v62 =	vld.idx.msk [tilespmem:v53+s8+$0x0], $0xffff;
	v63 =	vor.u32 s22, v23  }
0x443: {  	v38 =	vld.idx.msk [tilespmem:v54+s8+$0x0], $0xffff;
	[tilespmem:v55+s26+$0x0] =	vst.idx.msk $0xffff, v34;
	v55 =	vor.u32 s21, v24;
	v53 =	vor.u32 s28, v31  }
0x444: {  	v59 =	vor.u32 s12, v21;
	[tilespmem:v52+s26+$0x0] =	vst.idx.msk $0xffff, v35;
	v52 =	vor.u32 s5, v22;
	v32 =	vld.idx.msk [tilespmem:v32+s8+$0x0], $0xffff  }
0x445: {  	v54 =	vor.u32 s23, v24;
	[tilespmem:v56+s26+$0x0] =	vst.idx.msk $0xffff, v40  }
0x446: {  	v56 =	vor.u32 s9, v23;
	v61 =	vor.u32 s7, v22;
	v36 =	vld.idx.msk [tilespmem:v57+s8+$0x0], $0xffff;
	[tilespmem:v60+s26+$0x0] =	vst.idx.msk $0xffff, v33  }
0x447: {  	v57 =	vor.u32 s14, v23;
	v39 =	vld.idx.msk [tilespmem:v58+s8+$0x0], $0xffff;
	[tilespmem:v63+s26+$0x0] =	vst.idx.msk $0xffff, v62  }
0x448: {  	v34 =	vld.idx.msk [tilespmem:v55+s8+$0x0], $0xffff;
	v58 =	vor.u32 s0, v24;
	[tilespmem:v53+s26+$0x0] =	vst.idx.msk $0xffff, v38;
	v53 =	vor.u32 s20, v25  }
0x449: {  	v41 =	vor.u32 s10, v23;
	[tilespmem:v59+s26+$0x0] =	vst.idx.msk $0xffff, v32;
	v59 =	vor.u32 s1, v24;
	v35 =	vld.idx.msk [tilespmem:v52+s8+$0x0], $0xffff  }
0x44a: {  	v55 =	vor.u32 s21, v26;
	v63 =	vor.u32 s22, v25;
	v62 =	vld.idx.msk [tilespmem:v54+s8+$0x0], $0xffff  }
0x44b: {  	v60 =	vor.u32 s12, v23;
	[tilespmem:v56+s26+$0x0] =	vst.idx.msk $0xffff, v36;
	v52 =	vor.u32 s5, v24;
	v33 =	vld.idx.msk [tilespmem:v61+s8+$0x0], $0xffff  }
0x44c: {  	v54 =	vor.u32 s23, v26;
	[tilespmem:v57+s26+$0x0] =	vst.idx.msk $0xffff, v39  }
0x44d: {  	v61 =	vor.u32 s7, v24;
	v56 =	vld.idx.msk [tilespmem:v58+s8+$0x0], $0xffff;
	[tilespmem:v53+s26+$0x0] =	vst.idx.msk $0xffff, v34  }
0x44e: {  	v57 =	vor.u32 s9, v25;
	v32 =	vld.idx.msk [tilespmem:v59+s8+$0x0], $0xffff;
	[tilespmem:v41+s26+$0x0] =	vst.idx.msk $0xffff, v35  }
0x44f: {  	v58 =	vor.u32 s14, v25;
	v59 =	vor.u32 s0, v26;
	[tilespmem:v63+s26+$0x0] =	vst.idx.msk $0xffff, v62;
	v36 =	vld.idx.msk [tilespmem:v55+s8+$0x0], $0xffff  }
0x450: {  	v41 =	vor.u32 s10, v25;
	[tilespmem:v60+s26+$0x0] =	vst.idx.msk $0xffff, v33;
	v60 =	vor.u32 s1, v26;
	v38 =	vld.idx.msk [tilespmem:v52+s8+$0x0], $0xffff  }
0x451: {  	v53 =	vor.u32 s5, v26;
	v63 =	vld.idx.msk [tilespmem:v54+s8+$0x0], $0xffff;
	v52 =	vor.u32 s22, v27  }
0x452: {  	v55 =	vor.u32 s23, v28;
	v35 =	vld.idx.msk [tilespmem:v61+s8+$0x0], $0xffff;
	v61 =	vor.u32 s12, v25  }
0x453: {  	v62 =	vor.u32 s7, v26;
	v54 =	vor.u32 s20, v27;
	[tilespmem:v57+s26+$0x0] =	vst.idx.msk $0xffff, v56  }
0x454: {  	[tilespmem:v58+s26+$0x0] =	vst.idx.msk $0xffff, v32;
	v57 =	vld.idx.msk [tilespmem:v59+s8+$0x0], $0xffff;
	v58 =	vor.u32 s9, v27  }
0x455: {  	v56 =	vor.u32 s21, v28;
	v59 =	vor.u32 s14, v27;
	v33 =	vld.idx.msk [tilespmem:v60+s8+$0x0], $0xffff;
	[tilespmem:v41+s26+$0x0] =	vst.idx.msk $0xffff, v38  }
0x456: {  	v60 =	vor.u32 s0, v28;
	[tilespmem:v52+s26+$0x0] =	vst.idx.msk $0xffff, v63;
	v41 =	vor.u32 s10, v27;
	v34 =	vld.idx.msk [tilespmem:v53+s8+$0x0], $0xffff  }
0x457: {  	[tilespmem:v61+s26+$0x0] =	vst.idx.msk $0xffff, v35;
	v61 =	vor.u32 s1, v28;
	v52 =	vld.idx.msk [tilespmem:v55+s8+$0x0], $0xffff;
	v53 =	vor.u32 s22, v29  }
0x458: {  	[tilespmem:v54+s26+$0x0] =	vst.idx.msk $0xffff, v36;
	v54 =	vor.u32 s5, v28;
	v37 =	vld.idx.msk [tilespmem:v62+s8+$0x0], $0xffff;
	v62 =	vor.u32 s12, v27  }
0x459: {  	v63 =	vor.u32 s7, v28;
	[tilespmem:v58+s26+$0x0] =	vst.idx.msk $0xffff, v57  }
0x45a: {  	v55 =	vor.u32 s23, v30;
	v39 =	vld.idx.msk [tilespmem:v56+s8+$0x0], $0xffff;
	v56 =	vor.u32 s20, v29;
	[tilespmem:v59+s26+$0x0] =	vst.idx.msk $0xffff, v33  }
0x45b: {  	v57 =	vor.u32 s21, v30;
	v58 =	vld.idx.msk [tilespmem:v60+s8+$0x0], $0xffff;
	v59 =	vor.u32 s9, v29;
	[tilespmem:v41+s26+$0x0] =	vst.idx.msk $0xffff, v34  }
0x45c: {  	v60 =	vor.u32 s0, v30;
	v35 =	vld.idx.msk [tilespmem:v61+s8+$0x0], $0xffff;
	v61 =	vor.u32 s14, v29;
	[tilespmem:v53+s26+$0x0] =	vst.idx.msk $0xffff, v52  }
0x45d: {  	v52 =	vor.u32 s10, v29;
	[tilespmem:v62+s26+$0x0] =	vst.idx.msk $0xffff, v37;
	v62 =	vor.u32 s1, v30;
	v51 =	vld.idx.msk [tilespmem:v54+s8+$0x0], $0xffff  }
0x45e: {  	v49 =	vor.u32 s12, v29;
	v54 =	vor.u32 s5, v30;
	v63 =	vld.idx.msk [tilespmem:v63+s8+$0x0], $0xffff  }
0x45f: {  	v50 =	vor.u32 s7, v30;
	v53 =	vor.u32 s22, v31;
	v55 =	vld.idx.msk [tilespmem:v55+s8+$0x0], $0xffff;
	[tilespmem:v56+s26+$0x0] =	vst.idx.msk $0xffff, v39  }
0x460: {  	v56 =	vor.u32 s20, v31;
	v32 =	vld.idx.msk [tilespmem:v57+s8+$0x0], $0xffff;
	[tilespmem:v59+s26+$0x0] =	vst.idx.msk $0xffff, v58  }
0x461: {  	v57 =	vor.u32 s9, v31;
	[tilespmem:v61+s26+$0x0] =	vst.idx.msk $0xffff, v35;
	v58 =	vld.idx.msk [tilespmem:v60+s8+$0x0], $0xffff  }
0x462: {  	v59 =	vor.u32 s14, v31;
	v37 =	vld.idx.msk [tilespmem:v62+s8+$0x0], $0xffff;
	[tilespmem:v52+s26+$0x0] =	vst.idx.msk $0xffff, v51  }
0x463: {  	v62 =	vor.u32 s10, v31;
	[tilespmem:v49+s26+$0x0] =	vst.idx.msk $0xffff, v63;
	v63 =	vld.idx.msk [tilespmem:v54+s8+$0x0], $0xffff  }
0x464: {  	v60 =	vor.u32 s12, v31;
	[tilespmem:v53+s26+$0x0] =	vst.idx.msk $0xffff, v55;
	v61 =	vld.idx.msk [tilespmem:v50+s8+$0x0], $0xffff  }
0x465: {  	[tilespmem:v56+s26+$0x0] =	vst.idx.msk $0xffff, v32  }
0x466: {  	[tilespmem:v57+s26+$0x0] =	vst.idx.msk $0xffff, v58  }
0x467: {  	[tilespmem:v59+s26+$0x0] =	vst.idx.msk $0xffff, v37  }
0x468: {  	[tilespmem:v62+s26+$0x0] =	vst.idx.msk $0xffff, v63  }
0x469: {  	[tilespmem:v60+s26+$0x0] =	vst.idx.msk $0xffff, v61  }
0x46a: {  	s10 =	rddreg [dreg:$0x15]  }
0x46b: {  	[hbm4b:s10+s3] =	stream.linear.scatter [tilespmem:s26], [sflag:$0x4], $0x400, $0x38;
	[tilespmem:$0xE400] =	vst v63  }
0x46c: {  	s13 =	simm.s32 $0xC800;
	s12 =	rddreg [dreg:$0x16]  }
0x46d: {  	[hbm4b:s12+s3] =	stream.linear.scatter [tilespmem:s13], [sflag:$0x4], $0x400, $0x38;
	[tilespmem:$0xE400] =	vst v63  }
0x46e: {  	s15 =	simm.s32 $0xCC00;
	s14 =	rddreg [dreg:$0x17]  }
0x46f: {  	[hbm4b:s14+s3] =	stream.linear.scatter [tilespmem:s15], [sflag:$0x4], $0x400, $0x38;
	[tilespmem:$0xE400] =	vst v63  }
0x470: {  	s18 =	simm.s32 $0xD000;
	s16 =	rddreg [dreg:$0x18]  }
0x471: {  	[hbm4b:s16+s3] =	stream.linear.scatter [tilespmem:s18], [sflag:$0x4], $0x400, $0x38;
	[tilespmem:$0xE400] =	vst v63  }
0x472: {  	s20 =	simm.s32 $0xD400;
	s19 =	rddreg [dreg:$0x19]  }
0x473: {  	[hbm4b:s19+s3] =	stream.linear.scatter [tilespmem:s20], [sflag:$0x4], $0x400, $0x38;
	[tilespmem:$0xE400] =	vst v63  }
0x474: {  	s22 =	simm.s32 $0xD800;
	s21 =	rddreg [dreg:$0x1a]  }
0x475: {  	[hbm4b:s21+s3] =	stream.linear.scatter [tilespmem:s22], [sflag:$0x4], $0x400, $0x38;
	[tilespmem:$0xE400] =	vst v63  }
0x476: {  	s25 =	simm.s32 $0xDC00;
	s23 =	rddreg [dreg:$0x1b]  }
0x477: {  	[hbm4b:s23+s3] =	stream.linear.scatter [tilespmem:s25], [sflag:$0x4], $0x400, $0x38;
	[tilespmem:$0xE400] =	vst v63  }
0x478: {  	s29 =	simm.s32 $0xE000;
	s28 =	rddreg [dreg:$0x1c]  }
0x479: {  	[hbm4b:s28+s3] =	stream.linear.scatter [tilespmem:s29], [sflag:$0x4], $0x400, $0x38;
	[tilespmem:$0xE400] =	vst v63  }
0x47a: {  	_ =	swait.ge [sflag:s24], $0x400  }
0x47b: {  	[sflag:s24] =	ssyncset.done $0x0  }
0x47c: {  	[sflag:s24] =	ssyncadd.s32 $0xFFFFFC00  }
0x47d: {  	_ =	swait.ge [sflag:s24], $0x400  }
0x47e: {  	[sflag:s24] =	ssyncset.done $0x0  }
0x47f: {  	[sflag:s24] =	ssyncadd.s32 $0xFFFFFC00  }
0x480: {  	_ =	swait.ge [sflag:s24], $0x400  }
0x481: {  	[sflag:s24] =	ssyncset.done $0x0  }
0x482: {  	[sflag:s24] =	ssyncadd.s32 $0xFFFFFC00  }
0x483: {  	_ =	swait.ge [sflag:s24], $0x400  }
0x484: {  	[sflag:s24] =	ssyncset.done $0x0  }
0x485: {  	[sflag:s24] =	ssyncadd.s32 $0xFFFFFC00  }
0x486: {  	_ =	swait.ge [sflag:s24], $0x400  }
0x487: {  	[sflag:s24] =	ssyncset.done $0x0  }
0x488: {  	[sflag:s24] =	ssyncadd.s32 $0xFFFFFC00  }
0x489: {  	_ =	swait.ge [sflag:s24], $0x400  }
0x48a: {  	[sflag:s24] =	ssyncset.done $0x0  }
0x48b: {  	[sflag:s24] =	ssyncadd.s32 $0xFFFFFC00  }
0x48c: {  	_ =	swait.ge [sflag:s24], $0x400  }
0x48d: {  	[sflag:s24] =	ssyncset.done $0x0  }
0x48e: {  	[sflag:s24] =	ssyncadd.s32 $0xFFFFFC00  }
0x48f: {  	_ =	swait.ge [sflag:s24], $0x400  }
0x490: {  	[sflag:s24] =	ssyncset.done $0x0  }
0x491: {  	[sflag:s24] =	ssyncadd.s32 $0xFFFFFC00  }
0x492: {  	_ =	swait.ge [sflag:s17], $0x400  }
0x493: {  	[sflag:s17] =	ssyncset.done $0x0  }
0x494: {  	[sflag:s17] =	ssyncadd.s32 $0xFFFFFC00  }
0x495: {  	_ =	swait.ge [sflag:s17], $0x400  }
0x496: {  	[sflag:s17] =	ssyncset.done $0x0  }
0x497: {  	[sflag:s17] =	ssyncadd.s32 $0xFFFFFC00  }
0x498: {  	_ =	swait.ge [sflag:s17], $0x400  }
0x499: {  	[sflag:s17] =	ssyncset.done $0x0  }
0x49a: {  	[sflag:s17] =	ssyncadd.s32 $0xFFFFFC00  }
0x49b: {  	_ =	swait.ge [sflag:s17], $0x400  }
0x49c: {  	[sflag:s17] =	ssyncset.done $0x0  }
0x49d: {  	[sflag:s17] =	ssyncadd.s32 $0xFFFFFC00  }
0x49e: {  	_ =	swait.ge [sflag:s17], $0x400  }
0x49f: {  	[sflag:s17] =	ssyncset.done $0x0  }
0x4a0: {  	[sflag:s17] =	ssyncadd.s32 $0xFFFFFC00  }
0x4a1: {  	_ =	swait.ge [sflag:s17], $0x400  }
0x4a2: {  	[sflag:s17] =	ssyncset.done $0x0  }
0x4a3: {  	[sflag:s17] =	ssyncadd.s32 $0xFFFFFC00  }
0x4a4: {  	_ =	swait.ge [sflag:s17], $0x400  }
0x4a5: {  	[sflag:s17] =	ssyncset.done $0x0  }
0x4a6: {  	[sflag:s17] =	ssyncadd.s32 $0xFFFFFC00  }
0x4a7: {  	_ =	swait.ge [sflag:s17], $0x400  }
0x4a8: {  	s30 =	rddreg [dreg:$0x1e]  }
0x4a9: {  	s31 =	rddreg [dreg:$0x1d];
	s1 =	sadd.s32 $0x1, s30  }
0x4aa: {  	p0 =	sne.s32 s1, s31  }
.Ltmp5:
0x4ab: {  	_ = 	snop;
	(pc) =	sbr.rel @p0 .LBB2_1-.Ltmp5, $3  }
0x4ac: {  	_ =	sdelay $0x1  }
0x4ad: {  	[sflag:s17] =	ssyncset.done $0x0  }
0x4ae: {  	[sflag:s17] =	ssyncadd.s32 $0xFFFFFC00  }
0x4af: {  	_ =	sfence.sel $0x180000  }
0x4b0: {  	[bflag:$0x0] =	sbarrier.arrive $0xFFFF  }
0x4b1: {  	_ =	strace $0x90000047  }
0x4b2: {  	s0 =	stileid.u32;
	[bflag:$0x2] =	sbarrier.arrive $0xFFFF  }
0x4b3: {  	p0 =	sne.s32 s0, $0x0;
	s0 =	rddreg [dreg:$0x2]  }
0x4b4: {  	s0 =	sadd.s32 @!p0 $0x100000, s0  }
0x4b5: {  	[sflag:s0] =	ssyncadd.tile.s32 @!p0 $0x1;
	_ =	shalt  }
.Lfunc_end2:
_tile_overlayer_lowered:
.L_overlay_start_2:
0x4b6: {  	(tag) =	ssettag $0x2  }
0x4b7: {  	s0 =	rddreg [dreg:$0x0];
	s2 =	stileid.u32  }
0x4b8: {  	s1 =	rddreg [dreg:$0x1];
	p0 =	sne.s32 s2, $0x0  }
0x4b9: {  	s3 =	rddreg [dreg:$0x2];
	[bflag:$0x3] =	sbarrier.arrive $0xFFFF;
	s2 =	simm.s32 @!p0 $0x1C05  }
0x4ba: {  	[timem:s3], [sflag:s2] =	dma.local @!p0 [hbm:s0], s1  }
0x4bb: {  	s0 =	simm.s32 @!p0 $0x5  }
0x4bc: {  	_ =	swait.ge @!p0 [sflag:s0], s1  }
0x4bd: {  	s1 =	ssub.s32 @!p0 $0x0, s1;
	[sflag:s0] =	ssyncset.done @!p0 $0x0  }
0x4be: {  	[sflag:s0] =	ssyncadd.s32 @!p0 s1  }
0x4bf: {  	[bflag:$0x3] =	sbarrier.arrive $0xFFFF  }
0x4c0: {  	_ =	shalt  }

</sc_bundles>
